<compile_context>
chip_gen: v7x
topology: tpu7x:2x2x1
jax: 0.10.2.dev20260603
libtpu: 0.0.44.dev20260713+nightly
codegen_flags: <defaults>
</compile_context>

<pallas_src>
import functools

import jax
import jax.numpy as jnp
from jax import lax
from jax.experimental import pallas as pl
from jax.experimental.pallas import tpu as pltpu
from jax.experimental.pallas import tpu_sc as plsc



def _proj_body(emb_ref, w_ref, b_ref, out_ref, *, inv_seq):
    emb = emb_ref[...]
    hi = emb.astype(jnp.bfloat16)
    lo = (emb - hi.astype(jnp.float32)).astype(jnp.bfloat16)
    w = w_ref[...].astype(jnp.bfloat16)
    acc = (jnp.dot(hi, w, preferred_element_type=jnp.float32)
           + jnp.dot(lo, w, preferred_element_type=jnp.float32))
    out_ref[...] = (acc + b_ref[...]) * inv_seq


def _project_table(emb_table, proj_w, proj_b, seq):
    vocab, embed_dim = emb_table.shape
    out_dim = proj_w.shape[1]
    block_rows = 10000
    assert vocab % block_rows == 0
    grid = (vocab // block_rows,)
    return pl.pallas_call(
        functools.partial(_proj_body, inv_seq=1.0 / seq),
        grid=grid,
        in_specs=[
            pl.BlockSpec((block_rows, embed_dim), lambda i: (i, 0)),
            pl.BlockSpec((embed_dim, out_dim), lambda i: (0, 0)),
            pl.BlockSpec((1, out_dim), lambda i: (0, 0)),
        ],
        out_specs=pl.BlockSpec((block_rows, out_dim), lambda i: (i, 0)),
        out_shape=jax.ShapeDtypeStruct((vocab, out_dim), jnp.float32),
    )(emb_table, proj_w, proj_b.reshape(1, out_dim))



_NC = 2
_NS = 16
_NW = _NC * _NS
_LANES = 16

_SEQ = 200
_CHUNKS = ((0, 104), (104, 96))


def _row_sum(buf, n_lanesets):
    unroll = 10

    def body(i, carry):
        new = list(carry)
        for u in range(unroll):
            t = i * unroll + u
            for c in range(n_lanesets):
                new[c] = new[c] + buf[t, pl.ds(c * _LANES, _LANES)]
        return tuple(new)

    init = tuple(jnp.zeros((_LANES,), jnp.float32) for _ in range(n_lanesets))
    return lax.fori_loop(0, _SEQ // unroll, body, init)


_NBUF = 3


def _pool_kernel(ew_hbm, tok_hbm, out_hbm, idx_v, buf0, buf1, buf2, acc_v,
                 sem0, sem1, sem2, *, rows_per_worker, out_dim):
    n_lanesets = out_dim // _LANES
    wid = lax.axis_index("s") * _NC + lax.axis_index("c")
    base = wid * rows_per_worker
    bufs = (buf0, buf1, buf2)
    sems = (sem0, sem1, sem2)

    pltpu.sync_copy(tok_hbm.at[pl.ds(base * _SEQ, rows_per_worker * _SEQ)],
                    idx_v)

    def _idx_slice(r, off, ln):
        start = pl.multiple_of(r * _SEQ + off, 8)
        return idx_v.at[pl.ds(start, ln)]

    def start_row(r, buf, sem):
        for off, ln in _CHUNKS:
            pltpu.async_copy(ew_hbm.at[_idx_slice(r, off, ln)],
                             buf.at[pl.ds(off, ln)], sem)

    def wait_row(r, buf, sem):
        for off, ln in _CHUNKS:
            pltpu.make_async_copy(ew_hbm.at[_idx_slice(r, off, ln)],
                                  buf.at[pl.ds(off, ln)], sem).wait()

    def accum(r, buf):
        sums = _row_sum(buf, n_lanesets)
        for c in range(n_lanesets):
            acc_v[r, pl.ds(c * _LANES, _LANES)] = sums[c]

    for j in range(_NBUF - 1):
        start_row(j, bufs[j], sems[j])

    steady = rows_per_worker - (_NBUF - 1)
    assert steady % _NBUF == 0

    @pl.loop(0, steady, step=_NBUF)
    def _(rr):
        for j in range(_NBUF):
            r = rr + j
            start_row(r + _NBUF - 1, bufs[(j + _NBUF - 1) % _NBUF],
                      sems[(j + _NBUF - 1) % _NBUF])
            wait_row(r, bufs[j], sems[j])
            accum(r, bufs[j])

    for r in range(steady, rows_per_worker):
        wait_row(r, bufs[r % _NBUF], sems[r % _NBUF])
        accum(r, bufs[r % _NBUF])

    pltpu.sync_copy(acc_v, out_hbm.at[pl.ds(base, rows_per_worker)])


def _gather_pool(ew, token_ids):
    batch, seq = token_ids.shape
    out_dim = ew.shape[1]
    assert seq == _SEQ
    assert batch % _NW == 0
    rows_per_worker = batch // _NW
    mesh = plsc.VectorSubcoreMesh(core_axis_name="c", subcore_axis_name="s")

    kern = pl.kernel(
        functools.partial(_pool_kernel, rows_per_worker=rows_per_worker,
                          out_dim=out_dim),
        out_type=jax.ShapeDtypeStruct((batch, out_dim), jnp.float32),
        mesh=mesh,
        scratch_types=[
            pltpu.VMEM((rows_per_worker * seq,), jnp.int32),
            pltpu.VMEM((seq, out_dim), jnp.float32),
            pltpu.VMEM((seq, out_dim), jnp.float32),
            pltpu.VMEM((seq, out_dim), jnp.float32),
            pltpu.VMEM((rows_per_worker, out_dim), jnp.float32),
            pltpu.SemaphoreType.DMA,
            pltpu.SemaphoreType.DMA,
            pltpu.SemaphoreType.DMA,
        ],
    )
    return kern(ew, token_ids.reshape(-1))


def kernel(token_ids, emb_table, proj_w, proj_b):
    seq = token_ids.shape[1]
    ew = _project_table(emb_table, proj_w, proj_b, seq)
    return _gather_pool(ew, token_ids.astype(jnp.int32))

# --- scband reference (transcript-rebuilt; emitter-appended) ---
"""Pipeline reference for scband-text-encoder-87857851007500 (READ-ONLY COPY).

The authoritative reference and input builder live on the scoring server;
editing this copy changes nothing except your own understanding.
"""

import jax, jax.numpy as jnp
import numpy as np

VOCAB = 100000
EMBED_DIM = 256
OUTPUT_DIM = 128
BATCH = 4096
SEQ = 200

def setup_inputs(seed: int = 0) -> dict:
    key = jax.random.key(seed)
    k1, k2, k3, k4 = jax.random.split(key, 4)
    token_ids = jax.random.randint(k1, (BATCH, SEQ), 0, VOCAB, dtype=jnp.int64 if jax.config.jax_enable_x64 else jnp.int32)
    emb_table = jax.random.normal(k2, (VOCAB, EMBED_DIM), dtype=jnp.float32) * 0.02
    proj_w = jax.random.normal(k3, (EMBED_DIM, OUTPUT_DIM), dtype=jnp.float32) * (1.0 / np.sqrt(EMBED_DIM))
    proj_b = jax.random.normal(k4, (OUTPUT_DIM,), dtype=jnp.float32) * 0.01
    return {"token_ids": token_ids, "emb_table": emb_table, "proj_w": proj_w, "proj_b": proj_b}

def reference(token_ids, emb_table, proj_w, proj_b):
    # embedding lookup: gather rows from table
    emb = jnp.take(emb_table, token_ids, axis=0)  # [B, L, D]
    pooled = emb.mean(axis=1)                      # [B, D]
    out = pooled @ proj_w + proj_b                 # [B, OUT]
    return out

if __name__ == "__main__":
    import jax
    _d = setup_inputs()
    print(jax.jit(kernel)(*tuple(_d.values())))

</pallas_src>

<mosaic_0001>
#map = affine_map<(d0, d1) -> (0, 0)>
#map1 = affine_map<(d0, d1) -> (0)>
module attributes {stable_mosaic.version = 14 : i64} {
  func.func @_pool_kernel(%arg0: i32, %arg1: i32, %arg2: memref<100000x128xf32, #tpu.memory_space<hbm>>, %arg3: memref<819200xi32, #tpu.memory_space<hbm>>, %arg4: memref<4096x128xf32, #tpu.memory_space<hbm>>, %arg5: memref<25600xi32, #tpu.memory_space<vmem>>, %arg6: memref<200x128xf32, #tpu.memory_space<vmem>>, %arg7: memref<200x128xf32, #tpu.memory_space<vmem>>, %arg8: memref<200x128xf32, #tpu.memory_space<vmem>>, %arg9: memref<128x128xf32, #tpu.memory_space<vmem>>, %arg10: memref<!tpu.dma_semaphore, #tpu.memory_space<semaphore_mem>>, %arg11: memref<!tpu.dma_semaphore, #tpu.memory_space<semaphore_mem>>, %arg12: memref<!tpu.dma_semaphore, #tpu.memory_space<semaphore_mem>>) attributes {dimension_semantics = [#tpu.dimension_semantics<core_parallel>, #tpu.dimension_semantics<subcore_parallel>], iteration_bounds = array<i64: 2, 16>, scalar_prefetch = 0 : i64, scratch_operands = 8 : i64, tpu.core_type = #tpu.core_type<sc_vector_subcore>, window_params = [{transform_indices = #map}, {transform_indices = #map1}, {transform_indices = #map}]} {
    %mul3A = arith.constant 2 : i32
    %mul3A_0 = arith.muli %arg1, %mul3A : i32
    %add3A = arith.addi %mul3A_0, %arg0 : i32
    %mul3A_1 = arith.constant 128 : i32
    %mul3A_2 = arith.muli %add3A, %mul3A_1 : i32
    %mul3A_3 = arith.constant 200 : i32
    %mul3A_4 = arith.muli %mul3A_2, %mul3A_3 : i32
    "tpu.region"() ({
      %run_scoped3A = tpu.sem_alloc : memref<!tpu.dma_semaphore, #tpu.memory_space<semaphore_mem>>
      %dma_start3A_216 = tpu.memref_slice %arg3[%mul3A_4] : memref<819200xi32, #tpu.memory_space<hbm>> -> memref<25600xi32, #tpu.memory_space<hbm>>
      %dma_start3A_217 = tpu.memref_slice %arg3[%mul3A_4] : memref<819200xi32, #tpu.memory_space<hbm>> -> memref<25600xi32, #tpu.memory_space<hbm>>
      tpu.enqueue_dma source(%dma_start3A_217 : memref<25600xi32, #tpu.memory_space<hbm>>) target(%arg5 : memref<25600xi32, #tpu.memory_space<vmem>>) target_semaphore(%run_scoped3A : memref<!tpu.dma_semaphore, #tpu.memory_space<semaphore_mem>>)
      %dma_wait3A_218 = tpu.memref_slice %arg3[%mul3A_4] : memref<819200xi32, #tpu.memory_space<hbm>> -> memref<25600xi32, #tpu.memory_space<hbm>>
      %dma_wait3A_219 = tpu.memref_slice %arg3[%mul3A_4] : memref<819200xi32, #tpu.memory_space<hbm>> -> memref<25600xi32, #tpu.memory_space<hbm>>
      tpu.wait_dma2 semaphore(%run_scoped3A : memref<!tpu.dma_semaphore, #tpu.memory_space<semaphore_mem>>) src(%dma_wait3A_219 : memref<25600xi32, #tpu.memory_space<hbm>>) dst(%arg5 : memref<25600xi32, #tpu.memory_space<vmem>>)
      tpu.yield
    }) : () -> ()
    %multiple_of3A = arith.constant 0 : i32
    %multiple_of3A_5 = tpu.assume_multiple %multiple_of3A, 8 : i32
    %dma_start3A = arith.constant 0 : i32
    %dma_start3A_6 = arith.constant 0 : i32
    %dma_start3A_7 = tpu.memref_slice %arg6[%dma_start3A, %dma_start3A_6] : memref<200x128xf32, #tpu.memory_space<vmem>> -> memref<104x128xf32, #tpu.memory_space<vmem>>
    %dma_start3A_8 = tpu.memref_slice %arg5[%multiple_of3A_5] : memref<25600xi32, #tpu.memory_space<vmem>> -> memref<104xi32, #tpu.memory_space<vmem>>
    %dma_start3A_9 = arith.constant 0 : i32
    %dma_start3A_10 = arith.constant 0 : i32
    %dma_start3A_11 = tpu.memref_slice %arg2[%dma_start3A_9, %dma_start3A_10] : memref<100000x128xf32, #tpu.memory_space<hbm>> -> memref<100000x128xf32, #tpu.memory_space<hbm>>
    tpu.enqueue_indirect_dma source(%dma_start3A_11 : memref<100000x128xf32, #tpu.memory_space<hbm>>) target(%dma_start3A_7 : memref<104x128xf32, #tpu.memory_space<vmem>>) offsets(%dma_start3A_8 : memref<104xi32, #tpu.memory_space<vmem>>) semaphore(%arg10 : memref<!tpu.dma_semaphore, #tpu.memory_space<semaphore_mem>>)
    %multiple_of3A_12 = arith.constant 104 : i32
    %multiple_of3A_13 = tpu.assume_multiple %multiple_of3A_12, 8 : i32
    %dma_start3A_14 = arith.constant 104 : i32
    %dma_start3A_15 = arith.constant 0 : i32
    %dma_start3A_16 = tpu.memref_slice %arg6[%dma_start3A_14, %dma_start3A_15] : memref<200x128xf32, #tpu.memory_space<vmem>> -> memref<96x128xf32, #tpu.memory_space<vmem>>
    %dma_start3A_17 = tpu.memref_slice %arg5[%multiple_of3A_13] : memref<25600xi32, #tpu.memory_space<vmem>> -> memref<96xi32, #tpu.memory_space<vmem>>
    %dma_start3A_18 = arith.constant 0 : i32
    %dma_start3A_19 = arith.constant 0 : i32
    %dma_start3A_20 = tpu.memref_slice %arg2[%dma_start3A_18, %dma_start3A_19] : memref<100000x128xf32, #tpu.memory_space<hbm>> -> memref<100000x128xf32, #tpu.memory_space<hbm>>
    tpu.enqueue_indirect_dma source(%dma_start3A_20 : memref<100000x128xf32, #tpu.memory_space<hbm>>) target(%dma_start3A_16 : memref<96x128xf32, #tpu.memory_space<vmem>>) offsets(%dma_start3A_17 : memref<96xi32, #tpu.memory_space<vmem>>) semaphore(%arg10 : memref<!tpu.dma_semaphore, #tpu.memory_space<semaphore_mem>>)
    %multiple_of3A_21 = arith.constant 200 : i32
    %multiple_of3A_22 = tpu.assume_multiple %multiple_of3A_21, 8 : i32
    %dma_start3A_23 = arith.constant 0 : i32
    %dma_start3A_24 = arith.constant 0 : i32
    %dma_start3A_25 = tpu.memref_slice %arg7[%dma_start3A_23, %dma_start3A_24] : memref<200x128xf32, #tpu.memory_space<vmem>> -> memref<104x128xf32, #tpu.memory_space<vmem>>
    %dma_start3A_26 = tpu.memref_slice %arg5[%multiple_of3A_22] : memref<25600xi32, #tpu.memory_space<vmem>> -> memref<104xi32, #tpu.memory_space<vmem>>
    %dma_start3A_27 = arith.constant 0 : i32
    %dma_start3A_28 = arith.constant 0 : i32
    %dma_start3A_29 = tpu.memref_slice %arg2[%dma_start3A_27, %dma_start3A_28] : memref<100000x128xf32, #tpu.memory_space<hbm>> -> memref<100000x128xf32, #tpu.memory_space<hbm>>
    tpu.enqueue_indirect_dma source(%dma_start3A_29 : memref<100000x128xf32, #tpu.memory_space<hbm>>) target(%dma_start3A_25 : memref<104x128xf32, #tpu.memory_space<vmem>>) offsets(%dma_start3A_26 : memref<104xi32, #tpu.memory_space<vmem>>) semaphore(%arg11 : memref<!tpu.dma_semaphore, #tpu.memory_space<semaphore_mem>>)
    %multiple_of3A_30 = arith.constant 304 : i32
    %multiple_of3A_31 = tpu.assume_multiple %multiple_of3A_30, 8 : i32
    %dma_start3A_32 = arith.constant 104 : i32
    %dma_start3A_33 = arith.constant 0 : i32
    %dma_start3A_34 = tpu.memref_slice %arg7[%dma_start3A_32, %dma_start3A_33] : memref<200x128xf32, #tpu.memory_space<vmem>> -> memref<96x128xf32, #tpu.memory_space<vmem>>
    %dma_start3A_35 = tpu.memref_slice %arg5[%multiple_of3A_31] : memref<25600xi32, #tpu.memory_space<vmem>> -> memref<96xi32, #tpu.memory_space<vmem>>
    %dma_start3A_36 = arith.constant 0 : i32
    %dma_start3A_37 = arith.constant 0 : i32
    %dma_start3A_38 = tpu.memref_slice %arg2[%dma_start3A_36, %dma_start3A_37] : memref<100000x128xf32, #tpu.memory_space<hbm>> -> memref<100000x128xf32, #tpu.memory_space<hbm>>
    tpu.enqueue_indirect_dma source(%dma_start3A_38 : memref<100000x128xf32, #tpu.memory_space<hbm>>) target(%dma_start3A_34 : memref<96x128xf32, #tpu.memory_space<vmem>>) offsets(%dma_start3A_35 : memref<96xi32, #tpu.memory_space<vmem>>) semaphore(%arg11 : memref<!tpu.dma_semaphore, #tpu.memory_space<semaphore_mem>>)
    %scan3A = arith.constant 0 : i32
    %scan3A_39 = arith.constant 42 : i32
    %scan3A_40 = arith.addi %scan3A, %scan3A_39 : i32
    %scan3A_41 = arith.constant 1 : i32
    scf.for %scan3A_216 = %scan3A to %scan3A_40 step %scan3A_41  : i32 {
      %mul3A_217 = arith.constant 3 : i32
      %mul3A_218 = arith.muli %scan3A_216, %mul3A_217 : i32
      %add3A_219 = arith.constant 0 : i32
      %add3A_220 = arith.addi %add3A_219, %mul3A_218 : i32
      %add3A_221 = arith.constant 0 : i32
      %add3A_222 = arith.addi %add3A_220, %add3A_221 : i32
      %add3A_223 = arith.constant 3 : i32
      %add3A_224 = arith.addi %add3A_222, %add3A_223 : i32
      %sub3A = arith.constant 1 : i32
      %sub3A_225 = arith.subi %add3A_224, %sub3A : i32
      %mul3A_226 = arith.constant 200 : i32
      %mul3A_227 = arith.muli %sub3A_225, %mul3A_226 : i32
      %add3A_228 = arith.constant 0 : i32
      %add3A_229 = arith.addi %mul3A_227, %add3A_228 : i32
      %multiple_of3A_230 = tpu.assume_multiple %add3A_229, 8 : i32
      %dma_start3A_231 = arith.constant 0 : i32
      %dma_start3A_232 = arith.constant 0 : i32
      %dma_start3A_233 = tpu.memref_slice %arg8[%dma_start3A_231, %dma_start3A_232] : memref<200x128xf32, #tpu.memory_space<vmem>> -> memref<104x128xf32, #tpu.memory_space<vmem>>
      %dma_start3A_234 = tpu.memref_slice %arg5[%multiple_of3A_230] : memref<25600xi32, #tpu.memory_space<vmem>> -> memref<104xi32, #tpu.memory_space<vmem>>
      %dma_start3A_235 = arith.constant 0 : i32
      %dma_start3A_236 = arith.constant 0 : i32
      %dma_start3A_237 = tpu.memref_slice %arg2[%dma_start3A_235, %dma_start3A_236] : memref<100000x128xf32, #tpu.memory_space<hbm>> -> memref<100000x128xf32, #tpu.memory_space<hbm>>
      tpu.enqueue_indirect_dma source(%dma_start3A_237 : memref<100000x128xf32, #tpu.memory_space<hbm>>) target(%dma_start3A_233 : memref<104x128xf32, #tpu.memory_space<vmem>>) offsets(%dma_start3A_234 : memref<104xi32, #tpu.memory_space<vmem>>) semaphore(%arg12 : memref<!tpu.dma_semaphore, #tpu.memory_space<semaphore_mem>>)
      %mul3A_238 = arith.constant 200 : i32
      %mul3A_239 = arith.muli %sub3A_225, %mul3A_238 : i32
      %add3A_240 = arith.constant 104 : i32
      %add3A_241 = arith.addi %mul3A_239, %add3A_240 : i32
      %multiple_of3A_242 = tpu.assume_multiple %add3A_241, 8 : i32
      %dma_start3A_243 = arith.constant 104 : i32
      %dma_start3A_244 = arith.constant 0 : i32
      %dma_start3A_245 = tpu.memref_slice %arg8[%dma_start3A_243, %dma_start3A_244] : memref<200x128xf32, #tpu.memory_space<vmem>> -> memref<96x128xf32, #tpu.memory_space<vmem>>
      %dma_start3A_246 = tpu.memref_slice %arg5[%multiple_of3A_242] : memref<25600xi32, #tpu.memory_space<vmem>> -> memref<96xi32, #tpu.memory_space<vmem>>
      %dma_start3A_247 = arith.constant 0 : i32
      %dma_start3A_248 = arith.constant 0 : i32
      %dma_start3A_249 = tpu.memref_slice %arg2[%dma_start3A_247, %dma_start3A_248] : memref<100000x128xf32, #tpu.memory_space<hbm>> -> memref<100000x128xf32, #tpu.memory_space<hbm>>
      tpu.enqueue_indirect_dma source(%dma_start3A_249 : memref<100000x128xf32, #tpu.memory_space<hbm>>) target(%dma_start3A_245 : memref<96x128xf32, #tpu.memory_space<vmem>>) offsets(%dma_start3A_246 : memref<96xi32, #tpu.memory_space<vmem>>) semaphore(%arg12 : memref<!tpu.dma_semaphore, #tpu.memory_space<semaphore_mem>>)
      %mul3A_250 = arith.constant 200 : i32
      %mul3A_251 = arith.muli %add3A_222, %mul3A_250 : i32
      %add3A_252 = arith.constant 0 : i32
      %add3A_253 = arith.addi %mul3A_251, %add3A_252 : i32
      %multiple_of3A_254 = tpu.assume_multiple %add3A_253, 8 : i32
      %dma_wait3A_255 = arith.constant 0 : i32
      %dma_wait3A_256 = arith.constant 0 : i32
      %dma_wait3A_257 = tpu.memref_slice %arg6[%dma_wait3A_255, %dma_wait3A_256] : memref<200x128xf32, #tpu.memory_space<vmem>> -> memref<104x128xf32, #tpu.memory_space<vmem>>
      %dma_wait3A_258 = tpu.memref_slice %arg5[%multiple_of3A_254] : memref<25600xi32, #tpu.memory_space<vmem>> -> memref<104xi32, #tpu.memory_space<vmem>>
      %dma_wait3A_259 = arith.constant 0 : i32
      %dma_wait3A_260 = arith.constant 0 : i32
      %dma_wait3A_261 = tpu.memref_slice %arg2[%dma_wait3A_259, %dma_wait3A_260] : memref<100000x128xf32, #tpu.memory_space<hbm>> -> memref<100000x128xf32, #tpu.memory_space<hbm>>
      tpu.wait_indirect_dma semaphore(%arg10 : memref<!tpu.dma_semaphore, #tpu.memory_space<semaphore_mem>>) src(%dma_wait3A_261 : memref<100000x128xf32, #tpu.memory_space<hbm>>) dst(%dma_wait3A_257 : memref<104x128xf32, #tpu.memory_space<vmem>>)
      %mul3A_262 = arith.constant 200 : i32
      %mul3A_263 = arith.muli %add3A_222, %mul3A_262 : i32
      %add3A_264 = arith.constant 104 : i32
      %add3A_265 = arith.addi %mul3A_263, %add3A_264 : i32
      %multiple_of3A_266 = tpu.assume_multiple %add3A_265, 8 : i32
      %dma_wait3A_267 = arith.constant 104 : i32
      %dma_wait3A_268 = arith.constant 0 : i32
      %dma_wait3A_269 = tpu.memref_slice %arg6[%dma_wait3A_267, %dma_wait3A_268] : memref<200x128xf32, #tpu.memory_space<vmem>> -> memref<96x128xf32, #tpu.memory_space<vmem>>
      %dma_wait3A_270 = tpu.memref_slice %arg5[%multiple_of3A_266] : memref<25600xi32, #tpu.memory_space<vmem>> -> memref<96xi32, #tpu.memory_space<vmem>>
      %dma_wait3A_271 = arith.constant 0 : i32
      %dma_wait3A_272 = arith.constant 0 : i32
      %dma_wait3A_273 = tpu.memref_slice %arg2[%dma_wait3A_271, %dma_wait3A_272] : memref<100000x128xf32, #tpu.memory_space<hbm>> -> memref<100000x128xf32, #tpu.memory_space<hbm>>
      tpu.wait_indirect_dma semaphore(%arg10 : memref<!tpu.dma_semaphore, #tpu.memory_space<semaphore_mem>>) src(%dma_wait3A_273 : memref<100000x128xf32, #tpu.memory_space<hbm>>) dst(%dma_wait3A_269 : memref<96x128xf32, #tpu.memory_space<vmem>>)
      %broadcast_in_dim3A_274 = arith.constant 0.000000e+00 : f32
      %broadcast_in_dim3A_275 = vector.broadcast %broadcast_in_dim3A_274 : f32 to vector<16xf32>
      %broadcast_in_dim3A_276 = arith.constant 0.000000e+00 : f32
      %broadcast_in_dim3A_277 = vector.broadcast %broadcast_in_dim3A_276 : f32 to vector<16xf32>
      %broadcast_in_dim3A_278 = arith.constant 0.000000e+00 : f32
      %broadcast_in_dim3A_279 = vector.broadcast %broadcast_in_dim3A_278 : f32 to vector<16xf32>
      %broadcast_in_dim3A_280 = arith.constant 0.000000e+00 : f32
      %broadcast_in_dim3A_281 = vector.broadcast %broadcast_in_dim3A_280 : f32 to vector<16xf32>
      %broadcast_in_dim3A_282 = arith.constant 0.000000e+00 : f32
      %broadcast_in_dim3A_283 = vector.broadcast %broadcast_in_dim3A_282 : f32 to vector<16xf32>
      %broadcast_in_dim3A_284 = arith.constant 0.000000e+00 : f32
      %broadcast_in_dim3A_285 = vector.broadcast %broadcast_in_dim3A_284 : f32 to vector<16xf32>
      %broadcast_in_dim3A_286 = arith.constant 0.000000e+00 : f32
      %broadcast_in_dim3A_287 = vector.broadcast %broadcast_in_dim3A_286 : f32 to vector<16xf32>
      %broadcast_in_dim3A_288 = arith.constant 0.000000e+00 : f32
      %broadcast_in_dim3A_289 = vector.broadcast %broadcast_in_dim3A_288 : f32 to vector<16xf32>
      %scan3A_290 = arith.constant 0 : i32
      %scan3A_291 = arith.constant 20 : i32
      %scan3A_292 = arith.addi %scan3A_290, %scan3A_291 : i32
      %scan3A_293 = arith.constant 1 : i32
      %scan3A_294:8 = scf.for %scan3A_568 = %scan3A_290 to %scan3A_292 step %scan3A_293 iter_args(%scan3A_569 = %broadcast_in_dim3A_275, %scan3A_570 = %broadcast_in_dim3A_277, %scan3A_571 = %broadcast_in_dim3A_279, %scan3A_572 = %broadcast_in_dim3A_281, %scan3A_573 = %broadcast_in_dim3A_283, %scan3A_574 = %broadcast_in_dim3A_285, %scan3A_575 = %broadcast_in_dim3A_287, %scan3A_576 = %broadcast_in_dim3A_289) -> (vector<16xf32>, vector<16xf32>, vector<16xf32>, vector<16xf32>, vector<16xf32>, vector<16xf32>, vector<16xf32>, vector<16xf32>)  : i32 {
        %mul3A_577 = arith.constant 10 : i32
        %mul3A_578 = arith.muli %scan3A_568, %mul3A_577 : i32
        %add3A_579 = arith.constant 0 : i32
        %add3A_580 = arith.addi %mul3A_578, %add3A_579 : i32
        %get3A = arith.index_cast %add3A_580 : i32 to index
        %get3A_581 = arith.constant 0 : index
        %get3A_582 = tpu.vector_load %arg6[%get3A, %get3A_581] {strides = array<i32>} : memref<200x128xf32, #tpu.memory_space<vmem>>, vector<1x16xf32>,
        %get3A_583 = vector.shape_cast %get3A_582 : vector<1x16xf32> to vector<16xf32>
        %add3A_584 = arith.addf %scan3A_569, %get3A_583 : vector<16xf32>
        %get3A_585 = arith.index_cast %add3A_580 : i32 to index
        %get3A_586 = arith.constant 16 : index
        %get3A_587 = tpu.vector_load %arg6[%get3A_585, %get3A_586] {strides = array<i32>} : memref<200x128xf32, #tpu.memory_space<vmem>>, vector<1x16xf32>,
        %get3A_588 = vector.shape_cast %get3A_587 : vector<1x16xf32> to vector<16xf32>
        %add3A_589 = arith.addf %scan3A_570, %get3A_588 : vector<16xf32>
        %get3A_590 = arith.index_cast %add3A_580 : i32 to index
        %get3A_591 = arith.constant 32 : index
        %get3A_592 = tpu.vector_load %arg6[%get3A_590, %get3A_591] {strides = array<i32>} : memref<200x128xf32, #tpu.memory_space<vmem>>, vector<1x16xf32>,
        %get3A_593 = vector.shape_cast %get3A_592 : vector<1x16xf32> to vector<16xf32>
        %add3A_594 = arith.addf %scan3A_571, %get3A_593 : vector<16xf32>
        %get3A_595 = arith.index_cast %add3A_580 : i32 to index
        %get3A_596 = arith.constant 48 : index
        %get3A_597 = tpu.vector_load %arg6[%get3A_595, %get3A_596] {strides = array<i32>} : memref<200x128xf32, #tpu.memory_space<vmem>>, vector<1x16xf32>,
        %get3A_598 = vector.shape_cast %get3A_597 : vector<1x16xf32> to vector<16xf32>
        %add3A_599 = arith.addf %scan3A_572, %get3A_598 : vector<16xf32>
        %get3A_600 = arith.index_cast %add3A_580 : i32 to index
        %get3A_601 = arith.constant 64 : index
        %get3A_602 = tpu.vector_load %arg6[%get3A_600, %get3A_601] {strides = array<i32>} : memref<200x128xf32, #tpu.memory_space<vmem>>, vector<1x16xf32>,
        %get3A_603 = vector.shape_cast %get3A_602 : vector<1x16xf32> to vector<16xf32>
        %add3A_604 = arith.addf %scan3A_573, %get3A_603 : vector<16xf32>
        %get3A_605 = arith.index_cast %add3A_580 : i32 to index
        %get3A_606 = arith.constant 80 : index
        %get3A_607 = tpu.vector_load %arg6[%get3A_605, %get3A_606] {strides = array<i32>} : memref<200x128xf32, #tpu.memory_space<vmem>>, vector<1x16xf32>,
        %get3A_608 = vector.shape_cast %get3A_607 : vector<1x16xf32> to vector<16xf32>
        %add3A_609 = arith.addf %scan3A_574, %get3A_608 : vector<16xf32>
        %get3A_610 = arith.index_cast %add3A_580 : i32 to index
        %get3A_611 = arith.constant 96 : index
        %get3A_612 = tpu.vector_load %arg6[%get3A_610, %get3A_611] {strides = array<i32>} : memref<200x128xf32, #tpu.memory_space<vmem>>, vector<1x16xf32>,
        %get3A_613 = vector.shape_cast %get3A_612 : vector<1x16xf32> to vector<16xf32>
        %add3A_614 = arith.addf %scan3A_575, %get3A_613 : vector<16xf32>
        %get3A_615 = arith.index_cast %add3A_580 : i32 to index
        %get3A_616 = arith.constant 112 : index
        %get3A_617 = tpu.vector_load %arg6[%get3A_615, %get3A_616] {strides = array<i32>} : memref<200x128xf32, #tpu.memory_space<vmem>>, vector<1x16xf32>,
        %get3A_618 = vector.shape_cast %get3A_617 : vector<1x16xf32> to vector<16xf32>
        %add3A_619 = arith.addf %scan3A_576, %get3A_618 : vector<16xf32>
        %mul3A_620 = arith.constant 10 : i32
        %mul3A_621 = arith.muli %scan3A_568, %mul3A_620 : i32
        %add3A_622 = arith.constant 1 : i32
        %add3A_623 = arith.addi %mul3A_621, %add3A_622 : i32
        %get3A_624 = arith.index_cast %add3A_623 : i32 to index
        %get3A_625 = arith.constant 0 : index
        %get3A_626 = tpu.vector_load %arg6[%get3A_624, %get3A_625] {strides = array<i32>} : memref<200x128xf32, #tpu.memory_space<vmem>>, vector<1x16xf32>,
        %get3A_627 = vector.shape_cast %get3A_626 : vector<1x16xf32> to vector<16xf32>
        %add3A_628 = arith.addf %add3A_584, %get3A_627 : vector<16xf32>
        %get3A_629 = arith.index_cast %add3A_623 : i32 to index
        %get3A_630 = arith.constant 16 : index
        %get3A_631 = tpu.vector_load %arg6[%get3A_629, %get3A_630] {strides = array<i32>} : memref<200x128xf32, #tpu.memory_space<vmem>>, vector<1x16xf32>,
        %get3A_632 = vector.shape_cast %get3A_631 : vector<1x16xf32> to vector<16xf32>
        %add3A_633 = arith.addf %add3A_589, %get3A_632 : vector<16xf32>
        %get3A_634 = arith.index_cast %add3A_623 : i32 to index
        %get3A_635 = arith.constant 32 : index
        %get3A_636 = tpu.vector_load %arg6[%get3A_634, %get3A_635] {strides = array<i32>} : memref<200x128xf32, #tpu.memory_space<vmem>>, vector<1x16xf32>,
        %get3A_637 = vector.shape_cast %get3A_636 : vector<1x16xf32> to vector<16xf32>
        %add3A_638 = arith.addf %add3A_594, %get3A_637 : vector<16xf32>
        %get3A_639 = arith.index_cast %add3A_623 : i32 to index
        %get3A_640 = arith.constant 48 : index
        %get3A_641 = tpu.vector_load %arg6[%get3A_639, %get3A_640] {strides = array<i32>} : memref<200x128xf32, #tpu.memory_space<vmem>>, vector<1x16xf32>,
        %get3A_642 = vector.shape_cast %get3A_641 : vector<1x16xf32> to vector<16xf32>
        %add3A_643 = arith.addf %add3A_599, %get3A_642 : vector<16xf32>
        %get3A_644 = arith.index_cast %add3A_623 : i32 to index
        %get3A_645 = arith.constant 64 : index
        %get3A_646 = tpu.vector_load %arg6[%get3A_644, %get3A_645] {strides = array<i32>} : memref<200x128xf32, #tpu.memory_space<vmem>>, vector<1x16xf32>,
        %get3A_647 = vector.shape_cast %get3A_646 : vector<1x16xf32> to vector<16xf32>
        %add3A_648 = arith.addf %add3A_604, %get3A_647 : vector<16xf32>
        %get3A_649 = arith.index_cast %add3A_623 : i32 to index
        %get3A_650 = arith.constant 80 : index
        %get3A_651 = tpu.vector_load %arg6[%get3A_649, %get3A_650] {strides = array<i32>} : memref<200x128xf32, #tpu.memory_space<vmem>>, vector<1x16xf32>,
        %get3A_652 = vector.shape_cast %get3A_651 : vector<1x16xf32> to vector<16xf32>
        %add3A_653 = arith.addf %add3A_609, %get3A_652 : vector<16xf32>
        %get3A_654 = arith.index_cast %add3A_623 : i32 to index
        %get3A_655 = arith.constant 96 : index
        %get3A_656 = tpu.vector_load %arg6[%get3A_654, %get3A_655] {strides = array<i32>} : memref<200x128xf32, #tpu.memory_space<vmem>>, vector<1x16xf32>,
        %get3A_657 = vector.shape_cast %get3A_656 : vector<1x16xf32> to vector<16xf32>
        %add3A_658 = arith.addf %add3A_614, %get3A_657 : vector<16xf32>
        %get3A_659 = arith.index_cast %add3A_623 : i32 to index
        %get3A_660 = arith.constant 112 : index
        %get3A_661 = tpu.vector_load %arg6[%get3A_659, %get3A_660] {strides = array<i32>} : memref<200x128xf32, #tpu.memory_space<vmem>>, vector<1x16xf32>,
        %get3A_662 = vector.shape_cast %get3A_661 : vector<1x16xf32> to vector<16xf32>
        %add3A_663 = arith.addf %add3A_619, %get3A_662 : vector<16xf32>
        %mul3A_664 = arith.constant 10 : i32
        %mul3A_665 = arith.muli %scan3A_568, %mul3A_664 : i32
        %add3A_666 = arith.constant 2 : i32
        %add3A_667 = arith.addi %mul3A_665, %add3A_666 : i32
        %get3A_668 = arith.index_cast %add3A_667 : i32 to index
        %get3A_669 = arith.constant 0 : index
        %get3A_670 = tpu.vector_load %arg6[%get3A_668, %get3A_669] {strides = array<i32>} : memref<200x128xf32, #tpu.memory_space<vmem>>, vector<1x16xf32>,
        %get3A_671 = vector.shape_cast %get3A_670 : vector<1x16xf32> to vector<16xf32>
        %add3A_672 = arith.addf %add3A_628, %get3A_671 : vector<16xf32>
        %get3A_673 = arith.index_cast %add3A_667 : i32 to index
        %get3A_674 = arith.constant 16 : index
        %get3A_675 = tpu.vector_load %arg6[%get3A_673, %get3A_674] {strides = array<i32>} : memref<200x128xf32, #tpu.memory_space<vmem>>, vector<1x16xf32>,
        %get3A_676 = vector.shape_cast %get3A_675 : vector<1x16xf32> to vector<16xf32>
        %add3A_677 = arith.addf %add3A_633, %get3A_676 : vector<16xf32>
        %get3A_678 = arith.index_cast %add3A_667 : i32 to index
        %get3A_679 = arith.constant 32 : index
        %get3A_680 = tpu.vector_load %arg6[%get3A_678, %get3A_679] {strides = array<i32>} : memref<200x128xf32, #tpu.memory_space<vmem>>, vector<1x16xf32>,
        %get3A_681 = vector.shape_cast %get3A_680 : vector<1x16xf32> to vector<16xf32>
        %add3A_682 = arith.addf %add3A_638, %get3A_681 : vector<16xf32>
        %get3A_683 = arith.index_cast %add3A_667 : i32 to index
        %get3A_684 = arith.constant 48 : index
        %get3A_685 = tpu.vector_load %arg6[%get3A_683, %get3A_684] {strides = array<i32>} : memref<200x128xf32, #tpu.memory_space<vmem>>, vector<1x16xf32>,
        %get3A_686 = vector.shape_cast %get3A_685 : vector<1x16xf32> to vector<16xf32>
        %add3A_687 = arith.addf %add3A_643, %get3A_686 : vector<16xf32>
        %get3A_688 = arith.index_cast %add3A_667 : i32 to index
        %get3A_689 = arith.constant 64 : index
        %get3A_690 = tpu.vector_load %arg6[%get3A_688, %get3A_689] {strides = array<i32>} : memref<200x128xf32, #tpu.memory_space<vmem>>, vector<1x16xf32>,
        %get3A_691 = vector.shape_cast %get3A_690 : vector<1x16xf32> to vector<16xf32>
        %add3A_692 = arith.addf %add3A_648, %get3A_691 : vector<16xf32>
        %get3A_693 = arith.index_cast %add3A_667 : i32 to index
        %get3A_694 = arith.constant 80 : index
        %get3A_695 = tpu.vector_load %arg6[%get3A_693, %get3A_694] {strides = array<i32>} : memref<200x128xf32, #tpu.memory_space<vmem>>, vector<1x16xf32>,
        %get3A_696 = vector.shape_cast %get3A_695 : vector<1x16xf32> to vector<16xf32>
        %add3A_697 = arith.addf %add3A_653, %get3A_696 : vector<16xf32>
        %get3A_698 = arith.index_cast %add3A_667 : i32 to index
        %get3A_699 = arith.constant 96 : index
        %get3A_700 = tpu.vector_load %arg6[%get3A_698, %get3A_699] {strides = array<i32>} : memref<200x128xf32, #tpu.memory_space<vmem>>, vector<1x16xf32>,
        %get3A_701 = vector.shape_cast %get3A_700 : vector<1x16xf32> to vector<16xf32>
        %add3A_702 = arith.addf %add3A_658, %get3A_701 : vector<16xf32>
        %get3A_703 = arith.index_cast %add3A_667 : i32 to index
        %get3A_704 = arith.constant 112 : index
        %get3A_705 = tpu.vector_load %arg6[%get3A_703, %get3A_704] {strides = array<i32>} : memref<200x128xf32, #tpu.memory_space<vmem>>, vector<1x16xf32>,
        %get3A_706 = vector.shape_cast %get3A_705 : vector<1x16xf32> to vector<16xf32>
        %add3A_707 = arith.addf %add3A_663, %get3A_706 : vector<16xf32>
        %mul3A_708 = arith.constant 10 : i32
        %mul3A_709 = arith.muli %scan3A_568, %mul3A_708 : i32
        %add3A_710 = arith.constant 3 : i32
        %add3A_711 = arith.addi %mul3A_709, %add3A_710 : i32
        %get3A_712 = arith.index_cast %add3A_711 : i32 to index
        %get3A_713 = arith.constant 0 : index
        %get3A_714 = tpu.vector_load %arg6[%get3A_712, %get3A_713] {strides = array<i32>} : memref<200x128xf32, #tpu.memory_space<vmem>>, vector<1x16xf32>,
        %get3A_715 = vector.shape_cast %get3A_714 : vector<1x16xf32> to vector<16xf32>
        %add3A_716 = arith.addf %add3A_672, %get3A_715 : vector<16xf32>
        %get3A_717 = arith.index_cast %add3A_711 : i32 to index
        %get3A_718 = arith.constant 16 : index
        %get3A_719 = tpu.vector_load %arg6[%get3A_717, %get3A_718] {strides = array<i32>} : memref<200x128xf32, #tpu.memory_space<vmem>>, vector<1x16xf32>,
        %get3A_720 = vector.shape_cast %get3A_719 : vector<1x16xf32> to vector<16xf32>
        %add3A_721 = arith.addf %add3A_677, %get3A_720 : vector<16xf32>
        %get3A_722 = arith.index_cast %add3A_711 : i32 to index
        %get3A_723 = arith.constant 32 : index
        %get3A_724 = tpu.vector_load %arg6[%get3A_722, %get3A_723] {strides = array<i32>} : memref<200x128xf32, #tpu.memory_space<vmem>>, vector<1x16xf32>,
        %get3A_725 = vector.shape_cast %get3A_724 : vector<1x16xf32> to vector<16xf32>
        %add3A_726 = arith.addf %add3A_682, %get3A_725 : vector<16xf32>
        %get3A_727 = arith.index_cast %add3A_711 : i32 to index
        %get3A_728 = arith.constant 48 : index
        %get3A_729 = tpu.vector_load %arg6[%get3A_727, %get3A_728] {strides = array<i32>} : memref<200x128xf32, #tpu.memory_space<vmem>>, vector<1x16xf32>,
        %get3A_730 = vector.shape_cast %get3A_729 : vector<1x16xf32> to vector<16xf32>
        %add3A_731 = arith.addf %add3A_687, %get3A_730 : vector<16xf32>
        %get3A_732 = arith.index_cast %add3A_711 : i32 to index
        %get3A_733 = arith.constant 64 : index
        %get3A_734 = tpu.vector_load %arg6[%get3A_732, %get3A_733] {strides = array<i32>} : memref<200x128xf32, #tpu.memory_space<vmem>>, vector<1x16xf32>,
        %get3A_735 = vector.shape_cast %get3A_734 : vector<1x16xf32> to vector<16xf32>
        %add3A_736 = arith.addf %add3A_692, %get3A_735 : vector<16xf32>
        %get3A_737 = arith.index_cast %add3A_711 : i32 to index
        %get3A_738 = arith.constant 80 : index
        %get3A_739 = tpu.vector_load %arg6[%get3A_737, %get3A_738] {strides = array<i32>} : memref<200x128xf32, #tpu.memory_space<vmem>>, vector<1x16xf32>,
        %get3A_740 = vector.shape_cast %get3A_739 : vector<1x16xf32> to vector<16xf32>
        %add3A_741 = arith.addf %add3A_697, %get3A_740 : vector<16xf32>
        %get3A_742 = arith.index_cast %add3A_711 : i32 to index
        %get3A_743 = arith.constant 96 : index
        %get3A_744 = tpu.vector_load %arg6[%get3A_742, %get3A_743] {strides = array<i32>} : memref<200x128xf32, #tpu.memory_space<vmem>>, vector<1x16xf32>,
        %get3A_745 = vector.shape_cast %get3A_744 : vector<1x16xf32> to vector<16xf32>
        %add3A_746 = arith.addf %add3A_702, %get3A_745 : vector<16xf32>
        %get3A_747 = arith.index_cast %add3A_711 : i32 to index
        %get3A_748 = arith.constant 112 : index
        %get3A_749 = tpu.vector_load %arg6[%get3A_747, %get3A_748] {strides = array<i32>} : memref<200x128xf32, #tpu.memory_space<vmem>>, vector<1x16xf32>,
        %get3A_750 = vector.shape_cast %get3A_749 : vector<1x16xf32> to vector<16xf32>
        %add3A_751 = arith.addf %add3A_707, %get3A_750 : vector<16xf32>
        %mul3A_752 = arith.constant 10 : i32
        %mul3A_753 = arith.muli %scan3A_568, %mul3A_752 : i32
        %add3A_754 = arith.constant 4 : i32
        %add3A_755 = arith.addi %mul3A_753, %add3A_754 : i32
        %get3A_756 = arith.index_cast %add3A_755 : i32 to index
        %get3A_757 = arith.constant 0 : index
        %get3A_758 = tpu.vector_load %arg6[%get3A_756, %get3A_757] {strides = array<i32>} : memref<200x128xf32, #tpu.memory_space<vmem>>, vector<1x16xf32>,
        %get3A_759 = vector.shape_cast %get3A_758 : vector<1x16xf32> to vector<16xf32>
        %add3A_760 = arith.addf %add3A_716, %get3A_759 : vector<16xf32>
        %get3A_761 = arith.index_cast %add3A_755 : i32 to index
        %get3A_762 = arith.constant 16 : index
        %get3A_763 = tpu.vector_load %arg6[%get3A_761, %get3A_762] {strides = array<i32>} : memref<200x128xf32, #tpu.memory_space<vmem>>, vector<1x16xf32>,
        %get3A_764 = vector.shape_cast %get3A_763 : vector<1x16xf32> to vector<16xf32>
        %add3A_765 = arith.addf %add3A_721, %get3A_764 : vector<16xf32>
        %get3A_766 = arith.index_cast %add3A_755 : i32 to index
        %get3A_767 = arith.constant 32 : index
        %get3A_768 = tpu.vector_load %arg6[%get3A_766, %get3A_767] {strides = array<i32>} : memref<200x128xf32, #tpu.memory_space<vmem>>, vector<1x16xf32>,
        %get3A_769 = vector.shape_cast %get3A_768 : vector<1x16xf32> to vector<16xf32>
        %add3A_770 = arith.addf %add3A_726, %get3A_769 : vector<16xf32>
        %get3A_771 = arith.index_cast %add3A_755 : i32 to index
        %get3A_772 = arith.constant 48 : index
        %get3A_773 = tpu.vector_load %arg6[%get3A_771, %get3A_772] {strides = array<i32>} : memref<200x128xf32, #tpu.memory_space<vmem>>, vector<1x16xf32>,
        %get3A_774 = vector.shape_cast %get3A_773 : vector<1x16xf32> to vector<16xf32>
        %add3A_775 = arith.addf %add3A_731, %get3A_774 : vector<16xf32>
        %get3A_776 = arith.index_cast %add3A_755 : i32 to index
        %get3A_777 = arith.constant 64 : index
        %get3A_778 = tpu.vector_load %arg6[%get3A_776, %get3A_777] {strides = array<i32>} : memref<200x128xf32, #tpu.memory_space<vmem>>, vector<1x16xf32>,
        %get3A_779 = vector.shape_cast %get3A_778 : vector<1x16xf32> to vector<16xf32>
        %add3A_780 = arith.addf %add3A_736, %get3A_779 : vector<16xf32>
        %get3A_781 = arith.index_cast %add3A_755 : i32 to index
        %get3A_782 = arith.constant 80 : index
        %get3A_783 = tpu.vector_load %arg6[%get3A_781, %get3A_782] {strides = array<i32>} : memref<200x128xf32, #tpu.memory_space<vmem>>, vector<1x16xf32>,
        %get3A_784 = vector.shape_cast %get3A_783 : vector<1x16xf32> to vector<16xf32>
        %add3A_785 = arith.addf %add3A_741, %get3A_784 : vector<16xf32>
        %get3A_786 = arith.index_cast %add3A_755 : i32 to index
        %get3A_787 = arith.constant 96 : index
        %get3A_788 = tpu.vector_load %arg6[%get3A_786, %get3A_787] {strides = array<i32>} : memref<200x128xf32, #tpu.memory_space<vmem>>, vector<1x16xf32>,
        %get3A_789 = vector.shape_cast %get3A_788 : vector<1x16xf32> to vector<16xf32>
        %add3A_790 = arith.addf %add3A_746, %get3A_789 : vector<16xf32>
        %get3A_791 = arith.index_cast %add3A_755 : i32 to index
        %get3A_792 = arith.constant 112 : index
        %get3A_793 = tpu.vector_load %arg6[%get3A_791, %get3A_792] {strides = array<i32>} : memref<200x128xf32, #tpu.memory_space<vmem>>, vector<1x16xf32>,
        %get3A_794 = vector.shape_cast %get3A_793 : vector<1x16xf32> to vector<16xf32>
        %add3A_795 = arith.addf %add3A_751, %get3A_794 : vector<16xf32>
        %mul3A_796 = arith.constant 10 : i32
        %mul3A_797 = arith.muli %scan3A_568, %mul3A_796 : i32
        %add3A_798 = arith.constant 5 : i32
        %add3A_799 = arith.addi %mul3A_797, %add3A_798 : i32
        %get3A_800 = arith.index_cast %add3A_799 : i32 to index
        %get3A_801 = arith.constant 0 : index
        %get3A_802 = tpu.vector_load %arg6[%get3A_800, %get3A_801] {strides = array<i32>} : memref<200x128xf32, #tpu.memory_space<vmem>>, vector<1x16xf32>,
        %get3A_803 = vector.shape_cast %get3A_802 : vector<1x16xf32> to vector<16xf32>
        %add3A_804 = arith.addf %add3A_760, %get3A_803 : vector<16xf32>
        %get3A_805 = arith.index_cast %add3A_799 : i32 to index
        %get3A_806 = arith.constant 16 : index
        %get3A_807 = tpu.vector_load %arg6[%get3A_805, %get3A_806] {strides = array<i32>} : memref<200x128xf32, #tpu.memory_space<vmem>>, vector<1x16xf32>,
        %get3A_808 = vector.shape_cast %get3A_807 : vector<1x16xf32> to vector<16xf32>
        %add3A_809 = arith.addf %add3A_765, %get3A_808 : vector<16xf32>
        %get3A_810 = arith.index_cast %add3A_799 : i32 to index
        %get3A_811 = arith.constant 32 : index
        %get3A_812 = tpu.vector_load %arg6[%get3A_810, %get3A_811] {strides = array<i32>} : memref<200x128xf32, #tpu.memory_space<vmem>>, vector<1x16xf32>,
        %get3A_813 = vector.shape_cast %get3A_812 : vector<1x16xf32> to vector<16xf32>
        %add3A_814 = arith.addf %add3A_770, %get3A_813 : vector<16xf32>
        %get3A_815 = arith.index_cast %add3A_799 : i32 to index
        %get3A_816 = arith.constant 48 : index
        %get3A_817 = tpu.vector_load %arg6[%get3A_815, %get3A_816] {strides = array<i32>} : memref<200x128xf32, #tpu.memory_space<vmem>>, vector<1x16xf32>,
        %get3A_818 = vector.shape_cast %get3A_817 : vector<1x16xf32> to vector<16xf32>
        %add3A_819 = arith.addf %add3A_775, %get3A_818 : vector<16xf32>
        %get3A_820 = arith.index_cast %add3A_799 : i32 to index
        %get3A_821 = arith.constant 64 : index
        %get3A_822 = tpu.vector_load %arg6[%get3A_820, %get3A_821] {strides = array<i32>} : memref<200x128xf32, #tpu.memory_space<vmem>>, vector<1x16xf32>,
        %get3A_823 = vector.shape_cast %get3A_822 : vector<1x16xf32> to vector<16xf32>
        %add3A_824 = arith.addf %add3A_780, %get3A_823 : vector<16xf32>
        %get3A_825 = arith.index_cast %add3A_799 : i32 to index
        %get3A_826 = arith.constant 80 : index
        %get3A_827 = tpu.vector_load %arg6[%get3A_825, %get3A_826] {strides = array<i32>} : memref<200x128xf32, #tpu.memory_space<vmem>>, vector<1x16xf32>,
        %get3A_828 = vector.shape_cast %get3A_827 : vector<1x16xf32> to vector<16xf32>
        %add3A_829 = arith.addf %add3A_785, %get3A_828 : vector<16xf32>
        %get3A_830 = arith.index_cast %add3A_799 : i32 to index
        %get3A_831 = arith.constant 96 : index
        %get3A_832 = tpu.vector_load %arg6[%get3A_830, %get3A_831] {strides = array<i32>} : memref<200x128xf32, #tpu.memory_space<vmem>>, vector<1x16xf32>,
        %get3A_833 = vector.shape_cast %get3A_832 : vector<1x16xf32> to vector<16xf32>
        %add3A_834 = arith.addf %add3A_790, %get3A_833 : vector<16xf32>
        %get3A_835 = arith.index_cast %add3A_799 : i32 to index
        %get3A_836 = arith.constant 112 : index
        %get3A_837 = tpu.vector_load %arg6[%get3A_835, %get3A_836] {strides = array<i32>} : memref<200x128xf32, #tpu.memory_space<vmem>>, vector<1x16xf32>,
        %get3A_838 = vector.shape_cast %get3A_837 : vector<1x16xf32> to vector<16xf32>
        %add3A_839 = arith.addf %add3A_795, %get3A_838 : vector<16xf32>
        %mul3A_840 = arith.constant 10 : i32
        %mul3A_841 = arith.muli %scan3A_568, %mul3A_840 : i32
        %add3A_842 = arith.constant 6 : i32
        %add3A_843 = arith.addi %mul3A_841, %add3A_842 : i32
        %get3A_844 = arith.index_cast %add3A_843 : i32 to index
        %get3A_845 = arith.constant 0 : index
        %get3A_846 = tpu.vector_load %arg6[%get3A_844, %get3A_845] {strides = array<i32>} : memref<200x128xf32, #tpu.memory_space<vmem>>, vector<1x16xf32>,
        %get3A_847 = vector.shape_cast %get3A_846 : vector<1x16xf32> to vector<16xf32>
        %add3A_848 = arith.addf %add3A_804, %get3A_847 : vector<16xf32>
        %get3A_849 = arith.index_cast %add3A_843 : i32 to index
        %get3A_850 = arith.constant 16 : index
        %get3A_851 = tpu.vector_load %arg6[%get3A_849, %get3A_850] {strides = array<i32>} : memref<200x128xf32, #tpu.memory_space<vmem>>, vector<1x16xf32>,
        %get3A_852 = vector.shape_cast %get3A_851 : vector<1x16xf32> to vector<16xf32>
        %add3A_853 = arith.addf %add3A_809, %get3A_852 : vector<16xf32>
        %get3A_854 = arith.index_cast %add3A_843 : i32 to index
        %get3A_855 = arith.constant 32 : index
        %get3A_856 = tpu.vector_load %arg6[%get3A_854, %get3A_855] {strides = array<i32>} : memref<200x128xf32, #tpu.memory_space<vmem>>, vector<1x16xf32>,
        %get3A_857 = vector.shape_cast %get3A_856 : vector<1x16xf32> to vector<16xf32>
        %add3A_858 = arith.addf %add3A_814, %get3A_857 : vector<16xf32>
        %get3A_859 = arith.index_cast %add3A_843 : i32 to index
        %get3A_860 = arith.constant 48 : index
        %get3A_861 = tpu.vector_load %arg6[%get3A_859, %get3A_860] {strides = array<i32>} : memref<200x128xf32, #tpu.memory_space<vmem>>, vector<1x16xf32>,
        %get3A_862 = vector.shape_cast %get3A_861 : vector<1x16xf32> to vector<16xf32>
        %add3A_863 = arith.addf %add3A_819, %get3A_862 : vector<16xf32>
        %get3A_864 = arith.index_cast %add3A_843 : i32 to index
        %get3A_865 = arith.constant 64 : index
        %get3A_866 = tpu.vector_load %arg6[%get3A_864, %get3A_865] {strides = array<i32>} : memref<200x128xf32, #tpu.memory_space<vmem>>, vector<1x16xf32>,
        %get3A_867 = vector.shape_cast %get3A_866 : vector<1x16xf32> to vector<16xf32>
        %add3A_868 = arith.addf %add3A_824, %get3A_867 : vector<16xf32>
        %get3A_869 = arith.index_cast %add3A_843 : i32 to index
        %get3A_870 = arith.constant 80 : index
        %get3A_871 = tpu.vector_load %arg6[%get3A_869, %get3A_870] {strides = array<i32>} : memref<200x128xf32, #tpu.memory_space<vmem>>, vector<1x16xf32>,
        %get3A_872 = vector.shape_cast %get3A_871 : vector<1x16xf32> to vector<16xf32>
        %add3A_873 = arith.addf %add3A_829, %get3A_872 : vector<16xf32>
        %get3A_874 = arith.index_cast %add3A_843 : i32 to index
        %get3A_875 = arith.constant 96 : index
        %get3A_876 = tpu.vector_load %arg6[%get3A_874, %get3A_875] {strides = array<i32>} : memref<200x128xf32, #tpu.memory_space<vmem>>, vector<1x16xf32>,
        %get3A_877 = vector.shape_cast %get3A_876 : vector<1x16xf32> to vector<16xf32>
        %add3A_878 = arith.addf %add3A_834, %get3A_877 : vector<16xf32>
        %get3A_879 = arith.index_cast %add3A_843 : i32 to index
        %get3A_880 = arith.constant 112 : index
        %get3A_881 = tpu.vector_load %arg6[%get3A_879, %get3A_880] {strides = array<i32>} : memref<200x128xf32, #tpu.memory_space<vmem>>, vector<1x16xf32>,
        %get3A_882 = vector.shape_cast %get3A_881 : vector<1x16xf32> to vector<16xf32>
        %add3A_883 = arith.addf %add3A_839, %get3A_882 : vector<16xf32>
        %mul3A_884 = arith.constant 10 : i32
        %mul3A_885 = arith.muli %scan3A_568, %mul3A_884 : i32
        %add3A_886 = arith.constant 7 : i32
        %add3A_887 = arith.addi %mul3A_885, %add3A_886 : i32
        %get3A_888 = arith.index_cast %add3A_887 : i32 to index
        %get3A_889 = arith.constant 0 : index
        %get3A_890 = tpu.vector_load %arg6[%get3A_888, %get3A_889] {strides = array<i32>} : memref<200x128xf32, #tpu.memory_space<vmem>>, vector<1x16xf32>,
        %get3A_891 = vector.shape_cast %get3A_890 : vector<1x16xf32> to vector<16xf32>
        %add3A_892 = arith.addf %add3A_848, %get3A_891 : vector<16xf32>
        %get3A_893 = arith.index_cast %add3A_887 : i32 to index
        %get3A_894 = arith.constant 16 : index
        %get3A_895 = tpu.vector_load %arg6[%get3A_893, %get3A_894] {strides = array<i32>} : memref<200x128xf32, #tpu.memory_space<vmem>>, vector<1x16xf32>,
        %get3A_896 = vector.shape_cast %get3A_895 : vector<1x16xf32> to vector<16xf32>
        %add3A_897 = arith.addf %add3A_853, %get3A_896 : vector<16xf32>
        %get3A_898 = arith.index_cast %add3A_887 : i32 to index
        %get3A_899 = arith.constant 32 : index
        %get3A_900 = tpu.vector_load %arg6[%get3A_898, %get3A_899] {strides = array<i32>} : memref<200x128xf32, #tpu.memory_space<vmem>>, vector<1x16xf32>,
        %get3A_901 = vector.shape_cast %get3A_900 : vector<1x16xf32> to vector<16xf32>
        %add3A_902 = arith.addf %add3A_858, %get3A_901 : vector<16xf32>
        %get3A_903 = arith.index_cast %add3A_887 : i32 to index
        %get3A_904 = arith.constant 48 : index
        %get3A_905 = tpu.vector_load %arg6[%get3A_903, %get3A_904] {strides = array<i32>} : memref<200x128xf32, #tpu.memory_space<vmem>>, vector<1x16xf32>,
        %get3A_906 = vector.shape_cast %get3A_905 : vector<1x16xf32> to vector<16xf32>
        %add3A_907 = arith.addf %add3A_863, %get3A_906 : vector<16xf32>
        %get3A_908 = arith.index_cast %add3A_887 : i32 to index
        %get3A_909 = arith.constant 64 : index
        %get3A_910 = tpu.vector_load %arg6[%get3A_908, %get3A_909] {strides = array<i32>} : memref<200x128xf32, #tpu.memory_space<vmem>>, vector<1x16xf32>,
        %get3A_911 = vector.shape_cast %get3A_910 : vector<1x16xf32> to vector<16xf32>
        %add3A_912 = arith.addf %add3A_868, %get3A_911 : vector<16xf32>
        %get3A_913 = arith.index_cast %add3A_887 : i32 to index
        %get3A_914 = arith.constant 80 : index
        %get3A_915 = tpu.vector_load %arg6[%get3A_913, %get3A_914] {strides = array<i32>} : memref<200x128xf32, #tpu.memory_space<vmem>>, vector<1x16xf32>,
        %get3A_916 = vector.shape_cast %get3A_915 : vector<1x16xf32> to vector<16xf32>
        %add3A_917 = arith.addf %add3A_873, %get3A_916 : vector<16xf32>
        %get3A_918 = arith.index_cast %add3A_887 : i32 to index
        %get3A_919 = arith.constant 96 : index
        %get3A_920 = tpu.vector_load %arg6[%get3A_918, %get3A_919] {strides = array<i32>} : memref<200x128xf32, #tpu.memory_space<vmem>>, vector<1x16xf32>,
        %get3A_921 = vector.shape_cast %get3A_920 : vector<1x16xf32> to vector<16xf32>
        %add3A_922 = arith.addf %add3A_878, %get3A_921 : vector<16xf32>
        %get3A_923 = arith.index_cast %add3A_887 : i32 to index
        %get3A_924 = arith.constant 112 : index
        %get3A_925 = tpu.vector_load %arg6[%get3A_923, %get3A_924] {strides = array<i32>} : memref<200x128xf32, #tpu.memory_space<vmem>>, vector<1x16xf32>,
        %get3A_926 = vector.shape_cast %get3A_925 : vector<1x16xf32> to vector<16xf32>
        %add3A_927 = arith.addf %add3A_883, %get3A_926 : vector<16xf32>
        %mul3A_928 = arith.constant 10 : i32
        %mul3A_929 = arith.muli %scan3A_568, %mul3A_928 : i32
        %add3A_930 = arith.constant 8 : i32
        %add3A_931 = arith.addi %mul3A_929, %add3A_930 : i32
        %get3A_932 = arith.index_cast %add3A_931 : i32 to index
        %get3A_933 = arith.constant 0 : index
        %get3A_934 = tpu.vector_load %arg6[%get3A_932, %get3A_933] {strides = array<i32>} : memref<200x128xf32, #tpu.memory_space<vmem>>, vector<1x16xf32>,
        %get3A_935 = vector.shape_cast %get3A_934 : vector<1x16xf32> to vector<16xf32>
        %add3A_936 = arith.addf %add3A_892, %get3A_935 : vector<16xf32>
        %get3A_937 = arith.index_cast %add3A_931 : i32 to index
        %get3A_938 = arith.constant 16 : index
        %get3A_939 = tpu.vector_load %arg6[%get3A_937, %get3A_938] {strides = array<i32>} : memref<200x128xf32, #tpu.memory_space<vmem>>, vector<1x16xf32>,
        %get3A_940 = vector.shape_cast %get3A_939 : vector<1x16xf32> to vector<16xf32>
        %add3A_941 = arith.addf %add3A_897, %get3A_940 : vector<16xf32>
        %get3A_942 = arith.index_cast %add3A_931 : i32 to index
        %get3A_943 = arith.constant 32 : index
        %get3A_944 = tpu.vector_load %arg6[%get3A_942, %get3A_943] {strides = array<i32>} : memref<200x128xf32, #tpu.memory_space<vmem>>, vector<1x16xf32>,
        %get3A_945 = vector.shape_cast %get3A_944 : vector<1x16xf32> to vector<16xf32>
        %add3A_946 = arith.addf %add3A_902, %get3A_945 : vector<16xf32>
        %get3A_947 = arith.index_cast %add3A_931 : i32 to index
        %get3A_948 = arith.constant 48 : index
        %get3A_949 = tpu.vector_load %arg6[%get3A_947, %get3A_948] {strides = array<i32>} : memref<200x128xf32, #tpu.memory_space<vmem>>, vector<1x16xf32>,
        %get3A_950 = vector.shape_cast %get3A_949 : vector<1x16xf32> to vector<16xf32>
        %add3A_951 = arith.addf %add3A_907, %get3A_950 : vector<16xf32>
        %get3A_952 = arith.index_cast %add3A_931 : i32 to index
        %get3A_953 = arith.constant 64 : index
        %get3A_954 = tpu.vector_load %arg6[%get3A_952, %get3A_953] {strides = array<i32>} : memref<200x128xf32, #tpu.memory_space<vmem>>, vector<1x16xf32>,
        %get3A_955 = vector.shape_cast %get3A_954 : vector<1x16xf32> to vector<16xf32>
        %add3A_956 = arith.addf %add3A_912, %get3A_955 : vector<16xf32>
        %get3A_957 = arith.index_cast %add3A_931 : i32 to index
        %get3A_958 = arith.constant 80 : index
        %get3A_959 = tpu.vector_load %arg6[%get3A_957, %get3A_958] {strides = array<i32>} : memref<200x128xf32, #tpu.memory_space<vmem>>, vector<1x16xf32>,
        %get3A_960 = vector.shape_cast %get3A_959 : vector<1x16xf32> to vector<16xf32>
        %add3A_961 = arith.addf %add3A_917, %get3A_960 : vector<16xf32>
        %get3A_962 = arith.index_cast %add3A_931 : i32 to index
        %get3A_963 = arith.constant 96 : index
        %get3A_964 = tpu.vector_load %arg6[%get3A_962, %get3A_963] {strides = array<i32>} : memref<200x128xf32, #tpu.memory_space<vmem>>, vector<1x16xf32>,
        %get3A_965 = vector.shape_cast %get3A_964 : vector<1x16xf32> to vector<16xf32>
        %add3A_966 = arith.addf %add3A_922, %get3A_965 : vector<16xf32>
        %get3A_967 = arith.index_cast %add3A_931 : i32 to index
        %get3A_968 = arith.constant 112 : index
        %get3A_969 = tpu.vector_load %arg6[%get3A_967, %get3A_968] {strides = array<i32>} : memref<200x128xf32, #tpu.memory_space<vmem>>, vector<1x16xf32>,
        %get3A_970 = vector.shape_cast %get3A_969 : vector<1x16xf32> to vector<16xf32>
        %add3A_971 = arith.addf %add3A_927, %get3A_970 : vector<16xf32>
        %mul3A_972 = arith.constant 10 : i32
        %mul3A_973 = arith.muli %scan3A_568, %mul3A_972 : i32
        %add3A_974 = arith.constant 9 : i32
        %add3A_975 = arith.addi %mul3A_973, %add3A_974 : i32
        %get3A_976 = arith.index_cast %add3A_975 : i32 to index
        %get3A_977 = arith.constant 0 : index
        %get3A_978 = tpu.vector_load %arg6[%get3A_976, %get3A_977] {strides = array<i32>} : memref<200x128xf32, #tpu.memory_space<vmem>>, vector<1x16xf32>,
        %get3A_979 = vector.shape_cast %get3A_978 : vector<1x16xf32> to vector<16xf32>
        %add3A_980 = arith.addf %add3A_936, %get3A_979 : vector<16xf32>
        %get3A_981 = arith.index_cast %add3A_975 : i32 to index
        %get3A_982 = arith.constant 16 : index
        %get3A_983 = tpu.vector_load %arg6[%get3A_981, %get3A_982] {strides = array<i32>} : memref<200x128xf32, #tpu.memory_space<vmem>>, vector<1x16xf32>,
        %get3A_984 = vector.shape_cast %get3A_983 : vector<1x16xf32> to vector<16xf32>
        %add3A_985 = arith.addf %add3A_941, %get3A_984 : vector<16xf32>
        %get3A_986 = arith.index_cast %add3A_975 : i32 to index
        %get3A_987 = arith.constant 32 : index
        %get3A_988 = tpu.vector_load %arg6[%get3A_986, %get3A_987] {strides = array<i32>} : memref<200x128xf32, #tpu.memory_space<vmem>>, vector<1x16xf32>,
        %get3A_989 = vector.shape_cast %get3A_988 : vector<1x16xf32> to vector<16xf32>
        %add3A_990 = arith.addf %add3A_946, %get3A_989 : vector<16xf32>
        %get3A_991 = arith.index_cast %add3A_975 : i32 to index
        %get3A_992 = arith.constant 48 : index
        %get3A_993 = tpu.vector_load %arg6[%get3A_991, %get3A_992] {strides = array<i32>} : memref<200x128xf32, #tpu.memory_space<vmem>>, vector<1x16xf32>,
        %get3A_994 = vector.shape_cast %get3A_993 : vector<1x16xf32> to vector<16xf32>
        %add3A_995 = arith.addf %add3A_951, %get3A_994 : vector<16xf32>
        %get3A_996 = arith.index_cast %add3A_975 : i32 to index
        %get3A_997 = arith.constant 64 : index
        %get3A_998 = tpu.vector_load %arg6[%get3A_996, %get3A_997] {strides = array<i32>} : memref<200x128xf32, #tpu.memory_space<vmem>>, vector<1x16xf32>,
        %get3A_999 = vector.shape_cast %get3A_998 : vector<1x16xf32> to vector<16xf32>
        %add3A_1000 = arith.addf %add3A_956, %get3A_999 : vector<16xf32>
        %get3A_1001 = arith.index_cast %add3A_975 : i32 to index
        %get3A_1002 = arith.constant 80 : index
        %get3A_1003 = tpu.vector_load %arg6[%get3A_1001, %get3A_1002] {strides = array<i32>} : memref<200x128xf32, #tpu.memory_space<vmem>>, vector<1x16xf32>,
        %get3A_1004 = vector.shape_cast %get3A_1003 : vector<1x16xf32> to vector<16xf32>
        %add3A_1005 = arith.addf %add3A_961, %get3A_1004 : vector<16xf32>
        %get3A_1006 = arith.index_cast %add3A_975 : i32 to index
        %get3A_1007 = arith.constant 96 : index
        %get3A_1008 = tpu.vector_load %arg6[%get3A_1006, %get3A_1007] {strides = array<i32>} : memref<200x128xf32, #tpu.memory_space<vmem>>, vector<1x16xf32>,
        %get3A_1009 = vector.shape_cast %get3A_1008 : vector<1x16xf32> to vector<16xf32>
        %add3A_1010 = arith.addf %add3A_966, %get3A_1009 : vector<16xf32>
        %get3A_1011 = arith.index_cast %add3A_975 : i32 to index
        %get3A_1012 = arith.constant 112 : index
        %get3A_1013 = tpu.vector_load %arg6[%get3A_1011, %get3A_1012] {strides = array<i32>} : memref<200x128xf32, #tpu.memory_space<vmem>>, vector<1x16xf32>,
        %get3A_1014 = vector.shape_cast %get3A_1013 : vector<1x16xf32> to vector<16xf32>
        %add3A_1015 = arith.addf %add3A_971, %get3A_1014 : vector<16xf32>
        scf.yield %add3A_980, %add3A_985, %add3A_990, %add3A_995, %add3A_1000, %add3A_1005, %add3A_1010, %add3A_1015 : vector<16xf32>, vector<16xf32>, vector<16xf32>, vector<16xf32>, vector<16xf32>, vector<16xf32>, vector<16xf32>, vector<16xf32>
      }
      %scan3A_295 = arith.constant 20 : i32
      %swap3A_296 = arith.index_cast %add3A_222 : i32 to index
      %swap3A_297 = arith.constant 0 : index
      %swap3A_298 = tpu.vector_load %arg9[%swap3A_296, %swap3A_297] {strides = array<i32>} : memref<128x128xf32, #tpu.memory_space<vmem>>, vector<1x16xf32>,
      %swap3A_299 = vector.shape_cast %swap3A_298 : vector<1x16xf32> to vector<16xf32>
      %swap3A_300 = vector.shape_cast %scan3A_294#0 : vector<16xf32> to vector<1x16xf32>
      tpu.vector_store %arg9[%swap3A_296, %swap3A_297], %swap3A_300 {strides = array<i32>} : memref<128x128xf32, #tpu.memory_space<vmem>>, vector<1x16xf32>,
      %swap3A_301 = arith.index_cast %add3A_222 : i32 to index
      %swap3A_302 = arith.constant 16 : index
      %swap3A_303 = tpu.vector_load %arg9[%swap3A_301, %swap3A_302] {strides = array<i32>} : memref<128x128xf32, #tpu.memory_space<vmem>>, vector<1x16xf32>,
      %swap3A_304 = vector.shape_cast %swap3A_303 : vector<1x16xf32> to vector<16xf32>
      %swap3A_305 = vector.shape_cast %scan3A_294#1 : vector<16xf32> to vector<1x16xf32>
      tpu.vector_store %arg9[%swap3A_301, %swap3A_302], %swap3A_305 {strides = array<i32>} : memref<128x128xf32, #tpu.memory_space<vmem>>, vector<1x16xf32>,
      %swap3A_306 = arith.index_cast %add3A_222 : i32 to index
      %swap3A_307 = arith.constant 32 : index
      %swap3A_308 = tpu.vector_load %arg9[%swap3A_306, %swap3A_307] {strides = array<i32>} : memref<128x128xf32, #tpu.memory_space<vmem>>, vector<1x16xf32>,
      %swap3A_309 = vector.shape_cast %swap3A_308 : vector<1x16xf32> to vector<16xf32>
      %swap3A_310 = vector.shape_cast %scan3A_294#2 : vector<16xf32> to vector<1x16xf32>
      tpu.vector_store %arg9[%swap3A_306, %swap3A_307], %swap3A_310 {strides = array<i32>} : memref<128x128xf32, #tpu.memory_space<vmem>>, vector<1x16xf32>,
      %swap3A_311 = arith.index_cast %add3A_222 : i32 to index
      %swap3A_312 = arith.constant 48 : index
      %swap3A_313 = tpu.vector_load %arg9[%swap3A_311, %swap3A_312] {strides = array<i32>} : memref<128x128xf32, #tpu.memory_space<vmem>>, vector<1x16xf32>,
      %swap3A_314 = vector.shape_cast %swap3A_313 : vector<1x16xf32> to vector<16xf32>
      %swap3A_315 = vector.shape_cast %scan3A_294#3 : vector<16xf32> to vector<1x16xf32>
      tpu.vector_store %arg9[%swap3A_311, %swap3A_312], %swap3A_315 {strides = array<i32>} : memref<128x128xf32, #tpu.memory_space<vmem>>, vector<1x16xf32>,
      %swap3A_316 = arith.index_cast %add3A_222 : i32 to index
      %swap3A_317 = arith.constant 64 : index
      %swap3A_318 = tpu.vector_load %arg9[%swap3A_316, %swap3A_317] {strides = array<i32>} : memref<128x128xf32, #tpu.memory_space<vmem>>, vector<1x16xf32>,
      %swap3A_319 = vector.shape_cast %swap3A_318 : vector<1x16xf32> to vector<16xf32>
      %swap3A_320 = vector.shape_cast %scan3A_294#4 : vector<16xf32> to vector<1x16xf32>
      tpu.vector_store %arg9[%swap3A_316, %swap3A_317], %swap3A_320 {strides = array<i32>} : memref<128x128xf32, #tpu.memory_space<vmem>>, vector<1x16xf32>,
      %swap3A_321 = arith.index_cast %add3A_222 : i32 to index
      %swap3A_322 = arith.constant 80 : index
      %swap3A_323 = tpu.vector_load %arg9[%swap3A_321, %swap3A_322] {strides = array<i32>} : memref<128x128xf32, #tpu.memory_space<vmem>>, vector<1x16xf32>,
      %swap3A_324 = vector.shape_cast %swap3A_323 : vector<1x16xf32> to vector<16xf32>
      %swap3A_325 = vector.shape_cast %scan3A_294#5 : vector<16xf32> to vector<1x16xf32>
      tpu.vector_store %arg9[%swap3A_321, %swap3A_322], %swap3A_325 {strides = array<i32>} : memref<128x128xf32, #tpu.memory_space<vmem>>, vector<1x16xf32>,
      %swap3A_326 = arith.index_cast %add3A_222 : i32 to index
      %swap3A_327 = arith.constant 96 : index
      %swap3A_328 = tpu.vector_load %arg9[%swap3A_326, %swap3A_327] {strides = array<i32>} : memref<128x128xf32, #tpu.memory_space<vmem>>, vector<1x16xf32>,
      %swap3A_329 = vector.shape_cast %swap3A_328 : vector<1x16xf32> to vector<16xf32>
      %swap3A_330 = vector.shape_cast %scan3A_294#6 : vector<16xf32> to vector<1x16xf32>
      tpu.vector_store %arg9[%swap3A_326, %swap3A_327], %swap3A_330 {strides = array<i32>} : memref<128x128xf32, #tpu.memory_space<vmem>>, vector<1x16xf32>,
      %swap3A_331 = arith.index_cast %add3A_222 : i32 to index
      %swap3A_332 = arith.constant 112 : index
      %swap3A_333 = tpu.vector_load %arg9[%swap3A_331, %swap3A_332] {strides = array<i32>} : memref<128x128xf32, #tpu.memory_space<vmem>>, vector<1x16xf32>,
      %swap3A_334 = vector.shape_cast %swap3A_333 : vector<1x16xf32> to vector<16xf32>
      %swap3A_335 = vector.shape_cast %scan3A_294#7 : vector<16xf32> to vector<1x16xf32>
      tpu.vector_store %arg9[%swap3A_331, %swap3A_332], %swap3A_335 {strides = array<i32>} : memref<128x128xf32, #tpu.memory_space<vmem>>, vector<1x16xf32>,
      %add3A_336 = arith.constant 1 : i32
      %add3A_337 = arith.addi %add3A_220, %add3A_336 : i32
      %add3A_338 = arith.constant 3 : i32
      %add3A_339 = arith.addi %add3A_337, %add3A_338 : i32
      %sub3A_340 = arith.constant 1 : i32
      %sub3A_341 = arith.subi %add3A_339, %sub3A_340 : i32
      %mul3A_342 = arith.constant 200 : i32
      %mul3A_343 = arith.muli %sub3A_341, %mul3A_342 : i32
      %add3A_344 = arith.constant 0 : i32
      %add3A_345 = arith.addi %mul3A_343, %add3A_344 : i32
      %multiple_of3A_346 = tpu.assume_multiple %add3A_345, 8 : i32
      %dma_start3A_347 = arith.constant 0 : i32
      %dma_start3A_348 = arith.constant 0 : i32
      %dma_start3A_349 = tpu.memref_slice %arg6[%dma_start3A_347, %dma_start3A_348] : memref<200x128xf32, #tpu.memory_space<vmem>> -> memref<104x128xf32, #tpu.memory_space<vmem>>
      %dma_start3A_350 = tpu.memref_slice %arg5[%multiple_of3A_346] : memref<25600xi32, #tpu.memory_space<vmem>> -> memref<104xi32, #tpu.memory_space<vmem>>
      %dma_start3A_351 = arith.constant 0 : i32
      %dma_start3A_352 = arith.constant 0 : i32
      %dma_start3A_353 = tpu.memref_slice %arg2[%dma_start3A_351, %dma_start3A_352] : memref<100000x128xf32, #tpu.memory_space<hbm>> -> memref<100000x128xf32, #tpu.memory_space<hbm>>
      tpu.enqueue_indirect_dma source(%dma_start3A_353 : memref<100000x128xf32, #tpu.memory_space<hbm>>) target(%dma_start3A_349 : memref<104x128xf32, #tpu.memory_space<vmem>>) offsets(%dma_start3A_350 : memref<104xi32, #tpu.memory_space<vmem>>) semaphore(%arg10 : memref<!tpu.dma_semaphore, #tpu.memory_space<semaphore_mem>>)
      %mul3A_354 = arith.constant 200 : i32
      %mul3A_355 = arith.muli %sub3A_341, %mul3A_354 : i32
      %add3A_356 = arith.constant 104 : i32
      %add3A_357 = arith.addi %mul3A_355, %add3A_356 : i32
      %multiple_of3A_358 = tpu.assume_multiple %add3A_357, 8 : i32
      %dma_start3A_359 = arith.constant 104 : i32
      %dma_start3A_360 = arith.constant 0 : i32
      %dma_start3A_361 = tpu.memref_slice %arg6[%dma_start3A_359, %dma_start3A_360] : memref<200x128xf32, #tpu.memory_space<vmem>> -> memref<96x128xf32, #tpu.memory_space<vmem>>
      %dma_start3A_362 = tpu.memref_slice %arg5[%multiple_of3A_358] : memref<25600xi32, #tpu.memory_space<vmem>> -> memref<96xi32, #tpu.memory_space<vmem>>
      %dma_start3A_363 = arith.constant 0 : i32
      %dma_start3A_364 = arith.constant 0 : i32
      %dma_start3A_365 = tpu.memref_slice %arg2[%dma_start3A_363, %dma_start3A_364] : memref<100000x128xf32, #tpu.memory_space<hbm>> -> memref<100000x128xf32, #tpu.memory_space<hbm>>
      tpu.enqueue_indirect_dma source(%dma_start3A_365 : memref<100000x128xf32, #tpu.memory_space<hbm>>) target(%dma_start3A_361 : memref<96x128xf32, #tpu.memory_space<vmem>>) offsets(%dma_start3A_362 : memref<96xi32, #tpu.memory_space<vmem>>) semaphore(%arg10 : memref<!tpu.dma_semaphore, #tpu.memory_space<semaphore_mem>>)
      %mul3A_366 = arith.constant 200 : i32
      %mul3A_367 = arith.muli %add3A_337, %mul3A_366 : i32
      %add3A_368 = arith.constant 0 : i32
      %add3A_369 = arith.addi %mul3A_367, %add3A_368 : i32
      %multiple_of3A_370 = tpu.assume_multiple %add3A_369, 8 : i32
      %dma_wait3A_371 = arith.constant 0 : i32
      %dma_wait3A_372 = arith.constant 0 : i32
      %dma_wait3A_373 = tpu.memref_slice %arg7[%dma_wait3A_371, %dma_wait3A_372] : memref<200x128xf32, #tpu.memory_space<vmem>> -> memref<104x128xf32, #tpu.memory_space<vmem>>
      %dma_wait3A_374 = tpu.memref_slice %arg5[%multiple_of3A_370] : memref<25600xi32, #tpu.memory_space<vmem>> -> memref<104xi32, #tpu.memory_space<vmem>>
      %dma_wait3A_375 = arith.constant 0 : i32
      %dma_wait3A_376 = arith.constant 0 : i32
      %dma_wait3A_377 = tpu.memref_slice %arg2[%dma_wait3A_375, %dma_wait3A_376] : memref<100000x128xf32, #tpu.memory_space<hbm>> -> memref<100000x128xf32, #tpu.memory_space<hbm>>
      tpu.wait_indirect_dma semaphore(%arg11 : memref<!tpu.dma_semaphore, #tpu.memory_space<semaphore_mem>>) src(%dma_wait3A_377 : memref<100000x128xf32, #tpu.memory_space<hbm>>) dst(%dma_wait3A_373 : memref<104x128xf32, #tpu.memory_space<vmem>>)
      %mul3A_378 = arith.constant 200 : i32
      %mul3A_379 = arith.muli %add3A_337, %mul3A_378 : i32
      %add3A_380 = arith.constant 104 : i32
      %add3A_381 = arith.addi %mul3A_379, %add3A_380 : i32
      %multiple_of3A_382 = tpu.assume_multiple %add3A_381, 8 : i32
      %dma_wait3A_383 = arith.constant 104 : i32
      %dma_wait3A_384 = arith.constant 0 : i32
      %dma_wait3A_385 = tpu.memref_slice %arg7[%dma_wait3A_383, %dma_wait3A_384] : memref<200x128xf32, #tpu.memory_space<vmem>> -> memref<96x128xf32, #tpu.memory_space<vmem>>
      %dma_wait3A_386 = tpu.memref_slice %arg5[%multiple_of3A_382] : memref<25600xi32, #tpu.memory_space<vmem>> -> memref<96xi32, #tpu.memory_space<vmem>>
      %dma_wait3A_387 = arith.constant 0 : i32
      %dma_wait3A_388 = arith.constant 0 : i32
      %dma_wait3A_389 = tpu.memref_slice %arg2[%dma_wait3A_387, %dma_wait3A_388] : memref<100000x128xf32, #tpu.memory_space<hbm>> -> memref<100000x128xf32, #tpu.memory_space<hbm>>
      tpu.wait_indirect_dma semaphore(%arg11 : memref<!tpu.dma_semaphore, #tpu.memory_space<semaphore_mem>>) src(%dma_wait3A_389 : memref<100000x128xf32, #tpu.memory_space<hbm>>) dst(%dma_wait3A_385 : memref<96x128xf32, #tpu.memory_space<vmem>>)
      %broadcast_in_dim3A_390 = arith.constant 0.000000e+00 : f32
      %broadcast_in_dim3A_391 = vector.broadcast %broadcast_in_dim3A_390 : f32 to vector<16xf32>
      %broadcast_in_dim3A_392 = arith.constant 0.000000e+00 : f32
      %broadcast_in_dim3A_393 = vector.broadcast %broadcast_in_dim3A_392 : f32 to vector<16xf32>
      %broadcast_in_dim3A_394 = arith.constant 0.000000e+00 : f32
      %broadcast_in_dim3A_395 = vector.broadcast %broadcast_in_dim3A_394 : f32 to vector<16xf32>
      %broadcast_in_dim3A_396 = arith.constant 0.000000e+00 : f32
      %broadcast_in_dim3A_397 = vector.broadcast %broadcast_in_dim3A_396 : f32 to vector<16xf32>
      %broadcast_in_dim3A_398 = arith.constant 0.000000e+00 : f32
      %broadcast_in_dim3A_399 = vector.broadcast %broadcast_in_dim3A_398 : f32 to vector<16xf32>
      %broadcast_in_dim3A_400 = arith.constant 0.000000e+00 : f32
      %broadcast_in_dim3A_401 = vector.broadcast %broadcast_in_dim3A_400 : f32 to vector<16xf32>
      %broadcast_in_dim3A_402 = arith.constant 0.000000e+00 : f32
      %broadcast_in_dim3A_403 = vector.broadcast %broadcast_in_dim3A_402 : f32 to vector<16xf32>
      %broadcast_in_dim3A_404 = arith.constant 0.000000e+00 : f32
      %broadcast_in_dim3A_405 = vector.broadcast %broadcast_in_dim3A_404 : f32 to vector<16xf32>
      %scan3A_406 = arith.constant 0 : i32
      %scan3A_407 = arith.constant 20 : i32
      %scan3A_408 = arith.addi %scan3A_406, %scan3A_407 : i32
      %scan3A_409 = arith.constant 1 : i32
      %scan3A_410:8 = scf.for %scan3A_568 = %scan3A_406 to %scan3A_408 step %scan3A_409 iter_args(%scan3A_569 = %broadcast_in_dim3A_391, %scan3A_570 = %broadcast_in_dim3A_393, %scan3A_571 = %broadcast_in_dim3A_395, %scan3A_572 = %broadcast_in_dim3A_397, %scan3A_573 = %broadcast_in_dim3A_399, %scan3A_574 = %broadcast_in_dim3A_401, %scan3A_575 = %broadcast_in_dim3A_403, %scan3A_576 = %broadcast_in_dim3A_405) -> (vector<16xf32>, vector<16xf32>, vector<16xf32>, vector<16xf32>, vector<16xf32>, vector<16xf32>, vector<16xf32>, vector<16xf32>)  : i32 {
        %mul3A_577 = arith.constant 10 : i32
        %mul3A_578 = arith.muli %scan3A_568, %mul3A_577 : i32
        %add3A_579 = arith.constant 0 : i32
        %add3A_580 = arith.addi %mul3A_578, %add3A_579 : i32
        %get3A = arith.index_cast %add3A_580 : i32 to index
        %get3A_581 = arith.constant 0 : index
        %get3A_582 = tpu.vector_load %arg7[%get3A, %get3A_581] {strides = array<i32>} : memref<200x128xf32, #tpu.memory_space<vmem>>, vector<1x16xf32>,
        %get3A_583 = vector.shape_cast %get3A_582 : vector<1x16xf32> to vector<16xf32>
        %add3A_584 = arith.addf %scan3A_569, %get3A_583 : vector<16xf32>
        %get3A_585 = arith.index_cast %add3A_580 : i32 to index
        %get3A_586 = arith.constant 16 : index
        %get3A_587 = tpu.vector_load %arg7[%get3A_585, %get3A_586] {strides = array<i32>} : memref<200x128xf32, #tpu.memory_space<vmem>>, vector<1x16xf32>,
        %get3A_588 = vector.shape_cast %get3A_587 : vector<1x16xf32> to vector<16xf32>
        %add3A_589 = arith.addf %scan3A_570, %get3A_588 : vector<16xf32>
        %get3A_590 = arith.index_cast %add3A_580 : i32 to index
        %get3A_591 = arith.constant 32 : index
        %get3A_592 = tpu.vector_load %arg7[%get3A_590, %get3A_591] {strides = array<i32>} : memref<200x128xf32, #tpu.memory_space<vmem>>, vector<1x16xf32>,
        %get3A_593 = vector.shape_cast %get3A_592 : vector<1x16xf32> to vector<16xf32>
        %add3A_594 = arith.addf %scan3A_571, %get3A_593 : vector<16xf32>
        %get3A_595 = arith.index_cast %add3A_580 : i32 to index
        %get3A_596 = arith.constant 48 : index
        %get3A_597 = tpu.vector_load %arg7[%get3A_595, %get3A_596] {strides = array<i32>} : memref<200x128xf32, #tpu.memory_space<vmem>>, vector<1x16xf32>,
        %get3A_598 = vector.shape_cast %get3A_597 : vector<1x16xf32> to vector<16xf32>
        %add3A_599 = arith.addf %scan3A_572, %get3A_598 : vector<16xf32>
        %get3A_600 = arith.index_cast %add3A_580 : i32 to index
        %get3A_601 = arith.constant 64 : index
        %get3A_602 = tpu.vector_load %arg7[%get3A_600, %get3A_601] {strides = array<i32>} : memref<200x128xf32, #tpu.memory_space<vmem>>, vector<1x16xf32>,
        %get3A_603 = vector.shape_cast %get3A_602 : vector<1x16xf32> to vector<16xf32>
        %add3A_604 = arith.addf %scan3A_573, %get3A_603 : vector<16xf32>
        %get3A_605 = arith.index_cast %add3A_580 : i32 to index
        %get3A_606 = arith.constant 80 : index
        %get3A_607 = tpu.vector_load %arg7[%get3A_605, %get3A_606] {strides = array<i32>} : memref<200x128xf32, #tpu.memory_space<vmem>>, vector<1x16xf32>,
        %get3A_608 = vector.shape_cast %get3A_607 : vector<1x16xf32> to vector<16xf32>
        %add3A_609 = arith.addf %scan3A_574, %get3A_608 : vector<16xf32>
        %get3A_610 = arith.index_cast %add3A_580 : i32 to index
        %get3A_611 = arith.constant 96 : index
        %get3A_612 = tpu.vector_load %arg7[%get3A_610, %get3A_611] {strides = array<i32>} : memref<200x128xf32, #tpu.memory_space<vmem>>, vector<1x16xf32>,
        %get3A_613 = vector.shape_cast %get3A_612 : vector<1x16xf32> to vector<16xf32>
        %add3A_614 = arith.addf %scan3A_575, %get3A_613 : vector<16xf32>
        %get3A_615 = arith.index_cast %add3A_580 : i32 to index
        %get3A_616 = arith.constant 112 : index
        %get3A_617 = tpu.vector_load %arg7[%get3A_615, %get3A_616] {strides = array<i32>} : memref<200x128xf32, #tpu.memory_space<vmem>>, vector<1x16xf32>,
        %get3A_618 = vector.shape_cast %get3A_617 : vector<1x16xf32> to vector<16xf32>
        %add3A_619 = arith.addf %scan3A_576, %get3A_618 : vector<16xf32>
        %mul3A_620 = arith.constant 10 : i32
        %mul3A_621 = arith.muli %scan3A_568, %mul3A_620 : i32
        %add3A_622 = arith.constant 1 : i32
        %add3A_623 = arith.addi %mul3A_621, %add3A_622 : i32
        %get3A_624 = arith.index_cast %add3A_623 : i32 to index
        %get3A_625 = arith.constant 0 : index
        %get3A_626 = tpu.vector_load %arg7[%get3A_624, %get3A_625] {strides = array<i32>} : memref<200x128xf32, #tpu.memory_space<vmem>>, vector<1x16xf32>,
        %get3A_627 = vector.shape_cast %get3A_626 : vector<1x16xf32> to vector<16xf32>
        %add3A_628 = arith.addf %add3A_584, %get3A_627 : vector<16xf32>
        %get3A_629 = arith.index_cast %add3A_623 : i32 to index
        %get3A_630 = arith.constant 16 : index
        %get3A_631 = tpu.vector_load %arg7[%get3A_629, %get3A_630] {strides = array<i32>} : memref<200x128xf32, #tpu.memory_space<vmem>>, vector<1x16xf32>,
        %get3A_632 = vector.shape_cast %get3A_631 : vector<1x16xf32> to vector<16xf32>
        %add3A_633 = arith.addf %add3A_589, %get3A_632 : vector<16xf32>
        %get3A_634 = arith.index_cast %add3A_623 : i32 to index
        %get3A_635 = arith.constant 32 : index
        %get3A_636 = tpu.vector_load %arg7[%get3A_634, %get3A_635] {strides = array<i32>} : memref<200x128xf32, #tpu.memory_space<vmem>>, vector<1x16xf32>,
        %get3A_637 = vector.shape_cast %get3A_636 : vector<1x16xf32> to vector<16xf32>
        %add3A_638 = arith.addf %add3A_594, %get3A_637 : vector<16xf32>
        %get3A_639 = arith.index_cast %add3A_623 : i32 to index
        %get3A_640 = arith.constant 48 : index
        %get3A_641 = tpu.vector_load %arg7[%get3A_639, %get3A_640] {strides = array<i32>} : memref<200x128xf32, #tpu.memory_space<vmem>>, vector<1x16xf32>,
        %get3A_642 = vector.shape_cast %get3A_641 : vector<1x16xf32> to vector<16xf32>
        %add3A_643 = arith.addf %add3A_599, %get3A_642 : vector<16xf32>
        %get3A_644 = arith.index_cast %add3A_623 : i32 to index
        %get3A_645 = arith.constant 64 : index
        %get3A_646 = tpu.vector_load %arg7[%get3A_644, %get3A_645] {strides = array<i32>} : memref<200x128xf32, #tpu.memory_space<vmem>>, vector<1x16xf32>,
        %get3A_647 = vector.shape_cast %get3A_646 : vector<1x16xf32> to vector<16xf32>
        %add3A_648 = arith.addf %add3A_604, %get3A_647 : vector<16xf32>
        %get3A_649 = arith.index_cast %add3A_623 : i32 to index
        %get3A_650 = arith.constant 80 : index
        %get3A_651 = tpu.vector_load %arg7[%get3A_649, %get3A_650] {strides = array<i32>} : memref<200x128xf32, #tpu.memory_space<vmem>>, vector<1x16xf32>,
        %get3A_652 = vector.shape_cast %get3A_651 : vector<1x16xf32> to vector<16xf32>
        %add3A_653 = arith.addf %add3A_609, %get3A_652 : vector<16xf32>
        %get3A_654 = arith.index_cast %add3A_623 : i32 to index
        %get3A_655 = arith.constant 96 : index
        %get3A_656 = tpu.vector_load %arg7[%get3A_654, %get3A_655] {strides = array<i32>} : memref<200x128xf32, #tpu.memory_space<vmem>>, vector<1x16xf32>,
        %get3A_657 = vector.shape_cast %get3A_656 : vector<1x16xf32> to vector<16xf32>
        %add3A_658 = arith.addf %add3A_614, %get3A_657 : vector<16xf32>
        %get3A_659 = arith.index_cast %add3A_623 : i32 to index
        %get3A_660 = arith.constant 112 : index
        %get3A_661 = tpu.vector_load %arg7[%get3A_659, %get3A_660] {strides = array<i32>} : memref<200x128xf32, #tpu.memory_space<vmem>>, vector<1x16xf32>,
        %get3A_662 = vector.shape_cast %get3A_661 : vector<1x16xf32> to vector<16xf32>
        %add3A_663 = arith.addf %add3A_619, %get3A_662 : vector<16xf32>
        %mul3A_664 = arith.constant 10 : i32
        %mul3A_665 = arith.muli %scan3A_568, %mul3A_664 : i32
        %add3A_666 = arith.constant 2 : i32
        %add3A_667 = arith.addi %mul3A_665, %add3A_666 : i32
        %get3A_668 = arith.index_cast %add3A_667 : i32 to index
        %get3A_669 = arith.constant 0 : index
        %get3A_670 = tpu.vector_load %arg7[%get3A_668, %get3A_669] {strides = array<i32>} : memref<200x128xf32, #tpu.memory_space<vmem>>, vector<1x16xf32>,
        %get3A_671 = vector.shape_cast %get3A_670 : vector<1x16xf32> to vector<16xf32>
        %add3A_672 = arith.addf %add3A_628, %get3A_671 : vector<16xf32>
        %get3A_673 = arith.index_cast %add3A_667 : i32 to index
        %get3A_674 = arith.constant 16 : index
        %get3A_675 = tpu.vector_load %arg7[%get3A_673, %get3A_674] {strides = array<i32>} : memref<200x128xf32, #tpu.memory_space<vmem>>, vector<1x16xf32>,
        %get3A_676 = vector.shape_cast %get3A_675 : vector<1x16xf32> to vector<16xf32>
        %add3A_677 = arith.addf %add3A_633, %get3A_676 : vector<16xf32>
        %get3A_678 = arith.index_cast %add3A_667 : i32 to index
        %get3A_679 = arith.constant 32 : index
        %get3A_680 = tpu.vector_load %arg7[%get3A_678, %get3A_679] {strides = array<i32>} : memref<200x128xf32, #tpu.memory_space<vmem>>, vector<1x16xf32>,
        %get3A_681 = vector.shape_cast %get3A_680 : vector<1x16xf32> to vector<16xf32>
        %add3A_682 = arith.addf %add3A_638, %get3A_681 : vector<16xf32>
        %get3A_683 = arith.index_cast %add3A_667 : i32 to index
        %get3A_684 = arith.constant 48 : index
        %get3A_685 = tpu.vector_load %arg7[%get3A_683, %get3A_684] {strides = array<i32>} : memref<200x128xf32, #tpu.memory_space<vmem>>, vector<1x16xf32>,
        %get3A_686 = vector.shape_cast %get3A_685 : vector<1x16xf32> to vector<16xf32>
        %add3A_687 = arith.addf %add3A_643, %get3A_686 : vector<16xf32>
        %get3A_688 = arith.index_cast %add3A_667 : i32 to index
        %get3A_689 = arith.constant 64 : index
        %get3A_690 = tpu.vector_load %arg7[%get3A_688, %get3A_689] {strides = array<i32>} : memref<200x128xf32, #tpu.memory_space<vmem>>, vector<1x16xf32>,
        %get3A_691 = vector.shape_cast %get3A_690 : vector<1x16xf32> to vector<16xf32>
        %add3A_692 = arith.addf %add3A_648, %get3A_691 : vector<16xf32>
        %get3A_693 = arith.index_cast %add3A_667 : i32 to index
        %get3A_694 = arith.constant 80 : index
        %get3A_695 = tpu.vector_load %arg7[%get3A_693, %get3A_694] {strides = array<i32>} : memref<200x128xf32, #tpu.memory_space<vmem>>, vector<1x16xf32>,
        %get3A_696 = vector.shape_cast %get3A_695 : vector<1x16xf32> to vector<16xf32>
        %add3A_697 = arith.addf %add3A_653, %get3A_696 : vector<16xf32>
        %get3A_698 = arith.index_cast %add3A_667 : i32 to index
        %get3A_699 = arith.constant 96 : index
        %get3A_700 = tpu.vector_load %arg7[%get3A_698, %get3A_699] {strides = array<i32>} : memref<200x128xf32, #tpu.memory_space<vmem>>, vector<1x16xf32>,
        %get3A_701 = vector.shape_cast %get3A_700 : vector<1x16xf32> to vector<16xf32>
        %add3A_702 = arith.addf %add3A_658, %get3A_701 : vector<16xf32>
        %get3A_703 = arith.index_cast %add3A_667 : i32 to index
        %get3A_704 = arith.constant 112 : index
        %get3A_705 = tpu.vector_load %arg7[%get3A_703, %get3A_704] {strides = array<i32>} : memref<200x128xf32, #tpu.memory_space<vmem>>, vector<1x16xf32>,
        %get3A_706 = vector.shape_cast %get3A_705 : vector<1x16xf32> to vector<16xf32>
        %add3A_707 = arith.addf %add3A_663, %get3A_706 : vector<16xf32>
        %mul3A_708 = arith.constant 10 : i32
        %mul3A_709 = arith.muli %scan3A_568, %mul3A_708 : i32
        %add3A_710 = arith.constant 3 : i32
        %add3A_711 = arith.addi %mul3A_709, %add3A_710 : i32
        %get3A_712 = arith.index_cast %add3A_711 : i32 to index
        %get3A_713 = arith.constant 0 : index
        %get3A_714 = tpu.vector_load %arg7[%get3A_712, %get3A_713] {strides = array<i32>} : memref<200x128xf32, #tpu.memory_space<vmem>>, vector<1x16xf32>,
        %get3A_715 = vector.shape_cast %get3A_714 : vector<1x16xf32> to vector<16xf32>
        %add3A_716 = arith.addf %add3A_672, %get3A_715 : vector<16xf32>
        %get3A_717 = arith.index_cast %add3A_711 : i32 to index
        %get3A_718 = arith.constant 16 : index
        %get3A_719 = tpu.vector_load %arg7[%get3A_717, %get3A_718] {strides = array<i32>} : memref<200x128xf32, #tpu.memory_space<vmem>>, vector<1x16xf32>,
        %get3A_720 = vector.shape_cast %get3A_719 : vector<1x16xf32> to vector<16xf32>
        %add3A_721 = arith.addf %add3A_677, %get3A_720 : vector<16xf32>
        %get3A_722 = arith.index_cast %add3A_711 : i32 to index
        %get3A_723 = arith.constant 32 : index
        %get3A_724 = tpu.vector_load %arg7[%get3A_722, %get3A_723] {strides = array<i32>} : memref<200x128xf32, #tpu.memory_space<vmem>>, vector<1x16xf32>,
        %get3A_725 = vector.shape_cast %get3A_724 : vector<1x16xf32> to vector<16xf32>
        %add3A_726 = arith.addf %add3A_682, %get3A_725 : vector<16xf32>
        %get3A_727 = arith.index_cast %add3A_711 : i32 to index
        %get3A_728 = arith.constant 48 : index
        %get3A_729 = tpu.vector_load %arg7[%get3A_727, %get3A_728] {strides = array<i32>} : memref<200x128xf32, #tpu.memory_space<vmem>>, vector<1x16xf32>,
        %get3A_730 = vector.shape_cast %get3A_729 : vector<1x16xf32> to vector<16xf32>
        %add3A_731 = arith.addf %add3A_687, %get3A_730 : vector<16xf32>
        %get3A_732 = arith.index_cast %add3A_711 : i32 to index
        %get3A_733 = arith.constant 64 : index
        %get3A_734 = tpu.vector_load %arg7[%get3A_732, %get3A_733] {strides = array<i32>} : memref<200x128xf32, #tpu.memory_space<vmem>>, vector<1x16xf32>,
        %get3A_735 = vector.shape_cast %get3A_734 : vector<1x16xf32> to vector<16xf32>
        %add3A_736 = arith.addf %add3A_692, %get3A_735 : vector<16xf32>
        %get3A_737 = arith.index_cast %add3A_711 : i32 to index
        %get3A_738 = arith.constant 80 : index
        %get3A_739 = tpu.vector_load %arg7[%get3A_737, %get3A_738] {strides = array<i32>} : memref<200x128xf32, #tpu.memory_space<vmem>>, vector<1x16xf32>,
        %get3A_740 = vector.shape_cast %get3A_739 : vector<1x16xf32> to vector<16xf32>
        %add3A_741 = arith.addf %add3A_697, %get3A_740 : vector<16xf32>
        %get3A_742 = arith.index_cast %add3A_711 : i32 to index
        %get3A_743 = arith.constant 96 : index
        %get3A_744 = tpu.vector_load %arg7[%get3A_742, %get3A_743] {strides = array<i32>} : memref<200x128xf32, #tpu.memory_space<vmem>>, vector<1x16xf32>,
        %get3A_745 = vector.shape_cast %get3A_744 : vector<1x16xf32> to vector<16xf32>
        %add3A_746 = arith.addf %add3A_702, %get3A_745 : vector<16xf32>
        %get3A_747 = arith.index_cast %add3A_711 : i32 to index
        %get3A_748 = arith.constant 112 : index
        %get3A_749 = tpu.vector_load %arg7[%get3A_747, %get3A_748] {strides = array<i32>} : memref<200x128xf32, #tpu.memory_space<vmem>>, vector<1x16xf32>,
        %get3A_750 = vector.shape_cast %get3A_749 : vector<1x16xf32> to vector<16xf32>
        %add3A_751 = arith.addf %add3A_707, %get3A_750 : vector<16xf32>
        %mul3A_752 = arith.constant 10 : i32
        %mul3A_753 = arith.muli %scan3A_568, %mul3A_752 : i32
        %add3A_754 = arith.constant 4 : i32
        %add3A_755 = arith.addi %mul3A_753, %add3A_754 : i32
        %get3A_756 = arith.index_cast %add3A_755 : i32 to index
        %get3A_757 = arith.constant 0 : index
        %get3A_758 = tpu.vector_load %arg7[%get3A_756, %get3A_757] {strides = array<i32>} : memref<200x128xf32, #tpu.memory_space<vmem>>, vector<1x16xf32>,
        %get3A_759 = vector.shape_cast %get3A_758 : vector<1x16xf32> to vector<16xf32>
        %add3A_760 = arith.addf %add3A_716, %get3A_759 : vector<16xf32>
        %get3A_761 = arith.index_cast %add3A_755 : i32 to index
        %get3A_762 = arith.constant 16 : index
        %get3A_763 = tpu.vector_load %arg7[%get3A_761, %get3A_762] {strides = array<i32>} : memref<200x128xf32, #tpu.memory_space<vmem>>, vector<1x16xf32>,
        %get3A_764 = vector.shape_cast %get3A_763 : vector<1x16xf32> to vector<16xf32>
        %add3A_765 = arith.addf %add3A_721, %get3A_764 : vector<16xf32>
        %get3A_766 = arith.index_cast %add3A_755 : i32 to index
        %get3A_767 = arith.constant 32 : index
        %get3A_768 = tpu.vector_load %arg7[%get3A_766, %get3A_767] {strides = array<i32>} : memref<200x128xf32, #tpu.memory_space<vmem>>, vector<1x16xf32>,
        %get3A_769 = vector.shape_cast %get3A_768 : vector<1x16xf32> to vector<16xf32>
        %add3A_770 = arith.addf %add3A_726, %get3A_769 : vector<16xf32>
        %get3A_771 = arith.index_cast %add3A_755 : i32 to index
        %get3A_772 = arith.constant 48 : index
        %get3A_773 = tpu.vector_load %arg7[%get3A_771, %get3A_772] {strides = array<i32>} : memref<200x128xf32, #tpu.memory_space<vmem>>, vector<1x16xf32>,
        %get3A_774 = vector.shape_cast %get3A_773 : vector<1x16xf32> to vector<16xf32>
        %add3A_775 = arith.addf %add3A_731, %get3A_774 : vector<16xf32>
        %get3A_776 = arith.index_cast %add3A_755 : i32 to index
        %get3A_777 = arith.constant 64 : index
        %get3A_778 = tpu.vector_load %arg7[%get3A_776, %get3A_777] {strides = array<i32>} : memref<200x128xf32, #tpu.memory_space<vmem>>, vector<1x16xf32>,
        %get3A_779 = vector.shape_cast %get3A_778 : vector<1x16xf32> to vector<16xf32>
        %add3A_780 = arith.addf %add3A_736, %get3A_779 : vector<16xf32>
        %get3A_781 = arith.index_cast %add3A_755 : i32 to index
        %get3A_782 = arith.constant 80 : index
        %get3A_783 = tpu.vector_load %arg7[%get3A_781, %get3A_782] {strides = array<i32>} : memref<200x128xf32, #tpu.memory_space<vmem>>, vector<1x16xf32>,
        %get3A_784 = vector.shape_cast %get3A_783 : vector<1x16xf32> to vector<16xf32>
        %add3A_785 = arith.addf %add3A_741, %get3A_784 : vector<16xf32>
        %get3A_786 = arith.index_cast %add3A_755 : i32 to index
        %get3A_787 = arith.constant 96 : index
        %get3A_788 = tpu.vector_load %arg7[%get3A_786, %get3A_787] {strides = array<i32>} : memref<200x128xf32, #tpu.memory_space<vmem>>, vector<1x16xf32>,
        %get3A_789 = vector.shape_cast %get3A_788 : vector<1x16xf32> to vector<16xf32>
        %add3A_790 = arith.addf %add3A_746, %get3A_789 : vector<16xf32>
        %get3A_791 = arith.index_cast %add3A_755 : i32 to index
        %get3A_792 = arith.constant 112 : index
        %get3A_793 = tpu.vector_load %arg7[%get3A_791, %get3A_792] {strides = array<i32>} : memref<200x128xf32, #tpu.memory_space<vmem>>, vector<1x16xf32>,
        %get3A_794 = vector.shape_cast %get3A_793 : vector<1x16xf32> to vector<16xf32>
        %add3A_795 = arith.addf %add3A_751, %get3A_794 : vector<16xf32>
        %mul3A_796 = arith.constant 10 : i32
        %mul3A_797 = arith.muli %scan3A_568, %mul3A_796 : i32
        %add3A_798 = arith.constant 5 : i32
        %add3A_799 = arith.addi %mul3A_797, %add3A_798 : i32
        %get3A_800 = arith.index_cast %add3A_799 : i32 to index
        %get3A_801 = arith.constant 0 : index
        %get3A_802 = tpu.vector_load %arg7[%get3A_800, %get3A_801] {strides = array<i32>} : memref<200x128xf32, #tpu.memory_space<vmem>>, vector<1x16xf32>,
        %get3A_803 = vector.shape_cast %get3A_802 : vector<1x16xf32> to vector<16xf32>
        %add3A_804 = arith.addf %add3A_760, %get3A_803 : vector<16xf32>
        %get3A_805 = arith.index_cast %add3A_799 : i32 to index
        %get3A_806 = arith.constant 16 : index
        %get3A_807 = tpu.vector_load %arg7[%get3A_805, %get3A_806] {strides = array<i32>} : memref<200x128xf32, #tpu.memory_space<vmem>>, vector<1x16xf32>,
        %get3A_808 = vector.shape_cast %get3A_807 : vector<1x16xf32> to vector<16xf32>
        %add3A_809 = arith.addf %add3A_765, %get3A_808 : vector<16xf32>
        %get3A_810 = arith.index_cast %add3A_799 : i32 to index
        %get3A_811 = arith.constant 32 : index
        %get3A_812 = tpu.vector_load %arg7[%get3A_810, %get3A_811] {strides = array<i32>} : memref<200x128xf32, #tpu.memory_space<vmem>>, vector<1x16xf32>,
        %get3A_813 = vector.shape_cast %get3A_812 : vector<1x16xf32> to vector<16xf32>
        %add3A_814 = arith.addf %add3A_770, %get3A_813 : vector<16xf32>
        %get3A_815 = arith.index_cast %add3A_799 : i32 to index
        %get3A_816 = arith.constant 48 : index
        %get3A_817 = tpu.vector_load %arg7[%get3A_815, %get3A_816] {strides = array<i32>} : memref<200x128xf32, #tpu.memory_space<vmem>>, vector<1x16xf32>,
        %get3A_818 = vector.shape_cast %get3A_817 : vector<1x16xf32> to vector<16xf32>
        %add3A_819 = arith.addf %add3A_775, %get3A_818 : vector<16xf32>
        %get3A_820 = arith.index_cast %add3A_799 : i32 to index
        %get3A_821 = arith.constant 64 : index
        %get3A_822 = tpu.vector_load %arg7[%get3A_820, %get3A_821] {strides = array<i32>} : memref<200x128xf32, #tpu.memory_space<vmem>>, vector<1x16xf32>,
        %get3A_823 = vector.shape_cast %get3A_822 : vector<1x16xf32> to vector<16xf32>
        %add3A_824 = arith.addf %add3A_780, %get3A_823 : vector<16xf32>
        %get3A_825 = arith.index_cast %add3A_799 : i32 to index
        %get3A_826 = arith.constant 80 : index
        %get3A_827 = tpu.vector_load %arg7[%get3A_825, %get3A_826] {strides = array<i32>} : memref<200x128xf32, #tpu.memory_space<vmem>>, vector<1x16xf32>,
        %get3A_828 = vector.shape_cast %get3A_827 : vector<1x16xf32> to vector<16xf32>
        %add3A_829 = arith.addf %add3A_785, %get3A_828 : vector<16xf32>
        %get3A_830 = arith.index_cast %add3A_799 : i32 to index
        %get3A_831 = arith.constant 96 : index
        %get3A_832 = tpu.vector_load %arg7[%get3A_830, %get3A_831] {strides = array<i32>} : memref<200x128xf32, #tpu.memory_space<vmem>>, vector<1x16xf32>,
        %get3A_833 = vector.shape_cast %get3A_832 : vector<1x16xf32> to vector<16xf32>
        %add3A_834 = arith.addf %add3A_790, %get3A_833 : vector<16xf32>
        %get3A_835 = arith.index_cast %add3A_799 : i32 to index
        %get3A_836 = arith.constant 112 : index
        %get3A_837 = tpu.vector_load %arg7[%get3A_835, %get3A_836] {strides = array<i32>} : memref<200x128xf32, #tpu.memory_space<vmem>>, vector<1x16xf32>,
        %get3A_838 = vector.shape_cast %get3A_837 : vector<1x16xf32> to vector<16xf32>
        %add3A_839 = arith.addf %add3A_795, %get3A_838 : vector<16xf32>
        %mul3A_840 = arith.constant 10 : i32
        %mul3A_841 = arith.muli %scan3A_568, %mul3A_840 : i32
        %add3A_842 = arith.constant 6 : i32
        %add3A_843 = arith.addi %mul3A_841, %add3A_842 : i32
        %get3A_844 = arith.index_cast %add3A_843 : i32 to index
        %get3A_845 = arith.constant 0 : index
        %get3A_846 = tpu.vector_load %arg7[%get3A_844, %get3A_845] {strides = array<i32>} : memref<200x128xf32, #tpu.memory_space<vmem>>, vector<1x16xf32>,
        %get3A_847 = vector.shape_cast %get3A_846 : vector<1x16xf32> to vector<16xf32>
        %add3A_848 = arith.addf %add3A_804, %get3A_847 : vector<16xf32>
        %get3A_849 = arith.index_cast %add3A_843 : i32 to index
        %get3A_850 = arith.constant 16 : index
        %get3A_851 = tpu.vector_load %arg7[%get3A_849, %get3A_850] {strides = array<i32>} : memref<200x128xf32, #tpu.memory_space<vmem>>, vector<1x16xf32>,
        %get3A_852 = vector.shape_cast %get3A_851 : vector<1x16xf32> to vector<16xf32>
        %add3A_853 = arith.addf %add3A_809, %get3A_852 : vector<16xf32>
        %get3A_854 = arith.index_cast %add3A_843 : i32 to index
        %get3A_855 = arith.constant 32 : index
        %get3A_856 = tpu.vector_load %arg7[%get3A_854, %get3A_855] {strides = array<i32>} : memref<200x128xf32, #tpu.memory_space<vmem>>, vector<1x16xf32>,
        %get3A_857 = vector.shape_cast %get3A_856 : vector<1x16xf32> to vector<16xf32>
        %add3A_858 = arith.addf %add3A_814, %get3A_857 : vector<16xf32>
        %get3A_859 = arith.index_cast %add3A_843 : i32 to index
        %get3A_860 = arith.constant 48 : index
        %get3A_861 = tpu.vector_load %arg7[%get3A_859, %get3A_860] {strides = array<i32>} : memref<200x128xf32, #tpu.memory_space<vmem>>, vector<1x16xf32>,
        %get3A_862 = vector.shape_cast %get3A_861 : vector<1x16xf32> to vector<16xf32>
        %add3A_863 = arith.addf %add3A_819, %get3A_862 : vector<16xf32>
        %get3A_864 = arith.index_cast %add3A_843 : i32 to index
        %get3A_865 = arith.constant 64 : index
        %get3A_866 = tpu.vector_load %arg7[%get3A_864, %get3A_865] {strides = array<i32>} : memref<200x128xf32, #tpu.memory_space<vmem>>, vector<1x16xf32>,
        %get3A_867 = vector.shape_cast %get3A_866 : vector<1x16xf32> to vector<16xf32>
        %add3A_868 = arith.addf %add3A_824, %get3A_867 : vector<16xf32>
        %get3A_869 = arith.index_cast %add3A_843 : i32 to index
        %get3A_870 = arith.constant 80 : index
        %get3A_871 = tpu.vector_load %arg7[%get3A_869, %get3A_870] {strides = array<i32>} : memref<200x128xf32, #tpu.memory_space<vmem>>, vector<1x16xf32>,
        %get3A_872 = vector.shape_cast %get3A_871 : vector<1x16xf32> to vector<16xf32>
        %add3A_873 = arith.addf %add3A_829, %get3A_872 : vector<16xf32>
        %get3A_874 = arith.index_cast %add3A_843 : i32 to index
        %get3A_875 = arith.constant 96 : index
        %get3A_876 = tpu.vector_load %arg7[%get3A_874, %get3A_875] {strides = array<i32>} : memref<200x128xf32, #tpu.memory_space<vmem>>, vector<1x16xf32>,
        %get3A_877 = vector.shape_cast %get3A_876 : vector<1x16xf32> to vector<16xf32>
        %add3A_878 = arith.addf %add3A_834, %get3A_877 : vector<16xf32>
        %get3A_879 = arith.index_cast %add3A_843 : i32 to index
        %get3A_880 = arith.constant 112 : index
        %get3A_881 = tpu.vector_load %arg7[%get3A_879, %get3A_880] {strides = array<i32>} : memref<200x128xf32, #tpu.memory_space<vmem>>, vector<1x16xf32>,
        %get3A_882 = vector.shape_cast %get3A_881 : vector<1x16xf32> to vector<16xf32>
        %add3A_883 = arith.addf %add3A_839, %get3A_882 : vector<16xf32>
        %mul3A_884 = arith.constant 10 : i32
        %mul3A_885 = arith.muli %scan3A_568, %mul3A_884 : i32
        %add3A_886 = arith.constant 7 : i32
        %add3A_887 = arith.addi %mul3A_885, %add3A_886 : i32
        %get3A_888 = arith.index_cast %add3A_887 : i32 to index
        %get3A_889 = arith.constant 0 : index
        %get3A_890 = tpu.vector_load %arg7[%get3A_888, %get3A_889] {strides = array<i32>} : memref<200x128xf32, #tpu.memory_space<vmem>>, vector<1x16xf32>,
        %get3A_891 = vector.shape_cast %get3A_890 : vector<1x16xf32> to vector<16xf32>
        %add3A_892 = arith.addf %add3A_848, %get3A_891 : vector<16xf32>
        %get3A_893 = arith.index_cast %add3A_887 : i32 to index
        %get3A_894 = arith.constant 16 : index
        %get3A_895 = tpu.vector_load %arg7[%get3A_893, %get3A_894] {strides = array<i32>} : memref<200x128xf32, #tpu.memory_space<vmem>>, vector<1x16xf32>,
        %get3A_896 = vector.shape_cast %get3A_895 : vector<1x16xf32> to vector<16xf32>
        %add3A_897 = arith.addf %add3A_853, %get3A_896 : vector<16xf32>
        %get3A_898 = arith.index_cast %add3A_887 : i32 to index
        %get3A_899 = arith.constant 32 : index
        %get3A_900 = tpu.vector_load %arg7[%get3A_898, %get3A_899] {strides = array<i32>} : memref<200x128xf32, #tpu.memory_space<vmem>>, vector<1x16xf32>,
        %get3A_901 = vector.shape_cast %get3A_900 : vector<1x16xf32> to vector<16xf32>
        %add3A_902 = arith.addf %add3A_858, %get3A_901 : vector<16xf32>
        %get3A_903 = arith.index_cast %add3A_887 : i32 to index
        %get3A_904 = arith.constant 48 : index
        %get3A_905 = tpu.vector_load %arg7[%get3A_903, %get3A_904] {strides = array<i32>} : memref<200x128xf32, #tpu.memory_space<vmem>>, vector<1x16xf32>,
        %get3A_906 = vector.shape_cast %get3A_905 : vector<1x16xf32> to vector<16xf32>
        %add3A_907 = arith.addf %add3A_863, %get3A_906 : vector<16xf32>
        %get3A_908 = arith.index_cast %add3A_887 : i32 to index
        %get3A_909 = arith.constant 64 : index
        %get3A_910 = tpu.vector_load %arg7[%get3A_908, %get3A_909] {strides = array<i32>} : memref<200x128xf32, #tpu.memory_space<vmem>>, vector<1x16xf32>,
        %get3A_911 = vector.shape_cast %get3A_910 : vector<1x16xf32> to vector<16xf32>
        %add3A_912 = arith.addf %add3A_868, %get3A_911 : vector<16xf32>
        %get3A_913 = arith.index_cast %add3A_887 : i32 to index
        %get3A_914 = arith.constant 80 : index
        %get3A_915 = tpu.vector_load %arg7[%get3A_913, %get3A_914] {strides = array<i32>} : memref<200x128xf32, #tpu.memory_space<vmem>>, vector<1x16xf32>,
        %get3A_916 = vector.shape_cast %get3A_915 : vector<1x16xf32> to vector<16xf32>
        %add3A_917 = arith.addf %add3A_873, %get3A_916 : vector<16xf32>
        %get3A_918 = arith.index_cast %add3A_887 : i32 to index
        %get3A_919 = arith.constant 96 : index
        %get3A_920 = tpu.vector_load %arg7[%get3A_918, %get3A_919] {strides = array<i32>} : memref<200x128xf32, #tpu.memory_space<vmem>>, vector<1x16xf32>,
        %get3A_921 = vector.shape_cast %get3A_920 : vector<1x16xf32> to vector<16xf32>
        %add3A_922 = arith.addf %add3A_878, %get3A_921 : vector<16xf32>
        %get3A_923 = arith.index_cast %add3A_887 : i32 to index
        %get3A_924 = arith.constant 112 : index
        %get3A_925 = tpu.vector_load %arg7[%get3A_923, %get3A_924] {strides = array<i32>} : memref<200x128xf32, #tpu.memory_space<vmem>>, vector<1x16xf32>,
        %get3A_926 = vector.shape_cast %get3A_925 : vector<1x16xf32> to vector<16xf32>
        %add3A_927 = arith.addf %add3A_883, %get3A_926 : vector<16xf32>
        %mul3A_928 = arith.constant 10 : i32
        %mul3A_929 = arith.muli %scan3A_568, %mul3A_928 : i32
        %add3A_930 = arith.constant 8 : i32
        %add3A_931 = arith.addi %mul3A_929, %add3A_930 : i32
        %get3A_932 = arith.index_cast %add3A_931 : i32 to index
        %get3A_933 = arith.constant 0 : index
        %get3A_934 = tpu.vector_load %arg7[%get3A_932, %get3A_933] {strides = array<i32>} : memref<200x128xf32, #tpu.memory_space<vmem>>, vector<1x16xf32>,
        %get3A_935 = vector.shape_cast %get3A_934 : vector<1x16xf32> to vector<16xf32>
        %add3A_936 = arith.addf %add3A_892, %get3A_935 : vector<16xf32>
        %get3A_937 = arith.index_cast %add3A_931 : i32 to index
        %get3A_938 = arith.constant 16 : index
        %get3A_939 = tpu.vector_load %arg7[%get3A_937, %get3A_938] {strides = array<i32>} : memref<200x128xf32, #tpu.memory_space<vmem>>, vector<1x16xf32>,
        %get3A_940 = vector.shape_cast %get3A_939 : vector<1x16xf32> to vector<16xf32>
        %add3A_941 = arith.addf %add3A_897, %get3A_940 : vector<16xf32>
        %get3A_942 = arith.index_cast %add3A_931 : i32 to index
        %get3A_943 = arith.constant 32 : index
        %get3A_944 = tpu.vector_load %arg7[%get3A_942, %get3A_943] {strides = array<i32>} : memref<200x128xf32, #tpu.memory_space<vmem>>, vector<1x16xf32>,
        %get3A_945 = vector.shape_cast %get3A_944 : vector<1x16xf32> to vector<16xf32>
        %add3A_946 = arith.addf %add3A_902, %get3A_945 : vector<16xf32>
        %get3A_947 = arith.index_cast %add3A_931 : i32 to index
        %get3A_948 = arith.constant 48 : index
        %get3A_949 = tpu.vector_load %arg7[%get3A_947, %get3A_948] {strides = array<i32>} : memref<200x128xf32, #tpu.memory_space<vmem>>, vector<1x16xf32>,
        %get3A_950 = vector.shape_cast %get3A_949 : vector<1x16xf32> to vector<16xf32>
        %add3A_951 = arith.addf %add3A_907, %get3A_950 : vector<16xf32>
        %get3A_952 = arith.index_cast %add3A_931 : i32 to index
        %get3A_953 = arith.constant 64 : index
        %get3A_954 = tpu.vector_load %arg7[%get3A_952, %get3A_953] {strides = array<i32>} : memref<200x128xf32, #tpu.memory_space<vmem>>, vector<1x16xf32>,
        %get3A_955 = vector.shape_cast %get3A_954 : vector<1x16xf32> to vector<16xf32>
        %add3A_956 = arith.addf %add3A_912, %get3A_955 : vector<16xf32>
        %get3A_957 = arith.index_cast %add3A_931 : i32 to index
        %get3A_958 = arith.constant 80 : index
        %get3A_959 = tpu.vector_load %arg7[%get3A_957, %get3A_958] {strides = array<i32>} : memref<200x128xf32, #tpu.memory_space<vmem>>, vector<1x16xf32>,
        %get3A_960 = vector.shape_cast %get3A_959 : vector<1x16xf32> to vector<16xf32>
        %add3A_961 = arith.addf %add3A_917, %get3A_960 : vector<16xf32>
        %get3A_962 = arith.index_cast %add3A_931 : i32 to index
        %get3A_963 = arith.constant 96 : index
        %get3A_964 = tpu.vector_load %arg7[%get3A_962, %get3A_963] {strides = array<i32>} : memref<200x128xf32, #tpu.memory_space<vmem>>, vector<1x16xf32>,
        %get3A_965 = vector.shape_cast %get3A_964 : vector<1x16xf32> to vector<16xf32>
        %add3A_966 = arith.addf %add3A_922, %get3A_965 : vector<16xf32>
        %get3A_967 = arith.index_cast %add3A_931 : i32 to index
        %get3A_968 = arith.constant 112 : index
        %get3A_969 = tpu.vector_load %arg7[%get3A_967, %get3A_968] {strides = array<i32>} : memref<200x128xf32, #tpu.memory_space<vmem>>, vector<1x16xf32>,
        %get3A_970 = vector.shape_cast %get3A_969 : vector<1x16xf32> to vector<16xf32>
        %add3A_971 = arith.addf %add3A_927, %get3A_970 : vector<16xf32>
        %mul3A_972 = arith.constant 10 : i32
        %mul3A_973 = arith.muli %scan3A_568, %mul3A_972 : i32
        %add3A_974 = arith.constant 9 : i32
        %add3A_975 = arith.addi %mul3A_973, %add3A_974 : i32
        %get3A_976 = arith.index_cast %add3A_975 : i32 to index
        %get3A_977 = arith.constant 0 : index
        %get3A_978 = tpu.vector_load %arg7[%get3A_976, %get3A_977] {strides = array<i32>} : memref<200x128xf32, #tpu.memory_space<vmem>>, vector<1x16xf32>,
        %get3A_979 = vector.shape_cast %get3A_978 : vector<1x16xf32> to vector<16xf32>
        %add3A_980 = arith.addf %add3A_936, %get3A_979 : vector<16xf32>
        %get3A_981 = arith.index_cast %add3A_975 : i32 to index
        %get3A_982 = arith.constant 16 : index
        %get3A_983 = tpu.vector_load %arg7[%get3A_981, %get3A_982] {strides = array<i32>} : memref<200x128xf32, #tpu.memory_space<vmem>>, vector<1x16xf32>,
        %get3A_984 = vector.shape_cast %get3A_983 : vector<1x16xf32> to vector<16xf32>
        %add3A_985 = arith.addf %add3A_941, %get3A_984 : vector<16xf32>
        %get3A_986 = arith.index_cast %add3A_975 : i32 to index
        %get3A_987 = arith.constant 32 : index
        %get3A_988 = tpu.vector_load %arg7[%get3A_986, %get3A_987] {strides = array<i32>} : memref<200x128xf32, #tpu.memory_space<vmem>>, vector<1x16xf32>,
        %get3A_989 = vector.shape_cast %get3A_988 : vector<1x16xf32> to vector<16xf32>
        %add3A_990 = arith.addf %add3A_946, %get3A_989 : vector<16xf32>
        %get3A_991 = arith.index_cast %add3A_975 : i32 to index
        %get3A_992 = arith.constant 48 : index
        %get3A_993 = tpu.vector_load %arg7[%get3A_991, %get3A_992] {strides = array<i32>} : memref<200x128xf32, #tpu.memory_space<vmem>>, vector<1x16xf32>,
        %get3A_994 = vector.shape_cast %get3A_993 : vector<1x16xf32> to vector<16xf32>
        %add3A_995 = arith.addf %add3A_951, %get3A_994 : vector<16xf32>
        %get3A_996 = arith.index_cast %add3A_975 : i32 to index
        %get3A_997 = arith.constant 64 : index
        %get3A_998 = tpu.vector_load %arg7[%get3A_996, %get3A_997] {strides = array<i32>} : memref<200x128xf32, #tpu.memory_space<vmem>>, vector<1x16xf32>,
        %get3A_999 = vector.shape_cast %get3A_998 : vector<1x16xf32> to vector<16xf32>
        %add3A_1000 = arith.addf %add3A_956, %get3A_999 : vector<16xf32>
        %get3A_1001 = arith.index_cast %add3A_975 : i32 to index
        %get3A_1002 = arith.constant 80 : index
        %get3A_1003 = tpu.vector_load %arg7[%get3A_1001, %get3A_1002] {strides = array<i32>} : memref<200x128xf32, #tpu.memory_space<vmem>>, vector<1x16xf32>,
        %get3A_1004 = vector.shape_cast %get3A_1003 : vector<1x16xf32> to vector<16xf32>
        %add3A_1005 = arith.addf %add3A_961, %get3A_1004 : vector<16xf32>
        %get3A_1006 = arith.index_cast %add3A_975 : i32 to index
        %get3A_1007 = arith.constant 96 : index
        %get3A_1008 = tpu.vector_load %arg7[%get3A_1006, %get3A_1007] {strides = array<i32>} : memref<200x128xf32, #tpu.memory_space<vmem>>, vector<1x16xf32>,
        %get3A_1009 = vector.shape_cast %get3A_1008 : vector<1x16xf32> to vector<16xf32>
        %add3A_1010 = arith.addf %add3A_966, %get3A_1009 : vector<16xf32>
        %get3A_1011 = arith.index_cast %add3A_975 : i32 to index
        %get3A_1012 = arith.constant 112 : index
        %get3A_1013 = tpu.vector_load %arg7[%get3A_1011, %get3A_1012] {strides = array<i32>} : memref<200x128xf32, #tpu.memory_space<vmem>>, vector<1x16xf32>,
        %get3A_1014 = vector.shape_cast %get3A_1013 : vector<1x16xf32> to vector<16xf32>
        %add3A_1015 = arith.addf %add3A_971, %get3A_1014 : vector<16xf32>
        scf.yield %add3A_980, %add3A_985, %add3A_990, %add3A_995, %add3A_1000, %add3A_1005, %add3A_1010, %add3A_1015 : vector<16xf32>, vector<16xf32>, vector<16xf32>, vector<16xf32>, vector<16xf32>, vector<16xf32>, vector<16xf32>, vector<16xf32>
      }
      %scan3A_411 = arith.constant 20 : i32
      %swap3A_412 = arith.index_cast %add3A_337 : i32 to index
      %swap3A_413 = arith.constant 0 : index
      %swap3A_414 = tpu.vector_load %arg9[%swap3A_412, %swap3A_413] {strides = array<i32>} : memref<128x128xf32, #tpu.memory_space<vmem>>, vector<1x16xf32>,
      %swap3A_415 = vector.shape_cast %swap3A_414 : vector<1x16xf32> to vector<16xf32>
      %swap3A_416 = vector.shape_cast %scan3A_410#0 : vector<16xf32> to vector<1x16xf32>
      tpu.vector_store %arg9[%swap3A_412, %swap3A_413], %swap3A_416 {strides = array<i32>} : memref<128x128xf32, #tpu.memory_space<vmem>>, vector<1x16xf32>,
      %swap3A_417 = arith.index_cast %add3A_337 : i32 to index
      %swap3A_418 = arith.constant 16 : index
      %swap3A_419 = tpu.vector_load %arg9[%swap3A_417, %swap3A_418] {strides = array<i32>} : memref<128x128xf32, #tpu.memory_space<vmem>>, vector<1x16xf32>,
      %swap3A_420 = vector.shape_cast %swap3A_419 : vector<1x16xf32> to vector<16xf32>
      %swap3A_421 = vector.shape_cast %scan3A_410#1 : vector<16xf32> to vector<1x16xf32>
      tpu.vector_store %arg9[%swap3A_417, %swap3A_418], %swap3A_421 {strides = array<i32>} : memref<128x128xf32, #tpu.memory_space<vmem>>, vector<1x16xf32>,
      %swap3A_422 = arith.index_cast %add3A_337 : i32 to index
      %swap3A_423 = arith.constant 32 : index
      %swap3A_424 = tpu.vector_load %arg9[%swap3A_422, %swap3A_423] {strides = array<i32>} : memref<128x128xf32, #tpu.memory_space<vmem>>, vector<1x16xf32>,
      %swap3A_425 = vector.shape_cast %swap3A_424 : vector<1x16xf32> to vector<16xf32>
      %swap3A_426 = vector.shape_cast %scan3A_410#2 : vector<16xf32> to vector<1x16xf32>
      tpu.vector_store %arg9[%swap3A_422, %swap3A_423], %swap3A_426 {strides = array<i32>} : memref<128x128xf32, #tpu.memory_space<vmem>>, vector<1x16xf32>,
      %swap3A_427 = arith.index_cast %add3A_337 : i32 to index
      %swap3A_428 = arith.constant 48 : index
      %swap3A_429 = tpu.vector_load %arg9[%swap3A_427, %swap3A_428] {strides = array<i32>} : memref<128x128xf32, #tpu.memory_space<vmem>>, vector<1x16xf32>,
      %swap3A_430 = vector.shape_cast %swap3A_429 : vector<1x16xf32> to vector<16xf32>
      %swap3A_431 = vector.shape_cast %scan3A_410#3 : vector<16xf32> to vector<1x16xf32>
      tpu.vector_store %arg9[%swap3A_427, %swap3A_428], %swap3A_431 {strides = array<i32>} : memref<128x128xf32, #tpu.memory_space<vmem>>, vector<1x16xf32>,
      %swap3A_432 = arith.index_cast %add3A_337 : i32 to index
      %swap3A_433 = arith.constant 64 : index
      %swap3A_434 = tpu.vector_load %arg9[%swap3A_432, %swap3A_433] {strides = array<i32>} : memref<128x128xf32, #tpu.memory_space<vmem>>, vector<1x16xf32>,
      %swap3A_435 = vector.shape_cast %swap3A_434 : vector<1x16xf32> to vector<16xf32>
      %swap3A_436 = vector.shape_cast %scan3A_410#4 : vector<16xf32> to vector<1x16xf32>
      tpu.vector_store %arg9[%swap3A_432, %swap3A_433], %swap3A_436 {strides = array<i32>} : memref<128x128xf32, #tpu.memory_space<vmem>>, vector<1x16xf32>,
      %swap3A_437 = arith.index_cast %add3A_337 : i32 to index
      %swap3A_438 = arith.constant 80 : index
      %swap3A_439 = tpu.vector_load %arg9[%swap3A_437, %swap3A_438] {strides = array<i32>} : memref<128x128xf32, #tpu.memory_space<vmem>>, vector<1x16xf32>,
      %swap3A_440 = vector.shape_cast %swap3A_439 : vector<1x16xf32> to vector<16xf32>
      %swap3A_441 = vector.shape_cast %scan3A_410#5 : vector<16xf32> to vector<1x16xf32>
      tpu.vector_store %arg9[%swap3A_437, %swap3A_438], %swap3A_441 {strides = array<i32>} : memref<128x128xf32, #tpu.memory_space<vmem>>, vector<1x16xf32>,
      %swap3A_442 = arith.index_cast %add3A_337 : i32 to index
      %swap3A_443 = arith.constant 96 : index
      %swap3A_444 = tpu.vector_load %arg9[%swap3A_442, %swap3A_443] {strides = array<i32>} : memref<128x128xf32, #tpu.memory_space<vmem>>, vector<1x16xf32>,
      %swap3A_445 = vector.shape_cast %swap3A_444 : vector<1x16xf32> to vector<16xf32>
      %swap3A_446 = vector.shape_cast %scan3A_410#6 : vector<16xf32> to vector<1x16xf32>
      tpu.vector_store %arg9[%swap3A_442, %swap3A_443], %swap3A_446 {strides = array<i32>} : memref<128x128xf32, #tpu.memory_space<vmem>>, vector<1x16xf32>,
      %swap3A_447 = arith.index_cast %add3A_337 : i32 to index
      %swap3A_448 = arith.constant 112 : index
      %swap3A_449 = tpu.vector_load %arg9[%swap3A_447, %swap3A_448] {strides = array<i32>} : memref<128x128xf32, #tpu.memory_space<vmem>>, vector<1x16xf32>,
      %swap3A_450 = vector.shape_cast %swap3A_449 : vector<1x16xf32> to vector<16xf32>
      %swap3A_451 = vector.shape_cast %scan3A_410#7 : vector<16xf32> to vector<1x16xf32>
      tpu.vector_store %arg9[%swap3A_447, %swap3A_448], %swap3A_451 {strides = array<i32>} : memref<128x128xf32, #tpu.memory_space<vmem>>, vector<1x16xf32>,
      %add3A_452 = arith.constant 2 : i32
      %add3A_453 = arith.addi %add3A_220, %add3A_452 : i32
      %add3A_454 = arith.constant 3 : i32
      %add3A_455 = arith.addi %add3A_453, %add3A_454 : i32
      %sub3A_456 = arith.constant 1 : i32
      %sub3A_457 = arith.subi %add3A_455, %sub3A_456 : i32
      %mul3A_458 = arith.constant 200 : i32
      %mul3A_459 = arith.muli %sub3A_457, %mul3A_458 : i32
      %add3A_460 = arith.constant 0 : i32
      %add3A_461 = arith.addi %mul3A_459, %add3A_460 : i32
      %multiple_of3A_462 = tpu.assume_multiple %add3A_461, 8 : i32
      %dma_start3A_463 = arith.constant 0 : i32
      %dma_start3A_464 = arith.constant 0 : i32
      %dma_start3A_465 = tpu.memref_slice %arg7[%dma_start3A_463, %dma_start3A_464] : memref<200x128xf32, #tpu.memory_space<vmem>> -> memref<104x128xf32, #tpu.memory_space<vmem>>
      %dma_start3A_466 = tpu.memref_slice %arg5[%multiple_of3A_462] : memref<25600xi32, #tpu.memory_space<vmem>> -> memref<104xi32, #tpu.memory_space<vmem>>
      %dma_start3A_467 = arith.constant 0 : i32
      %dma_start3A_468 = arith.constant 0 : i32
      %dma_start3A_469 = tpu.memref_slice %arg2[%dma_start3A_467, %dma_start3A_468] : memref<100000x128xf32, #tpu.memory_space<hbm>> -> memref<100000x128xf32, #tpu.memory_space<hbm>>
      tpu.enqueue_indirect_dma source(%dma_start3A_469 : memref<100000x128xf32, #tpu.memory_space<hbm>>) target(%dma_start3A_465 : memref<104x128xf32, #tpu.memory_space<vmem>>) offsets(%dma_start3A_466 : memref<104xi32, #tpu.memory_space<vmem>>) semaphore(%arg11 : memref<!tpu.dma_semaphore, #tpu.memory_space<semaphore_mem>>)
      %mul3A_470 = arith.constant 200 : i32
      %mul3A_471 = arith.muli %sub3A_457, %mul3A_470 : i32
      %add3A_472 = arith.constant 104 : i32
      %add3A_473 = arith.addi %mul3A_471, %add3A_472 : i32
      %multiple_of3A_474 = tpu.assume_multiple %add3A_473, 8 : i32
      %dma_start3A_475 = arith.constant 104 : i32
      %dma_start3A_476 = arith.constant 0 : i32
      %dma_start3A_477 = tpu.memref_slice %arg7[%dma_start3A_475, %dma_start3A_476] : memref<200x128xf32, #tpu.memory_space<vmem>> -> memref<96x128xf32, #tpu.memory_space<vmem>>
      %dma_start3A_478 = tpu.memref_slice %arg5[%multiple_of3A_474] : memref<25600xi32, #tpu.memory_space<vmem>> -> memref<96xi32, #tpu.memory_space<vmem>>
      %dma_start3A_479 = arith.constant 0 : i32
      %dma_start3A_480 = arith.constant 0 : i32
      %dma_start3A_481 = tpu.memref_slice %arg2[%dma_start3A_479, %dma_start3A_480] : memref<100000x128xf32, #tpu.memory_space<hbm>> -> memref<100000x128xf32, #tpu.memory_space<hbm>>
      tpu.enqueue_indirect_dma source(%dma_start3A_481 : memref<100000x128xf32, #tpu.memory_space<hbm>>) target(%dma_start3A_477 : memref<96x128xf32, #tpu.memory_space<vmem>>) offsets(%dma_start3A_478 : memref<96xi32, #tpu.memory_space<vmem>>) semaphore(%arg11 : memref<!tpu.dma_semaphore, #tpu.memory_space<semaphore_mem>>)
      %mul3A_482 = arith.constant 200 : i32
      %mul3A_483 = arith.muli %add3A_453, %mul3A_482 : i32
      %add3A_484 = arith.constant 0 : i32
      %add3A_485 = arith.addi %mul3A_483, %add3A_484 : i32
      %multiple_of3A_486 = tpu.assume_multiple %add3A_485, 8 : i32
      %dma_wait3A_487 = arith.constant 0 : i32
      %dma_wait3A_488 = arith.constant 0 : i32
      %dma_wait3A_489 = tpu.memref_slice %arg8[%dma_wait3A_487, %dma_wait3A_488] : memref<200x128xf32, #tpu.memory_space<vmem>> -> memref<104x128xf32, #tpu.memory_space<vmem>>
      %dma_wait3A_490 = tpu.memref_slice %arg5[%multiple_of3A_486] : memref<25600xi32, #tpu.memory_space<vmem>> -> memref<104xi32, #tpu.memory_space<vmem>>
      %dma_wait3A_491 = arith.constant 0 : i32
      %dma_wait3A_492 = arith.constant 0 : i32
      %dma_wait3A_493 = tpu.memref_slice %arg2[%dma_wait3A_491, %dma_wait3A_492] : memref<100000x128xf32, #tpu.memory_space<hbm>> -> memref<100000x128xf32, #tpu.memory_space<hbm>>
      tpu.wait_indirect_dma semaphore(%arg12 : memref<!tpu.dma_semaphore, #tpu.memory_space<semaphore_mem>>) src(%dma_wait3A_493 : memref<100000x128xf32, #tpu.memory_space<hbm>>) dst(%dma_wait3A_489 : memref<104x128xf32, #tpu.memory_space<vmem>>)
      %mul3A_494 = arith.constant 200 : i32
      %mul3A_495 = arith.muli %add3A_453, %mul3A_494 : i32
      %add3A_496 = arith.constant 104 : i32
      %add3A_497 = arith.addi %mul3A_495, %add3A_496 : i32
      %multiple_of3A_498 = tpu.assume_multiple %add3A_497, 8 : i32
      %dma_wait3A_499 = arith.constant 104 : i32
      %dma_wait3A_500 = arith.constant 0 : i32
      %dma_wait3A_501 = tpu.memref_slice %arg8[%dma_wait3A_499, %dma_wait3A_500] : memref<200x128xf32, #tpu.memory_space<vmem>> -> memref<96x128xf32, #tpu.memory_space<vmem>>
      %dma_wait3A_502 = tpu.memref_slice %arg5[%multiple_of3A_498] : memref<25600xi32, #tpu.memory_space<vmem>> -> memref<96xi32, #tpu.memory_space<vmem>>
      %dma_wait3A_503 = arith.constant 0 : i32
      %dma_wait3A_504 = arith.constant 0 : i32
      %dma_wait3A_505 = tpu.memref_slice %arg2[%dma_wait3A_503, %dma_wait3A_504] : memref<100000x128xf32, #tpu.memory_space<hbm>> -> memref<100000x128xf32, #tpu.memory_space<hbm>>
      tpu.wait_indirect_dma semaphore(%arg12 : memref<!tpu.dma_semaphore, #tpu.memory_space<semaphore_mem>>) src(%dma_wait3A_505 : memref<100000x128xf32, #tpu.memory_space<hbm>>) dst(%dma_wait3A_501 : memref<96x128xf32, #tpu.memory_space<vmem>>)
      %broadcast_in_dim3A_506 = arith.constant 0.000000e+00 : f32
      %broadcast_in_dim3A_507 = vector.broadcast %broadcast_in_dim3A_506 : f32 to vector<16xf32>
      %broadcast_in_dim3A_508 = arith.constant 0.000000e+00 : f32
      %broadcast_in_dim3A_509 = vector.broadcast %broadcast_in_dim3A_508 : f32 to vector<16xf32>
      %broadcast_in_dim3A_510 = arith.constant 0.000000e+00 : f32
      %broadcast_in_dim3A_511 = vector.broadcast %broadcast_in_dim3A_510 : f32 to vector<16xf32>
      %broadcast_in_dim3A_512 = arith.constant 0.000000e+00 : f32
      %broadcast_in_dim3A_513 = vector.broadcast %broadcast_in_dim3A_512 : f32 to vector<16xf32>
      %broadcast_in_dim3A_514 = arith.constant 0.000000e+00 : f32
      %broadcast_in_dim3A_515 = vector.broadcast %broadcast_in_dim3A_514 : f32 to vector<16xf32>
      %broadcast_in_dim3A_516 = arith.constant 0.000000e+00 : f32
      %broadcast_in_dim3A_517 = vector.broadcast %broadcast_in_dim3A_516 : f32 to vector<16xf32>
      %broadcast_in_dim3A_518 = arith.constant 0.000000e+00 : f32
      %broadcast_in_dim3A_519 = vector.broadcast %broadcast_in_dim3A_518 : f32 to vector<16xf32>
      %broadcast_in_dim3A_520 = arith.constant 0.000000e+00 : f32
      %broadcast_in_dim3A_521 = vector.broadcast %broadcast_in_dim3A_520 : f32 to vector<16xf32>
      %scan3A_522 = arith.constant 0 : i32
      %scan3A_523 = arith.constant 20 : i32
      %scan3A_524 = arith.addi %scan3A_522, %scan3A_523 : i32
      %scan3A_525 = arith.constant 1 : i32
      %scan3A_526:8 = scf.for %scan3A_568 = %scan3A_522 to %scan3A_524 step %scan3A_525 iter_args(%scan3A_569 = %broadcast_in_dim3A_507, %scan3A_570 = %broadcast_in_dim3A_509, %scan3A_571 = %broadcast_in_dim3A_511, %scan3A_572 = %broadcast_in_dim3A_513, %scan3A_573 = %broadcast_in_dim3A_515, %scan3A_574 = %broadcast_in_dim3A_517, %scan3A_575 = %broadcast_in_dim3A_519, %scan3A_576 = %broadcast_in_dim3A_521) -> (vector<16xf32>, vector<16xf32>, vector<16xf32>, vector<16xf32>, vector<16xf32>, vector<16xf32>, vector<16xf32>, vector<16xf32>)  : i32 {
        %mul3A_577 = arith.constant 10 : i32
        %mul3A_578 = arith.muli %scan3A_568, %mul3A_577 : i32
        %add3A_579 = arith.constant 0 : i32
        %add3A_580 = arith.addi %mul3A_578, %add3A_579 : i32
        %get3A = arith.index_cast %add3A_580 : i32 to index
        %get3A_581 = arith.constant 0 : index
        %get3A_582 = tpu.vector_load %arg8[%get3A, %get3A_581] {strides = array<i32>} : memref<200x128xf32, #tpu.memory_space<vmem>>, vector<1x16xf32>,
        %get3A_583 = vector.shape_cast %get3A_582 : vector<1x16xf32> to vector<16xf32>
        %add3A_584 = arith.addf %scan3A_569, %get3A_583 : vector<16xf32>
        %get3A_585 = arith.index_cast %add3A_580 : i32 to index
        %get3A_586 = arith.constant 16 : index
        %get3A_587 = tpu.vector_load %arg8[%get3A_585, %get3A_586] {strides = array<i32>} : memref<200x128xf32, #tpu.memory_space<vmem>>, vector<1x16xf32>,
        %get3A_588 = vector.shape_cast %get3A_587 : vector<1x16xf32> to vector<16xf32>
        %add3A_589 = arith.addf %scan3A_570, %get3A_588 : vector<16xf32>
        %get3A_590 = arith.index_cast %add3A_580 : i32 to index
        %get3A_591 = arith.constant 32 : index
        %get3A_592 = tpu.vector_load %arg8[%get3A_590, %get3A_591] {strides = array<i32>} : memref<200x128xf32, #tpu.memory_space<vmem>>, vector<1x16xf32>,
        %get3A_593 = vector.shape_cast %get3A_592 : vector<1x16xf32> to vector<16xf32>
        %add3A_594 = arith.addf %scan3A_571, %get3A_593 : vector<16xf32>
        %get3A_595 = arith.index_cast %add3A_580 : i32 to index
        %get3A_596 = arith.constant 48 : index
        %get3A_597 = tpu.vector_load %arg8[%get3A_595, %get3A_596] {strides = array<i32>} : memref<200x128xf32, #tpu.memory_space<vmem>>, vector<1x16xf32>,
        %get3A_598 = vector.shape_cast %get3A_597 : vector<1x16xf32> to vector<16xf32>
        %add3A_599 = arith.addf %scan3A_572, %get3A_598 : vector<16xf32>
        %get3A_600 = arith.index_cast %add3A_580 : i32 to index
        %get3A_601 = arith.constant 64 : index
        %get3A_602 = tpu.vector_load %arg8[%get3A_600, %get3A_601] {strides = array<i32>} : memref<200x128xf32, #tpu.memory_space<vmem>>, vector<1x16xf32>,
        %get3A_603 = vector.shape_cast %get3A_602 : vector<1x16xf32> to vector<16xf32>
        %add3A_604 = arith.addf %scan3A_573, %get3A_603 : vector<16xf32>
        %get3A_605 = arith.index_cast %add3A_580 : i32 to index
        %get3A_606 = arith.constant 80 : index
        %get3A_607 = tpu.vector_load %arg8[%get3A_605, %get3A_606] {strides = array<i32>} : memref<200x128xf32, #tpu.memory_space<vmem>>, vector<1x16xf32>,
        %get3A_608 = vector.shape_cast %get3A_607 : vector<1x16xf32> to vector<16xf32>
        %add3A_609 = arith.addf %scan3A_574, %get3A_608 : vector<16xf32>
        %get3A_610 = arith.index_cast %add3A_580 : i32 to index
        %get3A_611 = arith.constant 96 : index
        %get3A_612 = tpu.vector_load %arg8[%get3A_610, %get3A_611] {strides = array<i32>} : memref<200x128xf32, #tpu.memory_space<vmem>>, vector<1x16xf32>,
        %get3A_613 = vector.shape_cast %get3A_612 : vector<1x16xf32> to vector<16xf32>
        %add3A_614 = arith.addf %scan3A_575, %get3A_613 : vector<16xf32>
        %get3A_615 = arith.index_cast %add3A_580 : i32 to index
        %get3A_616 = arith.constant 112 : index
        %get3A_617 = tpu.vector_load %arg8[%get3A_615, %get3A_616] {strides = array<i32>} : memref<200x128xf32, #tpu.memory_space<vmem>>, vector<1x16xf32>,
        %get3A_618 = vector.shape_cast %get3A_617 : vector<1x16xf32> to vector<16xf32>
        %add3A_619 = arith.addf %scan3A_576, %get3A_618 : vector<16xf32>
        %mul3A_620 = arith.constant 10 : i32
        %mul3A_621 = arith.muli %scan3A_568, %mul3A_620 : i32
        %add3A_622 = arith.constant 1 : i32
        %add3A_623 = arith.addi %mul3A_621, %add3A_622 : i32
        %get3A_624 = arith.index_cast %add3A_623 : i32 to index
        %get3A_625 = arith.constant 0 : index
        %get3A_626 = tpu.vector_load %arg8[%get3A_624, %get3A_625] {strides = array<i32>} : memref<200x128xf32, #tpu.memory_space<vmem>>, vector<1x16xf32>,
        %get3A_627 = vector.shape_cast %get3A_626 : vector<1x16xf32> to vector<16xf32>
        %add3A_628 = arith.addf %add3A_584, %get3A_627 : vector<16xf32>
        %get3A_629 = arith.index_cast %add3A_623 : i32 to index
        %get3A_630 = arith.constant 16 : index
        %get3A_631 = tpu.vector_load %arg8[%get3A_629, %get3A_630] {strides = array<i32>} : memref<200x128xf32, #tpu.memory_space<vmem>>, vector<1x16xf32>,
        %get3A_632 = vector.shape_cast %get3A_631 : vector<1x16xf32> to vector<16xf32>
        %add3A_633 = arith.addf %add3A_589, %get3A_632 : vector<16xf32>
        %get3A_634 = arith.index_cast %add3A_623 : i32 to index
        %get3A_635 = arith.constant 32 : index
        %get3A_636 = tpu.vector_load %arg8[%get3A_634, %get3A_635] {strides = array<i32>} : memref<200x128xf32, #tpu.memory_space<vmem>>, vector<1x16xf32>,
        %get3A_637 = vector.shape_cast %get3A_636 : vector<1x16xf32> to vector<16xf32>
        %add3A_638 = arith.addf %add3A_594, %get3A_637 : vector<16xf32>
        %get3A_639 = arith.index_cast %add3A_623 : i32 to index
        %get3A_640 = arith.constant 48 : index
        %get3A_641 = tpu.vector_load %arg8[%get3A_639, %get3A_640] {strides = array<i32>} : memref<200x128xf32, #tpu.memory_space<vmem>>, vector<1x16xf32>,
        %get3A_642 = vector.shape_cast %get3A_641 : vector<1x16xf32> to vector<16xf32>
        %add3A_643 = arith.addf %add3A_599, %get3A_642 : vector<16xf32>
        %get3A_644 = arith.index_cast %add3A_623 : i32 to index
        %get3A_645 = arith.constant 64 : index
        %get3A_646 = tpu.vector_load %arg8[%get3A_644, %get3A_645] {strides = array<i32>} : memref<200x128xf32, #tpu.memory_space<vmem>>, vector<1x16xf32>,
        %get3A_647 = vector.shape_cast %get3A_646 : vector<1x16xf32> to vector<16xf32>
        %add3A_648 = arith.addf %add3A_604, %get3A_647 : vector<16xf32>
        %get3A_649 = arith.index_cast %add3A_623 : i32 to index
        %get3A_650 = arith.constant 80 : index
        %get3A_651 = tpu.vector_load %arg8[%get3A_649, %get3A_650] {strides = array<i32>} : memref<200x128xf32, #tpu.memory_space<vmem>>, vector<1x16xf32>,
        %get3A_652 = vector.shape_cast %get3A_651 : vector<1x16xf32> to vector<16xf32>
        %add3A_653 = arith.addf %add3A_609, %get3A_652 : vector<16xf32>
        %get3A_654 = arith.index_cast %add3A_623 : i32 to index
        %get3A_655 = arith.constant 96 : index
        %get3A_656 = tpu.vector_load %arg8[%get3A_654, %get3A_655] {strides = array<i32>} : memref<200x128xf32, #tpu.memory_space<vmem>>, vector<1x16xf32>,
        %get3A_657 = vector.shape_cast %get3A_656 : vector<1x16xf32> to vector<16xf32>
        %add3A_658 = arith.addf %add3A_614, %get3A_657 : vector<16xf32>
        %get3A_659 = arith.index_cast %add3A_623 : i32 to index
        %get3A_660 = arith.constant 112 : index
        %get3A_661 = tpu.vector_load %arg8[%get3A_659, %get3A_660] {strides = array<i32>} : memref<200x128xf32, #tpu.memory_space<vmem>>, vector<1x16xf32>,
        %get3A_662 = vector.shape_cast %get3A_661 : vector<1x16xf32> to vector<16xf32>
        %add3A_663 = arith.addf %add3A_619, %get3A_662 : vector<16xf32>
        %mul3A_664 = arith.constant 10 : i32
        %mul3A_665 = arith.muli %scan3A_568, %mul3A_664 : i32
        %add3A_666 = arith.constant 2 : i32
        %add3A_667 = arith.addi %mul3A_665, %add3A_666 : i32
        %get3A_668 = arith.index_cast %add3A_667 : i32 to index
        %get3A_669 = arith.constant 0 : index
        %get3A_670 = tpu.vector_load %arg8[%get3A_668, %get3A_669] {strides = array<i32>} : memref<200x128xf32, #tpu.memory_space<vmem>>, vector<1x16xf32>,
        %get3A_671 = vector.shape_cast %get3A_670 : vector<1x16xf32> to vector<16xf32>
        %add3A_672 = arith.addf %add3A_628, %get3A_671 : vector<16xf32>
        %get3A_673 = arith.index_cast %add3A_667 : i32 to index
        %get3A_674 = arith.constant 16 : index
        %get3A_675 = tpu.vector_load %arg8[%get3A_673, %get3A_674] {strides = array<i32>} : memref<200x128xf32, #tpu.memory_space<vmem>>, vector<1x16xf32>,
        %get3A_676 = vector.shape_cast %get3A_675 : vector<1x16xf32> to vector<16xf32>
        %add3A_677 = arith.addf %add3A_633, %get3A_676 : vector<16xf32>
        %get3A_678 = arith.index_cast %add3A_667 : i32 to index
        %get3A_679 = arith.constant 32 : index
        %get3A_680 = tpu.vector_load %arg8[%get3A_678, %get3A_679] {strides = array<i32>} : memref<200x128xf32, #tpu.memory_space<vmem>>, vector<1x16xf32>,
        %get3A_681 = vector.shape_cast %get3A_680 : vector<1x16xf32> to vector<16xf32>
        %add3A_682 = arith.addf %add3A_638, %get3A_681 : vector<16xf32>
        %get3A_683 = arith.index_cast %add3A_667 : i32 to index
        %get3A_684 = arith.constant 48 : index
        %get3A_685 = tpu.vector_load %arg8[%get3A_683, %get3A_684] {strides = array<i32>} : memref<200x128xf32, #tpu.memory_space<vmem>>, vector<1x16xf32>,
        %get3A_686 = vector.shape_cast %get3A_685 : vector<1x16xf32> to vector<16xf32>
        %add3A_687 = arith.addf %add3A_643, %get3A_686 : vector<16xf32>
        %get3A_688 = arith.index_cast %add3A_667 : i32 to index
        %get3A_689 = arith.constant 64 : index
        %get3A_690 = tpu.vector_load %arg8[%get3A_688, %get3A_689] {strides = array<i32>} : memref<200x128xf32, #tpu.memory_space<vmem>>, vector<1x16xf32>,
        %get3A_691 = vector.shape_cast %get3A_690 : vector<1x16xf32> to vector<16xf32>
        %add3A_692 = arith.addf %add3A_648, %get3A_691 : vector<16xf32>
        %get3A_693 = arith.index_cast %add3A_667 : i32 to index
        %get3A_694 = arith.constant 80 : index
        %get3A_695 = tpu.vector_load %arg8[%get3A_693, %get3A_694] {strides = array<i32>} : memref<200x128xf32, #tpu.memory_space<vmem>>, vector<1x16xf32>,
        %get3A_696 = vector.shape_cast %get3A_695 : vector<1x16xf32> to vector<16xf32>
        %add3A_697 = arith.addf %add3A_653, %get3A_696 : vector<16xf32>
        %get3A_698 = arith.index_cast %add3A_667 : i32 to index
        %get3A_699 = arith.constant 96 : index
        %get3A_700 = tpu.vector_load %arg8[%get3A_698, %get3A_699] {strides = array<i32>} : memref<200x128xf32, #tpu.memory_space<vmem>>, vector<1x16xf32>,
        %get3A_701 = vector.shape_cast %get3A_700 : vector<1x16xf32> to vector<16xf32>
        %add3A_702 = arith.addf %add3A_658, %get3A_701 : vector<16xf32>
        %get3A_703 = arith.index_cast %add3A_667 : i32 to index
        %get3A_704 = arith.constant 112 : index
        %get3A_705 = tpu.vector_load %arg8[%get3A_703, %get3A_704] {strides = array<i32>} : memref<200x128xf32, #tpu.memory_space<vmem>>, vector<1x16xf32>,
        %get3A_706 = vector.shape_cast %get3A_705 : vector<1x16xf32> to vector<16xf32>
        %add3A_707 = arith.addf %add3A_663, %get3A_706 : vector<16xf32>
        %mul3A_708 = arith.constant 10 : i32
        %mul3A_709 = arith.muli %scan3A_568, %mul3A_708 : i32
        %add3A_710 = arith.constant 3 : i32
        %add3A_711 = arith.addi %mul3A_709, %add3A_710 : i32
        %get3A_712 = arith.index_cast %add3A_711 : i32 to index
        %get3A_713 = arith.constant 0 : index
        %get3A_714 = tpu.vector_load %arg8[%get3A_712, %get3A_713] {strides = array<i32>} : memref<200x128xf32, #tpu.memory_space<vmem>>, vector<1x16xf32>,
        %get3A_715 = vector.shape_cast %get3A_714 : vector<1x16xf32> to vector<16xf32>
        %add3A_716 = arith.addf %add3A_672, %get3A_715 : vector<16xf32>
        %get3A_717 = arith.index_cast %add3A_711 : i32 to index
        %get3A_718 = arith.constant 16 : index
        %get3A_719 = tpu.vector_load %arg8[%get3A_717, %get3A_718] {strides = array<i32>} : memref<200x128xf32, #tpu.memory_space<vmem>>, vector<1x16xf32>,
        %get3A_720 = vector.shape_cast %get3A_719 : vector<1x16xf32> to vector<16xf32>
        %add3A_721 = arith.addf %add3A_677, %get3A_720 : vector<16xf32>
        %get3A_722 = arith.index_cast %add3A_711 : i32 to index
        %get3A_723 = arith.constant 32 : index
        %get3A_724 = tpu.vector_load %arg8[%get3A_722, %get3A_723] {strides = array<i32>} : memref<200x128xf32, #tpu.memory_space<vmem>>, vector<1x16xf32>,
        %get3A_725 = vector.shape_cast %get3A_724 : vector<1x16xf32> to vector<16xf32>
        %add3A_726 = arith.addf %add3A_682, %get3A_725 : vector<16xf32>
        %get3A_727 = arith.index_cast %add3A_711 : i32 to index
        %get3A_728 = arith.constant 48 : index
        %get3A_729 = tpu.vector_load %arg8[%get3A_727, %get3A_728] {strides = array<i32>} : memref<200x128xf32, #tpu.memory_space<vmem>>, vector<1x16xf32>,
        %get3A_730 = vector.shape_cast %get3A_729 : vector<1x16xf32> to vector<16xf32>
        %add3A_731 = arith.addf %add3A_687, %get3A_730 : vector<16xf32>
        %get3A_732 = arith.index_cast %add3A_711 : i32 to index
        %get3A_733 = arith.constant 64 : index
        %get3A_734 = tpu.vector_load %arg8[%get3A_732, %get3A_733] {strides = array<i32>} : memref<200x128xf32, #tpu.memory_space<vmem>>, vector<1x16xf32>,
        %get3A_735 = vector.shape_cast %get3A_734 : vector<1x16xf32> to vector<16xf32>
        %add3A_736 = arith.addf %add3A_692, %get3A_735 : vector<16xf32>
        %get3A_737 = arith.index_cast %add3A_711 : i32 to index
        %get3A_738 = arith.constant 80 : index
        %get3A_739 = tpu.vector_load %arg8[%get3A_737, %get3A_738] {strides = array<i32>} : memref<200x128xf32, #tpu.memory_space<vmem>>, vector<1x16xf32>,
        %get3A_740 = vector.shape_cast %get3A_739 : vector<1x16xf32> to vector<16xf32>
        %add3A_741 = arith.addf %add3A_697, %get3A_740 : vector<16xf32>
        %get3A_742 = arith.index_cast %add3A_711 : i32 to index
        %get3A_743 = arith.constant 96 : index
        %get3A_744 = tpu.vector_load %arg8[%get3A_742, %get3A_743] {strides = array<i32>} : memref<200x128xf32, #tpu.memory_space<vmem>>, vector<1x16xf32>,
        %get3A_745 = vector.shape_cast %get3A_744 : vector<1x16xf32> to vector<16xf32>
        %add3A_746 = arith.addf %add3A_702, %get3A_745 : vector<16xf32>
        %get3A_747 = arith.index_cast %add3A_711 : i32 to index
        %get3A_748 = arith.constant 112 : index
        %get3A_749 = tpu.vector_load %arg8[%get3A_747, %get3A_748] {strides = array<i32>} : memref<200x128xf32, #tpu.memory_space<vmem>>, vector<1x16xf32>,
        %get3A_750 = vector.shape_cast %get3A_749 : vector<1x16xf32> to vector<16xf32>
        %add3A_751 = arith.addf %add3A_707, %get3A_750 : vector<16xf32>
        %mul3A_752 = arith.constant 10 : i32
        %mul3A_753 = arith.muli %scan3A_568, %mul3A_752 : i32
        %add3A_754 = arith.constant 4 : i32
        %add3A_755 = arith.addi %mul3A_753, %add3A_754 : i32
        %get3A_756 = arith.index_cast %add3A_755 : i32 to index
        %get3A_757 = arith.constant 0 : index
        %get3A_758 = tpu.vector_load %arg8[%get3A_756, %get3A_757] {strides = array<i32>} : memref<200x128xf32, #tpu.memory_space<vmem>>, vector<1x16xf32>,
        %get3A_759 = vector.shape_cast %get3A_758 : vector<1x16xf32> to vector<16xf32>
        %add3A_760 = arith.addf %add3A_716, %get3A_759 : vector<16xf32>
        %get3A_761 = arith.index_cast %add3A_755 : i32 to index
        %get3A_762 = arith.constant 16 : index
        %get3A_763 = tpu.vector_load %arg8[%get3A_761, %get3A_762] {strides = array<i32>} : memref<200x128xf32, #tpu.memory_space<vmem>>, vector<1x16xf32>,
        %get3A_764 = vector.shape_cast %get3A_763 : vector<1x16xf32> to vector<16xf32>
        %add3A_765 = arith.addf %add3A_721, %get3A_764 : vector<16xf32>
        %get3A_766 = arith.index_cast %add3A_755 : i32 to index
        %get3A_767 = arith.constant 32 : index
        %get3A_768 = tpu.vector_load %arg8[%get3A_766, %get3A_767] {strides = array<i32>} : memref<200x128xf32, #tpu.memory_space<vmem>>, vector<1x16xf32>,
        %get3A_769 = vector.shape_cast %get3A_768 : vector<1x16xf32> to vector<16xf32>
        %add3A_770 = arith.addf %add3A_726, %get3A_769 : vector<16xf32>
        %get3A_771 = arith.index_cast %add3A_755 : i32 to index
        %get3A_772 = arith.constant 48 : index
        %get3A_773 = tpu.vector_load %arg8[%get3A_771, %get3A_772] {strides = array<i32>} : memref<200x128xf32, #tpu.memory_space<vmem>>, vector<1x16xf32>,
        %get3A_774 = vector.shape_cast %get3A_773 : vector<1x16xf32> to vector<16xf32>
        %add3A_775 = arith.addf %add3A_731, %get3A_774 : vector<16xf32>
        %get3A_776 = arith.index_cast %add3A_755 : i32 to index
        %get3A_777 = arith.constant 64 : index
        %get3A_778 = tpu.vector_load %arg8[%get3A_776, %get3A_777] {strides = array<i32>} : memref<200x128xf32, #tpu.memory_space<vmem>>, vector<1x16xf32>,
        %get3A_779 = vector.shape_cast %get3A_778 : vector<1x16xf32> to vector<16xf32>
        %add3A_780 = arith.addf %add3A_736, %get3A_779 : vector<16xf32>
        %get3A_781 = arith.index_cast %add3A_755 : i32 to index
        %get3A_782 = arith.constant 80 : index
        %get3A_783 = tpu.vector_load %arg8[%get3A_781, %get3A_782] {strides = array<i32>} : memref<200x128xf32, #tpu.memory_space<vmem>>, vector<1x16xf32>,
        %get3A_784 = vector.shape_cast %get3A_783 : vector<1x16xf32> to vector<16xf32>
        %add3A_785 = arith.addf %add3A_741, %get3A_784 : vector<16xf32>
        %get3A_786 = arith.index_cast %add3A_755 : i32 to index
        %get3A_787 = arith.constant 96 : index
        %get3A_788 = tpu.vector_load %arg8[%get3A_786, %get3A_787] {strides = array<i32>} : memref<200x128xf32, #tpu.memory_space<vmem>>, vector<1x16xf32>,
        %get3A_789 = vector.shape_cast %get3A_788 : vector<1x16xf32> to vector<16xf32>
        %add3A_790 = arith.addf %add3A_746, %get3A_789 : vector<16xf32>
        %get3A_791 = arith.index_cast %add3A_755 : i32 to index
        %get3A_792 = arith.constant 112 : index
        %get3A_793 = tpu.vector_load %arg8[%get3A_791, %get3A_792] {strides = array<i32>} : memref<200x128xf32, #tpu.memory_space<vmem>>, vector<1x16xf32>,
        %get3A_794 = vector.shape_cast %get3A_793 : vector<1x16xf32> to vector<16xf32>
        %add3A_795 = arith.addf %add3A_751, %get3A_794 : vector<16xf32>
        %mul3A_796 = arith.constant 10 : i32
        %mul3A_797 = arith.muli %scan3A_568, %mul3A_796 : i32
        %add3A_798 = arith.constant 5 : i32
        %add3A_799 = arith.addi %mul3A_797, %add3A_798 : i32
        %get3A_800 = arith.index_cast %add3A_799 : i32 to index
        %get3A_801 = arith.constant 0 : index
        %get3A_802 = tpu.vector_load %arg8[%get3A_800, %get3A_801] {strides = array<i32>} : memref<200x128xf32, #tpu.memory_space<vmem>>, vector<1x16xf32>,
        %get3A_803 = vector.shape_cast %get3A_802 : vector<1x16xf32> to vector<16xf32>
        %add3A_804 = arith.addf %add3A_760, %get3A_803 : vector<16xf32>
        %get3A_805 = arith.index_cast %add3A_799 : i32 to index
        %get3A_806 = arith.constant 16 : index
        %get3A_807 = tpu.vector_load %arg8[%get3A_805, %get3A_806] {strides = array<i32>} : memref<200x128xf32, #tpu.memory_space<vmem>>, vector<1x16xf32>,
        %get3A_808 = vector.shape_cast %get3A_807 : vector<1x16xf32> to vector<16xf32>
        %add3A_809 = arith.addf %add3A_765, %get3A_808 : vector<16xf32>
        %get3A_810 = arith.index_cast %add3A_799 : i32 to index
        %get3A_811 = arith.constant 32 : index
        %get3A_812 = tpu.vector_load %arg8[%get3A_810, %get3A_811] {strides = array<i32>} : memref<200x128xf32, #tpu.memory_space<vmem>>, vector<1x16xf32>,
        %get3A_813 = vector.shape_cast %get3A_812 : vector<1x16xf32> to vector<16xf32>
        %add3A_814 = arith.addf %add3A_770, %get3A_813 : vector<16xf32>
        %get3A_815 = arith.index_cast %add3A_799 : i32 to index
        %get3A_816 = arith.constant 48 : index
        %get3A_817 = tpu.vector_load %arg8[%get3A_815, %get3A_816] {strides = array<i32>} : memref<200x128xf32, #tpu.memory_space<vmem>>, vector<1x16xf32>,
        %get3A_818 = vector.shape_cast %get3A_817 : vector<1x16xf32> to vector<16xf32>
        %add3A_819 = arith.addf %add3A_775, %get3A_818 : vector<16xf32>
        %get3A_820 = arith.index_cast %add3A_799 : i32 to index
        %get3A_821 = arith.constant 64 : index
        %get3A_822 = tpu.vector_load %arg8[%get3A_820, %get3A_821] {strides = array<i32>} : memref<200x128xf32, #tpu.memory_space<vmem>>, vector<1x16xf32>,
        %get3A_823 = vector.shape_cast %get3A_822 : vector<1x16xf32> to vector<16xf32>
        %add3A_824 = arith.addf %add3A_780, %get3A_823 : vector<16xf32>
        %get3A_825 = arith.index_cast %add3A_799 : i32 to index
        %get3A_826 = arith.constant 80 : index
        %get3A_827 = tpu.vector_load %arg8[%get3A_825, %get3A_826] {strides = array<i32>} : memref<200x128xf32, #tpu.memory_space<vmem>>, vector<1x16xf32>,
        %get3A_828 = vector.shape_cast %get3A_827 : vector<1x16xf32> to vector<16xf32>
        %add3A_829 = arith.addf %add3A_785, %get3A_828 : vector<16xf32>
        %get3A_830 = arith.index_cast %add3A_799 : i32 to index
        %get3A_831 = arith.constant 96 : index
        %get3A_832 = tpu.vector_load %arg8[%get3A_830, %get3A_831] {strides = array<i32>} : memref<200x128xf32, #tpu.memory_space<vmem>>, vector<1x16xf32>,
        %get3A_833 = vector.shape_cast %get3A_832 : vector<1x16xf32> to vector<16xf32>
        %add3A_834 = arith.addf %add3A_790, %get3A_833 : vector<16xf32>
        %get3A_835 = arith.index_cast %add3A_799 : i32 to index
        %get3A_836 = arith.constant 112 : index
        %get3A_837 = tpu.vector_load %arg8[%get3A_835, %get3A_836] {strides = array<i32>} : memref<200x128xf32, #tpu.memory_space<vmem>>, vector<1x16xf32>,
        %get3A_838 = vector.shape_cast %get3A_837 : vector<1x16xf32> to vector<16xf32>
        %add3A_839 = arith.addf %add3A_795, %get3A_838 : vector<16xf32>
        %mul3A_840 = arith.constant 10 : i32
        %mul3A_841 = arith.muli %scan3A_568, %mul3A_840 : i32
        %add3A_842 = arith.constant 6 : i32
        %add3A_843 = arith.addi %mul3A_841, %add3A_842 : i32
        %get3A_844 = arith.index_cast %add3A_843 : i32 to index
        %get3A_845 = arith.constant 0 : index
        %get3A_846 = tpu.vector_load %arg8[%get3A_844, %get3A_845] {strides = array<i32>} : memref<200x128xf32, #tpu.memory_space<vmem>>, vector<1x16xf32>,
        %get3A_847 = vector.shape_cast %get3A_846 : vector<1x16xf32> to vector<16xf32>
        %add3A_848 = arith.addf %add3A_804, %get3A_847 : vector<16xf32>
        %get3A_849 = arith.index_cast %add3A_843 : i32 to index
        %get3A_850 = arith.constant 16 : index
        %get3A_851 = tpu.vector_load %arg8[%get3A_849, %get3A_850] {strides = array<i32>} : memref<200x128xf32, #tpu.memory_space<vmem>>, vector<1x16xf32>,
        %get3A_852 = vector.shape_cast %get3A_851 : vector<1x16xf32> to vector<16xf32>
        %add3A_853 = arith.addf %add3A_809, %get3A_852 : vector<16xf32>
        %get3A_854 = arith.index_cast %add3A_843 : i32 to index
        %get3A_855 = arith.constant 32 : index
        %get3A_856 = tpu.vector_load %arg8[%get3A_854, %get3A_855] {strides = array<i32>} : memref<200x128xf32, #tpu.memory_space<vmem>>, vector<1x16xf32>,
        %get3A_857 = vector.shape_cast %get3A_856 : vector<1x16xf32> to vector<16xf32>
        %add3A_858 = arith.addf %add3A_814, %get3A_857 : vector<16xf32>
        %get3A_859 = arith.index_cast %add3A_843 : i32 to index
        %get3A_860 = arith.constant 48 : index
        %get3A_861 = tpu.vector_load %arg8[%get3A_859, %get3A_860] {strides = array<i32>} : memref<200x128xf32, #tpu.memory_space<vmem>>, vector<1x16xf32>,
        %get3A_862 = vector.shape_cast %get3A_861 : vector<1x16xf32> to vector<16xf32>
        %add3A_863 = arith.addf %add3A_819, %get3A_862 : vector<16xf32>
        %get3A_864 = arith.index_cast %add3A_843 : i32 to index
        %get3A_865 = arith.constant 64 : index
        %get3A_866 = tpu.vector_load %arg8[%get3A_864, %get3A_865] {strides = array<i32>} : memref<200x128xf32, #tpu.memory_space<vmem>>, vector<1x16xf32>,
        %get3A_867 = vector.shape_cast %get3A_866 : vector<1x16xf32> to vector<16xf32>
        %add3A_868 = arith.addf %add3A_824, %get3A_867 : vector<16xf32>
        %get3A_869 = arith.index_cast %add3A_843 : i32 to index
        %get3A_870 = arith.constant 80 : index
        %get3A_871 = tpu.vector_load %arg8[%get3A_869, %get3A_870] {strides = array<i32>} : memref<200x128xf32, #tpu.memory_space<vmem>>, vector<1x16xf32>,
        %get3A_872 = vector.shape_cast %get3A_871 : vector<1x16xf32> to vector<16xf32>
        %add3A_873 = arith.addf %add3A_829, %get3A_872 : vector<16xf32>
        %get3A_874 = arith.index_cast %add3A_843 : i32 to index
        %get3A_875 = arith.constant 96 : index
        %get3A_876 = tpu.vector_load %arg8[%get3A_874, %get3A_875] {strides = array<i32>} : memref<200x128xf32, #tpu.memory_space<vmem>>, vector<1x16xf32>,
        %get3A_877 = vector.shape_cast %get3A_876 : vector<1x16xf32> to vector<16xf32>
        %add3A_878 = arith.addf %add3A_834, %get3A_877 : vector<16xf32>
        %get3A_879 = arith.index_cast %add3A_843 : i32 to index
        %get3A_880 = arith.constant 112 : index
        %get3A_881 = tpu.vector_load %arg8[%get3A_879, %get3A_880] {strides = array<i32>} : memref<200x128xf32, #tpu.memory_space<vmem>>, vector<1x16xf32>,
        %get3A_882 = vector.shape_cast %get3A_881 : vector<1x16xf32> to vector<16xf32>
        %add3A_883 = arith.addf %add3A_839, %get3A_882 : vector<16xf32>
        %mul3A_884 = arith.constant 10 : i32
        %mul3A_885 = arith.muli %scan3A_568, %mul3A_884 : i32
        %add3A_886 = arith.constant 7 : i32
        %add3A_887 = arith.addi %mul3A_885, %add3A_886 : i32
        %get3A_888 = arith.index_cast %add3A_887 : i32 to index
        %get3A_889 = arith.constant 0 : index
        %get3A_890 = tpu.vector_load %arg8[%get3A_888, %get3A_889] {strides = array<i32>} : memref<200x128xf32, #tpu.memory_space<vmem>>, vector<1x16xf32>,
        %get3A_891 = vector.shape_cast %get3A_890 : vector<1x16xf32> to vector<16xf32>
        %add3A_892 = arith.addf %add3A_848, %get3A_891 : vector<16xf32>
        %get3A_893 = arith.index_cast %add3A_887 : i32 to index
        %get3A_894 = arith.constant 16 : index
        %get3A_895 = tpu.vector_load %arg8[%get3A_893, %get3A_894] {strides = array<i32>} : memref<200x128xf32, #tpu.memory_space<vmem>>, vector<1x16xf32>,
        %get3A_896 = vector.shape_cast %get3A_895 : vector<1x16xf32> to vector<16xf32>
        %add3A_897 = arith.addf %add3A_853, %get3A_896 : vector<16xf32>
        %get3A_898 = arith.index_cast %add3A_887 : i32 to index
        %get3A_899 = arith.constant 32 : index
        %get3A_900 = tpu.vector_load %arg8[%get3A_898, %get3A_899] {strides = array<i32>} : memref<200x128xf32, #tpu.memory_space<vmem>>, vector<1x16xf32>,
        %get3A_901 = vector.shape_cast %get3A_900 : vector<1x16xf32> to vector<16xf32>
        %add3A_902 = arith.addf %add3A_858, %get3A_901 : vector<16xf32>
        %get3A_903 = arith.index_cast %add3A_887 : i32 to index
        %get3A_904 = arith.constant 48 : index
        %get3A_905 = tpu.vector_load %arg8[%get3A_903, %get3A_904] {strides = array<i32>} : memref<200x128xf32, #tpu.memory_space<vmem>>, vector<1x16xf32>,
        %get3A_906 = vector.shape_cast %get3A_905 : vector<1x16xf32> to vector<16xf32>
        %add3A_907 = arith.addf %add3A_863, %get3A_906 : vector<16xf32>
        %get3A_908 = arith.index_cast %add3A_887 : i32 to index
        %get3A_909 = arith.constant 64 : index
        %get3A_910 = tpu.vector_load %arg8[%get3A_908, %get3A_909] {strides = array<i32>} : memref<200x128xf32, #tpu.memory_space<vmem>>, vector<1x16xf32>,
        %get3A_911 = vector.shape_cast %get3A_910 : vector<1x16xf32> to vector<16xf32>
        %add3A_912 = arith.addf %add3A_868, %get3A_911 : vector<16xf32>
        %get3A_913 = arith.index_cast %add3A_887 : i32 to index
        %get3A_914 = arith.constant 80 : index
        %get3A_915 = tpu.vector_load %arg8[%get3A_913, %get3A_914] {strides = array<i32>} : memref<200x128xf32, #tpu.memory_space<vmem>>, vector<1x16xf32>,
        %get3A_916 = vector.shape_cast %get3A_915 : vector<1x16xf32> to vector<16xf32>
        %add3A_917 = arith.addf %add3A_873, %get3A_916 : vector<16xf32>
        %get3A_918 = arith.index_cast %add3A_887 : i32 to index
        %get3A_919 = arith.constant 96 : index
        %get3A_920 = tpu.vector_load %arg8[%get3A_918, %get3A_919] {strides = array<i32>} : memref<200x128xf32, #tpu.memory_space<vmem>>, vector<1x16xf32>,
        %get3A_921 = vector.shape_cast %get3A_920 : vector<1x16xf32> to vector<16xf32>
        %add3A_922 = arith.addf %add3A_878, %get3A_921 : vector<16xf32>
        %get3A_923 = arith.index_cast %add3A_887 : i32 to index
        %get3A_924 = arith.constant 112 : index
        %get3A_925 = tpu.vector_load %arg8[%get3A_923, %get3A_924] {strides = array<i32>} : memref<200x128xf32, #tpu.memory_space<vmem>>, vector<1x16xf32>,
        %get3A_926 = vector.shape_cast %get3A_925 : vector<1x16xf32> to vector<16xf32>
        %add3A_927 = arith.addf %add3A_883, %get3A_926 : vector<16xf32>
        %mul3A_928 = arith.constant 10 : i32
        %mul3A_929 = arith.muli %scan3A_568, %mul3A_928 : i32
        %add3A_930 = arith.constant 8 : i32
        %add3A_931 = arith.addi %mul3A_929, %add3A_930 : i32
        %get3A_932 = arith.index_cast %add3A_931 : i32 to index
        %get3A_933 = arith.constant 0 : index
        %get3A_934 = tpu.vector_load %arg8[%get3A_932, %get3A_933] {strides = array<i32>} : memref<200x128xf32, #tpu.memory_space<vmem>>, vector<1x16xf32>,
        %get3A_935 = vector.shape_cast %get3A_934 : vector<1x16xf32> to vector<16xf32>
        %add3A_936 = arith.addf %add3A_892, %get3A_935 : vector<16xf32>
        %get3A_937 = arith.index_cast %add3A_931 : i32 to index
        %get3A_938 = arith.constant 16 : index
        %get3A_939 = tpu.vector_load %arg8[%get3A_937, %get3A_938] {strides = array<i32>} : memref<200x128xf32, #tpu.memory_space<vmem>>, vector<1x16xf32>,
        %get3A_940 = vector.shape_cast %get3A_939 : vector<1x16xf32> to vector<16xf32>
        %add3A_941 = arith.addf %add3A_897, %get3A_940 : vector<16xf32>
        %get3A_942 = arith.index_cast %add3A_931 : i32 to index
        %get3A_943 = arith.constant 32 : index
        %get3A_944 = tpu.vector_load %arg8[%get3A_942, %get3A_943] {strides = array<i32>} : memref<200x128xf32, #tpu.memory_space<vmem>>, vector<1x16xf32>,
        %get3A_945 = vector.shape_cast %get3A_944 : vector<1x16xf32> to vector<16xf32>
        %add3A_946 = arith.addf %add3A_902, %get3A_945 : vector<16xf32>
        %get3A_947 = arith.index_cast %add3A_931 : i32 to index
        %get3A_948 = arith.constant 48 : index
        %get3A_949 = tpu.vector_load %arg8[%get3A_947, %get3A_948] {strides = array<i32>} : memref<200x128xf32, #tpu.memory_space<vmem>>, vector<1x16xf32>,
        %get3A_950 = vector.shape_cast %get3A_949 : vector<1x16xf32> to vector<16xf32>
        %add3A_951 = arith.addf %add3A_907, %get3A_950 : vector<16xf32>
        %get3A_952 = arith.index_cast %add3A_931 : i32 to index
        %get3A_953 = arith.constant 64 : index
        %get3A_954 = tpu.vector_load %arg8[%get3A_952, %get3A_953] {strides = array<i32>} : memref<200x128xf32, #tpu.memory_space<vmem>>, vector<1x16xf32>,
        %get3A_955 = vector.shape_cast %get3A_954 : vector<1x16xf32> to vector<16xf32>
        %add3A_956 = arith.addf %add3A_912, %get3A_955 : vector<16xf32>
        %get3A_957 = arith.index_cast %add3A_931 : i32 to index
        %get3A_958 = arith.constant 80 : index
        %get3A_959 = tpu.vector_load %arg8[%get3A_957, %get3A_958] {strides = array<i32>} : memref<200x128xf32, #tpu.memory_space<vmem>>, vector<1x16xf32>,
        %get3A_960 = vector.shape_cast %get3A_959 : vector<1x16xf32> to vector<16xf32>
        %add3A_961 = arith.addf %add3A_917, %get3A_960 : vector<16xf32>
        %get3A_962 = arith.index_cast %add3A_931 : i32 to index
        %get3A_963 = arith.constant 96 : index
        %get3A_964 = tpu.vector_load %arg8[%get3A_962, %get3A_963] {strides = array<i32>} : memref<200x128xf32, #tpu.memory_space<vmem>>, vector<1x16xf32>,
        %get3A_965 = vector.shape_cast %get3A_964 : vector<1x16xf32> to vector<16xf32>
        %add3A_966 = arith.addf %add3A_922, %get3A_965 : vector<16xf32>
        %get3A_967 = arith.index_cast %add3A_931 : i32 to index
        %get3A_968 = arith.constant 112 : index
        %get3A_969 = tpu.vector_load %arg8[%get3A_967, %get3A_968] {strides = array<i32>} : memref<200x128xf32, #tpu.memory_space<vmem>>, vector<1x16xf32>,
        %get3A_970 = vector.shape_cast %get3A_969 : vector<1x16xf32> to vector<16xf32>
        %add3A_971 = arith.addf %add3A_927, %get3A_970 : vector<16xf32>
        %mul3A_972 = arith.constant 10 : i32
        %mul3A_973 = arith.muli %scan3A_568, %mul3A_972 : i32
        %add3A_974 = arith.constant 9 : i32
        %add3A_975 = arith.addi %mul3A_973, %add3A_974 : i32
        %get3A_976 = arith.index_cast %add3A_975 : i32 to index
        %get3A_977 = arith.constant 0 : index
        %get3A_978 = tpu.vector_load %arg8[%get3A_976, %get3A_977] {strides = array<i32>} : memref<200x128xf32, #tpu.memory_space<vmem>>, vector<1x16xf32>,
        %get3A_979 = vector.shape_cast %get3A_978 : vector<1x16xf32> to vector<16xf32>
        %add3A_980 = arith.addf %add3A_936, %get3A_979 : vector<16xf32>
        %get3A_981 = arith.index_cast %add3A_975 : i32 to index
        %get3A_982 = arith.constant 16 : index
        %get3A_983 = tpu.vector_load %arg8[%get3A_981, %get3A_982] {strides = array<i32>} : memref<200x128xf32, #tpu.memory_space<vmem>>, vector<1x16xf32>,
        %get3A_984 = vector.shape_cast %get3A_983 : vector<1x16xf32> to vector<16xf32>
        %add3A_985 = arith.addf %add3A_941, %get3A_984 : vector<16xf32>
        %get3A_986 = arith.index_cast %add3A_975 : i32 to index
        %get3A_987 = arith.constant 32 : index
        %get3A_988 = tpu.vector_load %arg8[%get3A_986, %get3A_987] {strides = array<i32>} : memref<200x128xf32, #tpu.memory_space<vmem>>, vector<1x16xf32>,
        %get3A_989 = vector.shape_cast %get3A_988 : vector<1x16xf32> to vector<16xf32>
        %add3A_990 = arith.addf %add3A_946, %get3A_989 : vector<16xf32>
        %get3A_991 = arith.index_cast %add3A_975 : i32 to index
        %get3A_992 = arith.constant 48 : index
        %get3A_993 = tpu.vector_load %arg8[%get3A_991, %get3A_992] {strides = array<i32>} : memref<200x128xf32, #tpu.memory_space<vmem>>, vector<1x16xf32>,
        %get3A_994 = vector.shape_cast %get3A_993 : vector<1x16xf32> to vector<16xf32>
        %add3A_995 = arith.addf %add3A_951, %get3A_994 : vector<16xf32>
        %get3A_996 = arith.index_cast %add3A_975 : i32 to index
        %get3A_997 = arith.constant 64 : index
        %get3A_998 = tpu.vector_load %arg8[%get3A_996, %get3A_997] {strides = array<i32>} : memref<200x128xf32, #tpu.memory_space<vmem>>, vector<1x16xf32>,
        %get3A_999 = vector.shape_cast %get3A_998 : vector<1x16xf32> to vector<16xf32>
        %add3A_1000 = arith.addf %add3A_956, %get3A_999 : vector<16xf32>
        %get3A_1001 = arith.index_cast %add3A_975 : i32 to index
        %get3A_1002 = arith.constant 80 : index
        %get3A_1003 = tpu.vector_load %arg8[%get3A_1001, %get3A_1002] {strides = array<i32>} : memref<200x128xf32, #tpu.memory_space<vmem>>, vector<1x16xf32>,
        %get3A_1004 = vector.shape_cast %get3A_1003 : vector<1x16xf32> to vector<16xf32>
        %add3A_1005 = arith.addf %add3A_961, %get3A_1004 : vector<16xf32>
        %get3A_1006 = arith.index_cast %add3A_975 : i32 to index
        %get3A_1007 = arith.constant 96 : index
        %get3A_1008 = tpu.vector_load %arg8[%get3A_1006, %get3A_1007] {strides = array<i32>} : memref<200x128xf32, #tpu.memory_space<vmem>>, vector<1x16xf32>,
        %get3A_1009 = vector.shape_cast %get3A_1008 : vector<1x16xf32> to vector<16xf32>
        %add3A_1010 = arith.addf %add3A_966, %get3A_1009 : vector<16xf32>
        %get3A_1011 = arith.index_cast %add3A_975 : i32 to index
        %get3A_1012 = arith.constant 112 : index
        %get3A_1013 = tpu.vector_load %arg8[%get3A_1011, %get3A_1012] {strides = array<i32>} : memref<200x128xf32, #tpu.memory_space<vmem>>, vector<1x16xf32>,
        %get3A_1014 = vector.shape_cast %get3A_1013 : vector<1x16xf32> to vector<16xf32>
        %add3A_1015 = arith.addf %add3A_971, %get3A_1014 : vector<16xf32>
        scf.yield %add3A_980, %add3A_985, %add3A_990, %add3A_995, %add3A_1000, %add3A_1005, %add3A_1010, %add3A_1015 : vector<16xf32>, vector<16xf32>, vector<16xf32>, vector<16xf32>, vector<16xf32>, vector<16xf32>, vector<16xf32>, vector<16xf32>
      }
      %scan3A_527 = arith.constant 20 : i32
      %swap3A_528 = arith.index_cast %add3A_453 : i32 to index
      %swap3A_529 = arith.constant 0 : index
      %swap3A_530 = tpu.vector_load %arg9[%swap3A_528, %swap3A_529] {strides = array<i32>} : memref<128x128xf32, #tpu.memory_space<vmem>>, vector<1x16xf32>,
      %swap3A_531 = vector.shape_cast %swap3A_530 : vector<1x16xf32> to vector<16xf32>
      %swap3A_532 = vector.shape_cast %scan3A_526#0 : vector<16xf32> to vector<1x16xf32>
      tpu.vector_store %arg9[%swap3A_528, %swap3A_529], %swap3A_532 {strides = array<i32>} : memref<128x128xf32, #tpu.memory_space<vmem>>, vector<1x16xf32>,
      %swap3A_533 = arith.index_cast %add3A_453 : i32 to index
      %swap3A_534 = arith.constant 16 : index
      %swap3A_535 = tpu.vector_load %arg9[%swap3A_533, %swap3A_534] {strides = array<i32>} : memref<128x128xf32, #tpu.memory_space<vmem>>, vector<1x16xf32>,
      %swap3A_536 = vector.shape_cast %swap3A_535 : vector<1x16xf32> to vector<16xf32>
      %swap3A_537 = vector.shape_cast %scan3A_526#1 : vector<16xf32> to vector<1x16xf32>
      tpu.vector_store %arg9[%swap3A_533, %swap3A_534], %swap3A_537 {strides = array<i32>} : memref<128x128xf32, #tpu.memory_space<vmem>>, vector<1x16xf32>,
      %swap3A_538 = arith.index_cast %add3A_453 : i32 to index
      %swap3A_539 = arith.constant 32 : index
      %swap3A_540 = tpu.vector_load %arg9[%swap3A_538, %swap3A_539] {strides = array<i32>} : memref<128x128xf32, #tpu.memory_space<vmem>>, vector<1x16xf32>,
      %swap3A_541 = vector.shape_cast %swap3A_540 : vector<1x16xf32> to vector<16xf32>
      %swap3A_542 = vector.shape_cast %scan3A_526#2 : vector<16xf32> to vector<1x16xf32>
      tpu.vector_store %arg9[%swap3A_538, %swap3A_539], %swap3A_542 {strides = array<i32>} : memref<128x128xf32, #tpu.memory_space<vmem>>, vector<1x16xf32>,
      %swap3A_543 = arith.index_cast %add3A_453 : i32 to index
      %swap3A_544 = arith.constant 48 : index
      %swap3A_545 = tpu.vector_load %arg9[%swap3A_543, %swap3A_544] {strides = array<i32>} : memref<128x128xf32, #tpu.memory_space<vmem>>, vector<1x16xf32>,
      %swap3A_546 = vector.shape_cast %swap3A_545 : vector<1x16xf32> to vector<16xf32>
      %swap3A_547 = vector.shape_cast %scan3A_526#3 : vector<16xf32> to vector<1x16xf32>
      tpu.vector_store %arg9[%swap3A_543, %swap3A_544], %swap3A_547 {strides = array<i32>} : memref<128x128xf32, #tpu.memory_space<vmem>>, vector<1x16xf32>,
      %swap3A_548 = arith.index_cast %add3A_453 : i32 to index
      %swap3A_549 = arith.constant 64 : index
      %swap3A_550 = tpu.vector_load %arg9[%swap3A_548, %swap3A_549] {strides = array<i32>} : memref<128x128xf32, #tpu.memory_space<vmem>>, vector<1x16xf32>,
      %swap3A_551 = vector.shape_cast %swap3A_550 : vector<1x16xf32> to vector<16xf32>
      %swap3A_552 = vector.shape_cast %scan3A_526#4 : vector<16xf32> to vector<1x16xf32>
      tpu.vector_store %arg9[%swap3A_548, %swap3A_549], %swap3A_552 {strides = array<i32>} : memref<128x128xf32, #tpu.memory_space<vmem>>, vector<1x16xf32>,
      %swap3A_553 = arith.index_cast %add3A_453 : i32 to index
      %swap3A_554 = arith.constant 80 : index
      %swap3A_555 = tpu.vector_load %arg9[%swap3A_553, %swap3A_554] {strides = array<i32>} : memref<128x128xf32, #tpu.memory_space<vmem>>, vector<1x16xf32>,
      %swap3A_556 = vector.shape_cast %swap3A_555 : vector<1x16xf32> to vector<16xf32>
      %swap3A_557 = vector.shape_cast %scan3A_526#5 : vector<16xf32> to vector<1x16xf32>
      tpu.vector_store %arg9[%swap3A_553, %swap3A_554], %swap3A_557 {strides = array<i32>} : memref<128x128xf32, #tpu.memory_space<vmem>>, vector<1x16xf32>,
      %swap3A_558 = arith.index_cast %add3A_453 : i32 to index
      %swap3A_559 = arith.constant 96 : index
      %swap3A_560 = tpu.vector_load %arg9[%swap3A_558, %swap3A_559] {strides = array<i32>} : memref<128x128xf32, #tpu.memory_space<vmem>>, vector<1x16xf32>,
      %swap3A_561 = vector.shape_cast %swap3A_560 : vector<1x16xf32> to vector<16xf32>
      %swap3A_562 = vector.shape_cast %scan3A_526#6 : vector<16xf32> to vector<1x16xf32>
      tpu.vector_store %arg9[%swap3A_558, %swap3A_559], %swap3A_562 {strides = array<i32>} : memref<128x128xf32, #tpu.memory_space<vmem>>, vector<1x16xf32>,
      %swap3A_563 = arith.index_cast %add3A_453 : i32 to index
      %swap3A_564 = arith.constant 112 : index
      %swap3A_565 = tpu.vector_load %arg9[%swap3A_563, %swap3A_564] {strides = array<i32>} : memref<128x128xf32, #tpu.memory_space<vmem>>, vector<1x16xf32>,
      %swap3A_566 = vector.shape_cast %swap3A_565 : vector<1x16xf32> to vector<16xf32>
      %swap3A_567 = vector.shape_cast %scan3A_526#7 : vector<16xf32> to vector<1x16xf32>
      tpu.vector_store %arg9[%swap3A_563, %swap3A_564], %swap3A_567 {strides = array<i32>} : memref<128x128xf32, #tpu.memory_space<vmem>>, vector<1x16xf32>,
    }
    %scan3A_42 = arith.constant 42 : i32
    %multiple_of3A_43 = arith.constant 25200 : i32
    %multiple_of3A_44 = tpu.assume_multiple %multiple_of3A_43, 8 : i32
    %dma_wait3A = arith.constant 0 : i32
    %dma_wait3A_45 = arith.constant 0 : i32
    %dma_wait3A_46 = tpu.memref_slice %arg6[%dma_wait3A, %dma_wait3A_45] : memref<200x128xf32, #tpu.memory_space<vmem>> -> memref<104x128xf32, #tpu.memory_space<vmem>>
    %dma_wait3A_47 = tpu.memref_slice %arg5[%multiple_of3A_44] : memref<25600xi32, #tpu.memory_space<vmem>> -> memref<104xi32, #tpu.memory_space<vmem>>
    %dma_wait3A_48 = arith.constant 0 : i32
    %dma_wait3A_49 = arith.constant 0 : i32
    %dma_wait3A_50 = tpu.memref_slice %arg2[%dma_wait3A_48, %dma_wait3A_49] : memref<100000x128xf32, #tpu.memory_space<hbm>> -> memref<100000x128xf32, #tpu.memory_space<hbm>>
    tpu.wait_indirect_dma semaphore(%arg10 : memref<!tpu.dma_semaphore, #tpu.memory_space<semaphore_mem>>) src(%dma_wait3A_50 : memref<100000x128xf32, #tpu.memory_space<hbm>>) dst(%dma_wait3A_46 : memref<104x128xf32, #tpu.memory_space<vmem>>)
    %multiple_of3A_51 = arith.constant 25304 : i32
    %multiple_of3A_52 = tpu.assume_multiple %multiple_of3A_51, 8 : i32
    %dma_wait3A_53 = arith.constant 104 : i32
    %dma_wait3A_54 = arith.constant 0 : i32
    %dma_wait3A_55 = tpu.memref_slice %arg6[%dma_wait3A_53, %dma_wait3A_54] : memref<200x128xf32, #tpu.memory_space<vmem>> -> memref<96x128xf32, #tpu.memory_space<vmem>>
    %dma_wait3A_56 = tpu.memref_slice %arg5[%multiple_of3A_52] : memref<25600xi32, #tpu.memory_space<vmem>> -> memref<96xi32, #tpu.memory_space<vmem>>
    %dma_wait3A_57 = arith.constant 0 : i32
    %dma_wait3A_58 = arith.constant 0 : i32
    %dma_wait3A_59 = tpu.memref_slice %arg2[%dma_wait3A_57, %dma_wait3A_58] : memref<100000x128xf32, #tpu.memory_space<hbm>> -> memref<100000x128xf32, #tpu.memory_space<hbm>>
    tpu.wait_indirect_dma semaphore(%arg10 : memref<!tpu.dma_semaphore, #tpu.memory_space<semaphore_mem>>) src(%dma_wait3A_59 : memref<100000x128xf32, #tpu.memory_space<hbm>>) dst(%dma_wait3A_55 : memref<96x128xf32, #tpu.memory_space<vmem>>)
    %broadcast_in_dim3A = arith.constant 0.000000e+00 : f32
    %broadcast_in_dim3A_60 = vector.broadcast %broadcast_in_dim3A : f32 to vector<16xf32>
    %broadcast_in_dim3A_61 = arith.constant 0.000000e+00 : f32
    %broadcast_in_dim3A_62 = vector.broadcast %broadcast_in_dim3A_61 : f32 to vector<16xf32>
    %broadcast_in_dim3A_63 = arith.constant 0.000000e+00 : f32
    %broadcast_in_dim3A_64 = vector.broadcast %broadcast_in_dim3A_63 : f32 to vector<16xf32>
    %broadcast_in_dim3A_65 = arith.constant 0.000000e+00 : f32
    %broadcast_in_dim3A_66 = vector.broadcast %broadcast_in_dim3A_65 : f32 to vector<16xf32>
    %broadcast_in_dim3A_67 = arith.constant 0.000000e+00 : f32
    %broadcast_in_dim3A_68 = vector.broadcast %broadcast_in_dim3A_67 : f32 to vector<16xf32>
    %broadcast_in_dim3A_69 = arith.constant 0.000000e+00 : f32
    %broadcast_in_dim3A_70 = vector.broadcast %broadcast_in_dim3A_69 : f32 to vector<16xf32>
    %broadcast_in_dim3A_71 = arith.constant 0.000000e+00 : f32
    %broadcast_in_dim3A_72 = vector.broadcast %broadcast_in_dim3A_71 : f32 to vector<16xf32>
    %broadcast_in_dim3A_73 = arith.constant 0.000000e+00 : f32
    %broadcast_in_dim3A_74 = vector.broadcast %broadcast_in_dim3A_73 : f32 to vector<16xf32>
    %scan3A_75 = arith.constant 0 : i32
    %scan3A_76 = arith.constant 20 : i32
    %scan3A_77 = arith.addi %scan3A_75, %scan3A_76 : i32
    %scan3A_78 = arith.constant 1 : i32
    %scan3A_79:8 = scf.for %scan3A_216 = %scan3A_75 to %scan3A_77 step %scan3A_78 iter_args(%scan3A_217 = %broadcast_in_dim3A_60, %scan3A_218 = %broadcast_in_dim3A_62, %scan3A_219 = %broadcast_in_dim3A_64, %scan3A_220 = %broadcast_in_dim3A_66, %scan3A_221 = %broadcast_in_dim3A_68, %scan3A_222 = %broadcast_in_dim3A_70, %scan3A_223 = %broadcast_in_dim3A_72, %scan3A_224 = %broadcast_in_dim3A_74) -> (vector<16xf32>, vector<16xf32>, vector<16xf32>, vector<16xf32>, vector<16xf32>, vector<16xf32>, vector<16xf32>, vector<16xf32>)  : i32 {
      %mul3A_225 = arith.constant 10 : i32
      %mul3A_226 = arith.muli %scan3A_216, %mul3A_225 : i32
      %add3A_227 = arith.constant 0 : i32
      %add3A_228 = arith.addi %mul3A_226, %add3A_227 : i32
      %get3A = arith.index_cast %add3A_228 : i32 to index
      %get3A_229 = arith.constant 0 : index
      %get3A_230 = tpu.vector_load %arg6[%get3A, %get3A_229] {strides = array<i32>} : memref<200x128xf32, #tpu.memory_space<vmem>>, vector<1x16xf32>,
      %get3A_231 = vector.shape_cast %get3A_230 : vector<1x16xf32> to vector<16xf32>
      %add3A_232 = arith.addf %scan3A_217, %get3A_231 : vector<16xf32>
      %get3A_233 = arith.index_cast %add3A_228 : i32 to index
      %get3A_234 = arith.constant 16 : index
      %get3A_235 = tpu.vector_load %arg6[%get3A_233, %get3A_234] {strides = array<i32>} : memref<200x128xf32, #tpu.memory_space<vmem>>, vector<1x16xf32>,
      %get3A_236 = vector.shape_cast %get3A_235 : vector<1x16xf32> to vector<16xf32>
      %add3A_237 = arith.addf %scan3A_218, %get3A_236 : vector<16xf32>
      %get3A_238 = arith.index_cast %add3A_228 : i32 to index
      %get3A_239 = arith.constant 32 : index
      %get3A_240 = tpu.vector_load %arg6[%get3A_238, %get3A_239] {strides = array<i32>} : memref<200x128xf32, #tpu.memory_space<vmem>>, vector<1x16xf32>,
      %get3A_241 = vector.shape_cast %get3A_240 : vector<1x16xf32> to vector<16xf32>
      %add3A_242 = arith.addf %scan3A_219, %get3A_241 : vector<16xf32>
      %get3A_243 = arith.index_cast %add3A_228 : i32 to index
      %get3A_244 = arith.constant 48 : index
      %get3A_245 = tpu.vector_load %arg6[%get3A_243, %get3A_244] {strides = array<i32>} : memref<200x128xf32, #tpu.memory_space<vmem>>, vector<1x16xf32>,
      %get3A_246 = vector.shape_cast %get3A_245 : vector<1x16xf32> to vector<16xf32>
      %add3A_247 = arith.addf %scan3A_220, %get3A_246 : vector<16xf32>
      %get3A_248 = arith.index_cast %add3A_228 : i32 to index
      %get3A_249 = arith.constant 64 : index
      %get3A_250 = tpu.vector_load %arg6[%get3A_248, %get3A_249] {strides = array<i32>} : memref<200x128xf32, #tpu.memory_space<vmem>>, vector<1x16xf32>,
      %get3A_251 = vector.shape_cast %get3A_250 : vector<1x16xf32> to vector<16xf32>
      %add3A_252 = arith.addf %scan3A_221, %get3A_251 : vector<16xf32>
      %get3A_253 = arith.index_cast %add3A_228 : i32 to index
      %get3A_254 = arith.constant 80 : index
      %get3A_255 = tpu.vector_load %arg6[%get3A_253, %get3A_254] {strides = array<i32>} : memref<200x128xf32, #tpu.memory_space<vmem>>, vector<1x16xf32>,
      %get3A_256 = vector.shape_cast %get3A_255 : vector<1x16xf32> to vector<16xf32>
      %add3A_257 = arith.addf %scan3A_222, %get3A_256 : vector<16xf32>
      %get3A_258 = arith.index_cast %add3A_228 : i32 to index
      %get3A_259 = arith.constant 96 : index
      %get3A_260 = tpu.vector_load %arg6[%get3A_258, %get3A_259] {strides = array<i32>} : memref<200x128xf32, #tpu.memory_space<vmem>>, vector<1x16xf32>,
      %get3A_261 = vector.shape_cast %get3A_260 : vector<1x16xf32> to vector<16xf32>
      %add3A_262 = arith.addf %scan3A_223, %get3A_261 : vector<16xf32>
      %get3A_263 = arith.index_cast %add3A_228 : i32 to index
      %get3A_264 = arith.constant 112 : index
      %get3A_265 = tpu.vector_load %arg6[%get3A_263, %get3A_264] {strides = array<i32>} : memref<200x128xf32, #tpu.memory_space<vmem>>, vector<1x16xf32>,
      %get3A_266 = vector.shape_cast %get3A_265 : vector<1x16xf32> to vector<16xf32>
      %add3A_267 = arith.addf %scan3A_224, %get3A_266 : vector<16xf32>
      %mul3A_268 = arith.constant 10 : i32
      %mul3A_269 = arith.muli %scan3A_216, %mul3A_268 : i32
      %add3A_270 = arith.constant 1 : i32
      %add3A_271 = arith.addi %mul3A_269, %add3A_270 : i32
      %get3A_272 = arith.index_cast %add3A_271 : i32 to index
      %get3A_273 = arith.constant 0 : index
      %get3A_274 = tpu.vector_load %arg6[%get3A_272, %get3A_273] {strides = array<i32>} : memref<200x128xf32, #tpu.memory_space<vmem>>, vector<1x16xf32>,
      %get3A_275 = vector.shape_cast %get3A_274 : vector<1x16xf32> to vector<16xf32>
      %add3A_276 = arith.addf %add3A_232, %get3A_275 : vector<16xf32>
      %get3A_277 = arith.index_cast %add3A_271 : i32 to index
      %get3A_278 = arith.constant 16 : index
      %get3A_279 = tpu.vector_load %arg6[%get3A_277, %get3A_278] {strides = array<i32>} : memref<200x128xf32, #tpu.memory_space<vmem>>, vector<1x16xf32>,
      %get3A_280 = vector.shape_cast %get3A_279 : vector<1x16xf32> to vector<16xf32>
      %add3A_281 = arith.addf %add3A_237, %get3A_280 : vector<16xf32>
      %get3A_282 = arith.index_cast %add3A_271 : i32 to index
      %get3A_283 = arith.constant 32 : index
      %get3A_284 = tpu.vector_load %arg6[%get3A_282, %get3A_283] {strides = array<i32>} : memref<200x128xf32, #tpu.memory_space<vmem>>, vector<1x16xf32>,
      %get3A_285 = vector.shape_cast %get3A_284 : vector<1x16xf32> to vector<16xf32>
      %add3A_286 = arith.addf %add3A_242, %get3A_285 : vector<16xf32>
      %get3A_287 = arith.index_cast %add3A_271 : i32 to index
      %get3A_288 = arith.constant 48 : index
      %get3A_289 = tpu.vector_load %arg6[%get3A_287, %get3A_288] {strides = array<i32>} : memref<200x128xf32, #tpu.memory_space<vmem>>, vector<1x16xf32>,
      %get3A_290 = vector.shape_cast %get3A_289 : vector<1x16xf32> to vector<16xf32>
      %add3A_291 = arith.addf %add3A_247, %get3A_290 : vector<16xf32>
      %get3A_292 = arith.index_cast %add3A_271 : i32 to index
      %get3A_293 = arith.constant 64 : index
      %get3A_294 = tpu.vector_load %arg6[%get3A_292, %get3A_293] {strides = array<i32>} : memref<200x128xf32, #tpu.memory_space<vmem>>, vector<1x16xf32>,
      %get3A_295 = vector.shape_cast %get3A_294 : vector<1x16xf32> to vector<16xf32>
      %add3A_296 = arith.addf %add3A_252, %get3A_295 : vector<16xf32>
      %get3A_297 = arith.index_cast %add3A_271 : i32 to index
      %get3A_298 = arith.constant 80 : index
      %get3A_299 = tpu.vector_load %arg6[%get3A_297, %get3A_298] {strides = array<i32>} : memref<200x128xf32, #tpu.memory_space<vmem>>, vector<1x16xf32>,
      %get3A_300 = vector.shape_cast %get3A_299 : vector<1x16xf32> to vector<16xf32>
      %add3A_301 = arith.addf %add3A_257, %get3A_300 : vector<16xf32>
      %get3A_302 = arith.index_cast %add3A_271 : i32 to index
      %get3A_303 = arith.constant 96 : index
      %get3A_304 = tpu.vector_load %arg6[%get3A_302, %get3A_303] {strides = array<i32>} : memref<200x128xf32, #tpu.memory_space<vmem>>, vector<1x16xf32>,
      %get3A_305 = vector.shape_cast %get3A_304 : vector<1x16xf32> to vector<16xf32>
      %add3A_306 = arith.addf %add3A_262, %get3A_305 : vector<16xf32>
      %get3A_307 = arith.index_cast %add3A_271 : i32 to index
      %get3A_308 = arith.constant 112 : index
      %get3A_309 = tpu.vector_load %arg6[%get3A_307, %get3A_308] {strides = array<i32>} : memref<200x128xf32, #tpu.memory_space<vmem>>, vector<1x16xf32>,
      %get3A_310 = vector.shape_cast %get3A_309 : vector<1x16xf32> to vector<16xf32>
      %add3A_311 = arith.addf %add3A_267, %get3A_310 : vector<16xf32>
      %mul3A_312 = arith.constant 10 : i32
      %mul3A_313 = arith.muli %scan3A_216, %mul3A_312 : i32
      %add3A_314 = arith.constant 2 : i32
      %add3A_315 = arith.addi %mul3A_313, %add3A_314 : i32
      %get3A_316 = arith.index_cast %add3A_315 : i32 to index
      %get3A_317 = arith.constant 0 : index
      %get3A_318 = tpu.vector_load %arg6[%get3A_316, %get3A_317] {strides = array<i32>} : memref<200x128xf32, #tpu.memory_space<vmem>>, vector<1x16xf32>,
      %get3A_319 = vector.shape_cast %get3A_318 : vector<1x16xf32> to vector<16xf32>
      %add3A_320 = arith.addf %add3A_276, %get3A_319 : vector<16xf32>
      %get3A_321 = arith.index_cast %add3A_315 : i32 to index
      %get3A_322 = arith.constant 16 : index
      %get3A_323 = tpu.vector_load %arg6[%get3A_321, %get3A_322] {strides = array<i32>} : memref<200x128xf32, #tpu.memory_space<vmem>>, vector<1x16xf32>,
      %get3A_324 = vector.shape_cast %get3A_323 : vector<1x16xf32> to vector<16xf32>
      %add3A_325 = arith.addf %add3A_281, %get3A_324 : vector<16xf32>
      %get3A_326 = arith.index_cast %add3A_315 : i32 to index
      %get3A_327 = arith.constant 32 : index
      %get3A_328 = tpu.vector_load %arg6[%get3A_326, %get3A_327] {strides = array<i32>} : memref<200x128xf32, #tpu.memory_space<vmem>>, vector<1x16xf32>,
      %get3A_329 = vector.shape_cast %get3A_328 : vector<1x16xf32> to vector<16xf32>
      %add3A_330 = arith.addf %add3A_286, %get3A_329 : vector<16xf32>
      %get3A_331 = arith.index_cast %add3A_315 : i32 to index
      %get3A_332 = arith.constant 48 : index
      %get3A_333 = tpu.vector_load %arg6[%get3A_331, %get3A_332] {strides = array<i32>} : memref<200x128xf32, #tpu.memory_space<vmem>>, vector<1x16xf32>,
      %get3A_334 = vector.shape_cast %get3A_333 : vector<1x16xf32> to vector<16xf32>
      %add3A_335 = arith.addf %add3A_291, %get3A_334 : vector<16xf32>
      %get3A_336 = arith.index_cast %add3A_315 : i32 to index
      %get3A_337 = arith.constant 64 : index
      %get3A_338 = tpu.vector_load %arg6[%get3A_336, %get3A_337] {strides = array<i32>} : memref<200x128xf32, #tpu.memory_space<vmem>>, vector<1x16xf32>,
      %get3A_339 = vector.shape_cast %get3A_338 : vector<1x16xf32> to vector<16xf32>
      %add3A_340 = arith.addf %add3A_296, %get3A_339 : vector<16xf32>
      %get3A_341 = arith.index_cast %add3A_315 : i32 to index
      %get3A_342 = arith.constant 80 : index
      %get3A_343 = tpu.vector_load %arg6[%get3A_341, %get3A_342] {strides = array<i32>} : memref<200x128xf32, #tpu.memory_space<vmem>>, vector<1x16xf32>,
      %get3A_344 = vector.shape_cast %get3A_343 : vector<1x16xf32> to vector<16xf32>
      %add3A_345 = arith.addf %add3A_301, %get3A_344 : vector<16xf32>
      %get3A_346 = arith.index_cast %add3A_315 : i32 to index
      %get3A_347 = arith.constant 96 : index
      %get3A_348 = tpu.vector_load %arg6[%get3A_346, %get3A_347] {strides = array<i32>} : memref<200x128xf32, #tpu.memory_space<vmem>>, vector<1x16xf32>,
      %get3A_349 = vector.shape_cast %get3A_348 : vector<1x16xf32> to vector<16xf32>
      %add3A_350 = arith.addf %add3A_306, %get3A_349 : vector<16xf32>
      %get3A_351 = arith.index_cast %add3A_315 : i32 to index
      %get3A_352 = arith.constant 112 : index
      %get3A_353 = tpu.vector_load %arg6[%get3A_351, %get3A_352] {strides = array<i32>} : memref<200x128xf32, #tpu.memory_space<vmem>>, vector<1x16xf32>,
      %get3A_354 = vector.shape_cast %get3A_353 : vector<1x16xf32> to vector<16xf32>
      %add3A_355 = arith.addf %add3A_311, %get3A_354 : vector<16xf32>
      %mul3A_356 = arith.constant 10 : i32
      %mul3A_357 = arith.muli %scan3A_216, %mul3A_356 : i32
      %add3A_358 = arith.constant 3 : i32
      %add3A_359 = arith.addi %mul3A_357, %add3A_358 : i32
      %get3A_360 = arith.index_cast %add3A_359 : i32 to index
      %get3A_361 = arith.constant 0 : index
      %get3A_362 = tpu.vector_load %arg6[%get3A_360, %get3A_361] {strides = array<i32>} : memref<200x128xf32, #tpu.memory_space<vmem>>, vector<1x16xf32>,
      %get3A_363 = vector.shape_cast %get3A_362 : vector<1x16xf32> to vector<16xf32>
      %add3A_364 = arith.addf %add3A_320, %get3A_363 : vector<16xf32>
      %get3A_365 = arith.index_cast %add3A_359 : i32 to index
      %get3A_366 = arith.constant 16 : index
      %get3A_367 = tpu.vector_load %arg6[%get3A_365, %get3A_366] {strides = array<i32>} : memref<200x128xf32, #tpu.memory_space<vmem>>, vector<1x16xf32>,
      %get3A_368 = vector.shape_cast %get3A_367 : vector<1x16xf32> to vector<16xf32>
      %add3A_369 = arith.addf %add3A_325, %get3A_368 : vector<16xf32>
      %get3A_370 = arith.index_cast %add3A_359 : i32 to index
      %get3A_371 = arith.constant 32 : index
      %get3A_372 = tpu.vector_load %arg6[%get3A_370, %get3A_371] {strides = array<i32>} : memref<200x128xf32, #tpu.memory_space<vmem>>, vector<1x16xf32>,
      %get3A_373 = vector.shape_cast %get3A_372 : vector<1x16xf32> to vector<16xf32>
      %add3A_374 = arith.addf %add3A_330, %get3A_373 : vector<16xf32>
      %get3A_375 = arith.index_cast %add3A_359 : i32 to index
      %get3A_376 = arith.constant 48 : index
      %get3A_377 = tpu.vector_load %arg6[%get3A_375, %get3A_376] {strides = array<i32>} : memref<200x128xf32, #tpu.memory_space<vmem>>, vector<1x16xf32>,
      %get3A_378 = vector.shape_cast %get3A_377 : vector<1x16xf32> to vector<16xf32>
      %add3A_379 = arith.addf %add3A_335, %get3A_378 : vector<16xf32>
      %get3A_380 = arith.index_cast %add3A_359 : i32 to index
      %get3A_381 = arith.constant 64 : index
      %get3A_382 = tpu.vector_load %arg6[%get3A_380, %get3A_381] {strides = array<i32>} : memref<200x128xf32, #tpu.memory_space<vmem>>, vector<1x16xf32>,
      %get3A_383 = vector.shape_cast %get3A_382 : vector<1x16xf32> to vector<16xf32>
      %add3A_384 = arith.addf %add3A_340, %get3A_383 : vector<16xf32>
      %get3A_385 = arith.index_cast %add3A_359 : i32 to index
      %get3A_386 = arith.constant 80 : index
      %get3A_387 = tpu.vector_load %arg6[%get3A_385, %get3A_386] {strides = array<i32>} : memref<200x128xf32, #tpu.memory_space<vmem>>, vector<1x16xf32>,
      %get3A_388 = vector.shape_cast %get3A_387 : vector<1x16xf32> to vector<16xf32>
      %add3A_389 = arith.addf %add3A_345, %get3A_388 : vector<16xf32>
      %get3A_390 = arith.index_cast %add3A_359 : i32 to index
      %get3A_391 = arith.constant 96 : index
      %get3A_392 = tpu.vector_load %arg6[%get3A_390, %get3A_391] {strides = array<i32>} : memref<200x128xf32, #tpu.memory_space<vmem>>, vector<1x16xf32>,
      %get3A_393 = vector.shape_cast %get3A_392 : vector<1x16xf32> to vector<16xf32>
      %add3A_394 = arith.addf %add3A_350, %get3A_393 : vector<16xf32>
      %get3A_395 = arith.index_cast %add3A_359 : i32 to index
      %get3A_396 = arith.constant 112 : index
      %get3A_397 = tpu.vector_load %arg6[%get3A_395, %get3A_396] {strides = array<i32>} : memref<200x128xf32, #tpu.memory_space<vmem>>, vector<1x16xf32>,
      %get3A_398 = vector.shape_cast %get3A_397 : vector<1x16xf32> to vector<16xf32>
      %add3A_399 = arith.addf %add3A_355, %get3A_398 : vector<16xf32>
      %mul3A_400 = arith.constant 10 : i32
      %mul3A_401 = arith.muli %scan3A_216, %mul3A_400 : i32
      %add3A_402 = arith.constant 4 : i32
      %add3A_403 = arith.addi %mul3A_401, %add3A_402 : i32
      %get3A_404 = arith.index_cast %add3A_403 : i32 to index
      %get3A_405 = arith.constant 0 : index
      %get3A_406 = tpu.vector_load %arg6[%get3A_404, %get3A_405] {strides = array<i32>} : memref<200x128xf32, #tpu.memory_space<vmem>>, vector<1x16xf32>,
      %get3A_407 = vector.shape_cast %get3A_406 : vector<1x16xf32> to vector<16xf32>
      %add3A_408 = arith.addf %add3A_364, %get3A_407 : vector<16xf32>
      %get3A_409 = arith.index_cast %add3A_403 : i32 to index
      %get3A_410 = arith.constant 16 : index
      %get3A_411 = tpu.vector_load %arg6[%get3A_409, %get3A_410] {strides = array<i32>} : memref<200x128xf32, #tpu.memory_space<vmem>>, vector<1x16xf32>,
      %get3A_412 = vector.shape_cast %get3A_411 : vector<1x16xf32> to vector<16xf32>
      %add3A_413 = arith.addf %add3A_369, %get3A_412 : vector<16xf32>
      %get3A_414 = arith.index_cast %add3A_403 : i32 to index
      %get3A_415 = arith.constant 32 : index
      %get3A_416 = tpu.vector_load %arg6[%get3A_414, %get3A_415] {strides = array<i32>} : memref<200x128xf32, #tpu.memory_space<vmem>>, vector<1x16xf32>,
      %get3A_417 = vector.shape_cast %get3A_416 : vector<1x16xf32> to vector<16xf32>
      %add3A_418 = arith.addf %add3A_374, %get3A_417 : vector<16xf32>
      %get3A_419 = arith.index_cast %add3A_403 : i32 to index
      %get3A_420 = arith.constant 48 : index
      %get3A_421 = tpu.vector_load %arg6[%get3A_419, %get3A_420] {strides = array<i32>} : memref<200x128xf32, #tpu.memory_space<vmem>>, vector<1x16xf32>,
      %get3A_422 = vector.shape_cast %get3A_421 : vector<1x16xf32> to vector<16xf32>
      %add3A_423 = arith.addf %add3A_379, %get3A_422 : vector<16xf32>
      %get3A_424 = arith.index_cast %add3A_403 : i32 to index
      %get3A_425 = arith.constant 64 : index
      %get3A_426 = tpu.vector_load %arg6[%get3A_424, %get3A_425] {strides = array<i32>} : memref<200x128xf32, #tpu.memory_space<vmem>>, vector<1x16xf32>,
      %get3A_427 = vector.shape_cast %get3A_426 : vector<1x16xf32> to vector<16xf32>
      %add3A_428 = arith.addf %add3A_384, %get3A_427 : vector<16xf32>
      %get3A_429 = arith.index_cast %add3A_403 : i32 to index
      %get3A_430 = arith.constant 80 : index
      %get3A_431 = tpu.vector_load %arg6[%get3A_429, %get3A_430] {strides = array<i32>} : memref<200x128xf32, #tpu.memory_space<vmem>>, vector<1x16xf32>,
      %get3A_432 = vector.shape_cast %get3A_431 : vector<1x16xf32> to vector<16xf32>
      %add3A_433 = arith.addf %add3A_389, %get3A_432 : vector<16xf32>
      %get3A_434 = arith.index_cast %add3A_403 : i32 to index
      %get3A_435 = arith.constant 96 : index
      %get3A_436 = tpu.vector_load %arg6[%get3A_434, %get3A_435] {strides = array<i32>} : memref<200x128xf32, #tpu.memory_space<vmem>>, vector<1x16xf32>,
      %get3A_437 = vector.shape_cast %get3A_436 : vector<1x16xf32> to vector<16xf32>
      %add3A_438 = arith.addf %add3A_394, %get3A_437 : vector<16xf32>
      %get3A_439 = arith.index_cast %add3A_403 : i32 to index
      %get3A_440 = arith.constant 112 : index
      %get3A_441 = tpu.vector_load %arg6[%get3A_439, %get3A_440] {strides = array<i32>} : memref<200x128xf32, #tpu.memory_space<vmem>>, vector<1x16xf32>,
      %get3A_442 = vector.shape_cast %get3A_441 : vector<1x16xf32> to vector<16xf32>
      %add3A_443 = arith.addf %add3A_399, %get3A_442 : vector<16xf32>
      %mul3A_444 = arith.constant 10 : i32
      %mul3A_445 = arith.muli %scan3A_216, %mul3A_444 : i32
      %add3A_446 = arith.constant 5 : i32
      %add3A_447 = arith.addi %mul3A_445, %add3A_446 : i32
      %get3A_448 = arith.index_cast %add3A_447 : i32 to index
      %get3A_449 = arith.constant 0 : index
      %get3A_450 = tpu.vector_load %arg6[%get3A_448, %get3A_449] {strides = array<i32>} : memref<200x128xf32, #tpu.memory_space<vmem>>, vector<1x16xf32>,
      %get3A_451 = vector.shape_cast %get3A_450 : vector<1x16xf32> to vector<16xf32>
      %add3A_452 = arith.addf %add3A_408, %get3A_451 : vector<16xf32>
      %get3A_453 = arith.index_cast %add3A_447 : i32 to index
      %get3A_454 = arith.constant 16 : index
      %get3A_455 = tpu.vector_load %arg6[%get3A_453, %get3A_454] {strides = array<i32>} : memref<200x128xf32, #tpu.memory_space<vmem>>, vector<1x16xf32>,
      %get3A_456 = vector.shape_cast %get3A_455 : vector<1x16xf32> to vector<16xf32>
      %add3A_457 = arith.addf %add3A_413, %get3A_456 : vector<16xf32>
      %get3A_458 = arith.index_cast %add3A_447 : i32 to index
      %get3A_459 = arith.constant 32 : index
      %get3A_460 = tpu.vector_load %arg6[%get3A_458, %get3A_459] {strides = array<i32>} : memref<200x128xf32, #tpu.memory_space<vmem>>, vector<1x16xf32>,
      %get3A_461 = vector.shape_cast %get3A_460 : vector<1x16xf32> to vector<16xf32>
      %add3A_462 = arith.addf %add3A_418, %get3A_461 : vector<16xf32>
      %get3A_463 = arith.index_cast %add3A_447 : i32 to index
      %get3A_464 = arith.constant 48 : index
      %get3A_465 = tpu.vector_load %arg6[%get3A_463, %get3A_464] {strides = array<i32>} : memref<200x128xf32, #tpu.memory_space<vmem>>, vector<1x16xf32>,
      %get3A_466 = vector.shape_cast %get3A_465 : vector<1x16xf32> to vector<16xf32>
      %add3A_467 = arith.addf %add3A_423, %get3A_466 : vector<16xf32>
      %get3A_468 = arith.index_cast %add3A_447 : i32 to index
      %get3A_469 = arith.constant 64 : index
      %get3A_470 = tpu.vector_load %arg6[%get3A_468, %get3A_469] {strides = array<i32>} : memref<200x128xf32, #tpu.memory_space<vmem>>, vector<1x16xf32>,
      %get3A_471 = vector.shape_cast %get3A_470 : vector<1x16xf32> to vector<16xf32>
      %add3A_472 = arith.addf %add3A_428, %get3A_471 : vector<16xf32>
      %get3A_473 = arith.index_cast %add3A_447 : i32 to index
      %get3A_474 = arith.constant 80 : index
      %get3A_475 = tpu.vector_load %arg6[%get3A_473, %get3A_474] {strides = array<i32>} : memref<200x128xf32, #tpu.memory_space<vmem>>, vector<1x16xf32>,
      %get3A_476 = vector.shape_cast %get3A_475 : vector<1x16xf32> to vector<16xf32>
      %add3A_477 = arith.addf %add3A_433, %get3A_476 : vector<16xf32>
      %get3A_478 = arith.index_cast %add3A_447 : i32 to index
      %get3A_479 = arith.constant 96 : index
      %get3A_480 = tpu.vector_load %arg6[%get3A_478, %get3A_479] {strides = array<i32>} : memref<200x128xf32, #tpu.memory_space<vmem>>, vector<1x16xf32>,
      %get3A_481 = vector.shape_cast %get3A_480 : vector<1x16xf32> to vector<16xf32>
      %add3A_482 = arith.addf %add3A_438, %get3A_481 : vector<16xf32>
      %get3A_483 = arith.index_cast %add3A_447 : i32 to index
      %get3A_484 = arith.constant 112 : index
      %get3A_485 = tpu.vector_load %arg6[%get3A_483, %get3A_484] {strides = array<i32>} : memref<200x128xf32, #tpu.memory_space<vmem>>, vector<1x16xf32>,
      %get3A_486 = vector.shape_cast %get3A_485 : vector<1x16xf32> to vector<16xf32>
      %add3A_487 = arith.addf %add3A_443, %get3A_486 : vector<16xf32>
      %mul3A_488 = arith.constant 10 : i32
      %mul3A_489 = arith.muli %scan3A_216, %mul3A_488 : i32
      %add3A_490 = arith.constant 6 : i32
      %add3A_491 = arith.addi %mul3A_489, %add3A_490 : i32
      %get3A_492 = arith.index_cast %add3A_491 : i32 to index
      %get3A_493 = arith.constant 0 : index
      %get3A_494 = tpu.vector_load %arg6[%get3A_492, %get3A_493] {strides = array<i32>} : memref<200x128xf32, #tpu.memory_space<vmem>>, vector<1x16xf32>,
      %get3A_495 = vector.shape_cast %get3A_494 : vector<1x16xf32> to vector<16xf32>
      %add3A_496 = arith.addf %add3A_452, %get3A_495 : vector<16xf32>
      %get3A_497 = arith.index_cast %add3A_491 : i32 to index
      %get3A_498 = arith.constant 16 : index
      %get3A_499 = tpu.vector_load %arg6[%get3A_497, %get3A_498] {strides = array<i32>} : memref<200x128xf32, #tpu.memory_space<vmem>>, vector<1x16xf32>,
      %get3A_500 = vector.shape_cast %get3A_499 : vector<1x16xf32> to vector<16xf32>
      %add3A_501 = arith.addf %add3A_457, %get3A_500 : vector<16xf32>
      %get3A_502 = arith.index_cast %add3A_491 : i32 to index
      %get3A_503 = arith.constant 32 : index
      %get3A_504 = tpu.vector_load %arg6[%get3A_502, %get3A_503] {strides = array<i32>} : memref<200x128xf32, #tpu.memory_space<vmem>>, vector<1x16xf32>,
      %get3A_505 = vector.shape_cast %get3A_504 : vector<1x16xf32> to vector<16xf32>
      %add3A_506 = arith.addf %add3A_462, %get3A_505 : vector<16xf32>
      %get3A_507 = arith.index_cast %add3A_491 : i32 to index
      %get3A_508 = arith.constant 48 : index
      %get3A_509 = tpu.vector_load %arg6[%get3A_507, %get3A_508] {strides = array<i32>} : memref<200x128xf32, #tpu.memory_space<vmem>>, vector<1x16xf32>,
      %get3A_510 = vector.shape_cast %get3A_509 : vector<1x16xf32> to vector<16xf32>
      %add3A_511 = arith.addf %add3A_467, %get3A_510 : vector<16xf32>
      %get3A_512 = arith.index_cast %add3A_491 : i32 to index
      %get3A_513 = arith.constant 64 : index
      %get3A_514 = tpu.vector_load %arg6[%get3A_512, %get3A_513] {strides = array<i32>} : memref<200x128xf32, #tpu.memory_space<vmem>>, vector<1x16xf32>,
      %get3A_515 = vector.shape_cast %get3A_514 : vector<1x16xf32> to vector<16xf32>
      %add3A_516 = arith.addf %add3A_472, %get3A_515 : vector<16xf32>
      %get3A_517 = arith.index_cast %add3A_491 : i32 to index
      %get3A_518 = arith.constant 80 : index
      %get3A_519 = tpu.vector_load %arg6[%get3A_517, %get3A_518] {strides = array<i32>} : memref<200x128xf32, #tpu.memory_space<vmem>>, vector<1x16xf32>,
      %get3A_520 = vector.shape_cast %get3A_519 : vector<1x16xf32> to vector<16xf32>
      %add3A_521 = arith.addf %add3A_477, %get3A_520 : vector<16xf32>
      %get3A_522 = arith.index_cast %add3A_491 : i32 to index
      %get3A_523 = arith.constant 96 : index
      %get3A_524 = tpu.vector_load %arg6[%get3A_522, %get3A_523] {strides = array<i32>} : memref<200x128xf32, #tpu.memory_space<vmem>>, vector<1x16xf32>,
      %get3A_525 = vector.shape_cast %get3A_524 : vector<1x16xf32> to vector<16xf32>
      %add3A_526 = arith.addf %add3A_482, %get3A_525 : vector<16xf32>
      %get3A_527 = arith.index_cast %add3A_491 : i32 to index
      %get3A_528 = arith.constant 112 : index
      %get3A_529 = tpu.vector_load %arg6[%get3A_527, %get3A_528] {strides = array<i32>} : memref<200x128xf32, #tpu.memory_space<vmem>>, vector<1x16xf32>,
      %get3A_530 = vector.shape_cast %get3A_529 : vector<1x16xf32> to vector<16xf32>
      %add3A_531 = arith.addf %add3A_487, %get3A_530 : vector<16xf32>
      %mul3A_532 = arith.constant 10 : i32
      %mul3A_533 = arith.muli %scan3A_216, %mul3A_532 : i32
      %add3A_534 = arith.constant 7 : i32
      %add3A_535 = arith.addi %mul3A_533, %add3A_534 : i32
      %get3A_536 = arith.index_cast %add3A_535 : i32 to index
      %get3A_537 = arith.constant 0 : index
      %get3A_538 = tpu.vector_load %arg6[%get3A_536, %get3A_537] {strides = array<i32>} : memref<200x128xf32, #tpu.memory_space<vmem>>, vector<1x16xf32>,
      %get3A_539 = vector.shape_cast %get3A_538 : vector<1x16xf32> to vector<16xf32>
      %add3A_540 = arith.addf %add3A_496, %get3A_539 : vector<16xf32>
      %get3A_541 = arith.index_cast %add3A_535 : i32 to index
      %get3A_542 = arith.constant 16 : index
      %get3A_543 = tpu.vector_load %arg6[%get3A_541, %get3A_542] {strides = array<i32>} : memref<200x128xf32, #tpu.memory_space<vmem>>, vector<1x16xf32>,
      %get3A_544 = vector.shape_cast %get3A_543 : vector<1x16xf32> to vector<16xf32>
      %add3A_545 = arith.addf %add3A_501, %get3A_544 : vector<16xf32>
      %get3A_546 = arith.index_cast %add3A_535 : i32 to index
      %get3A_547 = arith.constant 32 : index
      %get3A_548 = tpu.vector_load %arg6[%get3A_546, %get3A_547] {strides = array<i32>} : memref<200x128xf32, #tpu.memory_space<vmem>>, vector<1x16xf32>,
      %get3A_549 = vector.shape_cast %get3A_548 : vector<1x16xf32> to vector<16xf32>
      %add3A_550 = arith.addf %add3A_506, %get3A_549 : vector<16xf32>
      %get3A_551 = arith.index_cast %add3A_535 : i32 to index
      %get3A_552 = arith.constant 48 : index
      %get3A_553 = tpu.vector_load %arg6[%get3A_551, %get3A_552] {strides = array<i32>} : memref<200x128xf32, #tpu.memory_space<vmem>>, vector<1x16xf32>,
      %get3A_554 = vector.shape_cast %get3A_553 : vector<1x16xf32> to vector<16xf32>
      %add3A_555 = arith.addf %add3A_511, %get3A_554 : vector<16xf32>
      %get3A_556 = arith.index_cast %add3A_535 : i32 to index
      %get3A_557 = arith.constant 64 : index
      %get3A_558 = tpu.vector_load %arg6[%get3A_556, %get3A_557] {strides = array<i32>} : memref<200x128xf32, #tpu.memory_space<vmem>>, vector<1x16xf32>,
      %get3A_559 = vector.shape_cast %get3A_558 : vector<1x16xf32> to vector<16xf32>
      %add3A_560 = arith.addf %add3A_516, %get3A_559 : vector<16xf32>
      %get3A_561 = arith.index_cast %add3A_535 : i32 to index
      %get3A_562 = arith.constant 80 : index
      %get3A_563 = tpu.vector_load %arg6[%get3A_561, %get3A_562] {strides = array<i32>} : memref<200x128xf32, #tpu.memory_space<vmem>>, vector<1x16xf32>,
      %get3A_564 = vector.shape_cast %get3A_563 : vector<1x16xf32> to vector<16xf32>
      %add3A_565 = arith.addf %add3A_521, %get3A_564 : vector<16xf32>
      %get3A_566 = arith.index_cast %add3A_535 : i32 to index
      %get3A_567 = arith.constant 96 : index
      %get3A_568 = tpu.vector_load %arg6[%get3A_566, %get3A_567] {strides = array<i32>} : memref<200x128xf32, #tpu.memory_space<vmem>>, vector<1x16xf32>,
      %get3A_569 = vector.shape_cast %get3A_568 : vector<1x16xf32> to vector<16xf32>
      %add3A_570 = arith.addf %add3A_526, %get3A_569 : vector<16xf32>
      %get3A_571 = arith.index_cast %add3A_535 : i32 to index
      %get3A_572 = arith.constant 112 : index
      %get3A_573 = tpu.vector_load %arg6[%get3A_571, %get3A_572] {strides = array<i32>} : memref<200x128xf32, #tpu.memory_space<vmem>>, vector<1x16xf32>,
      %get3A_574 = vector.shape_cast %get3A_573 : vector<1x16xf32> to vector<16xf32>
      %add3A_575 = arith.addf %add3A_531, %get3A_574 : vector<16xf32>
      %mul3A_576 = arith.constant 10 : i32
      %mul3A_577 = arith.muli %scan3A_216, %mul3A_576 : i32
      %add3A_578 = arith.constant 8 : i32
      %add3A_579 = arith.addi %mul3A_577, %add3A_578 : i32
      %get3A_580 = arith.index_cast %add3A_579 : i32 to index
      %get3A_581 = arith.constant 0 : index
      %get3A_582 = tpu.vector_load %arg6[%get3A_580, %get3A_581] {strides = array<i32>} : memref<200x128xf32, #tpu.memory_space<vmem>>, vector<1x16xf32>,
      %get3A_583 = vector.shape_cast %get3A_582 : vector<1x16xf32> to vector<16xf32>
      %add3A_584 = arith.addf %add3A_540, %get3A_583 : vector<16xf32>
      %get3A_585 = arith.index_cast %add3A_579 : i32 to index
      %get3A_586 = arith.constant 16 : index
      %get3A_587 = tpu.vector_load %arg6[%get3A_585, %get3A_586] {strides = array<i32>} : memref<200x128xf32, #tpu.memory_space<vmem>>, vector<1x16xf32>,
      %get3A_588 = vector.shape_cast %get3A_587 : vector<1x16xf32> to vector<16xf32>
      %add3A_589 = arith.addf %add3A_545, %get3A_588 : vector<16xf32>
      %get3A_590 = arith.index_cast %add3A_579 : i32 to index
      %get3A_591 = arith.constant 32 : index
      %get3A_592 = tpu.vector_load %arg6[%get3A_590, %get3A_591] {strides = array<i32>} : memref<200x128xf32, #tpu.memory_space<vmem>>, vector<1x16xf32>,
      %get3A_593 = vector.shape_cast %get3A_592 : vector<1x16xf32> to vector<16xf32>
      %add3A_594 = arith.addf %add3A_550, %get3A_593 : vector<16xf32>
      %get3A_595 = arith.index_cast %add3A_579 : i32 to index
      %get3A_596 = arith.constant 48 : index
      %get3A_597 = tpu.vector_load %arg6[%get3A_595, %get3A_596] {strides = array<i32>} : memref<200x128xf32, #tpu.memory_space<vmem>>, vector<1x16xf32>,
      %get3A_598 = vector.shape_cast %get3A_597 : vector<1x16xf32> to vector<16xf32>
      %add3A_599 = arith.addf %add3A_555, %get3A_598 : vector<16xf32>
      %get3A_600 = arith.index_cast %add3A_579 : i32 to index
      %get3A_601 = arith.constant 64 : index
      %get3A_602 = tpu.vector_load %arg6[%get3A_600, %get3A_601] {strides = array<i32>} : memref<200x128xf32, #tpu.memory_space<vmem>>, vector<1x16xf32>,
      %get3A_603 = vector.shape_cast %get3A_602 : vector<1x16xf32> to vector<16xf32>
      %add3A_604 = arith.addf %add3A_560, %get3A_603 : vector<16xf32>
      %get3A_605 = arith.index_cast %add3A_579 : i32 to index
      %get3A_606 = arith.constant 80 : index
      %get3A_607 = tpu.vector_load %arg6[%get3A_605, %get3A_606] {strides = array<i32>} : memref<200x128xf32, #tpu.memory_space<vmem>>, vector<1x16xf32>,
      %get3A_608 = vector.shape_cast %get3A_607 : vector<1x16xf32> to vector<16xf32>
      %add3A_609 = arith.addf %add3A_565, %get3A_608 : vector<16xf32>
      %get3A_610 = arith.index_cast %add3A_579 : i32 to index
      %get3A_611 = arith.constant 96 : index
      %get3A_612 = tpu.vector_load %arg6[%get3A_610, %get3A_611] {strides = array<i32>} : memref<200x128xf32, #tpu.memory_space<vmem>>, vector<1x16xf32>,
      %get3A_613 = vector.shape_cast %get3A_612 : vector<1x16xf32> to vector<16xf32>
      %add3A_614 = arith.addf %add3A_570, %get3A_613 : vector<16xf32>
      %get3A_615 = arith.index_cast %add3A_579 : i32 to index
      %get3A_616 = arith.constant 112 : index
      %get3A_617 = tpu.vector_load %arg6[%get3A_615, %get3A_616] {strides = array<i32>} : memref<200x128xf32, #tpu.memory_space<vmem>>, vector<1x16xf32>,
      %get3A_618 = vector.shape_cast %get3A_617 : vector<1x16xf32> to vector<16xf32>
      %add3A_619 = arith.addf %add3A_575, %get3A_618 : vector<16xf32>
      %mul3A_620 = arith.constant 10 : i32
      %mul3A_621 = arith.muli %scan3A_216, %mul3A_620 : i32
      %add3A_622 = arith.constant 9 : i32
      %add3A_623 = arith.addi %mul3A_621, %add3A_622 : i32
      %get3A_624 = arith.index_cast %add3A_623 : i32 to index
      %get3A_625 = arith.constant 0 : index
      %get3A_626 = tpu.vector_load %arg6[%get3A_624, %get3A_625] {strides = array<i32>} : memref<200x128xf32, #tpu.memory_space<vmem>>, vector<1x16xf32>,
      %get3A_627 = vector.shape_cast %get3A_626 : vector<1x16xf32> to vector<16xf32>
      %add3A_628 = arith.addf %add3A_584, %get3A_627 : vector<16xf32>
      %get3A_629 = arith.index_cast %add3A_623 : i32 to index
      %get3A_630 = arith.constant 16 : index
      %get3A_631 = tpu.vector_load %arg6[%get3A_629, %get3A_630] {strides = array<i32>} : memref<200x128xf32, #tpu.memory_space<vmem>>, vector<1x16xf32>,
      %get3A_632 = vector.shape_cast %get3A_631 : vector<1x16xf32> to vector<16xf32>
      %add3A_633 = arith.addf %add3A_589, %get3A_632 : vector<16xf32>
      %get3A_634 = arith.index_cast %add3A_623 : i32 to index
      %get3A_635 = arith.constant 32 : index
      %get3A_636 = tpu.vector_load %arg6[%get3A_634, %get3A_635] {strides = array<i32>} : memref<200x128xf32, #tpu.memory_space<vmem>>, vector<1x16xf32>,
      %get3A_637 = vector.shape_cast %get3A_636 : vector<1x16xf32> to vector<16xf32>
      %add3A_638 = arith.addf %add3A_594, %get3A_637 : vector<16xf32>
      %get3A_639 = arith.index_cast %add3A_623 : i32 to index
      %get3A_640 = arith.constant 48 : index
      %get3A_641 = tpu.vector_load %arg6[%get3A_639, %get3A_640] {strides = array<i32>} : memref<200x128xf32, #tpu.memory_space<vmem>>, vector<1x16xf32>,
      %get3A_642 = vector.shape_cast %get3A_641 : vector<1x16xf32> to vector<16xf32>
      %add3A_643 = arith.addf %add3A_599, %get3A_642 : vector<16xf32>
      %get3A_644 = arith.index_cast %add3A_623 : i32 to index
      %get3A_645 = arith.constant 64 : index
      %get3A_646 = tpu.vector_load %arg6[%get3A_644, %get3A_645] {strides = array<i32>} : memref<200x128xf32, #tpu.memory_space<vmem>>, vector<1x16xf32>,
      %get3A_647 = vector.shape_cast %get3A_646 : vector<1x16xf32> to vector<16xf32>
      %add3A_648 = arith.addf %add3A_604, %get3A_647 : vector<16xf32>
      %get3A_649 = arith.index_cast %add3A_623 : i32 to index
      %get3A_650 = arith.constant 80 : index
      %get3A_651 = tpu.vector_load %arg6[%get3A_649, %get3A_650] {strides = array<i32>} : memref<200x128xf32, #tpu.memory_space<vmem>>, vector<1x16xf32>,
      %get3A_652 = vector.shape_cast %get3A_651 : vector<1x16xf32> to vector<16xf32>
      %add3A_653 = arith.addf %add3A_609, %get3A_652 : vector<16xf32>
      %get3A_654 = arith.index_cast %add3A_623 : i32 to index
      %get3A_655 = arith.constant 96 : index
      %get3A_656 = tpu.vector_load %arg6[%get3A_654, %get3A_655] {strides = array<i32>} : memref<200x128xf32, #tpu.memory_space<vmem>>, vector<1x16xf32>,
      %get3A_657 = vector.shape_cast %get3A_656 : vector<1x16xf32> to vector<16xf32>
      %add3A_658 = arith.addf %add3A_614, %get3A_657 : vector<16xf32>
      %get3A_659 = arith.index_cast %add3A_623 : i32 to index
      %get3A_660 = arith.constant 112 : index
      %get3A_661 = tpu.vector_load %arg6[%get3A_659, %get3A_660] {strides = array<i32>} : memref<200x128xf32, #tpu.memory_space<vmem>>, vector<1x16xf32>,
      %get3A_662 = vector.shape_cast %get3A_661 : vector<1x16xf32> to vector<16xf32>
      %add3A_663 = arith.addf %add3A_619, %get3A_662 : vector<16xf32>
      scf.yield %add3A_628, %add3A_633, %add3A_638, %add3A_643, %add3A_648, %add3A_653, %add3A_658, %add3A_663 : vector<16xf32>, vector<16xf32>, vector<16xf32>, vector<16xf32>, vector<16xf32>, vector<16xf32>, vector<16xf32>, vector<16xf32>
    }
    %scan3A_80 = arith.constant 20 : i32
    %swap3A = arith.constant 126 : i32
    %swap3A_81 = arith.index_cast %swap3A : i32 to index
    %swap3A_82 = arith.constant 0 : index
    %swap3A_83 = tpu.vector_load %arg9[%swap3A_81, %swap3A_82] {strides = array<i32>} : memref<128x128xf32, #tpu.memory_space<vmem>>, vector<1x16xf32>,
    %swap3A_84 = vector.shape_cast %swap3A_83 : vector<1x16xf32> to vector<16xf32>
    %swap3A_85 = vector.shape_cast %scan3A_79#0 : vector<16xf32> to vector<1x16xf32>
    tpu.vector_store %arg9[%swap3A_81, %swap3A_82], %swap3A_85 {strides = array<i32>} : memref<128x128xf32, #tpu.memory_space<vmem>>, vector<1x16xf32>,
    %swap3A_86 = arith.constant 126 : i32
    %swap3A_87 = arith.index_cast %swap3A_86 : i32 to index
    %swap3A_88 = arith.constant 16 : index
    %swap3A_89 = tpu.vector_load %arg9[%swap3A_87, %swap3A_88] {strides = array<i32>} : memref<128x128xf32, #tpu.memory_space<vmem>>, vector<1x16xf32>,
    %swap3A_90 = vector.shape_cast %swap3A_89 : vector<1x16xf32> to vector<16xf32>
    %swap3A_91 = vector.shape_cast %scan3A_79#1 : vector<16xf32> to vector<1x16xf32>
    tpu.vector_store %arg9[%swap3A_87, %swap3A_88], %swap3A_91 {strides = array<i32>} : memref<128x128xf32, #tpu.memory_space<vmem>>, vector<1x16xf32>,
    %swap3A_92 = arith.constant 126 : i32
    %swap3A_93 = arith.index_cast %swap3A_92 : i32 to index
    %swap3A_94 = arith.constant 32 : index
    %swap3A_95 = tpu.vector_load %arg9[%swap3A_93, %swap3A_94] {strides = array<i32>} : memref<128x128xf32, #tpu.memory_space<vmem>>, vector<1x16xf32>,
    %swap3A_96 = vector.shape_cast %swap3A_95 : vector<1x16xf32> to vector<16xf32>
    %swap3A_97 = vector.shape_cast %scan3A_79#2 : vector<16xf32> to vector<1x16xf32>
    tpu.vector_store %arg9[%swap3A_93, %swap3A_94], %swap3A_97 {strides = array<i32>} : memref<128x128xf32, #tpu.memory_space<vmem>>, vector<1x16xf32>,
    %swap3A_98 = arith.constant 126 : i32
    %swap3A_99 = arith.index_cast %swap3A_98 : i32 to index
    %swap3A_100 = arith.constant 48 : index
    %swap3A_101 = tpu.vector_load %arg9[%swap3A_99, %swap3A_100] {strides = array<i32>} : memref<128x128xf32, #tpu.memory_space<vmem>>, vector<1x16xf32>,
    %swap3A_102 = vector.shape_cast %swap3A_101 : vector<1x16xf32> to vector<16xf32>
    %swap3A_103 = vector.shape_cast %scan3A_79#3 : vector<16xf32> to vector<1x16xf32>
    tpu.vector_store %arg9[%swap3A_99, %swap3A_100], %swap3A_103 {strides = array<i32>} : memref<128x128xf32, #tpu.memory_space<vmem>>, vector<1x16xf32>,
    %swap3A_104 = arith.constant 126 : i32
    %swap3A_105 = arith.index_cast %swap3A_104 : i32 to index
    %swap3A_106 = arith.constant 64 : index
    %swap3A_107 = tpu.vector_load %arg9[%swap3A_105, %swap3A_106] {strides = array<i32>} : memref<128x128xf32, #tpu.memory_space<vmem>>, vector<1x16xf32>,
    %swap3A_108 = vector.shape_cast %swap3A_107 : vector<1x16xf32> to vector<16xf32>
    %swap3A_109 = vector.shape_cast %scan3A_79#4 : vector<16xf32> to vector<1x16xf32>
    tpu.vector_store %arg9[%swap3A_105, %swap3A_106], %swap3A_109 {strides = array<i32>} : memref<128x128xf32, #tpu.memory_space<vmem>>, vector<1x16xf32>,
    %swap3A_110 = arith.constant 126 : i32
    %swap3A_111 = arith.index_cast %swap3A_110 : i32 to index
    %swap3A_112 = arith.constant 80 : index
    %swap3A_113 = tpu.vector_load %arg9[%swap3A_111, %swap3A_112] {strides = array<i32>} : memref<128x128xf32, #tpu.memory_space<vmem>>, vector<1x16xf32>,
    %swap3A_114 = vector.shape_cast %swap3A_113 : vector<1x16xf32> to vector<16xf32>
    %swap3A_115 = vector.shape_cast %scan3A_79#5 : vector<16xf32> to vector<1x16xf32>
    tpu.vector_store %arg9[%swap3A_111, %swap3A_112], %swap3A_115 {strides = array<i32>} : memref<128x128xf32, #tpu.memory_space<vmem>>, vector<1x16xf32>,
    %swap3A_116 = arith.constant 126 : i32
    %swap3A_117 = arith.index_cast %swap3A_116 : i32 to index
    %swap3A_118 = arith.constant 96 : index
    %swap3A_119 = tpu.vector_load %arg9[%swap3A_117, %swap3A_118] {strides = array<i32>} : memref<128x128xf32, #tpu.memory_space<vmem>>, vector<1x16xf32>,
    %swap3A_120 = vector.shape_cast %swap3A_119 : vector<1x16xf32> to vector<16xf32>
    %swap3A_121 = vector.shape_cast %scan3A_79#6 : vector<16xf32> to vector<1x16xf32>
    tpu.vector_store %arg9[%swap3A_117, %swap3A_118], %swap3A_121 {strides = array<i32>} : memref<128x128xf32, #tpu.memory_space<vmem>>, vector<1x16xf32>,
    %swap3A_122 = arith.constant 126 : i32
    %swap3A_123 = arith.index_cast %swap3A_122 : i32 to index
    %swap3A_124 = arith.constant 112 : index
    %swap3A_125 = tpu.vector_load %arg9[%swap3A_123, %swap3A_124] {strides = array<i32>} : memref<128x128xf32, #tpu.memory_space<vmem>>, vector<1x16xf32>,
    %swap3A_126 = vector.shape_cast %swap3A_125 : vector<1x16xf32> to vector<16xf32>
    %swap3A_127 = vector.shape_cast %scan3A_79#7 : vector<16xf32> to vector<1x16xf32>
    tpu.vector_store %arg9[%swap3A_123, %swap3A_124], %swap3A_127 {strides = array<i32>} : memref<128x128xf32, #tpu.memory_space<vmem>>, vector<1x16xf32>,
    %multiple_of3A_128 = arith.constant 25400 : i32
    %multiple_of3A_129 = tpu.assume_multiple %multiple_of3A_128, 8 : i32
    %dma_wait3A_130 = arith.constant 0 : i32
    %dma_wait3A_131 = arith.constant 0 : i32
    %dma_wait3A_132 = tpu.memref_slice %arg7[%dma_wait3A_130, %dma_wait3A_131] : memref<200x128xf32, #tpu.memory_space<vmem>> -> memref<104x128xf32, #tpu.memory_space<vmem>>
    %dma_wait3A_133 = tpu.memref_slice %arg5[%multiple_of3A_129] : memref<25600xi32, #tpu.memory_space<vmem>> -> memref<104xi32, #tpu.memory_space<vmem>>
    %dma_wait3A_134 = arith.constant 0 : i32
    %dma_wait3A_135 = arith.constant 0 : i32
    %dma_wait3A_136 = tpu.memref_slice %arg2[%dma_wait3A_134, %dma_wait3A_135] : memref<100000x128xf32, #tpu.memory_space<hbm>> -> memref<100000x128xf32, #tpu.memory_space<hbm>>
    tpu.wait_indirect_dma semaphore(%arg11 : memref<!tpu.dma_semaphore, #tpu.memory_space<semaphore_mem>>) src(%dma_wait3A_136 : memref<100000x128xf32, #tpu.memory_space<hbm>>) dst(%dma_wait3A_132 : memref<104x128xf32, #tpu.memory_space<vmem>>)
    %multiple_of3A_137 = arith.constant 25504 : i32
    %multiple_of3A_138 = tpu.assume_multiple %multiple_of3A_137, 8 : i32
    %dma_wait3A_139 = arith.constant 104 : i32
    %dma_wait3A_140 = arith.constant 0 : i32
    %dma_wait3A_141 = tpu.memref_slice %arg7[%dma_wait3A_139, %dma_wait3A_140] : memref<200x128xf32, #tpu.memory_space<vmem>> -> memref<96x128xf32, #tpu.memory_space<vmem>>
    %dma_wait3A_142 = tpu.memref_slice %arg5[%multiple_of3A_138] : memref<25600xi32, #tpu.memory_space<vmem>> -> memref<96xi32, #tpu.memory_space<vmem>>
    %dma_wait3A_143 = arith.constant 0 : i32
    %dma_wait3A_144 = arith.constant 0 : i32
    %dma_wait3A_145 = tpu.memref_slice %arg2[%dma_wait3A_143, %dma_wait3A_144] : memref<100000x128xf32, #tpu.memory_space<hbm>> -> memref<100000x128xf32, #tpu.memory_space<hbm>>
    tpu.wait_indirect_dma semaphore(%arg11 : memref<!tpu.dma_semaphore, #tpu.memory_space<semaphore_mem>>) src(%dma_wait3A_145 : memref<100000x128xf32, #tpu.memory_space<hbm>>) dst(%dma_wait3A_141 : memref<96x128xf32, #tpu.memory_space<vmem>>)
    %broadcast_in_dim3A_146 = arith.constant 0.000000e+00 : f32
    %broadcast_in_dim3A_147 = vector.broadcast %broadcast_in_dim3A_146 : f32 to vector<16xf32>
    %broadcast_in_dim3A_148 = arith.constant 0.000000e+00 : f32
    %broadcast_in_dim3A_149 = vector.broadcast %broadcast_in_dim3A_148 : f32 to vector<16xf32>
    %broadcast_in_dim3A_150 = arith.constant 0.000000e+00 : f32
    %broadcast_in_dim3A_151 = vector.broadcast %broadcast_in_dim3A_150 : f32 to vector<16xf32>
    %broadcast_in_dim3A_152 = arith.constant 0.000000e+00 : f32
    %broadcast_in_dim3A_153 = vector.broadcast %broadcast_in_dim3A_152 : f32 to vector<16xf32>
    %broadcast_in_dim3A_154 = arith.constant 0.000000e+00 : f32
    %broadcast_in_dim3A_155 = vector.broadcast %broadcast_in_dim3A_154 : f32 to vector<16xf32>
    %broadcast_in_dim3A_156 = arith.constant 0.000000e+00 : f32
    %broadcast_in_dim3A_157 = vector.broadcast %broadcast_in_dim3A_156 : f32 to vector<16xf32>
    %broadcast_in_dim3A_158 = arith.constant 0.000000e+00 : f32
    %broadcast_in_dim3A_159 = vector.broadcast %broadcast_in_dim3A_158 : f32 to vector<16xf32>
    %broadcast_in_dim3A_160 = arith.constant 0.000000e+00 : f32
    %broadcast_in_dim3A_161 = vector.broadcast %broadcast_in_dim3A_160 : f32 to vector<16xf32>
    %scan3A_162 = arith.constant 0 : i32
    %scan3A_163 = arith.constant 20 : i32
    %scan3A_164 = arith.addi %scan3A_162, %scan3A_163 : i32
    %scan3A_165 = arith.constant 1 : i32
    %scan3A_166:8 = scf.for %scan3A_216 = %scan3A_162 to %scan3A_164 step %scan3A_165 iter_args(%scan3A_217 = %broadcast_in_dim3A_147, %scan3A_218 = %broadcast_in_dim3A_149, %scan3A_219 = %broadcast_in_dim3A_151, %scan3A_220 = %broadcast_in_dim3A_153, %scan3A_221 = %broadcast_in_dim3A_155, %scan3A_222 = %broadcast_in_dim3A_157, %scan3A_223 = %broadcast_in_dim3A_159, %scan3A_224 = %broadcast_in_dim3A_161) -> (vector<16xf32>, vector<16xf32>, vector<16xf32>, vector<16xf32>, vector<16xf32>, vector<16xf32>, vector<16xf32>, vector<16xf32>)  : i32 {
      %mul3A_225 = arith.constant 10 : i32
      %mul3A_226 = arith.muli %scan3A_216, %mul3A_225 : i32
      %add3A_227 = arith.constant 0 : i32
      %add3A_228 = arith.addi %mul3A_226, %add3A_227 : i32
      %get3A = arith.index_cast %add3A_228 : i32 to index
      %get3A_229 = arith.constant 0 : index
      %get3A_230 = tpu.vector_load %arg7[%get3A, %get3A_229] {strides = array<i32>} : memref<200x128xf32, #tpu.memory_space<vmem>>, vector<1x16xf32>,
      %get3A_231 = vector.shape_cast %get3A_230 : vector<1x16xf32> to vector<16xf32>
      %add3A_232 = arith.addf %scan3A_217, %get3A_231 : vector<16xf32>
      %get3A_233 = arith.index_cast %add3A_228 : i32 to index
      %get3A_234 = arith.constant 16 : index
      %get3A_235 = tpu.vector_load %arg7[%get3A_233, %get3A_234] {strides = array<i32>} : memref<200x128xf32, #tpu.memory_space<vmem>>, vector<1x16xf32>,
      %get3A_236 = vector.shape_cast %get3A_235 : vector<1x16xf32> to vector<16xf32>
      %add3A_237 = arith.addf %scan3A_218, %get3A_236 : vector<16xf32>
      %get3A_238 = arith.index_cast %add3A_228 : i32 to index
      %get3A_239 = arith.constant 32 : index
      %get3A_240 = tpu.vector_load %arg7[%get3A_238, %get3A_239] {strides = array<i32>} : memref<200x128xf32, #tpu.memory_space<vmem>>, vector<1x16xf32>,
      %get3A_241 = vector.shape_cast %get3A_240 : vector<1x16xf32> to vector<16xf32>
      %add3A_242 = arith.addf %scan3A_219, %get3A_241 : vector<16xf32>
      %get3A_243 = arith.index_cast %add3A_228 : i32 to index
      %get3A_244 = arith.constant 48 : index
      %get3A_245 = tpu.vector_load %arg7[%get3A_243, %get3A_244] {strides = array<i32>} : memref<200x128xf32, #tpu.memory_space<vmem>>, vector<1x16xf32>,
      %get3A_246 = vector.shape_cast %get3A_245 : vector<1x16xf32> to vector<16xf32>
      %add3A_247 = arith.addf %scan3A_220, %get3A_246 : vector<16xf32>
      %get3A_248 = arith.index_cast %add3A_228 : i32 to index
      %get3A_249 = arith.constant 64 : index
      %get3A_250 = tpu.vector_load %arg7[%get3A_248, %get3A_249] {strides = array<i32>} : memref<200x128xf32, #tpu.memory_space<vmem>>, vector<1x16xf32>,
      %get3A_251 = vector.shape_cast %get3A_250 : vector<1x16xf32> to vector<16xf32>
      %add3A_252 = arith.addf %scan3A_221, %get3A_251 : vector<16xf32>
      %get3A_253 = arith.index_cast %add3A_228 : i32 to index
      %get3A_254 = arith.constant 80 : index
      %get3A_255 = tpu.vector_load %arg7[%get3A_253, %get3A_254] {strides = array<i32>} : memref<200x128xf32, #tpu.memory_space<vmem>>, vector<1x16xf32>,
      %get3A_256 = vector.shape_cast %get3A_255 : vector<1x16xf32> to vector<16xf32>
      %add3A_257 = arith.addf %scan3A_222, %get3A_256 : vector<16xf32>
      %get3A_258 = arith.index_cast %add3A_228 : i32 to index
      %get3A_259 = arith.constant 96 : index
      %get3A_260 = tpu.vector_load %arg7[%get3A_258, %get3A_259] {strides = array<i32>} : memref<200x128xf32, #tpu.memory_space<vmem>>, vector<1x16xf32>,
      %get3A_261 = vector.shape_cast %get3A_260 : vector<1x16xf32> to vector<16xf32>
      %add3A_262 = arith.addf %scan3A_223, %get3A_261 : vector<16xf32>
      %get3A_263 = arith.index_cast %add3A_228 : i32 to index
      %get3A_264 = arith.constant 112 : index
      %get3A_265 = tpu.vector_load %arg7[%get3A_263, %get3A_264] {strides = array<i32>} : memref<200x128xf32, #tpu.memory_space<vmem>>, vector<1x16xf32>,
      %get3A_266 = vector.shape_cast %get3A_265 : vector<1x16xf32> to vector<16xf32>
      %add3A_267 = arith.addf %scan3A_224, %get3A_266 : vector<16xf32>
      %mul3A_268 = arith.constant 10 : i32
      %mul3A_269 = arith.muli %scan3A_216, %mul3A_268 : i32
      %add3A_270 = arith.constant 1 : i32
      %add3A_271 = arith.addi %mul3A_269, %add3A_270 : i32
      %get3A_272 = arith.index_cast %add3A_271 : i32 to index
      %get3A_273 = arith.constant 0 : index
      %get3A_274 = tpu.vector_load %arg7[%get3A_272, %get3A_273] {strides = array<i32>} : memref<200x128xf32, #tpu.memory_space<vmem>>, vector<1x16xf32>,
      %get3A_275 = vector.shape_cast %get3A_274 : vector<1x16xf32> to vector<16xf32>
      %add3A_276 = arith.addf %add3A_232, %get3A_275 : vector<16xf32>
      %get3A_277 = arith.index_cast %add3A_271 : i32 to index
      %get3A_278 = arith.constant 16 : index
      %get3A_279 = tpu.vector_load %arg7[%get3A_277, %get3A_278] {strides = array<i32>} : memref<200x128xf32, #tpu.memory_space<vmem>>, vector<1x16xf32>,
      %get3A_280 = vector.shape_cast %get3A_279 : vector<1x16xf32> to vector<16xf32>
      %add3A_281 = arith.addf %add3A_237, %get3A_280 : vector<16xf32>
      %get3A_282 = arith.index_cast %add3A_271 : i32 to index
      %get3A_283 = arith.constant 32 : index
      %get3A_284 = tpu.vector_load %arg7[%get3A_282, %get3A_283] {strides = array<i32>} : memref<200x128xf32, #tpu.memory_space<vmem>>, vector<1x16xf32>,
      %get3A_285 = vector.shape_cast %get3A_284 : vector<1x16xf32> to vector<16xf32>
      %add3A_286 = arith.addf %add3A_242, %get3A_285 : vector<16xf32>
      %get3A_287 = arith.index_cast %add3A_271 : i32 to index
      %get3A_288 = arith.constant 48 : index
      %get3A_289 = tpu.vector_load %arg7[%get3A_287, %get3A_288] {strides = array<i32>} : memref<200x128xf32, #tpu.memory_space<vmem>>, vector<1x16xf32>,
      %get3A_290 = vector.shape_cast %get3A_289 : vector<1x16xf32> to vector<16xf32>
      %add3A_291 = arith.addf %add3A_247, %get3A_290 : vector<16xf32>
      %get3A_292 = arith.index_cast %add3A_271 : i32 to index
      %get3A_293 = arith.constant 64 : index
      %get3A_294 = tpu.vector_load %arg7[%get3A_292, %get3A_293] {strides = array<i32>} : memref<200x128xf32, #tpu.memory_space<vmem>>, vector<1x16xf32>,
      %get3A_295 = vector.shape_cast %get3A_294 : vector<1x16xf32> to vector<16xf32>
      %add3A_296 = arith.addf %add3A_252, %get3A_295 : vector<16xf32>
      %get3A_297 = arith.index_cast %add3A_271 : i32 to index
      %get3A_298 = arith.constant 80 : index
      %get3A_299 = tpu.vector_load %arg7[%get3A_297, %get3A_298] {strides = array<i32>} : memref<200x128xf32, #tpu.memory_space<vmem>>, vector<1x16xf32>,
      %get3A_300 = vector.shape_cast %get3A_299 : vector<1x16xf32> to vector<16xf32>
      %add3A_301 = arith.addf %add3A_257, %get3A_300 : vector<16xf32>
      %get3A_302 = arith.index_cast %add3A_271 : i32 to index
      %get3A_303 = arith.constant 96 : index
      %get3A_304 = tpu.vector_load %arg7[%get3A_302, %get3A_303] {strides = array<i32>} : memref<200x128xf32, #tpu.memory_space<vmem>>, vector<1x16xf32>,
      %get3A_305 = vector.shape_cast %get3A_304 : vector<1x16xf32> to vector<16xf32>
      %add3A_306 = arith.addf %add3A_262, %get3A_305 : vector<16xf32>
      %get3A_307 = arith.index_cast %add3A_271 : i32 to index
      %get3A_308 = arith.constant 112 : index
      %get3A_309 = tpu.vector_load %arg7[%get3A_307, %get3A_308] {strides = array<i32>} : memref<200x128xf32, #tpu.memory_space<vmem>>, vector<1x16xf32>,
      %get3A_310 = vector.shape_cast %get3A_309 : vector<1x16xf32> to vector<16xf32>
      %add3A_311 = arith.addf %add3A_267, %get3A_310 : vector<16xf32>
      %mul3A_312 = arith.constant 10 : i32
      %mul3A_313 = arith.muli %scan3A_216, %mul3A_312 : i32
      %add3A_314 = arith.constant 2 : i32
      %add3A_315 = arith.addi %mul3A_313, %add3A_314 : i32
      %get3A_316 = arith.index_cast %add3A_315 : i32 to index
      %get3A_317 = arith.constant 0 : index
      %get3A_318 = tpu.vector_load %arg7[%get3A_316, %get3A_317] {strides = array<i32>} : memref<200x128xf32, #tpu.memory_space<vmem>>, vector<1x16xf32>,
      %get3A_319 = vector.shape_cast %get3A_318 : vector<1x16xf32> to vector<16xf32>
      %add3A_320 = arith.addf %add3A_276, %get3A_319 : vector<16xf32>
      %get3A_321 = arith.index_cast %add3A_315 : i32 to index
      %get3A_322 = arith.constant 16 : index
      %get3A_323 = tpu.vector_load %arg7[%get3A_321, %get3A_322] {strides = array<i32>} : memref<200x128xf32, #tpu.memory_space<vmem>>, vector<1x16xf32>,
      %get3A_324 = vector.shape_cast %get3A_323 : vector<1x16xf32> to vector<16xf32>
      %add3A_325 = arith.addf %add3A_281, %get3A_324 : vector<16xf32>
      %get3A_326 = arith.index_cast %add3A_315 : i32 to index
      %get3A_327 = arith.constant 32 : index
      %get3A_328 = tpu.vector_load %arg7[%get3A_326, %get3A_327] {strides = array<i32>} : memref<200x128xf32, #tpu.memory_space<vmem>>, vector<1x16xf32>,
      %get3A_329 = vector.shape_cast %get3A_328 : vector<1x16xf32> to vector<16xf32>
      %add3A_330 = arith.addf %add3A_286, %get3A_329 : vector<16xf32>
      %get3A_331 = arith.index_cast %add3A_315 : i32 to index
      %get3A_332 = arith.constant 48 : index
      %get3A_333 = tpu.vector_load %arg7[%get3A_331, %get3A_332] {strides = array<i32>} : memref<200x128xf32, #tpu.memory_space<vmem>>, vector<1x16xf32>,
      %get3A_334 = vector.shape_cast %get3A_333 : vector<1x16xf32> to vector<16xf32>
      %add3A_335 = arith.addf %add3A_291, %get3A_334 : vector<16xf32>
      %get3A_336 = arith.index_cast %add3A_315 : i32 to index
      %get3A_337 = arith.constant 64 : index
      %get3A_338 = tpu.vector_load %arg7[%get3A_336, %get3A_337] {strides = array<i32>} : memref<200x128xf32, #tpu.memory_space<vmem>>, vector<1x16xf32>,
      %get3A_339 = vector.shape_cast %get3A_338 : vector<1x16xf32> to vector<16xf32>
      %add3A_340 = arith.addf %add3A_296, %get3A_339 : vector<16xf32>
      %get3A_341 = arith.index_cast %add3A_315 : i32 to index
      %get3A_342 = arith.constant 80 : index
      %get3A_343 = tpu.vector_load %arg7[%get3A_341, %get3A_342] {strides = array<i32>} : memref<200x128xf32, #tpu.memory_space<vmem>>, vector<1x16xf32>,
      %get3A_344 = vector.shape_cast %get3A_343 : vector<1x16xf32> to vector<16xf32>
      %add3A_345 = arith.addf %add3A_301, %get3A_344 : vector<16xf32>
      %get3A_346 = arith.index_cast %add3A_315 : i32 to index
      %get3A_347 = arith.constant 96 : index
      %get3A_348 = tpu.vector_load %arg7[%get3A_346, %get3A_347] {strides = array<i32>} : memref<200x128xf32, #tpu.memory_space<vmem>>, vector<1x16xf32>,
      %get3A_349 = vector.shape_cast %get3A_348 : vector<1x16xf32> to vector<16xf32>
      %add3A_350 = arith.addf %add3A_306, %get3A_349 : vector<16xf32>
      %get3A_351 = arith.index_cast %add3A_315 : i32 to index
      %get3A_352 = arith.constant 112 : index
      %get3A_353 = tpu.vector_load %arg7[%get3A_351, %get3A_352] {strides = array<i32>} : memref<200x128xf32, #tpu.memory_space<vmem>>, vector<1x16xf32>,
      %get3A_354 = vector.shape_cast %get3A_353 : vector<1x16xf32> to vector<16xf32>
      %add3A_355 = arith.addf %add3A_311, %get3A_354 : vector<16xf32>
      %mul3A_356 = arith.constant 10 : i32
      %mul3A_357 = arith.muli %scan3A_216, %mul3A_356 : i32
      %add3A_358 = arith.constant 3 : i32
      %add3A_359 = arith.addi %mul3A_357, %add3A_358 : i32
      %get3A_360 = arith.index_cast %add3A_359 : i32 to index
      %get3A_361 = arith.constant 0 : index
      %get3A_362 = tpu.vector_load %arg7[%get3A_360, %get3A_361] {strides = array<i32>} : memref<200x128xf32, #tpu.memory_space<vmem>>, vector<1x16xf32>,
      %get3A_363 = vector.shape_cast %get3A_362 : vector<1x16xf32> to vector<16xf32>
      %add3A_364 = arith.addf %add3A_320, %get3A_363 : vector<16xf32>
      %get3A_365 = arith.index_cast %add3A_359 : i32 to index
      %get3A_366 = arith.constant 16 : index
      %get3A_367 = tpu.vector_load %arg7[%get3A_365, %get3A_366] {strides = array<i32>} : memref<200x128xf32, #tpu.memory_space<vmem>>, vector<1x16xf32>,
      %get3A_368 = vector.shape_cast %get3A_367 : vector<1x16xf32> to vector<16xf32>
      %add3A_369 = arith.addf %add3A_325, %get3A_368 : vector<16xf32>
      %get3A_370 = arith.index_cast %add3A_359 : i32 to index
      %get3A_371 = arith.constant 32 : index
      %get3A_372 = tpu.vector_load %arg7[%get3A_370, %get3A_371] {strides = array<i32>} : memref<200x128xf32, #tpu.memory_space<vmem>>, vector<1x16xf32>,
      %get3A_373 = vector.shape_cast %get3A_372 : vector<1x16xf32> to vector<16xf32>
      %add3A_374 = arith.addf %add3A_330, %get3A_373 : vector<16xf32>
      %get3A_375 = arith.index_cast %add3A_359 : i32 to index
      %get3A_376 = arith.constant 48 : index
      %get3A_377 = tpu.vector_load %arg7[%get3A_375, %get3A_376] {strides = array<i32>} : memref<200x128xf32, #tpu.memory_space<vmem>>, vector<1x16xf32>,
      %get3A_378 = vector.shape_cast %get3A_377 : vector<1x16xf32> to vector<16xf32>
      %add3A_379 = arith.addf %add3A_335, %get3A_378 : vector<16xf32>
      %get3A_380 = arith.index_cast %add3A_359 : i32 to index
      %get3A_381 = arith.constant 64 : index
      %get3A_382 = tpu.vector_load %arg7[%get3A_380, %get3A_381] {strides = array<i32>} : memref<200x128xf32, #tpu.memory_space<vmem>>, vector<1x16xf32>,
      %get3A_383 = vector.shape_cast %get3A_382 : vector<1x16xf32> to vector<16xf32>
      %add3A_384 = arith.addf %add3A_340, %get3A_383 : vector<16xf32>
      %get3A_385 = arith.index_cast %add3A_359 : i32 to index
      %get3A_386 = arith.constant 80 : index
      %get3A_387 = tpu.vector_load %arg7[%get3A_385, %get3A_386] {strides = array<i32>} : memref<200x128xf32, #tpu.memory_space<vmem>>, vector<1x16xf32>,
      %get3A_388 = vector.shape_cast %get3A_387 : vector<1x16xf32> to vector<16xf32>
      %add3A_389 = arith.addf %add3A_345, %get3A_388 : vector<16xf32>
      %get3A_390 = arith.index_cast %add3A_359 : i32 to index
      %get3A_391 = arith.constant 96 : index
      %get3A_392 = tpu.vector_load %arg7[%get3A_390, %get3A_391] {strides = array<i32>} : memref<200x128xf32, #tpu.memory_space<vmem>>, vector<1x16xf32>,
      %get3A_393 = vector.shape_cast %get3A_392 : vector<1x16xf32> to vector<16xf32>
      %add3A_394 = arith.addf %add3A_350, %get3A_393 : vector<16xf32>
      %get3A_395 = arith.index_cast %add3A_359 : i32 to index
      %get3A_396 = arith.constant 112 : index
      %get3A_397 = tpu.vector_load %arg7[%get3A_395, %get3A_396] {strides = array<i32>} : memref<200x128xf32, #tpu.memory_space<vmem>>, vector<1x16xf32>,
      %get3A_398 = vector.shape_cast %get3A_397 : vector<1x16xf32> to vector<16xf32>
      %add3A_399 = arith.addf %add3A_355, %get3A_398 : vector<16xf32>
      %mul3A_400 = arith.constant 10 : i32
      %mul3A_401 = arith.muli %scan3A_216, %mul3A_400 : i32
      %add3A_402 = arith.constant 4 : i32
      %add3A_403 = arith.addi %mul3A_401, %add3A_402 : i32
      %get3A_404 = arith.index_cast %add3A_403 : i32 to index
      %get3A_405 = arith.constant 0 : index
      %get3A_406 = tpu.vector_load %arg7[%get3A_404, %get3A_405] {strides = array<i32>} : memref<200x128xf32, #tpu.memory_space<vmem>>, vector<1x16xf32>,
      %get3A_407 = vector.shape_cast %get3A_406 : vector<1x16xf32> to vector<16xf32>
      %add3A_408 = arith.addf %add3A_364, %get3A_407 : vector<16xf32>
      %get3A_409 = arith.index_cast %add3A_403 : i32 to index
      %get3A_410 = arith.constant 16 : index
      %get3A_411 = tpu.vector_load %arg7[%get3A_409, %get3A_410] {strides = array<i32>} : memref<200x128xf32, #tpu.memory_space<vmem>>, vector<1x16xf32>,
      %get3A_412 = vector.shape_cast %get3A_411 : vector<1x16xf32> to vector<16xf32>
      %add3A_413 = arith.addf %add3A_369, %get3A_412 : vector<16xf32>
      %get3A_414 = arith.index_cast %add3A_403 : i32 to index
      %get3A_415 = arith.constant 32 : index
      %get3A_416 = tpu.vector_load %arg7[%get3A_414, %get3A_415] {strides = array<i32>} : memref<200x128xf32, #tpu.memory_space<vmem>>, vector<1x16xf32>,
      %get3A_417 = vector.shape_cast %get3A_416 : vector<1x16xf32> to vector<16xf32>
      %add3A_418 = arith.addf %add3A_374, %get3A_417 : vector<16xf32>
      %get3A_419 = arith.index_cast %add3A_403 : i32 to index
      %get3A_420 = arith.constant 48 : index
      %get3A_421 = tpu.vector_load %arg7[%get3A_419, %get3A_420] {strides = array<i32>} : memref<200x128xf32, #tpu.memory_space<vmem>>, vector<1x16xf32>,
      %get3A_422 = vector.shape_cast %get3A_421 : vector<1x16xf32> to vector<16xf32>
      %add3A_423 = arith.addf %add3A_379, %get3A_422 : vector<16xf32>
      %get3A_424 = arith.index_cast %add3A_403 : i32 to index
      %get3A_425 = arith.constant 64 : index
      %get3A_426 = tpu.vector_load %arg7[%get3A_424, %get3A_425] {strides = array<i32>} : memref<200x128xf32, #tpu.memory_space<vmem>>, vector<1x16xf32>,
      %get3A_427 = vector.shape_cast %get3A_426 : vector<1x16xf32> to vector<16xf32>
      %add3A_428 = arith.addf %add3A_384, %get3A_427 : vector<16xf32>
      %get3A_429 = arith.index_cast %add3A_403 : i32 to index
      %get3A_430 = arith.constant 80 : index
      %get3A_431 = tpu.vector_load %arg7[%get3A_429, %get3A_430] {strides = array<i32>} : memref<200x128xf32, #tpu.memory_space<vmem>>, vector<1x16xf32>,
      %get3A_432 = vector.shape_cast %get3A_431 : vector<1x16xf32> to vector<16xf32>
      %add3A_433 = arith.addf %add3A_389, %get3A_432 : vector<16xf32>
      %get3A_434 = arith.index_cast %add3A_403 : i32 to index
      %get3A_435 = arith.constant 96 : index
      %get3A_436 = tpu.vector_load %arg7[%get3A_434, %get3A_435] {strides = array<i32>} : memref<200x128xf32, #tpu.memory_space<vmem>>, vector<1x16xf32>,
      %get3A_437 = vector.shape_cast %get3A_436 : vector<1x16xf32> to vector<16xf32>
      %add3A_438 = arith.addf %add3A_394, %get3A_437 : vector<16xf32>
      %get3A_439 = arith.index_cast %add3A_403 : i32 to index
      %get3A_440 = arith.constant 112 : index
      %get3A_441 = tpu.vector_load %arg7[%get3A_439, %get3A_440] {strides = array<i32>} : memref<200x128xf32, #tpu.memory_space<vmem>>, vector<1x16xf32>,
      %get3A_442 = vector.shape_cast %get3A_441 : vector<1x16xf32> to vector<16xf32>
      %add3A_443 = arith.addf %add3A_399, %get3A_442 : vector<16xf32>
      %mul3A_444 = arith.constant 10 : i32
      %mul3A_445 = arith.muli %scan3A_216, %mul3A_444 : i32
      %add3A_446 = arith.constant 5 : i32
      %add3A_447 = arith.addi %mul3A_445, %add3A_446 : i32
      %get3A_448 = arith.index_cast %add3A_447 : i32 to index
      %get3A_449 = arith.constant 0 : index
      %get3A_450 = tpu.vector_load %arg7[%get3A_448, %get3A_449] {strides = array<i32>} : memref<200x128xf32, #tpu.memory_space<vmem>>, vector<1x16xf32>,
      %get3A_451 = vector.shape_cast %get3A_450 : vector<1x16xf32> to vector<16xf32>
      %add3A_452 = arith.addf %add3A_408, %get3A_451 : vector<16xf32>
      %get3A_453 = arith.index_cast %add3A_447 : i32 to index
      %get3A_454 = arith.constant 16 : index
      %get3A_455 = tpu.vector_load %arg7[%get3A_453, %get3A_454] {strides = array<i32>} : memref<200x128xf32, #tpu.memory_space<vmem>>, vector<1x16xf32>,
      %get3A_456 = vector.shape_cast %get3A_455 : vector<1x16xf32> to vector<16xf32>
      %add3A_457 = arith.addf %add3A_413, %get3A_456 : vector<16xf32>
      %get3A_458 = arith.index_cast %add3A_447 : i32 to index
      %get3A_459 = arith.constant 32 : index
      %get3A_460 = tpu.vector_load %arg7[%get3A_458, %get3A_459] {strides = array<i32>} : memref<200x128xf32, #tpu.memory_space<vmem>>, vector<1x16xf32>,
      %get3A_461 = vector.shape_cast %get3A_460 : vector<1x16xf32> to vector<16xf32>
      %add3A_462 = arith.addf %add3A_418, %get3A_461 : vector<16xf32>
      %get3A_463 = arith.index_cast %add3A_447 : i32 to index
      %get3A_464 = arith.constant 48 : index
      %get3A_465 = tpu.vector_load %arg7[%get3A_463, %get3A_464] {strides = array<i32>} : memref<200x128xf32, #tpu.memory_space<vmem>>, vector<1x16xf32>,
      %get3A_466 = vector.shape_cast %get3A_465 : vector<1x16xf32> to vector<16xf32>
      %add3A_467 = arith.addf %add3A_423, %get3A_466 : vector<16xf32>
      %get3A_468 = arith.index_cast %add3A_447 : i32 to index
      %get3A_469 = arith.constant 64 : index
      %get3A_470 = tpu.vector_load %arg7[%get3A_468, %get3A_469] {strides = array<i32>} : memref<200x128xf32, #tpu.memory_space<vmem>>, vector<1x16xf32>,
      %get3A_471 = vector.shape_cast %get3A_470 : vector<1x16xf32> to vector<16xf32>
      %add3A_472 = arith.addf %add3A_428, %get3A_471 : vector<16xf32>
      %get3A_473 = arith.index_cast %add3A_447 : i32 to index
      %get3A_474 = arith.constant 80 : index
      %get3A_475 = tpu.vector_load %arg7[%get3A_473, %get3A_474] {strides = array<i32>} : memref<200x128xf32, #tpu.memory_space<vmem>>, vector<1x16xf32>,
      %get3A_476 = vector.shape_cast %get3A_475 : vector<1x16xf32> to vector<16xf32>
      %add3A_477 = arith.addf %add3A_433, %get3A_476 : vector<16xf32>
      %get3A_478 = arith.index_cast %add3A_447 : i32 to index
      %get3A_479 = arith.constant 96 : index
      %get3A_480 = tpu.vector_load %arg7[%get3A_478, %get3A_479] {strides = array<i32>} : memref<200x128xf32, #tpu.memory_space<vmem>>, vector<1x16xf32>,
      %get3A_481 = vector.shape_cast %get3A_480 : vector<1x16xf32> to vector<16xf32>
      %add3A_482 = arith.addf %add3A_438, %get3A_481 : vector<16xf32>
      %get3A_483 = arith.index_cast %add3A_447 : i32 to index
      %get3A_484 = arith.constant 112 : index
      %get3A_485 = tpu.vector_load %arg7[%get3A_483, %get3A_484] {strides = array<i32>} : memref<200x128xf32, #tpu.memory_space<vmem>>, vector<1x16xf32>,
      %get3A_486 = vector.shape_cast %get3A_485 : vector<1x16xf32> to vector<16xf32>
      %add3A_487 = arith.addf %add3A_443, %get3A_486 : vector<16xf32>
      %mul3A_488 = arith.constant 10 : i32
      %mul3A_489 = arith.muli %scan3A_216, %mul3A_488 : i32
      %add3A_490 = arith.constant 6 : i32
      %add3A_491 = arith.addi %mul3A_489, %add3A_490 : i32
      %get3A_492 = arith.index_cast %add3A_491 : i32 to index
      %get3A_493 = arith.constant 0 : index
      %get3A_494 = tpu.vector_load %arg7[%get3A_492, %get3A_493] {strides = array<i32>} : memref<200x128xf32, #tpu.memory_space<vmem>>, vector<1x16xf32>,
      %get3A_495 = vector.shape_cast %get3A_494 : vector<1x16xf32> to vector<16xf32>
      %add3A_496 = arith.addf %add3A_452, %get3A_495 : vector<16xf32>
      %get3A_497 = arith.index_cast %add3A_491 : i32 to index
      %get3A_498 = arith.constant 16 : index
      %get3A_499 = tpu.vector_load %arg7[%get3A_497, %get3A_498] {strides = array<i32>} : memref<200x128xf32, #tpu.memory_space<vmem>>, vector<1x16xf32>,
      %get3A_500 = vector.shape_cast %get3A_499 : vector<1x16xf32> to vector<16xf32>
      %add3A_501 = arith.addf %add3A_457, %get3A_500 : vector<16xf32>
      %get3A_502 = arith.index_cast %add3A_491 : i32 to index
      %get3A_503 = arith.constant 32 : index
      %get3A_504 = tpu.vector_load %arg7[%get3A_502, %get3A_503] {strides = array<i32>} : memref<200x128xf32, #tpu.memory_space<vmem>>, vector<1x16xf32>,
      %get3A_505 = vector.shape_cast %get3A_504 : vector<1x16xf32> to vector<16xf32>
      %add3A_506 = arith.addf %add3A_462, %get3A_505 : vector<16xf32>
      %get3A_507 = arith.index_cast %add3A_491 : i32 to index
      %get3A_508 = arith.constant 48 : index
      %get3A_509 = tpu.vector_load %arg7[%get3A_507, %get3A_508] {strides = array<i32>} : memref<200x128xf32, #tpu.memory_space<vmem>>, vector<1x16xf32>,
      %get3A_510 = vector.shape_cast %get3A_509 : vector<1x16xf32> to vector<16xf32>
      %add3A_511 = arith.addf %add3A_467, %get3A_510 : vector<16xf32>
      %get3A_512 = arith.index_cast %add3A_491 : i32 to index
      %get3A_513 = arith.constant 64 : index
      %get3A_514 = tpu.vector_load %arg7[%get3A_512, %get3A_513] {strides = array<i32>} : memref<200x128xf32, #tpu.memory_space<vmem>>, vector<1x16xf32>,
      %get3A_515 = vector.shape_cast %get3A_514 : vector<1x16xf32> to vector<16xf32>
      %add3A_516 = arith.addf %add3A_472, %get3A_515 : vector<16xf32>
      %get3A_517 = arith.index_cast %add3A_491 : i32 to index
      %get3A_518 = arith.constant 80 : index
      %get3A_519 = tpu.vector_load %arg7[%get3A_517, %get3A_518] {strides = array<i32>} : memref<200x128xf32, #tpu.memory_space<vmem>>, vector<1x16xf32>,
      %get3A_520 = vector.shape_cast %get3A_519 : vector<1x16xf32> to vector<16xf32>
      %add3A_521 = arith.addf %add3A_477, %get3A_520 : vector<16xf32>
      %get3A_522 = arith.index_cast %add3A_491 : i32 to index
      %get3A_523 = arith.constant 96 : index
      %get3A_524 = tpu.vector_load %arg7[%get3A_522, %get3A_523] {strides = array<i32>} : memref<200x128xf32, #tpu.memory_space<vmem>>, vector<1x16xf32>,
      %get3A_525 = vector.shape_cast %get3A_524 : vector<1x16xf32> to vector<16xf32>
      %add3A_526 = arith.addf %add3A_482, %get3A_525 : vector<16xf32>
      %get3A_527 = arith.index_cast %add3A_491 : i32 to index
      %get3A_528 = arith.constant 112 : index
      %get3A_529 = tpu.vector_load %arg7[%get3A_527, %get3A_528] {strides = array<i32>} : memref<200x128xf32, #tpu.memory_space<vmem>>, vector<1x16xf32>,
      %get3A_530 = vector.shape_cast %get3A_529 : vector<1x16xf32> to vector<16xf32>
      %add3A_531 = arith.addf %add3A_487, %get3A_530 : vector<16xf32>
      %mul3A_532 = arith.constant 10 : i32
      %mul3A_533 = arith.muli %scan3A_216, %mul3A_532 : i32
      %add3A_534 = arith.constant 7 : i32
      %add3A_535 = arith.addi %mul3A_533, %add3A_534 : i32
      %get3A_536 = arith.index_cast %add3A_535 : i32 to index
      %get3A_537 = arith.constant 0 : index
      %get3A_538 = tpu.vector_load %arg7[%get3A_536, %get3A_537] {strides = array<i32>} : memref<200x128xf32, #tpu.memory_space<vmem>>, vector<1x16xf32>,
      %get3A_539 = vector.shape_cast %get3A_538 : vector<1x16xf32> to vector<16xf32>
      %add3A_540 = arith.addf %add3A_496, %get3A_539 : vector<16xf32>
      %get3A_541 = arith.index_cast %add3A_535 : i32 to index
      %get3A_542 = arith.constant 16 : index
      %get3A_543 = tpu.vector_load %arg7[%get3A_541, %get3A_542] {strides = array<i32>} : memref<200x128xf32, #tpu.memory_space<vmem>>, vector<1x16xf32>,
      %get3A_544 = vector.shape_cast %get3A_543 : vector<1x16xf32> to vector<16xf32>
      %add3A_545 = arith.addf %add3A_501, %get3A_544 : vector<16xf32>
      %get3A_546 = arith.index_cast %add3A_535 : i32 to index
      %get3A_547 = arith.constant 32 : index
      %get3A_548 = tpu.vector_load %arg7[%get3A_546, %get3A_547] {strides = array<i32>} : memref<200x128xf32, #tpu.memory_space<vmem>>, vector<1x16xf32>,
      %get3A_549 = vector.shape_cast %get3A_548 : vector<1x16xf32> to vector<16xf32>
      %add3A_550 = arith.addf %add3A_506, %get3A_549 : vector<16xf32>
      %get3A_551 = arith.index_cast %add3A_535 : i32 to index
      %get3A_552 = arith.constant 48 : index
      %get3A_553 = tpu.vector_load %arg7[%get3A_551, %get3A_552] {strides = array<i32>} : memref<200x128xf32, #tpu.memory_space<vmem>>, vector<1x16xf32>,
      %get3A_554 = vector.shape_cast %get3A_553 : vector<1x16xf32> to vector<16xf32>
      %add3A_555 = arith.addf %add3A_511, %get3A_554 : vector<16xf32>
      %get3A_556 = arith.index_cast %add3A_535 : i32 to index
      %get3A_557 = arith.constant 64 : index
      %get3A_558 = tpu.vector_load %arg7[%get3A_556, %get3A_557] {strides = array<i32>} : memref<200x128xf32, #tpu.memory_space<vmem>>, vector<1x16xf32>,
      %get3A_559 = vector.shape_cast %get3A_558 : vector<1x16xf32> to vector<16xf32>
      %add3A_560 = arith.addf %add3A_516, %get3A_559 : vector<16xf32>
      %get3A_561 = arith.index_cast %add3A_535 : i32 to index
      %get3A_562 = arith.constant 80 : index
      %get3A_563 = tpu.vector_load %arg7[%get3A_561, %get3A_562] {strides = array<i32>} : memref<200x128xf32, #tpu.memory_space<vmem>>, vector<1x16xf32>,
      %get3A_564 = vector.shape_cast %get3A_563 : vector<1x16xf32> to vector<16xf32>
      %add3A_565 = arith.addf %add3A_521, %get3A_564 : vector<16xf32>
      %get3A_566 = arith.index_cast %add3A_535 : i32 to index
      %get3A_567 = arith.constant 96 : index
      %get3A_568 = tpu.vector_load %arg7[%get3A_566, %get3A_567] {strides = array<i32>} : memref<200x128xf32, #tpu.memory_space<vmem>>, vector<1x16xf32>,
      %get3A_569 = vector.shape_cast %get3A_568 : vector<1x16xf32> to vector<16xf32>
      %add3A_570 = arith.addf %add3A_526, %get3A_569 : vector<16xf32>
      %get3A_571 = arith.index_cast %add3A_535 : i32 to index
      %get3A_572 = arith.constant 112 : index
      %get3A_573 = tpu.vector_load %arg7[%get3A_571, %get3A_572] {strides = array<i32>} : memref<200x128xf32, #tpu.memory_space<vmem>>, vector<1x16xf32>,
      %get3A_574 = vector.shape_cast %get3A_573 : vector<1x16xf32> to vector<16xf32>
      %add3A_575 = arith.addf %add3A_531, %get3A_574 : vector<16xf32>
      %mul3A_576 = arith.constant 10 : i32
      %mul3A_577 = arith.muli %scan3A_216, %mul3A_576 : i32
      %add3A_578 = arith.constant 8 : i32
      %add3A_579 = arith.addi %mul3A_577, %add3A_578 : i32
      %get3A_580 = arith.index_cast %add3A_579 : i32 to index
      %get3A_581 = arith.constant 0 : index
      %get3A_582 = tpu.vector_load %arg7[%get3A_580, %get3A_581] {strides = array<i32>} : memref<200x128xf32, #tpu.memory_space<vmem>>, vector<1x16xf32>,
      %get3A_583 = vector.shape_cast %get3A_582 : vector<1x16xf32> to vector<16xf32>
      %add3A_584 = arith.addf %add3A_540, %get3A_583 : vector<16xf32>
      %get3A_585 = arith.index_cast %add3A_579 : i32 to index
      %get3A_586 = arith.constant 16 : index
      %get3A_587 = tpu.vector_load %arg7[%get3A_585, %get3A_586] {strides = array<i32>} : memref<200x128xf32, #tpu.memory_space<vmem>>, vector<1x16xf32>,
      %get3A_588 = vector.shape_cast %get3A_587 : vector<1x16xf32> to vector<16xf32>
      %add3A_589 = arith.addf %add3A_545, %get3A_588 : vector<16xf32>
      %get3A_590 = arith.index_cast %add3A_579 : i32 to index
      %get3A_591 = arith.constant 32 : index
      %get3A_592 = tpu.vector_load %arg7[%get3A_590, %get3A_591] {strides = array<i32>} : memref<200x128xf32, #tpu.memory_space<vmem>>, vector<1x16xf32>,
      %get3A_593 = vector.shape_cast %get3A_592 : vector<1x16xf32> to vector<16xf32>
      %add3A_594 = arith.addf %add3A_550, %get3A_593 : vector<16xf32>
      %get3A_595 = arith.index_cast %add3A_579 : i32 to index
      %get3A_596 = arith.constant 48 : index
      %get3A_597 = tpu.vector_load %arg7[%get3A_595, %get3A_596] {strides = array<i32>} : memref<200x128xf32, #tpu.memory_space<vmem>>, vector<1x16xf32>,
      %get3A_598 = vector.shape_cast %get3A_597 : vector<1x16xf32> to vector<16xf32>
      %add3A_599 = arith.addf %add3A_555, %get3A_598 : vector<16xf32>
      %get3A_600 = arith.index_cast %add3A_579 : i32 to index
      %get3A_601 = arith.constant 64 : index
      %get3A_602 = tpu.vector_load %arg7[%get3A_600, %get3A_601] {strides = array<i32>} : memref<200x128xf32, #tpu.memory_space<vmem>>, vector<1x16xf32>,
      %get3A_603 = vector.shape_cast %get3A_602 : vector<1x16xf32> to vector<16xf32>
      %add3A_604 = arith.addf %add3A_560, %get3A_603 : vector<16xf32>
      %get3A_605 = arith.index_cast %add3A_579 : i32 to index
      %get3A_606 = arith.constant 80 : index
      %get3A_607 = tpu.vector_load %arg7[%get3A_605, %get3A_606] {strides = array<i32>} : memref<200x128xf32, #tpu.memory_space<vmem>>, vector<1x16xf32>,
      %get3A_608 = vector.shape_cast %get3A_607 : vector<1x16xf32> to vector<16xf32>
      %add3A_609 = arith.addf %add3A_565, %get3A_608 : vector<16xf32>
      %get3A_610 = arith.index_cast %add3A_579 : i32 to index
      %get3A_611 = arith.constant 96 : index
      %get3A_612 = tpu.vector_load %arg7[%get3A_610, %get3A_611] {strides = array<i32>} : memref<200x128xf32, #tpu.memory_space<vmem>>, vector<1x16xf32>,
      %get3A_613 = vector.shape_cast %get3A_612 : vector<1x16xf32> to vector<16xf32>
      %add3A_614 = arith.addf %add3A_570, %get3A_613 : vector<16xf32>
      %get3A_615 = arith.index_cast %add3A_579 : i32 to index
      %get3A_616 = arith.constant 112 : index
      %get3A_617 = tpu.vector_load %arg7[%get3A_615, %get3A_616] {strides = array<i32>} : memref<200x128xf32, #tpu.memory_space<vmem>>, vector<1x16xf32>,
      %get3A_618 = vector.shape_cast %get3A_617 : vector<1x16xf32> to vector<16xf32>
      %add3A_619 = arith.addf %add3A_575, %get3A_618 : vector<16xf32>
      %mul3A_620 = arith.constant 10 : i32
      %mul3A_621 = arith.muli %scan3A_216, %mul3A_620 : i32
      %add3A_622 = arith.constant 9 : i32
      %add3A_623 = arith.addi %mul3A_621, %add3A_622 : i32
      %get3A_624 = arith.index_cast %add3A_623 : i32 to index
      %get3A_625 = arith.constant 0 : index
      %get3A_626 = tpu.vector_load %arg7[%get3A_624, %get3A_625] {strides = array<i32>} : memref<200x128xf32, #tpu.memory_space<vmem>>, vector<1x16xf32>,
      %get3A_627 = vector.shape_cast %get3A_626 : vector<1x16xf32> to vector<16xf32>
      %add3A_628 = arith.addf %add3A_584, %get3A_627 : vector<16xf32>
      %get3A_629 = arith.index_cast %add3A_623 : i32 to index
      %get3A_630 = arith.constant 16 : index
      %get3A_631 = tpu.vector_load %arg7[%get3A_629, %get3A_630] {strides = array<i32>} : memref<200x128xf32, #tpu.memory_space<vmem>>, vector<1x16xf32>,
      %get3A_632 = vector.shape_cast %get3A_631 : vector<1x16xf32> to vector<16xf32>
      %add3A_633 = arith.addf %add3A_589, %get3A_632 : vector<16xf32>
      %get3A_634 = arith.index_cast %add3A_623 : i32 to index
      %get3A_635 = arith.constant 32 : index
      %get3A_636 = tpu.vector_load %arg7[%get3A_634, %get3A_635] {strides = array<i32>} : memref<200x128xf32, #tpu.memory_space<vmem>>, vector<1x16xf32>,
      %get3A_637 = vector.shape_cast %get3A_636 : vector<1x16xf32> to vector<16xf32>
      %add3A_638 = arith.addf %add3A_594, %get3A_637 : vector<16xf32>
      %get3A_639 = arith.index_cast %add3A_623 : i32 to index
      %get3A_640 = arith.constant 48 : index
      %get3A_641 = tpu.vector_load %arg7[%get3A_639, %get3A_640] {strides = array<i32>} : memref<200x128xf32, #tpu.memory_space<vmem>>, vector<1x16xf32>,
      %get3A_642 = vector.shape_cast %get3A_641 : vector<1x16xf32> to vector<16xf32>
      %add3A_643 = arith.addf %add3A_599, %get3A_642 : vector<16xf32>
      %get3A_644 = arith.index_cast %add3A_623 : i32 to index
      %get3A_645 = arith.constant 64 : index
      %get3A_646 = tpu.vector_load %arg7[%get3A_644, %get3A_645] {strides = array<i32>} : memref<200x128xf32, #tpu.memory_space<vmem>>, vector<1x16xf32>,
      %get3A_647 = vector.shape_cast %get3A_646 : vector<1x16xf32> to vector<16xf32>
      %add3A_648 = arith.addf %add3A_604, %get3A_647 : vector<16xf32>
      %get3A_649 = arith.index_cast %add3A_623 : i32 to index
      %get3A_650 = arith.constant 80 : index
      %get3A_651 = tpu.vector_load %arg7[%get3A_649, %get3A_650] {strides = array<i32>} : memref<200x128xf32, #tpu.memory_space<vmem>>, vector<1x16xf32>,
      %get3A_652 = vector.shape_cast %get3A_651 : vector<1x16xf32> to vector<16xf32>
      %add3A_653 = arith.addf %add3A_609, %get3A_652 : vector<16xf32>
      %get3A_654 = arith.index_cast %add3A_623 : i32 to index
      %get3A_655 = arith.constant 96 : index
      %get3A_656 = tpu.vector_load %arg7[%get3A_654, %get3A_655] {strides = array<i32>} : memref<200x128xf32, #tpu.memory_space<vmem>>, vector<1x16xf32>,
      %get3A_657 = vector.shape_cast %get3A_656 : vector<1x16xf32> to vector<16xf32>
      %add3A_658 = arith.addf %add3A_614, %get3A_657 : vector<16xf32>
      %get3A_659 = arith.index_cast %add3A_623 : i32 to index
      %get3A_660 = arith.constant 112 : index
      %get3A_661 = tpu.vector_load %arg7[%get3A_659, %get3A_660] {strides = array<i32>} : memref<200x128xf32, #tpu.memory_space<vmem>>, vector<1x16xf32>,
      %get3A_662 = vector.shape_cast %get3A_661 : vector<1x16xf32> to vector<16xf32>
      %add3A_663 = arith.addf %add3A_619, %get3A_662 : vector<16xf32>
      scf.yield %add3A_628, %add3A_633, %add3A_638, %add3A_643, %add3A_648, %add3A_653, %add3A_658, %add3A_663 : vector<16xf32>, vector<16xf32>, vector<16xf32>, vector<16xf32>, vector<16xf32>, vector<16xf32>, vector<16xf32>, vector<16xf32>
    }
    %scan3A_167 = arith.constant 20 : i32
    %swap3A_168 = arith.constant 127 : i32
    %swap3A_169 = arith.index_cast %swap3A_168 : i32 to index
    %swap3A_170 = arith.constant 0 : index
    %swap3A_171 = tpu.vector_load %arg9[%swap3A_169, %swap3A_170] {strides = array<i32>} : memref<128x128xf32, #tpu.memory_space<vmem>>, vector<1x16xf32>,
    %swap3A_172 = vector.shape_cast %swap3A_171 : vector<1x16xf32> to vector<16xf32>
    %swap3A_173 = vector.shape_cast %scan3A_166#0 : vector<16xf32> to vector<1x16xf32>
    tpu.vector_store %arg9[%swap3A_169, %swap3A_170], %swap3A_173 {strides = array<i32>} : memref<128x128xf32, #tpu.memory_space<vmem>>, vector<1x16xf32>,
    %swap3A_174 = arith.constant 127 : i32
    %swap3A_175 = arith.index_cast %swap3A_174 : i32 to index
    %swap3A_176 = arith.constant 16 : index
    %swap3A_177 = tpu.vector_load %arg9[%swap3A_175, %swap3A_176] {strides = array<i32>} : memref<128x128xf32, #tpu.memory_space<vmem>>, vector<1x16xf32>,
    %swap3A_178 = vector.shape_cast %swap3A_177 : vector<1x16xf32> to vector<16xf32>
    %swap3A_179 = vector.shape_cast %scan3A_166#1 : vector<16xf32> to vector<1x16xf32>
    tpu.vector_store %arg9[%swap3A_175, %swap3A_176], %swap3A_179 {strides = array<i32>} : memref<128x128xf32, #tpu.memory_space<vmem>>, vector<1x16xf32>,
    %swap3A_180 = arith.constant 127 : i32
    %swap3A_181 = arith.index_cast %swap3A_180 : i32 to index
    %swap3A_182 = arith.constant 32 : index
    %swap3A_183 = tpu.vector_load %arg9[%swap3A_181, %swap3A_182] {strides = array<i32>} : memref<128x128xf32, #tpu.memory_space<vmem>>, vector<1x16xf32>,
    %swap3A_184 = vector.shape_cast %swap3A_183 : vector<1x16xf32> to vector<16xf32>
    %swap3A_185 = vector.shape_cast %scan3A_166#2 : vector<16xf32> to vector<1x16xf32>
    tpu.vector_store %arg9[%swap3A_181, %swap3A_182], %swap3A_185 {strides = array<i32>} : memref<128x128xf32, #tpu.memory_space<vmem>>, vector<1x16xf32>,
    %swap3A_186 = arith.constant 127 : i32
    %swap3A_187 = arith.index_cast %swap3A_186 : i32 to index
    %swap3A_188 = arith.constant 48 : index
    %swap3A_189 = tpu.vector_load %arg9[%swap3A_187, %swap3A_188] {strides = array<i32>} : memref<128x128xf32, #tpu.memory_space<vmem>>, vector<1x16xf32>,
    %swap3A_190 = vector.shape_cast %swap3A_189 : vector<1x16xf32> to vector<16xf32>
    %swap3A_191 = vector.shape_cast %scan3A_166#3 : vector<16xf32> to vector<1x16xf32>
    tpu.vector_store %arg9[%swap3A_187, %swap3A_188], %swap3A_191 {strides = array<i32>} : memref<128x128xf32, #tpu.memory_space<vmem>>, vector<1x16xf32>,
    %swap3A_192 = arith.constant 127 : i32
    %swap3A_193 = arith.index_cast %swap3A_192 : i32 to index
    %swap3A_194 = arith.constant 64 : index
    %swap3A_195 = tpu.vector_load %arg9[%swap3A_193, %swap3A_194] {strides = array<i32>} : memref<128x128xf32, #tpu.memory_space<vmem>>, vector<1x16xf32>,
    %swap3A_196 = vector.shape_cast %swap3A_195 : vector<1x16xf32> to vector<16xf32>
    %swap3A_197 = vector.shape_cast %scan3A_166#4 : vector<16xf32> to vector<1x16xf32>
    tpu.vector_store %arg9[%swap3A_193, %swap3A_194], %swap3A_197 {strides = array<i32>} : memref<128x128xf32, #tpu.memory_space<vmem>>, vector<1x16xf32>,
    %swap3A_198 = arith.constant 127 : i32
    %swap3A_199 = arith.index_cast %swap3A_198 : i32 to index
    %swap3A_200 = arith.constant 80 : index
    %swap3A_201 = tpu.vector_load %arg9[%swap3A_199, %swap3A_200] {strides = array<i32>} : memref<128x128xf32, #tpu.memory_space<vmem>>, vector<1x16xf32>,
    %swap3A_202 = vector.shape_cast %swap3A_201 : vector<1x16xf32> to vector<16xf32>
    %swap3A_203 = vector.shape_cast %scan3A_166#5 : vector<16xf32> to vector<1x16xf32>
    tpu.vector_store %arg9[%swap3A_199, %swap3A_200], %swap3A_203 {strides = array<i32>} : memref<128x128xf32, #tpu.memory_space<vmem>>, vector<1x16xf32>,
    %swap3A_204 = arith.constant 127 : i32
    %swap3A_205 = arith.index_cast %swap3A_204 : i32 to index
    %swap3A_206 = arith.constant 96 : index
    %swap3A_207 = tpu.vector_load %arg9[%swap3A_205, %swap3A_206] {strides = array<i32>} : memref<128x128xf32, #tpu.memory_space<vmem>>, vector<1x16xf32>,
    %swap3A_208 = vector.shape_cast %swap3A_207 : vector<1x16xf32> to vector<16xf32>
    %swap3A_209 = vector.shape_cast %scan3A_166#6 : vector<16xf32> to vector<1x16xf32>
    tpu.vector_store %arg9[%swap3A_205, %swap3A_206], %swap3A_209 {strides = array<i32>} : memref<128x128xf32, #tpu.memory_space<vmem>>, vector<1x16xf32>,
    %swap3A_210 = arith.constant 127 : i32
    %swap3A_211 = arith.index_cast %swap3A_210 : i32 to index
    %swap3A_212 = arith.constant 112 : index
    %swap3A_213 = tpu.vector_load %arg9[%swap3A_211, %swap3A_212] {strides = array<i32>} : memref<128x128xf32, #tpu.memory_space<vmem>>, vector<1x16xf32>,
    %swap3A_214 = vector.shape_cast %swap3A_213 : vector<1x16xf32> to vector<16xf32>
    %swap3A_215 = vector.shape_cast %scan3A_166#7 : vector<16xf32> to vector<1x16xf32>
    tpu.vector_store %arg9[%swap3A_211, %swap3A_212], %swap3A_215 {strides = array<i32>} : memref<128x128xf32, #tpu.memory_space<vmem>>, vector<1x16xf32>,
    "tpu.region"() ({
      %run_scoped3A = tpu.sem_alloc : memref<!tpu.dma_semaphore, #tpu.memory_space<semaphore_mem>>
      %dma_start3A_216 = arith.constant 0 : i32
      %dma_start3A_217 = tpu.memref_slice %arg4[%mul3A_2, %dma_start3A_216] : memref<4096x128xf32, #tpu.memory_space<hbm>> -> memref<128x128xf32, #tpu.memory_space<hbm>>
      %dma_start3A_218 = arith.constant 0 : i32
      %dma_start3A_219 = tpu.memref_slice %arg4[%mul3A_2, %dma_start3A_218] : memref<4096x128xf32, #tpu.memory_space<hbm>> -> memref<128x128xf32, #tpu.memory_space<hbm>>
      tpu.enqueue_dma source(%arg9 : memref<128x128xf32, #tpu.memory_space<vmem>>) target(%dma_start3A_219 : memref<128x128xf32, #tpu.memory_space<hbm>>) target_semaphore(%run_scoped3A : memref<!tpu.dma_semaphore, #tpu.memory_space<semaphore_mem>>)
      %dma_wait3A_220 = arith.constant 0 : i32
      %dma_wait3A_221 = tpu.memref_slice %arg4[%mul3A_2, %dma_wait3A_220] : memref<4096x128xf32, #tpu.memory_space<hbm>> -> memref<128x128xf32, #tpu.memory_space<hbm>>
      %dma_wait3A_222 = arith.constant 0 : i32
      %dma_wait3A_223 = tpu.memref_slice %arg4[%mul3A_2, %dma_wait3A_222] : memref<4096x128xf32, #tpu.memory_space<hbm>> -> memref<128x128xf32, #tpu.memory_space<hbm>>
      tpu.wait_dma2 semaphore(%run_scoped3A : memref<!tpu.dma_semaphore, #tpu.memory_space<semaphore_mem>>) src(%arg9 : memref<128x128xf32, #tpu.memory_space<vmem>>) dst(%dma_wait3A_223 : memref<128x128xf32, #tpu.memory_space<hbm>>)
      tpu.yield
    }) : () -> ()
    return
  }
}

module attributes {stable_mosaic.version = 14 : i64} {
  func.func @_proj_body(%arg0: i32, %arg1: memref<10000x256xf32, #tpu.memory_space<vmem>>, %arg2: memref<256x128xf32, #tpu.memory_space<vmem>>, %arg3: memref<1x128xf32, #tpu.memory_space<vmem>>, %arg4: memref<10000x128xf32, #tpu.memory_space<vmem>>) attributes {dimension_semantics = [#tpu.dimension_semantics<arbitrary>], iteration_bounds = array<i64: 10>, scalar_prefetch = 0 : i64, scratch_operands = 0 : i64, tpu.core_type = #tpu.core_type<tc>, window_params = [{transform_indices = @transform_0, window_bounds = array<i64: 10000, 256>}, {pipeline_mode = #tpu.pipeline_mode<synchronous>, transform_indices = @transform_1, window_bounds = array<i64: 256, 128>}, {pipeline_mode = #tpu.pipeline_mode<synchronous>, transform_indices = @transform_2, window_bounds = array<i64: 1, 128>}, {transform_indices = @transform_3, window_bounds = array<i64: 10000, 128>}]} {
    %get3A = arith.constant 0 : index
    %get3A_0 = arith.constant 0 : index
    %get3A_1 = vector.load %arg1[%get3A, %get3A_0] : memref<10000x256xf32, #tpu.memory_space<vmem>>, vector<10000x256xf32>
    %convert_element_type3A = arith.truncf %get3A_1 : vector<10000x256xf32> to vector<10000x256xbf16>
    %convert_element_type3A_2 = arith.extf %convert_element_type3A : vector<10000x256xbf16> to vector<10000x256xf32>
    %sub3A = arith.subf %get3A_1, %convert_element_type3A_2 : vector<10000x256xf32>
    %convert_element_type3A_3 = arith.truncf %sub3A : vector<10000x256xf32> to vector<10000x256xbf16>
    %get3A_4 = arith.constant 0 : index
    %get3A_5 = arith.constant 0 : index
    %get3A_6 = vector.load %arg2[%get3A_4, %get3A_5] : memref<256x128xf32, #tpu.memory_space<vmem>>, vector<256x128xf32>
    %convert_element_type3A_7 = arith.truncf %get3A_6 : vector<256x128xf32> to vector<256x128xbf16>
    %dot_general3A = arith.constant dense<0.000000e+00> : vector<10000x128xf32>
    %dot_general3A_8 = tpu.matmul %convert_element_type3A, %convert_element_type3A_7, %dot_general3A {dimension_numbers = #tpu.dot_dimension_numbers<[1], [0], [0], [1], [0, 0, 1, 1], [], []>, transpose_lhs_hint = false} : vector<10000x256xbf16>, vector<256x128xbf16>, vector<10000x128xf32> -> vector<10000x128xf32>
    %dot_general3A_9 = arith.constant dense<0.000000e+00> : vector<10000x128xf32>
    %dot_general3A_10 = tpu.matmul %convert_element_type3A_3, %convert_element_type3A_7, %dot_general3A_9 {dimension_numbers = #tpu.dot_dimension_numbers<[1], [0], [0], [1], [0, 0, 1, 1], [], []>, transpose_lhs_hint = false} : vector<10000x256xbf16>, vector<256x128xbf16>, vector<10000x128xf32> -> vector<10000x128xf32>
    %add3A = arith.addf %dot_general3A_8, %dot_general3A_10 : vector<10000x128xf32>
    %get3A_11 = arith.constant 0 : index
    %get3A_12 = arith.constant 0 : index
    %get3A_13 = vector.load %arg3[%get3A_11, %get3A_12] : memref<1x128xf32, #tpu.memory_space<vmem>>, vector<1x128xf32>
    %add3A_14 = vector.broadcast %get3A_13 : vector<1x128xf32> to vector<10000x128xf32>
    %add3A_15 = arith.addf %add3A, %add3A_14 : vector<10000x128xf32>
    %mul3A = arith.constant 5.000000e-03 : f32
    %mul3A_16 = vector.broadcast %mul3A : f32 to vector<10000x128xf32>
    %mul3A_17 = arith.mulf %add3A_15, %mul3A_16 : vector<10000x128xf32>
    %swap3A = arith.constant 0 : index
    %swap3A_18 = arith.constant 0 : index
    %swap3A_19 = vector.load %arg4[%swap3A, %swap3A_18] : memref<10000x128xf32, #tpu.memory_space<vmem>>, vector<10000x128xf32>
    tpu.vector_store %arg4[%swap3A, %swap3A_18], %mul3A_17 {strides = array<i32>} : memref<10000x128xf32, #tpu.memory_space<vmem>>, vector<10000x128xf32>,
    return
  }
  func.func @transform_0(%arg0: i32) -> (i32, i32) {
    %c0_i32 = arith.constant 0 : i32
    %c0_i32_0 = arith.constant 0 : i32
    return %arg0, %c0_i32 : i32, i32
  }
  func.func @transform_1(%arg0: i32) -> (i32, i32) {
    %c0_i32 = arith.constant 0 : i32
    %c0_i32_0 = arith.constant 0 : i32
    %c0_i32_1 = arith.constant 0 : i32
    return %c0_i32, %c0_i32_0 : i32, i32
  }
  func.func @transform_2(%arg0: i32) -> (i32, i32) {
    %c0_i32 = arith.constant 0 : i32
    %c0_i32_0 = arith.constant 0 : i32
    %c0_i32_1 = arith.constant 0 : i32
    return %c0_i32, %c0_i32_0 : i32, i32
  }
  func.func @transform_3(%arg0: i32) -> (i32, i32) {
    %c0_i32 = arith.constant 0 : i32
    %c0_i32_0 = arith.constant 0 : i32
    return %arg0, %c0_i32 : i32, i32
  }
}

</mosaic_0001>

<sc_bundles>
// kernel: kernel.4.cloned.1.call-start
scs
__scs_entry_jumppad:
0x0: {  	(pc) =	sbr.rel $0x88, $3  }
0x1: {  	(tag) =	ssettag $0x0;
	lr =	simm.s32 $0x1  }
0x2: {  	[smem:$0x3F9D] =	sst lr;
	_ =	strace $0xD0000000  }
0x3: {  	_ = 	snop  }
0x4: {  	_ = 	snop  }
0x5: {  	_ = 	snop  }
0x6: {  	_ = 	snop  }
0x7: {  	_ = 	snop  }
__scs_overlays_trampoline_lowered:
0x8: {  	[smem:$0x3FAC] =	sst s0  }
0x9: {  	[smem:$0x3FAD] =	sst s1  }
0xa: {  	[smem:$0x3FAE] =	sst s2  }
0xb: {  	[smem:$0x3FAF] =	sst s3  }
0xc: {  	[smem:$0x3FB0] =	sst s4  }
0xd: {  	[smem:$0x3FB1] =	sst s5  }
0xe: {  	[smem:$0x3FB2] =	sst s6  }
0xf: {  	[smem:$0x3FB3] =	sst s7  }
0x10: {  	[smem:$0x3FB4] =	sst s8  }
0x11: {  	[smem:$0x3FB5] =	sst s9;
	s0 =	simm.s32 @!p0 $0x0  }
0x12: {  	s1 =	sld [smem:$0x3F9B];
	s0 =	simm.s32 @p0 $0x1  }
0x13: {  	[smem:$0x3FB6] =	sst s0;
	s0 =	simm.s32 @!p1 $0x0  }
0x14: {  	s2 =	sld [smem:$0x3F9A];
	s0 =	simm.s32 @p1 $0x1  }
0x15: {  	[smem:$0x3FB7] =	sst s0;
	s0 =	simm.s32 @!p2 $0x0  }
0x16: {  	s3 =	sld [smem:$0x3FDB];
	s0 =	simm.s32 @p2 $0x1  }
0x17: {  	s4 =	simm.s32 $0x1BF5;
	[smem:$0x3FB9] =	sst s0  }
0x18: {  	s0 =	sld [smem:$0x3F9C];
	_ =	swait.ge [sflag:s4], $0x0  }
0x19: {  	s7 =	sld [smem:$0x3F9D]  }
0x1a: {  	s8 =	sadd.s32 $0xFFFFE003, lr  }
0x1b: {  	s9 =	sadd.s32 $0xFFFFFEF7, lr;
	s5 =	simm.s32 $0xFFFFFFFF;
	p2 =	slt.u32 s8, $0xFFFFF086  }
0x1c: {  	p1 =	slt.u32 s9, $0xF7A;
	s5 =	simm.s32 @!p2 $0x0  }
0x1d: {  	s5 =	simm.s32 @p1 $0x1;
	p0 =	seq.s32 s7, s2  }
0x1e: {  	s7 =	smul.u32 @!p0 $0xF7A, s2;
	p2 =	seq.s32 @!p0 s5, $0x0  }
0x1f: {  	s9 =	smul.u32 $0xF7A, s1;
	s8 =	simm.s32 @!p0 $0x1BF5;
	p2 =	por !p2, p0  }
0x20: {  	[sflag:s8] =	ssyncset.s32 @!p0 $0xFFFFF086;
	s6 =	sadd.s32 @!p0 s3, s7;
	s7 =	simm.s32 @!p0 $0x108  }
0x21: {  	s3 =	sadd.s32 s3, s9;
	s6 =	sadd.s32 @!p0 $0x88, s6;
	s7 =	simm.s32 @p2 $0x1082  }
0x22: {  	[simem:s7], [sflag:s8] =	dma.local @!p0 [hbm:s6], $0xF7A  }
0x23: {  	s9 =	sor.u32 $0xD0000000, s2;
	s6 =	simm.s32 $0x108;
	_ =	swait.ge @!p0 [sflag:s8], $0x0  }
0x24: {  	s3 =	sadd.s32 $0x88, s3;
	s6 =	simm.s32 @!p1 $0x1082;
	[sflag:s4] =	ssyncset.s32 $0xFFFFF086  }
0x25: {  	[simem:s6], [sflag:s4] =	dma.local [hbm:s3], $0xF7A  }
0x26: {  	[smem:$0x3F9D] =	sst s1;
	(tag) =	ssettag s2;
	_ =	strace s9  }
0x27: {  	s1 =	sld [smem:$0x3FAD]  }
0x28: {  	s2 =	sld [smem:$0x3FAE]  }
0x29: {  	s4 =	sld [smem:$0x3FB0]  }
0x2a: {  	p0 =	seq.s32 s5, $0x0;
	s5 =	sld [smem:$0x3FB1]  }
0x2b: {  	s6 =	sld [smem:$0x3FB2]  }
0x2c: {  	s7 =	sld [smem:$0x3FB3]  }
0x2d: {  	s3 =	simm.s32 $0x108;
	s8 =	sld [smem:$0x3FB4]  }
0x2e: {  	s3 =	simm.s32 @!p0 $0x1082;
	s9 =	sld [smem:$0x3FB5]  }
0x2f: {  	lr =	sadd.s32 s0, s3;
	s0 =	sld [smem:$0x3FAC]  }
0x30: {  	s3 =	sld [smem:$0x3FAF]  }
0x31: {  	[smem:$0x3FB8] =	sst s10  }
0x32: {  	s10 =	sld [smem:$0x3FB6];
	_ =	sdelay $0x3  }
0x33: {  	p0 =	seq.s32 s10, $0x1;
	s10 =	sld [smem:$0x3FB8];
	_ =	sdelay $0x3  }
0x34: {  	[smem:$0x3FB8] =	sst s10  }
0x35: {  	s10 =	sld [smem:$0x3FB7];
	_ =	sdelay $0x3  }
0x36: {  	p1 =	seq.s32 s10, $0x1;
	s10 =	sld [smem:$0x3FB8];
	_ =	sdelay $0x3  }
0x37: {  	[smem:$0x3FB8] =	sst s10  }
0x38: {  	s10 =	sld [smem:$0x3FB9]  }
0x39: {  	_ = 	snop;
	(pc) =	sbr.ind lr, $3  }
0x3a: {  	_ = 	snop  }
0x3b: {  	_ = 	snop  }
0x3c: {  	p2 =	seq.s32 s10, $0x1;
	s10 =	sld [smem:$0x3FB8]  }
0x3d: {  	_ =	shalt  }
0x3e: {  	_ =	shalt  }
0x3f: {  	_ =	shalt  }
0x40: {  	_ =	shalt  }
0x41: {  	_ =	shalt  }
0x42: {  	_ =	shalt  }
0x43: {  	_ =	shalt  }
0x44: {  	_ =	shalt  }
0x45: {  	_ =	shalt  }
0x46: {  	_ =	shalt  }
0x47: {  	_ =	shalt  }
0x48: {  	_ =	shalt  }
0x49: {  	_ =	shalt  }
0x4a: {  	_ =	shalt  }
0x4b: {  	_ =	shalt  }
0x4c: {  	_ =	shalt  }
0x4d: {  	_ =	shalt  }
0x4e: {  	_ =	shalt  }
0x4f: {  	_ =	shalt  }
0x50: {  	_ =	shalt  }
0x51: {  	_ =	shalt  }
0x52: {  	_ =	shalt  }
0x53: {  	_ =	shalt  }
0x54: {  	_ =	shalt  }
0x55: {  	_ =	shalt  }
0x56: {  	_ =	shalt  }
0x57: {  	_ =	shalt  }
0x58: {  	_ =	shalt  }
0x59: {  	_ =	shalt  }
0x5a: {  	_ =	shalt  }
0x5b: {  	_ =	shalt  }
0x5c: {  	_ =	shalt  }
0x5d: {  	_ =	shalt  }
0x5e: {  	_ =	shalt  }
0x5f: {  	_ =	shalt  }
0x60: {  	_ =	shalt  }
0x61: {  	_ =	shalt  }
0x62: {  	_ =	shalt  }
0x63: {  	_ =	shalt  }
0x64: {  	_ =	shalt  }
0x65: {  	_ =	shalt  }
0x66: {  	_ =	shalt  }
0x67: {  	_ =	shalt  }
0x68: {  	_ =	shalt  }
0x69: {  	_ =	shalt  }
0x6a: {  	_ =	shalt  }
0x6b: {  	_ =	shalt  }
0x6c: {  	_ =	shalt  }
0x6d: {  	_ =	shalt  }
0x6e: {  	_ =	shalt  }
0x6f: {  	_ =	shalt  }
0x70: {  	_ =	shalt  }
0x71: {  	_ =	shalt  }
0x72: {  	_ =	shalt  }
0x73: {  	_ =	shalt  }
0x74: {  	_ =	shalt  }
0x75: {  	_ =	shalt  }
0x76: {  	_ =	shalt  }
0x77: {  	_ =	shalt  }
0x78: {  	_ =	shalt  }
0x79: {  	_ =	shalt  }
0x7a: {  	_ =	shalt  }
0x7b: {  	_ =	shalt  }
0x7c: {  	_ =	shalt  }
0x7d: {  	_ =	shalt  }
0x7e: {  	_ =	shalt  }
0x7f: {  	_ =	shalt  }
0x80: {  	_ =	shalt  }
0x81: {  	_ =	shalt  }
0x82: {  	_ =	shalt  }
0x83: {  	_ =	shalt  }
0x84: {  	_ =	shalt  }
0x85: {  	_ =	shalt  }
0x86: {  	_ =	shalt  }
0x87: {  	_ =	shalt  }
.Lfunc_end0:
.L_simem_size_0:
called_computation_lowered:
.L_overlay_start_0:
0x88: {  	s2 =	sld [smem:$0x3FD9]  }
0x89: {  	s3 =	sld [smem:$0x3FFE];
	_ =	sdelay $0x1  }
0x8a: {  	s1 =	srdreg.scid  }
0x8b: {  	s0 =	sand.u32 $0x1, s1  }
0x8c: {  	s17 =	sshll.u32 s0, $0xA;
	s2 =	sadd.s32 s3, s2  }
0x8d: {  	s2 =	sadd.s32 s2, s17  }
0x8e: {  	[smem:$0x3FC4] =	sst s2  }
0x8f: {  	_ = 	snop  }
0x90: {  	s2 =	sld [smem:$0x3FD0];
	(tm) =	ssettm $0x1  }
0x91: {  	s18 =	sld [smem:$0x3FFB];
	_ =	sdelay $0x3  }
0x92: {  	_ =	strace s18  }
0x93: {  	s3 =	sld [smem:$0x3FFC];
	_ =	sdelay $0x3  }
0x94: {  	_ =	strace s3  }
0x95: {  	s3 =	sld [smem:$0x3FFD];
	_ =	sdelay $0x3  }
0x96: {  	_ =	strace s3  }
0x97: {  	_ =	strace $0x8FFFFFFF  }
0x98: {  	s19 =	sld [smem:$0x3FDB];
	_ =	sdelay $0x1  }
0x99: {  	s4 =	simm.s32 $_scs_section_size  }
0x9a: {  	s5 =	simm.s32 $_size__tile_overlayer_lowered;
	s6 =	simm.s32 $_tile_overlayer_lowered  }
0x9b: {  	s22 =	simm.s32 $0x1BFF;
	s21 =	sshll.u32 s6, $0x1;
	s3 =	sadd.s32 s4, s19  }
0x9c: {  	s7 =	simm.s32 $0x0;
	s20 =	sshll.u32 s5, $0x1;
	s5 =	sadd.s32 s21, s3  }
0x9d: {  	[timem:s7], [sflag:s22] =	dma.local [hbm:s5], s20  }
0x9e: {  	_ =	swait.ge [sflag:s22], s20  }
0x9f: {  	s4 =	ssub.s32 $0x0, s20;
	[sflag:s22] =	ssyncset.done $0x0  }
0xa0: {  	[sflag:s22] =	ssyncadd.s32 s4;
	_ =	sdelay $0x1  }
0xa1: {  	s23 =	simm.s32 $0x1B8B  }
0xa2: {  	_ =	swait.ge [sflag:s23], $0x1  }
0xa3: {  	[sflag:s23] =	ssyncset.done $0x0  }
0xa4: {  	s25 =	simm.s32 $0x1B8E;
	s24 =	sld [smem:$0x3FFE];
	[sflag:s23] =	ssyncadd.s32 $0xFFFFFFFF  }
0xa5: {  	s26 =	simm.s32 $execute0_lowered;
	[smem:$0x3FD2] =	sst s25  }
0xa6: {  	s5 =	sshll.u32 s26, $0x1;
	_ =	strace $0x80000046;
	[dreg:$0x1] =	wrdreg $0xFFFFFFFF  }
0xa7: {  	s28 =	simm.s32 $_size_execute0_lowered;
	s3 =	sadd.s32 s3, s5;
	[dreg:$0x0] =	wrdreg $0x0  }
0xa8: {  	s5 =	sshll.u32 s28, $0x1;
	[dreg:$0x2] =	wrdreg s3  }
0xa9: {  	[dreg:$0x3] =	wrdreg s5  }
0xaa: {  	[dreg:$0x4] =	wrdreg $0xC0  }
0xab: {  	_ =	task [dreg:s7], $0x5FFFF  }
0xac: {  	[dreg:$0x1] =	wrdreg $0xFFFFFFFF  }
0xad: {  	[dreg:$0x0] =	wrdreg $0x60  }
0xae: {  	[dreg:$0x2] =	wrdreg s24  }
0xaf: {  	[dreg:$0x3] =	wrdreg s2  }
0xb0: {  	[dreg:$0x4] =	wrdreg $0x9  }
0xb1: {  	_ =	task.clear_ibuf [dreg:s7], $0x5FFFF;
	_ =	strace $0x90000046  }
0xb2: {  	s29 =	simm.s32 $0x9;
	_ =	strace $0x80000048  }
0xb3: {  	_ =	swait.ge [sflag:s29], $0x1  }
0xb4: {  	[sflag:s29] =	ssyncadd.s32 $0xFFFFFFFF  }
0xb5: {  	_ =	strace $0x90000048  }
0xb6: {  	_ =	sfence  }
0xb7: {  	s30 =	sld [smem:$0x0];
	_ =	sdelay $0x2  }
0xb8: {  	s31 =	sshll.u32 s1, $0xD;
	s1 =	sshrl.u32 s1, $0x2  }
0xb9: {  	s3 =	sand.u32 $0x4000, s31;
	s1 =	sadd.s32 s1, s30  }
0xba: {  	s0 =	sor.u32 s3, s0;
	s1 =	sshll.u32 s1, $0x11  }
0xbb: {  	s0 =	sor.u32 s1, s0  }
0xbc: {  	s0 =	sadd.s32 $0x8F2B, s0  }
0xbd: {  	[sflag:s0] =	ssyncadd.remote.s32 $0x1  }
0xbe: {  	_ =	sfence.sel $0xFFFF  }
0xbf: {  	[dreg:$0x0] =	wrdreg $0xFFFFFFFF;
	(pc) =	sbr.abs _section_cstart, $3  }
0xc0: {  	[dreg:$0x1] =	wrdreg $0xFFFFFFFF  }
0xc1: {  	_ =	task.clear_ibuf [dreg:s7], $0x2FFFF;
	_ =	strace $0x9FFFFFFF  }
0xc2: {  	(tm) =	ssettm $0x7FFFFFFF  }
0xc3: {  	_ =	shalt  }
tec
execute0_lowered:
.L_overlay_start_1:
0x0: {  	(tag) =	ssettag $0x1  }
0x1: {  	s4 =	rddreg [dreg:$0x0];
	s1 =	srdreg.scid  }
0x2: {  	s0 =	stileid.u32;
	s5 =	rddreg [dreg:$0x1]  }
0x3: {  	s2 =	simm.s32 $0x0;
	s9 =	simm.s32 $0x6400;
	s10 =	simm.s32 $0x60  }
0x4: {  	s11 =	simm.s32 $0x9800;
	s12 =	simm.s32 $0xC8;
	s13 =	simm.s32 $0xC800  }
0x5: {  	s14 =	simm.s32 $0x130;
	s15 =	simm.s32 $0xFC00;
	s16 =	simm.s32 $0x12C00  }
0x6: {  	s17 =	simm.s32 $0x16000;
	s18 =	simm.s32 $0x1;
	s19 =	simm.s32 $0x2  }
0x7: {  	s20 =	simm.s32 $0x3;
	s21 =	simm.s32 $0x19000;
	s22 =	simm.s32 $0x0  }
0x8: {  	s3 =	sand.u32 $0x1, s1;
	s6 =	sshll.u32 s0, $0x1;
	[smem:$0x7FF] =	sst s2  }
0x9: {  	s1 =	rddreg [dreg:$0x2];
	s6 =	sor.u32 s3, s6;
	_ =	strace $0x80000047  }
0xa: {  	s8 =	ssub.s32 $0x2, s3;
	s7 =	smul.u32 $0xC80, s6;
	s6 =	sshll.u32 s6, $0xB  }
0xb: {  	s3 =	sadd.s32 $0x19800, s4;
	s31 =	sshrl.u32 s8, $0x1;
	s5 =	sadd.s32 s5, s6  }
0xc: {  	s4 =	sadd.s32 s7, s4;
	s7 =	ssub.s32 s8, s31;
	s8 =	simm.s32 $0x68  }
0xd: {  	s4 =	sadd.s32 $0x800, s4;
	s6 =	smax.u32 s7, $0x1;
	s7 =	simm.s32 $0x4  }
.LBB2_1:
0xe: {  	[tilespmem:s2], [sflag:$0x4] =	stream.linear.gather [hbm4b:s4+s2], $0x6400, $0x38;
	[tilespmem:$0x1D000] =	vst v63  }
0xf: {  	_ =	swait.ge [sflag:s7], $0x6400  }
0x10: {  	[sflag:s7] =	ssyncset.done $0x0  }
0x11: {  	[sflag:s7] =	ssyncadd.s32 $0xFFFF9C00  }
0x12: {  	[tilespmem:s9], [sflag:$0x1] =	stream.indirect.gather [hbm4b:s3+s8], $0x80, s2, s8, $0xb8;
	[tilespmem:$0x1D000] =	vst v63  }
0x13: {  	_ = 	snop  }
0x14: {  	[tilespmem:s11], [sflag:$0x1] =	stream.indirect.gather [hbm4b:s3+s10], $0x80, s8, s10, $0xb8;
	[tilespmem:$0x1D000] =	vst v63  }
0x15: {  	_ = 	snop  }
0x16: {  	[tilespmem:s13], [sflag:$0x2] =	stream.indirect.gather [hbm4b:s3+s8], $0x80, s12, s8, $0xb8;
	[tilespmem:$0x1D000] =	vst v63  }
0x17: {  	s23 =	simm.s32 $0x0  }
0x18: {  	[tilespmem:s15], [sflag:$0x2] =	stream.indirect.gather [hbm4b:s3+s10], $0x80, s14, s10, $0xb8;
	[tilespmem:$0x1D000] =	vst v63  }
.LBB2_2:
0x19: {  	s24 =	smul.u32 $0x3, s23;
	_ =	sdelay $0x1  }
0x1a: {  	s24 =	sadd.s32 $0x2, s24  }
0x1b: {  	s25 =	smul.u32 $0x320, s24;
	_ =	sdelay $0x1  }
0x1c: {  	s25 =	sshra.s32 s25, $0x2  }
0x1d: {  	[tilespmem:s16], [sflag:$0x3] =	stream.indirect.gather [hbm4b:s3+s8], $0x80, s25, s8, $0xb8;
	[tilespmem:$0x1D000] =	vst v63  }
0x1e: {  	s25 =	sadd.s32 $0x68, s25  }
0x1f: {  	[tilespmem:s17], [sflag:$0x3] =	stream.indirect.gather [hbm4b:s3+s10], $0x80, s25, s10, $0xb8;
	[tilespmem:$0x1D000] =	vst v63  }
0x20: {  	_ =	swait.ge [sflag:s18], $0x3400  }
0x21: {  	[sflag:s18] =	ssyncset.done $0x0  }
0x22: {  	[sflag:s18] =	ssyncadd.s32 $0xFFFFCC00  }
0x23: {  	_ =	swait.ge [sflag:s18], $0x3000  }
0x24: {  	[sflag:s18] =	ssyncset.done $0x0  }
0x25: {  	s25 =	simm.s32 $0x0;
	[sflag:s18] =	ssyncadd.s32 $0xFFFFD000  }
0x26: {  	v8 =	vld [tilespmem:s25+$0x6880]  }
0x27: {  	v9 =	vld [tilespmem:s25+$0x6890]  }
0x28: {  	v10 =	vld [tilespmem:s25+$0x68A0]  }
0x29: {  	v11 =	vld [tilespmem:s25+$0x68B0]  }
0x2a: {  	v0 =	vld [tilespmem:s25+$0x68C0]  }
0x2b: {  	v1 =	vld [tilespmem:s25+$0x68D0]  }
0x2c: {  	v14 =	vld [tilespmem:s25+$0x6800]  }
0x2d: {  	v16 =	vld [tilespmem:s25+$0x6810]  }
0x2e: {  	v13 =	vld [tilespmem:s25+$0x6820]  }
0x2f: {  	v15 =	vld [tilespmem:s25+$0x6830]  }
0x30: {  	v3 =	vld [tilespmem:s25+$0x6840]  }
0x31: {  	v2 =	vld [tilespmem:s25+$0x6850]  }
0x32: {  	v19 =	vld [tilespmem:s25+$0x6780]  }
0x33: {  	v20 =	vld [tilespmem:s25+$0x6790]  }
0x34: {  	v21 =	vld [tilespmem:s25+$0x67A0]  }
0x35: {  	v25 =	vld [tilespmem:s25+$0x67B0]  }
0x36: {  	v4 =	vld [tilespmem:s25+$0x67C0]  }
0x37: {  	v5 =	vld [tilespmem:s25+$0x67D0]  }
0x38: {  	v22 =	vld [tilespmem:s25+$0x6700]  }
0x39: {  	v23 =	vld [tilespmem:s25+$0x6710]  }
0x3a: {  	v24 =	vld [tilespmem:s25+$0x6720]  }
0x3b: {  	v34 =	vld [tilespmem:s25+$0x6730]  }
0x3c: {  	v6 =	vld [tilespmem:s25+$0x6740]  }
0x3d: {  	v7 =	vld [tilespmem:s25+$0x6750]  }
0x3e: {  	v31 =	vld [tilespmem:s25+$0x6680]  }
0x3f: {  	v32 =	vld [tilespmem:s25+$0x6690]  }
0x40: {  	v33 =	vld [tilespmem:s25+$0x66A0]  }
0x41: {  	v35 =	vld [tilespmem:s25+$0x66B0]  }
0x42: {  	v12 =	vld [tilespmem:s25+$0x66C0]  }
0x43: {  	v29 =	vld [tilespmem:s25+$0x6600]  }
0x44: {  	v30 =	vld [tilespmem:s25+$0x6610]  }
0x45: {  	v27 =	vld [tilespmem:s25+$0x6580]  }
0x46: {  	v28 =	vld [tilespmem:s25+$0x6590]  }
0x47: {  	v17 =	vld [tilespmem:s25+$0x6500]  }
0x48: {  	v26 =	vld [tilespmem:s25+$0x6510]  }
0x49: {  	v36 =	vld [tilespmem:s25+$0x6480]  }
0x4a: {  	v37 =	vld [tilespmem:s25+$0x6490]  }
0x4b: {  	v38 =	vld [tilespmem:s25+$0x6400]  }
0x4c: {  	v39 =	vld [tilespmem:s25+$0x6410]  }
0x4d: {  	v40 =	vld [tilespmem:s25+$0x6420]  }
0x4e: {  	v41 =	vld [tilespmem:s25+$0x6430]  }
0x4f: {  	v42 =	vld [tilespmem:s25+$0x64A0]  }
0x50: {  	v43 =	vld [tilespmem:s25+$0x64B0]  }
0x51: {  	v18 =	vimm.f32 $0.0e+00;
	v44 =	vld [tilespmem:s25+$0x6520]  }
0x52: {  	v45 =	vld [tilespmem:s25+$0x6530];
	v38 =	vadd.f32 v38, v18;
	v39 =	vadd.f32 v39, v18  }
0x53: {  	v46 =	vld [tilespmem:s25+$0x65A0];
	v40 =	vadd.f32 v40, v18;
	v41 =	vadd.f32 v41, v18  }
0x54: {  	v58 =	vld [tilespmem:s25+$0x65B0];
	v36 =	vadd.f32 v36, v38;
	v37 =	vadd.f32 v37, v39  }
0x55: {  	v61 =	vld [tilespmem:s25+$0x6620];
	v59 =	vadd.f32 v42, v40;
	v60 =	vadd.f32 v43, v41  }
0x56: {  	v62 =	vld [tilespmem:s25+$0x6630];
	v36 =	vadd.f32 v17, v36;
	v37 =	vadd.f32 v26, v37  }
0x57: {  	v17 =	vld [tilespmem:s25+$0x66D0];
	v39 =	vadd.f32 v44, v59;
	v40 =	vadd.f32 v45, v60  }
0x58: {  	v26 =	vld [tilespmem:s25+$0x6640];
	v36 =	vadd.f32 v27, v36;
	v37 =	vadd.f32 v28, v37  }
0x59: {  	v27 =	vld [tilespmem:s25+$0x6650];
	v39 =	vadd.f32 v46, v39;
	v38 =	vadd.f32 v58, v40  }
0x5a: {  	v28 =	vld [tilespmem:s25+$0x65C0];
	v36 =	vadd.f32 v29, v36;
	v37 =	vadd.f32 v30, v37  }
0x5b: {  	v29 =	vld [tilespmem:s25+$0x65D0];
	v39 =	vadd.f32 v61, v39;
	v38 =	vadd.f32 v62, v38  }
0x5c: {  	v30 =	vld [tilespmem:s25+$0x6540];
	v36 =	vadd.f32 v31, v36;
	v37 =	vadd.f32 v32, v37  }
0x5d: {  	v31 =	vld [tilespmem:s25+$0x6550];
	v39 =	vadd.f32 v33, v39;
	v35 =	vadd.f32 v35, v38  }
0x5e: {  	v32 =	vld [tilespmem:s25+$0x64C0];
	v22 =	vadd.f32 v22, v36;
	v23 =	vadd.f32 v23, v37  }
0x5f: {  	v33 =	vld [tilespmem:s25+$0x64D0];
	v24 =	vadd.f32 v24, v39;
	v63 =	vadd.f32 v34, v35  }
0x60: {  	v34 =	vld [tilespmem:s25+$0x6440];
	v22 =	vadd.f32 v19, v22;
	v23 =	vadd.f32 v20, v23  }
0x61: {  	v35 =	vld [tilespmem:s25+$0x6450];
	v24 =	vadd.f32 v21, v24;
	v25 =	vadd.f32 v25, v63  }
0x62: {  	s26 =	simm.s32 $0x1400;
	v36 =	vld [tilespmem:s25+$0x6460];
	v21 =	vimm.f32 $0.0e+00;
	v20 =	vimm.f32 $0.0e+00;
	v19 =	vimm.f32 $0.0e+00  }
.LBB2_3:
0x63: {  	p0 =	sne.s32 s26, $0x17C00;
	v37 =	vld [tilespmem:s25+$0x6470];
	v14 =	vadd.f32 v14, v22;
	v16 =	vadd.f32 v16, v23  }
0x64: {  	v38 =	vld [tilespmem:s25+$0x64E0];
	v13 =	vadd.f32 v13, v24;
	v15 =	vadd.f32 v15, v25  }
0x65: {  	v39 =	vld [tilespmem:s25+$0x64F0];
	v22 =	vadd.f32 v8, v14;
	v23 =	vadd.f32 v9, v16  }
0x66: {  	v8 =	vld [tilespmem:s25+$0x6560];
	v24 =	vadd.f32 v10, v13;
	v25 =	vadd.f32 v11, v15  }
0x67: {  	v9 =	vadd.f32 v34, v18;
	v10 =	vadd.f32 v35, v21;
	v11 =	vld [tilespmem:s25+$0x6570]  }
0x68: {  	v13 =	vadd.f32 v36, v20;
	v14 =	vadd.f32 v37, v19;
	v15 =	vld [tilespmem:s25+$0x65E0]  }
0x69: {  	v9 =	vadd.f32 v32, v9;
	v10 =	vadd.f32 v33, v10;
	v16 =	vld [tilespmem:s25+$0x65F0]  }
0x6a: {  	v13 =	vadd.f32 v38, v13;
	v14 =	vadd.f32 v39, v14;
	v18 =	vld [tilespmem:s25+$0x6660]  }
0x6b: {  	v9 =	vadd.f32 v30, v9;
	v10 =	vadd.f32 v31, v10;
	v19 =	vld [tilespmem:s25+$0x6670]  }
0x6c: {  	v8 =	vadd.f32 v8, v13;
	v11 =	vadd.f32 v11, v14;
	v13 =	vld [tilespmem:s25+$0x66E0]  }
0x6d: {  	v9 =	vadd.f32 v28, v9;
	v10 =	vadd.f32 v29, v10;
	v14 =	vld [tilespmem:s25+$0x66F0]  }
0x6e: {  	v8 =	vadd.f32 v15, v8;
	v11 =	vadd.f32 v16, v11;
	v15 =	vld [tilespmem:s25+$0x6760]  }
0x6f: {  	v9 =	vadd.f32 v26, v9;
	v10 =	vadd.f32 v27, v10;
	v16 =	vld [tilespmem:s25+$0x6770]  }
0x70: {  	v8 =	vadd.f32 v18, v8;
	v11 =	vadd.f32 v19, v11;
	v18 =	vld [tilespmem:s25+$0x67E0]  }
0x71: {  	v9 =	vadd.f32 v12, v9;
	v10 =	vadd.f32 v17, v10;
	v12 =	vld [tilespmem:s25+$0x67F0]  }
0x72: {  	v8 =	vadd.f32 v13, v8;
	v11 =	vadd.f32 v14, v11;
	v13 =	vld [tilespmem:s25+$0x6860]  }
0x73: {  	v6 =	vadd.f32 v6, v9;
	v7 =	vadd.f32 v7, v10;
	v14 =	vld [tilespmem:s25+$0x6870]  }
0x74: {  	v9 =	vadd.f32 v15, v8;
	v10 =	vadd.f32 v16, v11;
	v15 =	vld [tilespmem:s25+$0x68E0]  }
0x75: {  	v4 =	vadd.f32 v4, v6;
	v5 =	vadd.f32 v5, v7;
	v6 =	vld [tilespmem:s25+$0x68F0];
	s25 =	sshra.s32 s26, $0x2  }
0x76: {  	v7 =	vadd.f32 v18, v9;
	v8 =	vld [tilespmem:s25+$0x6880];
	v11 =	vadd.f32 v12, v10  }
0x77: {  	v3 =	vadd.f32 v3, v4;
	v2 =	vadd.f32 v2, v5;
	v9 =	vld [tilespmem:s25+$0x6890]  }
0x78: {  	v4 =	vadd.f32 v13, v7;
	v10 =	vld [tilespmem:s25+$0x68A0];
	v5 =	vadd.f32 v14, v11  }
0x79: {  	v18 =	vadd.f32 v0, v3;
	v21 =	vadd.f32 v1, v2;
	v11 =	vld [tilespmem:s25+$0x68B0]  }
0x7a: {  	v20 =	vadd.f32 v15, v4;
	v0 =	vld [tilespmem:s25+$0x68C0];
	v19 =	vadd.f32 v6, v5  }
0x7b: {  	v1 =	vld [tilespmem:s25+$0x68D0]  }
0x7c: {  	v14 =	vld [tilespmem:s25+$0x6800]  }
0x7d: {  	v16 =	vld [tilespmem:s25+$0x6810]  }
0x7e: {  	v13 =	vld [tilespmem:s25+$0x6820]  }
0x7f: {  	v15 =	vld [tilespmem:s25+$0x6830]  }
0x80: {  	v3 =	vld [tilespmem:s25+$0x6840]  }
0x81: {  	v2 =	vld [tilespmem:s25+$0x6850]  }
0x82: {  	v36 =	vld [tilespmem:s25+$0x6780]  }
0x83: {  	v37 =	vld [tilespmem:s25+$0x6790]  }
0x84: {  	v38 =	vld [tilespmem:s25+$0x67A0]  }
0x85: {  	v39 =	vld [tilespmem:s25+$0x67B0]  }
0x86: {  	v4 =	vld [tilespmem:s25+$0x67C0]  }
0x87: {  	v5 =	vld [tilespmem:s25+$0x67D0]  }
0x88: {  	v34 =	vld [tilespmem:s25+$0x6700]  }
0x89: {  	v35 =	vld [tilespmem:s25+$0x6710]  }
0x8a: {  	v40 =	vld [tilespmem:s25+$0x6720]  }
0x8b: {  	v41 =	vld [tilespmem:s25+$0x6730]  }
0x8c: {  	v6 =	vld [tilespmem:s25+$0x6740]  }
0x8d: {  	v7 =	vld [tilespmem:s25+$0x6750]  }
0x8e: {  	v32 =	vld [tilespmem:s25+$0x6680]  }
0x8f: {  	v33 =	vld [tilespmem:s25+$0x6690]  }
0x90: {  	v42 =	vld [tilespmem:s25+$0x66A0]  }
0x91: {  	v43 =	vld [tilespmem:s25+$0x66B0]  }
0x92: {  	v12 =	vld [tilespmem:s25+$0x66C0]  }
0x93: {  	v17 =	vld [tilespmem:s25+$0x66D0]  }
0x94: {  	v30 =	vld [tilespmem:s25+$0x6600]  }
0x95: {  	v31 =	vld [tilespmem:s25+$0x6610]  }
0x96: {  	v27 =	vld [tilespmem:s25+$0x6580]  }
0x97: {  	v28 =	vld [tilespmem:s25+$0x6590]  }
0x98: {  	v26 =	vld [tilespmem:s25+$0x6500]  }
0x99: {  	v29 =	vld [tilespmem:s25+$0x6510]  }
0x9a: {  	v44 =	vld [tilespmem:s25+$0x6480]  }
0x9b: {  	v45 =	vld [tilespmem:s25+$0x6490]  }
0x9c: {  	v46 =	vld [tilespmem:s25+$0x6400]  }
0x9d: {  	v47 =	vld [tilespmem:s25+$0x6410]  }
0x9e: {  	v48 =	vld [tilespmem:s25+$0x6420]  }
0x9f: {  	v49 =	vld [tilespmem:s25+$0x6430]  }
0xa0: {  	v50 =	vld [tilespmem:s25+$0x64A0]  }
0xa1: {  	v51 =	vld [tilespmem:s25+$0x64B0]  }
0xa2: {  	v52 =	vld [tilespmem:s25+$0x6520]  }
0xa3: {  	v22 =	vadd.f32 v46, v22;
	v23 =	vadd.f32 v47, v23;
	v46 =	vld [tilespmem:s25+$0x6530]  }
0xa4: {  	v24 =	vadd.f32 v48, v24;
	v25 =	vadd.f32 v49, v25;
	v47 =	vld [tilespmem:s25+$0x65A0]  }
0xa5: {  	v22 =	vadd.f32 v44, v22;
	v23 =	vadd.f32 v45, v23;
	v44 =	vld [tilespmem:s25+$0x65B0]  }
0xa6: {  	v24 =	vadd.f32 v50, v24;
	v25 =	vadd.f32 v51, v25;
	v45 =	vld [tilespmem:s25+$0x6620]  }
0xa7: {  	v22 =	vadd.f32 v26, v22;
	v23 =	vadd.f32 v29, v23;
	v48 =	vld [tilespmem:s25+$0x6630]  }
0xa8: {  	v24 =	vadd.f32 v52, v24;
	v25 =	vadd.f32 v46, v25;
	v26 =	vld [tilespmem:s25+$0x6640]  }
0xa9: {  	v22 =	vadd.f32 v27, v22;
	v23 =	vadd.f32 v28, v23;
	v27 =	vld [tilespmem:s25+$0x6650]  }
0xaa: {  	v24 =	vadd.f32 v47, v24;
	v25 =	vadd.f32 v44, v25;
	v28 =	vld [tilespmem:s25+$0x65C0]  }
0xab: {  	v22 =	vadd.f32 v30, v22;
	v23 =	vadd.f32 v31, v23;
	v29 =	vld [tilespmem:s25+$0x65D0]  }
0xac: {  	v24 =	vadd.f32 v45, v24;
	v30 =	vld [tilespmem:s25+$0x6540];
	v25 =	vadd.f32 v48, v25  }
0xad: {  	v22 =	vadd.f32 v32, v22;
	v23 =	vadd.f32 v33, v23;
	v31 =	vld [tilespmem:s25+$0x6550]  }
.Ltmp0:
0xae: {  	v24 =	vadd.f32 v42, v24;
	v32 =	vld [tilespmem:s25+$0x64C0];
	v25 =	vadd.f32 v43, v25;
	(pc) =	sbr.rel @p0 .LBB2_3-.Ltmp0, $4  }
0xaf: {  	v22 =	vadd.f32 v34, v22;
	v23 =	vadd.f32 v35, v23;
	v33 =	vld [tilespmem:s25+$0x64D0]  }
0xb0: {  	v24 =	vadd.f32 v40, v24;
	v34 =	vld [tilespmem:s25+$0x6440];
	v25 =	vadd.f32 v41, v25  }
0xb1: {  	v22 =	vadd.f32 v36, v22;
	v23 =	vadd.f32 v37, v23;
	v35 =	vld [tilespmem:s25+$0x6450]  }
0xb2: {  	s26 =	sadd.s32 $0x1400, s26;
	v24 =	vadd.f32 v38, v24;
	v36 =	vld [tilespmem:s25+$0x6460];
	v25 =	vadd.f32 v39, v25  }
0xb3: {  	v37 =	vld [tilespmem:s25+$0x6470];
	v14 =	vadd.f32 v14, v22;
	v16 =	vadd.f32 v16, v23  }
0xb4: {  	v22 =	vld [tilespmem:s25+$0x64E0];
	v13 =	vadd.f32 v13, v24;
	v15 =	vadd.f32 v15, v25  }
0xb5: {  	v23 =	vld [tilespmem:s25+$0x64F0];
	v8 =	vadd.f32 v8, v14;
	v9 =	vadd.f32 v9, v16  }
0xb6: {  	v14 =	vld [tilespmem:s25+$0x6560];
	v10 =	vadd.f32 v10, v13;
	v13 =	vadd.f32 v34, v18  }
0xb7: {  	v16 =	vld [tilespmem:s25+$0x6570];
	v11 =	vadd.f32 v11, v15;
	v15 =	vadd.f32 v35, v21  }
0xb8: {  	v21 =	vld [tilespmem:s25+$0x65F0];
	v18 =	vadd.f32 v36, v20;
	v13 =	vadd.f32 v32, v13  }
0xb9: {  	v20 =	vld [tilespmem:s25+$0x65E0];
	v19 =	vadd.f32 v37, v19;
	v15 =	vadd.f32 v33, v15  }
0xba: {  	v18 =	vadd.f32 v22, v18;
	v22 =	vld [tilespmem:s25+$0x6660];
	v13 =	vadd.f32 v30, v13  }
0xbb: {  	v19 =	vadd.f32 v23, v19;
	v15 =	vadd.f32 v31, v15;
	v23 =	vld [tilespmem:s25+$0x6670]  }
0xbc: {  	v14 =	vadd.f32 v14, v18;
	v18 =	vld [tilespmem:s25+$0x66E0];
	v13 =	vadd.f32 v28, v13  }
0xbd: {  	v16 =	vadd.f32 v16, v19;
	v15 =	vadd.f32 v29, v15;
	v19 =	vld [tilespmem:s25+$0x66F0]  }
0xbe: {  	v14 =	vadd.f32 v20, v14;
	v20 =	vld [tilespmem:s25+$0x6760];
	v13 =	vadd.f32 v26, v13  }
0xbf: {  	v16 =	vadd.f32 v21, v16;
	v15 =	vadd.f32 v27, v15;
	v21 =	vld [tilespmem:s25+$0x6770]  }
0xc0: {  	v14 =	vadd.f32 v22, v14;
	v22 =	vld [tilespmem:s25+$0x67E0];
	v12 =	vadd.f32 v12, v13  }
0xc1: {  	v13 =	vadd.f32 v23, v16;
	v15 =	vadd.f32 v17, v15;
	v16 =	vld [tilespmem:s25+$0x67F0]  }
0xc2: {  	v17 =	vld [tilespmem:s25+$0x6860];
	v14 =	vadd.f32 v18, v14;
	v6 =	vadd.f32 v6, v12  }
0xc3: {  	s26 =	smul.u32 $0x600, s23;
	v12 =	vadd.f32 v19, v13;
	v7 =	vadd.f32 v7, v15;
	v13 =	vld [tilespmem:s25+$0x6870]  }
0xc4: {  	v15 =	vld [tilespmem:s25+$0x68E0];
	v14 =	vadd.f32 v20, v14;
	v4 =	vadd.f32 v4, v6  }
0xc5: {  	v6 =	vadd.f32 v21, v12;
	v5 =	vadd.f32 v5, v7;
	v7 =	vld [tilespmem:s25+$0x68F0];
	s25 =	sshra.s32 s26, $0x2  }
0xc6: {  	v12 =	vadd.f32 v22, v14;
	[tilespmem:s25+$0x19000] =	vst v8;
	v3 =	vadd.f32 v3, v4  }
0xc7: {  	[tilespmem:s25+$0x19010] =	vst v9;
	v4 =	vadd.f32 v16, v6;
	v2 =	vadd.f32 v2, v5  }
0xc8: {  	[tilespmem:s25+$0x19020] =	vst v10;
	v5 =	vadd.f32 v17, v12;
	v0 =	vadd.f32 v0, v3  }
0xc9: {  	[tilespmem:s25+$0x19030] =	vst v11;
	v3 =	vadd.f32 v13, v4;
	v1 =	vadd.f32 v1, v2  }
0xca: {  	s31 =	smul.u32 $0x960, s23;
	v2 =	vadd.f32 v15, v5;
	[tilespmem:s25+$0x19040] =	vst v0  }
0xcb: {  	v0 =	vadd.f32 v7, v3;
	[tilespmem:s25+$0x19050] =	vst v1  }
0xcc: {  	s26 =	sshra.s32 s31, $0x2;
	[tilespmem:s25+$0x19060] =	vst v2  }
0xcd: {  	s28 =	sadd.s32 $0x258, s26;
	[tilespmem:s25+$0x19070] =	vst v0  }
0xce: {  	[tilespmem:s9], [sflag:$0x1] =	stream.indirect.gather [hbm4b:s3+s8], $0x80, s28, s8, $0xb8;
	[tilespmem:$0x1D000] =	vst v63  }
0xcf: {  	s28 =	sadd.s32 $0x2C0, s26  }
0xd0: {  	[tilespmem:s11], [sflag:$0x1] =	stream.indirect.gather [hbm4b:s3+s10], $0x80, s28, s10, $0xb8;
	[tilespmem:$0x1D000] =	vst v63  }
0xd1: {  	_ =	swait.ge [sflag:s19], $0x3400  }
0xd2: {  	[sflag:s19] =	ssyncset.done $0x0  }
0xd3: {  	[sflag:s19] =	ssyncadd.s32 $0xFFFFCC00  }
0xd4: {  	_ =	swait.ge [sflag:s19], $0x3000  }
0xd5: {  	[sflag:s19] =	ssyncset.done $0x0  }
0xd6: {  	s28 =	simm.s32 $0x0;
	[sflag:s19] =	ssyncadd.s32 $0xFFFFD000  }
0xd7: {  	v8 =	vld [tilespmem:s28+$0xCC80]  }
0xd8: {  	v9 =	vld [tilespmem:s28+$0xCC90]  }
0xd9: {  	v10 =	vld [tilespmem:s28+$0xCCA0]  }
0xda: {  	v11 =	vld [tilespmem:s28+$0xCCB0]  }
0xdb: {  	v0 =	vld [tilespmem:s28+$0xCCC0]  }
0xdc: {  	v1 =	vld [tilespmem:s28+$0xCCD0]  }
0xdd: {  	v14 =	vld [tilespmem:s28+$0xCC00]  }
0xde: {  	v16 =	vld [tilespmem:s28+$0xCC10]  }
0xdf: {  	v13 =	vld [tilespmem:s28+$0xCC20]  }
0xe0: {  	v15 =	vld [tilespmem:s28+$0xCC30]  }
0xe1: {  	v3 =	vld [tilespmem:s28+$0xCC40]  }
0xe2: {  	v2 =	vld [tilespmem:s28+$0xCC50]  }
0xe3: {  	v19 =	vld [tilespmem:s28+$0xCB80]  }
0xe4: {  	v20 =	vld [tilespmem:s28+$0xCB90]  }
0xe5: {  	v21 =	vld [tilespmem:s28+$0xCBA0]  }
0xe6: {  	v25 =	vld [tilespmem:s28+$0xCBB0]  }
0xe7: {  	v4 =	vld [tilespmem:s28+$0xCBC0]  }
0xe8: {  	v5 =	vld [tilespmem:s28+$0xCBD0]  }
0xe9: {  	v22 =	vld [tilespmem:s28+$0xCB00]  }
0xea: {  	v23 =	vld [tilespmem:s28+$0xCB10]  }
0xeb: {  	v24 =	vld [tilespmem:s28+$0xCB20]  }
0xec: {  	v52 =	vld [tilespmem:s28+$0xCB30]  }
0xed: {  	v6 =	vld [tilespmem:s28+$0xCB40]  }
0xee: {  	v7 =	vld [tilespmem:s28+$0xCB50]  }
0xef: {  	v31 =	vld [tilespmem:s28+$0xCA80]  }
0xf0: {  	v53 =	vld [tilespmem:s28+$0xCA90]  }
0xf1: {  	v54 =	vld [tilespmem:s28+$0xCAA0]  }
0xf2: {  	v55 =	vld [tilespmem:s28+$0xCAB0]  }
0xf3: {  	v12 =	vld [tilespmem:s28+$0xCAC0]  }
0xf4: {  	v29 =	vld [tilespmem:s28+$0xCA00]  }
0xf5: {  	v30 =	vld [tilespmem:s28+$0xCA10]  }
0xf6: {  	v27 =	vld [tilespmem:s28+$0xC980]  }
0xf7: {  	v28 =	vld [tilespmem:s28+$0xC990]  }
0xf8: {  	v17 =	vld [tilespmem:s28+$0xC900]  }
0xf9: {  	v26 =	vld [tilespmem:s28+$0xC910]  }
0xfa: {  	v56 =	vld [tilespmem:s28+$0xC880]  }
0xfb: {  	v57 =	vld [tilespmem:s28+$0xC890]  }
0xfc: {  	v38 =	vld [tilespmem:s28+$0xC800]  }
0xfd: {  	v39 =	vld [tilespmem:s28+$0xC810]  }
0xfe: {  	v40 =	vld [tilespmem:s28+$0xC820]  }
0xff: {  	v41 =	vld [tilespmem:s28+$0xC830]  }
0x100: {  	v42 =	vld [tilespmem:s28+$0xC8A0]  }
0x101: {  	v43 =	vld [tilespmem:s28+$0xC8B0]  }
0x102: {  	v18 =	vimm.f32 $0.0e+00;
	v44 =	vld [tilespmem:s28+$0xC920]  }
0x103: {  	v45 =	vld [tilespmem:s28+$0xC930];
	v38 =	vadd.f32 v38, v18;
	v39 =	vadd.f32 v39, v18  }
0x104: {  	v46 =	vld [tilespmem:s28+$0xC9A0];
	v40 =	vadd.f32 v40, v18;
	v41 =	vadd.f32 v41, v18  }
0x105: {  	v58 =	vld [tilespmem:s28+$0xC9B0];
	v36 =	vadd.f32 v56, v38;
	v37 =	vadd.f32 v57, v39  }
0x106: {  	v61 =	vld [tilespmem:s28+$0xCA20];
	v59 =	vadd.f32 v42, v40;
	v60 =	vadd.f32 v43, v41  }
0x107: {  	v62 =	vld [tilespmem:s28+$0xCA30];
	v36 =	vadd.f32 v17, v36;
	v37 =	vadd.f32 v26, v37  }
0x108: {  	v32 =	vld [tilespmem:s28+$0xC8C0];
	v39 =	vadd.f32 v44, v59;
	v40 =	vadd.f32 v45, v60  }
0x109: {  	v33 =	vld [tilespmem:s28+$0xC8D0];
	v36 =	vadd.f32 v27, v36;
	v37 =	vadd.f32 v28, v37  }
0x10a: {  	v34 =	vld [tilespmem:s28+$0xC840];
	v39 =	vadd.f32 v46, v39;
	v38 =	vadd.f32 v58, v40  }
0x10b: {  	v17 =	vld [tilespmem:s28+$0xCAD0];
	v36 =	vadd.f32 v29, v36;
	v37 =	vadd.f32 v30, v37  }
0x10c: {  	v26 =	vld [tilespmem:s28+$0xCA40];
	v39 =	vadd.f32 v61, v39;
	v38 =	vadd.f32 v62, v38  }
0x10d: {  	v27 =	vld [tilespmem:s28+$0xCA50];
	v36 =	vadd.f32 v31, v36;
	v37 =	vadd.f32 v53, v37  }
0x10e: {  	v28 =	vld [tilespmem:s28+$0xC9C0];
	v39 =	vadd.f32 v54, v39;
	v35 =	vadd.f32 v55, v38  }
0x10f: {  	v29 =	vld [tilespmem:s28+$0xC9D0];
	v22 =	vadd.f32 v22, v36;
	v23 =	vadd.f32 v23, v37  }
0x110: {  	v30 =	vld [tilespmem:s28+$0xC940];
	v24 =	vadd.f32 v24, v39;
	v63 =	vadd.f32 v52, v35  }
0x111: {  	v31 =	vld [tilespmem:s28+$0xC950];
	v22 =	vadd.f32 v19, v22;
	v23 =	vadd.f32 v20, v23  }
0x112: {  	v35 =	vld [tilespmem:s28+$0xC850];
	v24 =	vadd.f32 v21, v24;
	v25 =	vadd.f32 v25, v63  }
0x113: {  	s29 =	simm.s32 $0x1400;
	v36 =	vld [tilespmem:s28+$0xC860];
	v21 =	vimm.f32 $0.0e+00;
	v20 =	vimm.f32 $0.0e+00;
	v19 =	vimm.f32 $0.0e+00  }
.LBB2_5:
0x114: {  	p0 =	sne.s32 s29, $0x17C00;
	v37 =	vld [tilespmem:s28+$0xC870];
	v14 =	vadd.f32 v14, v22;
	v16 =	vadd.f32 v16, v23  }
0x115: {  	v38 =	vld [tilespmem:s28+$0xC8E0];
	v13 =	vadd.f32 v13, v24;
	v15 =	vadd.f32 v15, v25  }
0x116: {  	v39 =	vld [tilespmem:s28+$0xC8F0];
	v22 =	vadd.f32 v8, v14;
	v23 =	vadd.f32 v9, v16  }
0x117: {  	v8 =	vld [tilespmem:s28+$0xC960];
	v24 =	vadd.f32 v10, v13;
	v25 =	vadd.f32 v11, v15  }
0x118: {  	v9 =	vadd.f32 v34, v18;
	v10 =	vadd.f32 v35, v21;
	v11 =	vld [tilespmem:s28+$0xC970]  }
0x119: {  	v13 =	vadd.f32 v36, v20;
	v14 =	vadd.f32 v37, v19;
	v15 =	vld [tilespmem:s28+$0xC9E0]  }
0x11a: {  	v9 =	vadd.f32 v32, v9;
	v10 =	vadd.f32 v33, v10;
	v16 =	vld [tilespmem:s28+$0xC9F0]  }
0x11b: {  	v13 =	vadd.f32 v38, v13;
	v14 =	vadd.f32 v39, v14;
	v18 =	vld [tilespmem:s28+$0xCA60]  }
0x11c: {  	v9 =	vadd.f32 v30, v9;
	v10 =	vadd.f32 v31, v10;
	v19 =	vld [tilespmem:s28+$0xCA70]  }
0x11d: {  	v8 =	vadd.f32 v8, v13;
	v11 =	vadd.f32 v11, v14;
	v13 =	vld [tilespmem:s28+$0xCAE0]  }
0x11e: {  	v9 =	vadd.f32 v28, v9;
	v10 =	vadd.f32 v29, v10;
	v14 =	vld [tilespmem:s28+$0xCAF0]  }
0x11f: {  	v8 =	vadd.f32 v15, v8;
	v11 =	vadd.f32 v16, v11;
	v15 =	vld [tilespmem:s28+$0xCB60]  }
0x120: {  	v9 =	vadd.f32 v26, v9;
	v10 =	vadd.f32 v27, v10;
	v16 =	vld [tilespmem:s28+$0xCB70]  }
0x121: {  	v8 =	vadd.f32 v18, v8;
	v11 =	vadd.f32 v19, v11;
	v18 =	vld [tilespmem:s28+$0xCBE0]  }
0x122: {  	v9 =	vadd.f32 v12, v9;
	v10 =	vadd.f32 v17, v10;
	v12 =	vld [tilespmem:s28+$0xCBF0]  }
0x123: {  	v8 =	vadd.f32 v13, v8;
	v11 =	vadd.f32 v14, v11;
	v13 =	vld [tilespmem:s28+$0xCC60]  }
0x124: {  	v6 =	vadd.f32 v6, v9;
	v7 =	vadd.f32 v7, v10;
	v14 =	vld [tilespmem:s28+$0xCC70]  }
0x125: {  	v9 =	vadd.f32 v15, v8;
	v10 =	vadd.f32 v16, v11;
	v15 =	vld [tilespmem:s28+$0xCCE0]  }
0x126: {  	v4 =	vadd.f32 v4, v6;
	v5 =	vadd.f32 v5, v7;
	v6 =	vld [tilespmem:s28+$0xCCF0];
	s28 =	sshra.s32 s29, $0x2  }
0x127: {  	v7 =	vadd.f32 v18, v9;
	v8 =	vld [tilespmem:s28+$0xCC80];
	v11 =	vadd.f32 v12, v10  }
0x128: {  	v3 =	vadd.f32 v3, v4;
	v2 =	vadd.f32 v2, v5;
	v9 =	vld [tilespmem:s28+$0xCC90]  }
0x129: {  	v4 =	vadd.f32 v13, v7;
	v10 =	vld [tilespmem:s28+$0xCCA0];
	v5 =	vadd.f32 v14, v11  }
0x12a: {  	v18 =	vadd.f32 v0, v3;
	v21 =	vadd.f32 v1, v2;
	v11 =	vld [tilespmem:s28+$0xCCB0]  }
0x12b: {  	v20 =	vadd.f32 v15, v4;
	v0 =	vld [tilespmem:s28+$0xCCC0];
	v19 =	vadd.f32 v6, v5  }
0x12c: {  	v1 =	vld [tilespmem:s28+$0xCCD0]  }
0x12d: {  	v14 =	vld [tilespmem:s28+$0xCC00]  }
0x12e: {  	v16 =	vld [tilespmem:s28+$0xCC10]  }
0x12f: {  	v13 =	vld [tilespmem:s28+$0xCC20]  }
0x130: {  	v15 =	vld [tilespmem:s28+$0xCC30]  }
0x131: {  	v3 =	vld [tilespmem:s28+$0xCC40]  }
0x132: {  	v2 =	vld [tilespmem:s28+$0xCC50]  }
0x133: {  	v36 =	vld [tilespmem:s28+$0xCB80]  }
0x134: {  	v37 =	vld [tilespmem:s28+$0xCB90]  }
0x135: {  	v38 =	vld [tilespmem:s28+$0xCBA0]  }
0x136: {  	v39 =	vld [tilespmem:s28+$0xCBB0]  }
0x137: {  	v4 =	vld [tilespmem:s28+$0xCBC0]  }
0x138: {  	v5 =	vld [tilespmem:s28+$0xCBD0]  }
0x139: {  	v34 =	vld [tilespmem:s28+$0xCB00]  }
0x13a: {  	v35 =	vld [tilespmem:s28+$0xCB10]  }
0x13b: {  	v40 =	vld [tilespmem:s28+$0xCB20]  }
0x13c: {  	v41 =	vld [tilespmem:s28+$0xCB30]  }
0x13d: {  	v6 =	vld [tilespmem:s28+$0xCB40]  }
0x13e: {  	v7 =	vld [tilespmem:s28+$0xCB50]  }
0x13f: {  	v32 =	vld [tilespmem:s28+$0xCA80]  }
0x140: {  	v33 =	vld [tilespmem:s28+$0xCA90]  }
0x141: {  	v42 =	vld [tilespmem:s28+$0xCAA0]  }
0x142: {  	v43 =	vld [tilespmem:s28+$0xCAB0]  }
0x143: {  	v12 =	vld [tilespmem:s28+$0xCAC0]  }
0x144: {  	v17 =	vld [tilespmem:s28+$0xCAD0]  }
0x145: {  	v30 =	vld [tilespmem:s28+$0xCA00]  }
0x146: {  	v31 =	vld [tilespmem:s28+$0xCA10]  }
0x147: {  	v27 =	vld [tilespmem:s28+$0xC980]  }
0x148: {  	v28 =	vld [tilespmem:s28+$0xC990]  }
0x149: {  	v26 =	vld [tilespmem:s28+$0xC900]  }
0x14a: {  	v29 =	vld [tilespmem:s28+$0xC910]  }
0x14b: {  	v44 =	vld [tilespmem:s28+$0xC880]  }
0x14c: {  	v45 =	vld [tilespmem:s28+$0xC890]  }
0x14d: {  	v46 =	vld [tilespmem:s28+$0xC800]  }
0x14e: {  	v47 =	vld [tilespmem:s28+$0xC810]  }
0x14f: {  	v48 =	vld [tilespmem:s28+$0xC820]  }
0x150: {  	v49 =	vld [tilespmem:s28+$0xC830]  }
0x151: {  	v50 =	vld [tilespmem:s28+$0xC8A0]  }
0x152: {  	v51 =	vld [tilespmem:s28+$0xC8B0]  }
0x153: {  	v52 =	vld [tilespmem:s28+$0xC920]  }
0x154: {  	v22 =	vadd.f32 v46, v22;
	v23 =	vadd.f32 v47, v23;
	v46 =	vld [tilespmem:s28+$0xC930]  }
0x155: {  	v24 =	vadd.f32 v48, v24;
	v25 =	vadd.f32 v49, v25;
	v47 =	vld [tilespmem:s28+$0xC9A0]  }
0x156: {  	v22 =	vadd.f32 v44, v22;
	v23 =	vadd.f32 v45, v23;
	v44 =	vld [tilespmem:s28+$0xC9B0]  }
0x157: {  	v24 =	vadd.f32 v50, v24;
	v25 =	vadd.f32 v51, v25;
	v45 =	vld [tilespmem:s28+$0xCA20]  }
0x158: {  	v22 =	vadd.f32 v26, v22;
	v23 =	vadd.f32 v29, v23;
	v48 =	vld [tilespmem:s28+$0xCA30]  }
0x159: {  	v24 =	vadd.f32 v52, v24;
	v25 =	vadd.f32 v46, v25;
	v26 =	vld [tilespmem:s28+$0xCA40]  }
0x15a: {  	v22 =	vadd.f32 v27, v22;
	v23 =	vadd.f32 v28, v23;
	v27 =	vld [tilespmem:s28+$0xCA50]  }
0x15b: {  	v24 =	vadd.f32 v47, v24;
	v25 =	vadd.f32 v44, v25;
	v28 =	vld [tilespmem:s28+$0xC9C0]  }
0x15c: {  	v22 =	vadd.f32 v30, v22;
	v23 =	vadd.f32 v31, v23;
	v29 =	vld [tilespmem:s28+$0xC9D0]  }
0x15d: {  	v24 =	vadd.f32 v45, v24;
	v30 =	vld [tilespmem:s28+$0xC940];
	v25 =	vadd.f32 v48, v25  }
0x15e: {  	v22 =	vadd.f32 v32, v22;
	v23 =	vadd.f32 v33, v23;
	v31 =	vld [tilespmem:s28+$0xC950]  }
.Ltmp1:
0x15f: {  	v24 =	vadd.f32 v42, v24;
	v32 =	vld [tilespmem:s28+$0xC8C0];
	v25 =	vadd.f32 v43, v25;
	(pc) =	sbr.rel @p0 .LBB2_5-.Ltmp1, $4  }
0x160: {  	v22 =	vadd.f32 v34, v22;
	v23 =	vadd.f32 v35, v23;
	v33 =	vld [tilespmem:s28+$0xC8D0]  }
0x161: {  	v24 =	vadd.f32 v40, v24;
	v34 =	vld [tilespmem:s28+$0xC840];
	v25 =	vadd.f32 v41, v25  }
0x162: {  	v22 =	vadd.f32 v36, v22;
	v23 =	vadd.f32 v37, v23;
	v35 =	vld [tilespmem:s28+$0xC850]  }
0x163: {  	s29 =	sadd.s32 $0x1400, s29;
	v24 =	vadd.f32 v38, v24;
	v36 =	vld [tilespmem:s28+$0xC860];
	v25 =	vadd.f32 v39, v25  }
0x164: {  	v14 =	vadd.f32 v14, v22;
	v16 =	vadd.f32 v16, v23  }
0x165: {  	v37 =	vld [tilespmem:s28+$0xC870];
	v13 =	vadd.f32 v13, v24;
	v15 =	vadd.f32 v15, v25  }
0x166: {  	v22 =	vld [tilespmem:s28+$0xC8E0];
	v8 =	vadd.f32 v8, v14;
	v9 =	vadd.f32 v9, v16  }
0x167: {  	v23 =	vld [tilespmem:s28+$0xC8F0];
	v10 =	vadd.f32 v10, v13;
	v13 =	vadd.f32 v34, v18  }
0x168: {  	v14 =	vld [tilespmem:s28+$0xC960];
	v11 =	vadd.f32 v11, v15;
	v15 =	vadd.f32 v35, v21  }
0x169: {  	v16 =	vld [tilespmem:s28+$0xC970];
	v18 =	vadd.f32 v36, v20;
	v13 =	vadd.f32 v32, v13  }
0x16a: {  	v20 =	vld [tilespmem:s28+$0xC9E0];
	v19 =	vadd.f32 v37, v19;
	v15 =	vadd.f32 v33, v15  }
0x16b: {  	v21 =	vld [tilespmem:s28+$0xC9F0];
	v18 =	vadd.f32 v22, v18;
	v13 =	vadd.f32 v30, v13  }
0x16c: {  	v22 =	vld [tilespmem:s28+$0xCA60];
	v19 =	vadd.f32 v23, v19;
	v15 =	vadd.f32 v31, v15  }
0x16d: {  	v23 =	vld [tilespmem:s28+$0xCA70];
	v14 =	vadd.f32 v14, v18;
	v13 =	vadd.f32 v28, v13  }
0x16e: {  	v18 =	vld [tilespmem:s28+$0xCAE0];
	v16 =	vadd.f32 v16, v19;
	v15 =	vadd.f32 v29, v15  }
0x16f: {  	v19 =	vld [tilespmem:s28+$0xCAF0];
	v14 =	vadd.f32 v20, v14;
	v13 =	vadd.f32 v26, v13  }
0x170: {  	v20 =	vld [tilespmem:s28+$0xCB60];
	v16 =	vadd.f32 v21, v16;
	v15 =	vadd.f32 v27, v15  }
0x171: {  	v21 =	vld [tilespmem:s28+$0xCB70];
	v14 =	vadd.f32 v22, v14;
	v12 =	vadd.f32 v12, v13  }
0x172: {  	v22 =	vld [tilespmem:s28+$0xCBE0];
	v13 =	vadd.f32 v23, v16;
	v15 =	vadd.f32 v17, v15  }
0x173: {  	v16 =	vld [tilespmem:s28+$0xCBF0];
	v14 =	vadd.f32 v18, v14;
	v6 =	vadd.f32 v6, v12  }
0x174: {  	v17 =	vld [tilespmem:s28+$0xCC60];
	v12 =	vadd.f32 v19, v13;
	v7 =	vadd.f32 v7, v15  }
0x175: {  	v13 =	vld [tilespmem:s28+$0xCC70];
	v14 =	vadd.f32 v20, v14;
	v4 =	vadd.f32 v4, v6  }
0x176: {  	v15 =	vld [tilespmem:s28+$0xCCE0];
	v6 =	vadd.f32 v21, v12;
	v5 =	vadd.f32 v5, v7  }
0x177: {  	v7 =	vld [tilespmem:s28+$0xCCF0];
	[tilespmem:s25+$0x19080] =	vst v8;
	v12 =	vadd.f32 v22, v14;
	v3 =	vadd.f32 v3, v4  }
0x178: {  	[tilespmem:s25+$0x19090] =	vst v9;
	v4 =	vadd.f32 v16, v6;
	v2 =	vadd.f32 v2, v5  }
0x179: {  	[tilespmem:s25+$0x190A0] =	vst v10;
	v5 =	vadd.f32 v17, v12;
	v0 =	vadd.f32 v0, v3  }
0x17a: {  	[tilespmem:s25+$0x190B0] =	vst v11;
	v3 =	vadd.f32 v13, v4;
	v1 =	vadd.f32 v1, v2  }
0x17b: {  	v2 =	vadd.f32 v15, v5;
	[tilespmem:s25+$0x190C0] =	vst v0  }
0x17c: {  	v0 =	vadd.f32 v7, v3;
	[tilespmem:s25+$0x190D0] =	vst v1  }
0x17d: {  	[tilespmem:s25+$0x190E0] =	vst v2  }
0x17e: {  	s30 =	sadd.s32 $0x320, s26;
	[tilespmem:s25+$0x190F0] =	vst v0  }
0x17f: {  	[tilespmem:s13], [sflag:$0x2] =	stream.indirect.gather [hbm4b:s3+s8], $0x80, s30, s8, $0xb8;
	[tilespmem:$0x1D000] =	vst v63  }
0x180: {  	s31 =	sadd.s32 $0x388, s26  }
0x181: {  	[tilespmem:s15], [sflag:$0x2] =	stream.indirect.gather [hbm4b:s3+s10], $0x80, s31, s10, $0xb8;
	[tilespmem:$0x1D000] =	vst v63  }
0x182: {  	_ =	swait.ge [sflag:s20], $0x3400  }
0x183: {  	[sflag:s20] =	ssyncset.done $0x0  }
0x184: {  	[sflag:s20] =	ssyncadd.s32 $0xFFFFCC00  }
0x185: {  	_ =	swait.ge [sflag:s20], $0x3000  }
0x186: {  	[sflag:s20] =	ssyncset.done $0x0  }
0x187: {  	s25 =	simm.s32 $0x0;
	[sflag:s20] =	ssyncadd.s32 $0xFFFFD000  }
0x188: {  	v8 =	vld [tilespmem:s25+$0x13080]  }
0x189: {  	v9 =	vld [tilespmem:s25+$0x13090]  }
0x18a: {  	v10 =	vld [tilespmem:s25+$0x130A0]  }
0x18b: {  	v11 =	vld [tilespmem:s25+$0x130B0]  }
0x18c: {  	v0 =	vld [tilespmem:s25+$0x130C0]  }
0x18d: {  	v1 =	vld [tilespmem:s25+$0x130D0]  }
0x18e: {  	v14 =	vld [tilespmem:s25+$0x13000]  }
0x18f: {  	v16 =	vld [tilespmem:s25+$0x13010]  }
0x190: {  	v13 =	vld [tilespmem:s25+$0x13020]  }
0x191: {  	v15 =	vld [tilespmem:s25+$0x13030]  }
0x192: {  	v3 =	vld [tilespmem:s25+$0x13040]  }
0x193: {  	v2 =	vld [tilespmem:s25+$0x13050]  }
0x194: {  	v19 =	vld [tilespmem:s25+$0x12F80]  }
0x195: {  	v20 =	vld [tilespmem:s25+$0x12F90]  }
0x196: {  	v21 =	vld [tilespmem:s25+$0x12FA0]  }
0x197: {  	v25 =	vld [tilespmem:s25+$0x12FB0]  }
0x198: {  	v5 =	vld [tilespmem:s25+$0x12FC0]  }
0x199: {  	v4 =	vld [tilespmem:s25+$0x12FD0]  }
0x19a: {  	v22 =	vld [tilespmem:s25+$0x12F00]  }
0x19b: {  	v23 =	vld [tilespmem:s25+$0x12F10]  }
0x19c: {  	v24 =	vld [tilespmem:s25+$0x12F20]  }
0x19d: {  	v52 =	vld [tilespmem:s25+$0x12F30]  }
0x19e: {  	v6 =	vld [tilespmem:s25+$0x12F40]  }
0x19f: {  	v7 =	vld [tilespmem:s25+$0x12F50]  }
0x1a0: {  	v31 =	vld [tilespmem:s25+$0x12E80]  }
0x1a1: {  	v53 =	vld [tilespmem:s25+$0x12E90]  }
0x1a2: {  	v54 =	vld [tilespmem:s25+$0x12EA0]  }
0x1a3: {  	v55 =	vld [tilespmem:s25+$0x12EB0]  }
0x1a4: {  	v12 =	vld [tilespmem:s25+$0x12EC0]  }
0x1a5: {  	v29 =	vld [tilespmem:s25+$0x12E00]  }
0x1a6: {  	v30 =	vld [tilespmem:s25+$0x12E10]  }
0x1a7: {  	v27 =	vld [tilespmem:s25+$0x12D80]  }
0x1a8: {  	v28 =	vld [tilespmem:s25+$0x12D90]  }
0x1a9: {  	v17 =	vld [tilespmem:s25+$0x12D00]  }
0x1aa: {  	v26 =	vld [tilespmem:s25+$0x12D10]  }
0x1ab: {  	v56 =	vld [tilespmem:s25+$0x12C80]  }
0x1ac: {  	v57 =	vld [tilespmem:s25+$0x12C90]  }
0x1ad: {  	v38 =	vld [tilespmem:s25+$0x12C00]  }
0x1ae: {  	v39 =	vld [tilespmem:s25+$0x12C10]  }
0x1af: {  	v40 =	vld [tilespmem:s25+$0x12C20]  }
0x1b0: {  	v41 =	vld [tilespmem:s25+$0x12C30]  }
0x1b1: {  	v42 =	vld [tilespmem:s25+$0x12CA0]  }
0x1b2: {  	v43 =	vld [tilespmem:s25+$0x12CB0]  }
0x1b3: {  	v18 =	vimm.f32 $0.0e+00;
	v44 =	vld [tilespmem:s25+$0x12D20]  }
0x1b4: {  	v45 =	vld [tilespmem:s25+$0x12D30];
	v38 =	vadd.f32 v38, v18;
	v39 =	vadd.f32 v39, v18  }
0x1b5: {  	v46 =	vld [tilespmem:s25+$0x12DA0];
	v40 =	vadd.f32 v40, v18;
	v41 =	vadd.f32 v41, v18  }
0x1b6: {  	v58 =	vld [tilespmem:s25+$0x12DB0];
	v36 =	vadd.f32 v56, v38;
	v37 =	vadd.f32 v57, v39  }
0x1b7: {  	v61 =	vld [tilespmem:s25+$0x12E20];
	v59 =	vadd.f32 v42, v40;
	v60 =	vadd.f32 v43, v41  }
0x1b8: {  	v62 =	vld [tilespmem:s25+$0x12E30];
	v36 =	vadd.f32 v17, v36;
	v37 =	vadd.f32 v26, v37  }
0x1b9: {  	v32 =	vld [tilespmem:s25+$0x12CC0];
	v39 =	vadd.f32 v44, v59;
	v40 =	vadd.f32 v45, v60  }
0x1ba: {  	v33 =	vld [tilespmem:s25+$0x12CD0];
	v36 =	vadd.f32 v27, v36;
	v37 =	vadd.f32 v28, v37  }
0x1bb: {  	v34 =	vld [tilespmem:s25+$0x12C40];
	v39 =	vadd.f32 v46, v39;
	v38 =	vadd.f32 v58, v40  }
0x1bc: {  	v17 =	vld [tilespmem:s25+$0x12ED0];
	v36 =	vadd.f32 v29, v36;
	v37 =	vadd.f32 v30, v37  }
0x1bd: {  	v26 =	vld [tilespmem:s25+$0x12E40];
	v39 =	vadd.f32 v61, v39;
	v38 =	vadd.f32 v62, v38  }
0x1be: {  	v27 =	vld [tilespmem:s25+$0x12E50];
	v36 =	vadd.f32 v31, v36;
	v37 =	vadd.f32 v53, v37  }
0x1bf: {  	v28 =	vld [tilespmem:s25+$0x12DC0];
	v39 =	vadd.f32 v54, v39;
	v35 =	vadd.f32 v55, v38  }
0x1c0: {  	v29 =	vld [tilespmem:s25+$0x12DD0];
	v22 =	vadd.f32 v22, v36;
	v23 =	vadd.f32 v23, v37  }
0x1c1: {  	v30 =	vld [tilespmem:s25+$0x12D40];
	v24 =	vadd.f32 v24, v39;
	v63 =	vadd.f32 v52, v35  }
0x1c2: {  	v31 =	vld [tilespmem:s25+$0x12D50];
	v22 =	vadd.f32 v19, v22;
	v23 =	vadd.f32 v20, v23  }
0x1c3: {  	v35 =	vld [tilespmem:s25+$0x12C50];
	v24 =	vadd.f32 v21, v24;
	v25 =	vadd.f32 v25, v63  }
0x1c4: {  	s26 =	simm.s32 $0x1400;
	v36 =	vld [tilespmem:s25+$0x12C60];
	v21 =	vimm.f32 $0.0e+00;
	v20 =	vimm.f32 $0.0e+00;
	v19 =	vimm.f32 $0.0e+00  }
.LBB2_7:
0x1c5: {  	p0 =	sne.s32 s26, $0x17C00;
	v37 =	vld [tilespmem:s25+$0x12C70];
	v14 =	vadd.f32 v14, v22;
	v16 =	vadd.f32 v16, v23  }
0x1c6: {  	v38 =	vld [tilespmem:s25+$0x12CE0];
	v13 =	vadd.f32 v13, v24;
	v15 =	vadd.f32 v15, v25  }
0x1c7: {  	v39 =	vld [tilespmem:s25+$0x12CF0];
	v22 =	vadd.f32 v8, v14;
	v23 =	vadd.f32 v9, v16  }
0x1c8: {  	v8 =	vld [tilespmem:s25+$0x12D60];
	v24 =	vadd.f32 v10, v13;
	v25 =	vadd.f32 v11, v15  }
0x1c9: {  	v9 =	vadd.f32 v34, v18;
	v10 =	vadd.f32 v35, v21;
	v11 =	vld [tilespmem:s25+$0x12D70]  }
0x1ca: {  	v13 =	vadd.f32 v36, v20;
	v14 =	vadd.f32 v37, v19;
	v15 =	vld [tilespmem:s25+$0x12DE0]  }
0x1cb: {  	v9 =	vadd.f32 v32, v9;
	v10 =	vadd.f32 v33, v10;
	v16 =	vld [tilespmem:s25+$0x12DF0]  }
0x1cc: {  	v13 =	vadd.f32 v38, v13;
	v14 =	vadd.f32 v39, v14;
	v18 =	vld [tilespmem:s25+$0x12E60]  }
0x1cd: {  	v9 =	vadd.f32 v30, v9;
	v10 =	vadd.f32 v31, v10;
	v19 =	vld [tilespmem:s25+$0x12E70]  }
0x1ce: {  	v8 =	vadd.f32 v8, v13;
	v11 =	vadd.f32 v11, v14;
	v13 =	vld [tilespmem:s25+$0x12EE0]  }
0x1cf: {  	v9 =	vadd.f32 v28, v9;
	v10 =	vadd.f32 v29, v10;
	v14 =	vld [tilespmem:s25+$0x12EF0]  }
0x1d0: {  	v8 =	vadd.f32 v15, v8;
	v11 =	vadd.f32 v16, v11;
	v15 =	vld [tilespmem:s25+$0x12F60]  }
0x1d1: {  	v9 =	vadd.f32 v26, v9;
	v10 =	vadd.f32 v27, v10;
	v16 =	vld [tilespmem:s25+$0x12F70]  }
0x1d2: {  	v8 =	vadd.f32 v18, v8;
	v11 =	vadd.f32 v19, v11;
	v18 =	vld [tilespmem:s25+$0x12FE0]  }
0x1d3: {  	v9 =	vadd.f32 v12, v9;
	v10 =	vadd.f32 v17, v10;
	v12 =	vld [tilespmem:s25+$0x12FF0]  }
0x1d4: {  	v8 =	vadd.f32 v13, v8;
	v11 =	vadd.f32 v14, v11;
	v13 =	vld [tilespmem:s25+$0x13060]  }
0x1d5: {  	v6 =	vadd.f32 v6, v9;
	v7 =	vadd.f32 v7, v10;
	v14 =	vld [tilespmem:s25+$0x13070]  }
0x1d6: {  	v9 =	vadd.f32 v15, v8;
	v10 =	vadd.f32 v16, v11;
	v15 =	vld [tilespmem:s25+$0x130E0]  }
0x1d7: {  	v5 =	vadd.f32 v5, v6;
	v4 =	vadd.f32 v4, v7;
	v6 =	vld [tilespmem:s25+$0x130F0];
	s25 =	sshra.s32 s26, $0x2  }
0x1d8: {  	v7 =	vadd.f32 v18, v9;
	v8 =	vld [tilespmem:s25+$0x13080];
	v11 =	vadd.f32 v12, v10  }
0x1d9: {  	v3 =	vadd.f32 v3, v5;
	v2 =	vadd.f32 v2, v4;
	v9 =	vld [tilespmem:s25+$0x13090]  }
0x1da: {  	v4 =	vadd.f32 v13, v7;
	v10 =	vld [tilespmem:s25+$0x130A0];
	v5 =	vadd.f32 v14, v11  }
0x1db: {  	v18 =	vadd.f32 v0, v3;
	v21 =	vadd.f32 v1, v2;
	v11 =	vld [tilespmem:s25+$0x130B0]  }
0x1dc: {  	v20 =	vadd.f32 v15, v4;
	v0 =	vld [tilespmem:s25+$0x130C0];
	v19 =	vadd.f32 v6, v5  }
0x1dd: {  	v1 =	vld [tilespmem:s25+$0x130D0]  }
0x1de: {  	v14 =	vld [tilespmem:s25+$0x13000]  }
0x1df: {  	v16 =	vld [tilespmem:s25+$0x13010]  }
0x1e0: {  	v13 =	vld [tilespmem:s25+$0x13020]  }
0x1e1: {  	v15 =	vld [tilespmem:s25+$0x13030]  }
0x1e2: {  	v3 =	vld [tilespmem:s25+$0x13040]  }
0x1e3: {  	v2 =	vld [tilespmem:s25+$0x13050]  }
0x1e4: {  	v36 =	vld [tilespmem:s25+$0x12F80]  }
0x1e5: {  	v37 =	vld [tilespmem:s25+$0x12F90]  }
0x1e6: {  	v38 =	vld [tilespmem:s25+$0x12FA0]  }
0x1e7: {  	v39 =	vld [tilespmem:s25+$0x12FB0]  }
0x1e8: {  	v5 =	vld [tilespmem:s25+$0x12FC0]  }
0x1e9: {  	v4 =	vld [tilespmem:s25+$0x12FD0]  }
0x1ea: {  	v34 =	vld [tilespmem:s25+$0x12F00]  }
0x1eb: {  	v35 =	vld [tilespmem:s25+$0x12F10]  }
0x1ec: {  	v40 =	vld [tilespmem:s25+$0x12F20]  }
0x1ed: {  	v41 =	vld [tilespmem:s25+$0x12F30]  }
0x1ee: {  	v6 =	vld [tilespmem:s25+$0x12F40]  }
0x1ef: {  	v7 =	vld [tilespmem:s25+$0x12F50]  }
0x1f0: {  	v32 =	vld [tilespmem:s25+$0x12E80]  }
0x1f1: {  	v33 =	vld [tilespmem:s25+$0x12E90]  }
0x1f2: {  	v42 =	vld [tilespmem:s25+$0x12EA0]  }
0x1f3: {  	v43 =	vld [tilespmem:s25+$0x12EB0]  }
0x1f4: {  	v12 =	vld [tilespmem:s25+$0x12EC0]  }
0x1f5: {  	v17 =	vld [tilespmem:s25+$0x12ED0]  }
0x1f6: {  	v30 =	vld [tilespmem:s25+$0x12E00]  }
0x1f7: {  	v31 =	vld [tilespmem:s25+$0x12E10]  }
0x1f8: {  	v27 =	vld [tilespmem:s25+$0x12D80]  }
0x1f9: {  	v28 =	vld [tilespmem:s25+$0x12D90]  }
0x1fa: {  	v26 =	vld [tilespmem:s25+$0x12D00]  }
0x1fb: {  	v29 =	vld [tilespmem:s25+$0x12D10]  }
0x1fc: {  	v44 =	vld [tilespmem:s25+$0x12C80]  }
0x1fd: {  	v45 =	vld [tilespmem:s25+$0x12C90]  }
0x1fe: {  	v46 =	vld [tilespmem:s25+$0x12C00]  }
0x1ff: {  	v47 =	vld [tilespmem:s25+$0x12C10]  }
0x200: {  	v48 =	vld [tilespmem:s25+$0x12C20]  }
0x201: {  	v49 =	vld [tilespmem:s25+$0x12C30]  }
0x202: {  	v50 =	vld [tilespmem:s25+$0x12CA0]  }
0x203: {  	v51 =	vld [tilespmem:s25+$0x12CB0]  }
0x204: {  	v52 =	vld [tilespmem:s25+$0x12D20]  }
0x205: {  	v22 =	vadd.f32 v46, v22;
	v23 =	vadd.f32 v47, v23;
	v46 =	vld [tilespmem:s25+$0x12D30]  }
0x206: {  	v24 =	vadd.f32 v48, v24;
	v25 =	vadd.f32 v49, v25;
	v47 =	vld [tilespmem:s25+$0x12DA0]  }
0x207: {  	v22 =	vadd.f32 v44, v22;
	v23 =	vadd.f32 v45, v23;
	v44 =	vld [tilespmem:s25+$0x12DB0]  }
0x208: {  	v24 =	vadd.f32 v50, v24;
	v25 =	vadd.f32 v51, v25;
	v45 =	vld [tilespmem:s25+$0x12E20]  }
0x209: {  	v22 =	vadd.f32 v26, v22;
	v23 =	vadd.f32 v29, v23;
	v48 =	vld [tilespmem:s25+$0x12E30]  }
0x20a: {  	v24 =	vadd.f32 v52, v24;
	v25 =	vadd.f32 v46, v25;
	v26 =	vld [tilespmem:s25+$0x12E40]  }
0x20b: {  	v22 =	vadd.f32 v27, v22;
	v23 =	vadd.f32 v28, v23;
	v27 =	vld [tilespmem:s25+$0x12E50]  }
0x20c: {  	v24 =	vadd.f32 v47, v24;
	v25 =	vadd.f32 v44, v25;
	v28 =	vld [tilespmem:s25+$0x12DC0]  }
0x20d: {  	v22 =	vadd.f32 v30, v22;
	v23 =	vadd.f32 v31, v23;
	v29 =	vld [tilespmem:s25+$0x12DD0]  }
0x20e: {  	v24 =	vadd.f32 v45, v24;
	v30 =	vld [tilespmem:s25+$0x12D40];
	v25 =	vadd.f32 v48, v25  }
0x20f: {  	v22 =	vadd.f32 v32, v22;
	v23 =	vadd.f32 v33, v23;
	v31 =	vld [tilespmem:s25+$0x12D50]  }
.Ltmp2:
0x210: {  	v24 =	vadd.f32 v42, v24;
	v32 =	vld [tilespmem:s25+$0x12CC0];
	v25 =	vadd.f32 v43, v25;
	(pc) =	sbr.rel @p0 .LBB2_7-.Ltmp2, $4  }
0x211: {  	v22 =	vadd.f32 v34, v22;
	v23 =	vadd.f32 v35, v23;
	v33 =	vld [tilespmem:s25+$0x12CD0]  }
0x212: {  	v24 =	vadd.f32 v40, v24;
	v34 =	vld [tilespmem:s25+$0x12C40];
	v25 =	vadd.f32 v41, v25  }
0x213: {  	v22 =	vadd.f32 v36, v22;
	v23 =	vadd.f32 v37, v23;
	v35 =	vld [tilespmem:s25+$0x12C50]  }
0x214: {  	s26 =	sadd.s32 $0x1400, s26;
	v24 =	vadd.f32 v38, v24;
	v36 =	vld [tilespmem:s25+$0x12C60];
	v25 =	vadd.f32 v39, v25  }
0x215: {  	v14 =	vadd.f32 v14, v22;
	v16 =	vadd.f32 v16, v23  }
0x216: {  	v37 =	vld [tilespmem:s25+$0x12C70];
	v13 =	vadd.f32 v13, v24;
	v15 =	vadd.f32 v15, v25  }
0x217: {  	v63 =	vld [tilespmem:s25+$0x12CE0];
	v8 =	vadd.f32 v8, v14;
	v9 =	vadd.f32 v9, v16  }
0x218: {  	v24 =	vld [tilespmem:s25+$0x12CF0];
	v34 =	vadd.f32 v34, v18;
	v10 =	vadd.f32 v10, v13  }
0x219: {  	v25 =	vld [tilespmem:s25+$0x12D60];
	v11 =	vadd.f32 v11, v15;
	v38 =	vadd.f32 v35, v21  }
0x21a: {  	v39 =	vld [tilespmem:s25+$0x12D70];
	v40 =	vadd.f32 v36, v20;
	v13 =	vadd.f32 v32, v34  }
0x21b: {  	v41 =	vld [tilespmem:s25+$0x12DE0];
	v19 =	vadd.f32 v37, v19;
	v15 =	vadd.f32 v33, v38  }
0x21c: {  	v42 =	vld [tilespmem:s25+$0x12DF0];
	v18 =	vadd.f32 v63, v40;
	v13 =	vadd.f32 v30, v13  }
0x21d: {  	v43 =	vld [tilespmem:s25+$0x12E60];
	v19 =	vadd.f32 v24, v19;
	v15 =	vadd.f32 v31, v15  }
0x21e: {  	v44 =	vld [tilespmem:s25+$0x12E70];
	v14 =	vadd.f32 v25, v18;
	v13 =	vadd.f32 v28, v13  }
0x21f: {  	v45 =	vld [tilespmem:s25+$0x12EE0];
	v16 =	vadd.f32 v39, v19;
	v15 =	vadd.f32 v29, v15  }
0x220: {  	v46 =	vld [tilespmem:s25+$0x12EF0];
	v14 =	vadd.f32 v41, v14;
	v13 =	vadd.f32 v26, v13  }
0x221: {  	v47 =	vld [tilespmem:s25+$0x12F60];
	v16 =	vadd.f32 v42, v16;
	v15 =	vadd.f32 v27, v15  }
0x222: {  	v48 =	vld [tilespmem:s25+$0x12F70];
	v14 =	vadd.f32 v43, v14;
	v12 =	vadd.f32 v12, v13  }
0x223: {  	v49 =	vld [tilespmem:s25+$0x12FE0];
	v50 =	vadd.f32 v44, v16;
	v15 =	vadd.f32 v17, v15  }
0x224: {  	v51 =	vld [tilespmem:s25+$0x12FF0];
	v14 =	vadd.f32 v45, v14;
	v6 =	vadd.f32 v6, v12  }
0x225: {  	v52 =	vld [tilespmem:s25+$0x13060];
	v53 =	vadd.f32 v46, v50;
	v7 =	vadd.f32 v7, v15  }
0x226: {  	v54 =	vld [tilespmem:s25+$0x13070];
	s24 =	sshll.u32 s24, $0x7;
	v14 =	vadd.f32 v47, v14;
	v5 =	vadd.f32 v5, v6  }
0x227: {  	v55 =	vld [tilespmem:s25+$0x130E0];
	s24 =	sand.u32 $0x3FFFFF80, s24;
	v56 =	vadd.f32 v48, v53;
	v4 =	vadd.f32 v4, v7  }
0x228: {  	v57 =	vld [tilespmem:s25+$0x130F0];
	[tilespmem:s24+$0x19000] =	vst v8;
	v58 =	vadd.f32 v49, v14;
	v3 =	vadd.f32 v3, v5  }
0x229: {  	s23 =	sadd.s32 $0x1, s23;
	[tilespmem:s24+$0x19010] =	vst v9;
	v59 =	vadd.f32 v51, v56;
	v2 =	vadd.f32 v2, v4  }
0x22a: {  	p0 =	sne.s32 s23, $0x2A;
	[tilespmem:s24+$0x19020] =	vst v10;
	v60 =	vadd.f32 v52, v58;
	v0 =	vadd.f32 v0, v3  }
.Ltmp3:
0x22b: {  	[tilespmem:s24+$0x19030] =	vst v11;
	v61 =	vadd.f32 v54, v59;
	v1 =	vadd.f32 v1, v2;
	(pc) =	sbr.rel @p0 .LBB2_2-.Ltmp3, $4  }
0x22c: {  	v62 =	vadd.f32 v55, v60;
	[tilespmem:s24+$0x19040] =	vst v0  }
0x22d: {  	v63 =	vadd.f32 v57, v61;
	[tilespmem:s24+$0x19050] =	vst v1  }
0x22e: {  	[tilespmem:s24+$0x19060] =	vst v62  }
0x22f: {  	[tilespmem:s24+$0x19070] =	vst v63  }
0x230: {  	_ =	swait.ge [sflag:s18], $0x3400  }
0x231: {  	[sflag:s18] =	ssyncset.done $0x0  }
0x232: {  	[sflag:s18] =	ssyncadd.s32 $0xFFFFCC00  }
0x233: {  	_ =	swait.ge [sflag:s18], $0x3000  }
0x234: {  	[sflag:s18] =	ssyncset.done $0x0  }
0x235: {  	s23 =	simm.s32 $0x0;
	[sflag:s18] =	ssyncadd.s32 $0xFFFFD000  }
0x236: {  	v8 =	vld [tilespmem:s23+$0x6880]  }
0x237: {  	v9 =	vld [tilespmem:s23+$0x6890]  }
0x238: {  	v10 =	vld [tilespmem:s23+$0x68A0]  }
0x239: {  	v11 =	vld [tilespmem:s23+$0x68B0]  }
0x23a: {  	v0 =	vld [tilespmem:s23+$0x68C0]  }
0x23b: {  	v1 =	vld [tilespmem:s23+$0x68D0]  }
0x23c: {  	v14 =	vld [tilespmem:s23+$0x6800]  }
0x23d: {  	v16 =	vld [tilespmem:s23+$0x6810]  }
0x23e: {  	v13 =	vld [tilespmem:s23+$0x6820]  }
0x23f: {  	v15 =	vld [tilespmem:s23+$0x6830]  }
0x240: {  	v3 =	vld [tilespmem:s23+$0x6840]  }
0x241: {  	v2 =	vld [tilespmem:s23+$0x6850]  }
0x242: {  	v19 =	vld [tilespmem:s23+$0x6780]  }
0x243: {  	v20 =	vld [tilespmem:s23+$0x6790]  }
0x244: {  	v21 =	vld [tilespmem:s23+$0x67A0]  }
0x245: {  	v25 =	vld [tilespmem:s23+$0x67B0]  }
0x246: {  	v4 =	vld [tilespmem:s23+$0x67C0]  }
0x247: {  	v5 =	vld [tilespmem:s23+$0x67D0]  }
0x248: {  	v22 =	vld [tilespmem:s23+$0x6700]  }
0x249: {  	v23 =	vld [tilespmem:s23+$0x6710]  }
0x24a: {  	v24 =	vld [tilespmem:s23+$0x6720]  }
0x24b: {  	v34 =	vld [tilespmem:s23+$0x6730]  }
0x24c: {  	v6 =	vld [tilespmem:s23+$0x6740]  }
0x24d: {  	v7 =	vld [tilespmem:s23+$0x6750]  }
0x24e: {  	v31 =	vld [tilespmem:s23+$0x6680]  }
0x24f: {  	v32 =	vld [tilespmem:s23+$0x6690]  }
0x250: {  	v33 =	vld [tilespmem:s23+$0x66A0]  }
0x251: {  	v35 =	vld [tilespmem:s23+$0x66B0]  }
0x252: {  	v12 =	vld [tilespmem:s23+$0x66C0]  }
0x253: {  	v29 =	vld [tilespmem:s23+$0x6600]  }
0x254: {  	v30 =	vld [tilespmem:s23+$0x6610]  }
0x255: {  	v27 =	vld [tilespmem:s23+$0x6580]  }
0x256: {  	v28 =	vld [tilespmem:s23+$0x6590]  }
0x257: {  	v17 =	vld [tilespmem:s23+$0x6500]  }
0x258: {  	v26 =	vld [tilespmem:s23+$0x6510]  }
0x259: {  	v36 =	vld [tilespmem:s23+$0x6480]  }
0x25a: {  	v37 =	vld [tilespmem:s23+$0x6490]  }
0x25b: {  	v38 =	vld [tilespmem:s23+$0x6400]  }
0x25c: {  	v39 =	vld [tilespmem:s23+$0x6410]  }
0x25d: {  	v40 =	vld [tilespmem:s23+$0x6420]  }
0x25e: {  	v41 =	vld [tilespmem:s23+$0x6430]  }
0x25f: {  	v42 =	vld [tilespmem:s23+$0x64A0]  }
0x260: {  	v43 =	vld [tilespmem:s23+$0x64B0]  }
0x261: {  	v18 =	vimm.f32 $0.0e+00;
	v44 =	vld [tilespmem:s23+$0x6520]  }
0x262: {  	v45 =	vld [tilespmem:s23+$0x6530];
	v38 =	vadd.f32 v38, v18;
	v39 =	vadd.f32 v39, v18  }
0x263: {  	v46 =	vld [tilespmem:s23+$0x65A0];
	v40 =	vadd.f32 v40, v18;
	v41 =	vadd.f32 v41, v18  }
0x264: {  	v58 =	vld [tilespmem:s23+$0x65B0];
	v36 =	vadd.f32 v36, v38;
	v37 =	vadd.f32 v37, v39  }
0x265: {  	v61 =	vld [tilespmem:s23+$0x6620];
	v59 =	vadd.f32 v42, v40;
	v60 =	vadd.f32 v43, v41  }
0x266: {  	v62 =	vld [tilespmem:s23+$0x6630];
	v36 =	vadd.f32 v17, v36;
	v37 =	vadd.f32 v26, v37  }
0x267: {  	v17 =	vld [tilespmem:s23+$0x66D0];
	v39 =	vadd.f32 v44, v59;
	v40 =	vadd.f32 v45, v60  }
0x268: {  	v26 =	vld [tilespmem:s23+$0x6640];
	v36 =	vadd.f32 v27, v36;
	v37 =	vadd.f32 v28, v37  }
0x269: {  	v27 =	vld [tilespmem:s23+$0x6650];
	v39 =	vadd.f32 v46, v39;
	v38 =	vadd.f32 v58, v40  }
0x26a: {  	v28 =	vld [tilespmem:s23+$0x65C0];
	v36 =	vadd.f32 v29, v36;
	v37 =	vadd.f32 v30, v37  }
0x26b: {  	v29 =	vld [tilespmem:s23+$0x65D0];
	v39 =	vadd.f32 v61, v39;
	v38 =	vadd.f32 v62, v38  }
0x26c: {  	v30 =	vld [tilespmem:s23+$0x6540];
	v36 =	vadd.f32 v31, v36;
	v37 =	vadd.f32 v32, v37  }
0x26d: {  	v31 =	vld [tilespmem:s23+$0x6550];
	v39 =	vadd.f32 v33, v39;
	v35 =	vadd.f32 v35, v38  }
0x26e: {  	v32 =	vld [tilespmem:s23+$0x64C0];
	v22 =	vadd.f32 v22, v36;
	v23 =	vadd.f32 v23, v37  }
0x26f: {  	v33 =	vld [tilespmem:s23+$0x64D0];
	v24 =	vadd.f32 v24, v39;
	v63 =	vadd.f32 v34, v35  }
0x270: {  	v34 =	vld [tilespmem:s23+$0x6440];
	v22 =	vadd.f32 v19, v22;
	v23 =	vadd.f32 v20, v23  }
0x271: {  	v35 =	vld [tilespmem:s23+$0x6450];
	v24 =	vadd.f32 v21, v24;
	v25 =	vadd.f32 v25, v63  }
0x272: {  	s24 =	simm.s32 $0x1400;
	v36 =	vld [tilespmem:s23+$0x6460];
	v21 =	vimm.f32 $0.0e+00;
	v20 =	vimm.f32 $0.0e+00;
	v19 =	vimm.f32 $0.0e+00  }
.LBB2_10:
0x273: {  	p0 =	sne.s32 s24, $0x17C00;
	v37 =	vld [tilespmem:s23+$0x6470];
	v14 =	vadd.f32 v14, v22;
	v16 =	vadd.f32 v16, v23  }
0x274: {  	v38 =	vld [tilespmem:s23+$0x64E0];
	v13 =	vadd.f32 v13, v24;
	v15 =	vadd.f32 v15, v25  }
0x275: {  	v39 =	vld [tilespmem:s23+$0x64F0];
	v22 =	vadd.f32 v8, v14;
	v23 =	vadd.f32 v9, v16  }
0x276: {  	v8 =	vld [tilespmem:s23+$0x6560];
	v24 =	vadd.f32 v10, v13;
	v25 =	vadd.f32 v11, v15  }
0x277: {  	v9 =	vadd.f32 v34, v18;
	v10 =	vadd.f32 v35, v21;
	v11 =	vld [tilespmem:s23+$0x6570]  }
0x278: {  	v13 =	vadd.f32 v36, v20;
	v14 =	vadd.f32 v37, v19;
	v15 =	vld [tilespmem:s23+$0x65E0]  }
0x279: {  	v9 =	vadd.f32 v32, v9;
	v10 =	vadd.f32 v33, v10;
	v16 =	vld [tilespmem:s23+$0x65F0]  }
0x27a: {  	v13 =	vadd.f32 v38, v13;
	v14 =	vadd.f32 v39, v14;
	v18 =	vld [tilespmem:s23+$0x6660]  }
0x27b: {  	v9 =	vadd.f32 v30, v9;
	v10 =	vadd.f32 v31, v10;
	v19 =	vld [tilespmem:s23+$0x6670]  }
0x27c: {  	v8 =	vadd.f32 v8, v13;
	v11 =	vadd.f32 v11, v14;
	v13 =	vld [tilespmem:s23+$0x66E0]  }
0x27d: {  	v9 =	vadd.f32 v28, v9;
	v10 =	vadd.f32 v29, v10;
	v14 =	vld [tilespmem:s23+$0x66F0]  }
0x27e: {  	v8 =	vadd.f32 v15, v8;
	v11 =	vadd.f32 v16, v11;
	v15 =	vld [tilespmem:s23+$0x6760]  }
0x27f: {  	v9 =	vadd.f32 v26, v9;
	v10 =	vadd.f32 v27, v10;
	v16 =	vld [tilespmem:s23+$0x6770]  }
0x280: {  	v8 =	vadd.f32 v18, v8;
	v11 =	vadd.f32 v19, v11;
	v18 =	vld [tilespmem:s23+$0x67E0]  }
0x281: {  	v9 =	vadd.f32 v12, v9;
	v10 =	vadd.f32 v17, v10;
	v12 =	vld [tilespmem:s23+$0x67F0]  }
0x282: {  	v8 =	vadd.f32 v13, v8;
	v11 =	vadd.f32 v14, v11;
	v13 =	vld [tilespmem:s23+$0x6860]  }
0x283: {  	v6 =	vadd.f32 v6, v9;
	v7 =	vadd.f32 v7, v10;
	v14 =	vld [tilespmem:s23+$0x6870]  }
0x284: {  	v9 =	vadd.f32 v15, v8;
	v10 =	vadd.f32 v16, v11;
	v15 =	vld [tilespmem:s23+$0x68E0]  }
0x285: {  	v4 =	vadd.f32 v4, v6;
	v5 =	vadd.f32 v5, v7;
	v6 =	vld [tilespmem:s23+$0x68F0];
	s23 =	sshra.s32 s24, $0x2  }
0x286: {  	v7 =	vadd.f32 v18, v9;
	v8 =	vld [tilespmem:s23+$0x6880];
	v11 =	vadd.f32 v12, v10  }
0x287: {  	v3 =	vadd.f32 v3, v4;
	v2 =	vadd.f32 v2, v5;
	v9 =	vld [tilespmem:s23+$0x6890]  }
0x288: {  	v4 =	vadd.f32 v13, v7;
	v10 =	vld [tilespmem:s23+$0x68A0];
	v5 =	vadd.f32 v14, v11  }
0x289: {  	v18 =	vadd.f32 v0, v3;
	v21 =	vadd.f32 v1, v2;
	v11 =	vld [tilespmem:s23+$0x68B0]  }
0x28a: {  	v20 =	vadd.f32 v15, v4;
	v0 =	vld [tilespmem:s23+$0x68C0];
	v19 =	vadd.f32 v6, v5  }
0x28b: {  	v1 =	vld [tilespmem:s23+$0x68D0]  }
0x28c: {  	v14 =	vld [tilespmem:s23+$0x6800]  }
0x28d: {  	v16 =	vld [tilespmem:s23+$0x6810]  }
0x28e: {  	v13 =	vld [tilespmem:s23+$0x6820]  }
0x28f: {  	v15 =	vld [tilespmem:s23+$0x6830]  }
0x290: {  	v3 =	vld [tilespmem:s23+$0x6840]  }
0x291: {  	v2 =	vld [tilespmem:s23+$0x6850]  }
0x292: {  	v36 =	vld [tilespmem:s23+$0x6780]  }
0x293: {  	v37 =	vld [tilespmem:s23+$0x6790]  }
0x294: {  	v38 =	vld [tilespmem:s23+$0x67A0]  }
0x295: {  	v39 =	vld [tilespmem:s23+$0x67B0]  }
0x296: {  	v4 =	vld [tilespmem:s23+$0x67C0]  }
0x297: {  	v5 =	vld [tilespmem:s23+$0x67D0]  }
0x298: {  	v34 =	vld [tilespmem:s23+$0x6700]  }
0x299: {  	v35 =	vld [tilespmem:s23+$0x6710]  }
0x29a: {  	v40 =	vld [tilespmem:s23+$0x6720]  }
0x29b: {  	v41 =	vld [tilespmem:s23+$0x6730]  }
0x29c: {  	v6 =	vld [tilespmem:s23+$0x6740]  }
0x29d: {  	v7 =	vld [tilespmem:s23+$0x6750]  }
0x29e: {  	v32 =	vld [tilespmem:s23+$0x6680]  }
0x29f: {  	v33 =	vld [tilespmem:s23+$0x6690]  }
0x2a0: {  	v42 =	vld [tilespmem:s23+$0x66A0]  }
0x2a1: {  	v43 =	vld [tilespmem:s23+$0x66B0]  }
0x2a2: {  	v12 =	vld [tilespmem:s23+$0x66C0]  }
0x2a3: {  	v17 =	vld [tilespmem:s23+$0x66D0]  }
0x2a4: {  	v30 =	vld [tilespmem:s23+$0x6600]  }
0x2a5: {  	v31 =	vld [tilespmem:s23+$0x6610]  }
0x2a6: {  	v27 =	vld [tilespmem:s23+$0x6580]  }
0x2a7: {  	v28 =	vld [tilespmem:s23+$0x6590]  }
0x2a8: {  	v26 =	vld [tilespmem:s23+$0x6500]  }
0x2a9: {  	v29 =	vld [tilespmem:s23+$0x6510]  }
0x2aa: {  	v44 =	vld [tilespmem:s23+$0x6480]  }
0x2ab: {  	v45 =	vld [tilespmem:s23+$0x6490]  }
0x2ac: {  	v46 =	vld [tilespmem:s23+$0x6400]  }
0x2ad: {  	v47 =	vld [tilespmem:s23+$0x6410]  }
0x2ae: {  	v48 =	vld [tilespmem:s23+$0x6420]  }
0x2af: {  	v49 =	vld [tilespmem:s23+$0x6430]  }
0x2b0: {  	v50 =	vld [tilespmem:s23+$0x64A0]  }
0x2b1: {  	v51 =	vld [tilespmem:s23+$0x64B0]  }
0x2b2: {  	v52 =	vld [tilespmem:s23+$0x6520]  }
0x2b3: {  	v22 =	vadd.f32 v46, v22;
	v23 =	vadd.f32 v47, v23;
	v46 =	vld [tilespmem:s23+$0x6530]  }
0x2b4: {  	v24 =	vadd.f32 v48, v24;
	v25 =	vadd.f32 v49, v25;
	v47 =	vld [tilespmem:s23+$0x65A0]  }
0x2b5: {  	v22 =	vadd.f32 v44, v22;
	v23 =	vadd.f32 v45, v23;
	v44 =	vld [tilespmem:s23+$0x65B0]  }
0x2b6: {  	v24 =	vadd.f32 v50, v24;
	v25 =	vadd.f32 v51, v25;
	v45 =	vld [tilespmem:s23+$0x6620]  }
0x2b7: {  	v22 =	vadd.f32 v26, v22;
	v23 =	vadd.f32 v29, v23;
	v48 =	vld [tilespmem:s23+$0x6630]  }
0x2b8: {  	v24 =	vadd.f32 v52, v24;
	v25 =	vadd.f32 v46, v25;
	v26 =	vld [tilespmem:s23+$0x6640]  }
0x2b9: {  	v22 =	vadd.f32 v27, v22;
	v23 =	vadd.f32 v28, v23;
	v27 =	vld [tilespmem:s23+$0x6650]  }
0x2ba: {  	v24 =	vadd.f32 v47, v24;
	v25 =	vadd.f32 v44, v25;
	v28 =	vld [tilespmem:s23+$0x65C0]  }
0x2bb: {  	v22 =	vadd.f32 v30, v22;
	v23 =	vadd.f32 v31, v23;
	v29 =	vld [tilespmem:s23+$0x65D0]  }
0x2bc: {  	v24 =	vadd.f32 v45, v24;
	v30 =	vld [tilespmem:s23+$0x6540];
	v25 =	vadd.f32 v48, v25  }
0x2bd: {  	v22 =	vadd.f32 v32, v22;
	v23 =	vadd.f32 v33, v23;
	v31 =	vld [tilespmem:s23+$0x6550]  }
.Ltmp4:
0x2be: {  	v24 =	vadd.f32 v42, v24;
	v32 =	vld [tilespmem:s23+$0x64C0];
	v25 =	vadd.f32 v43, v25;
	(pc) =	sbr.rel @p0 .LBB2_10-.Ltmp4, $4  }
0x2bf: {  	v22 =	vadd.f32 v34, v22;
	v23 =	vadd.f32 v35, v23;
	v33 =	vld [tilespmem:s23+$0x64D0]  }
0x2c0: {  	v24 =	vadd.f32 v40, v24;
	v34 =	vld [tilespmem:s23+$0x6440];
	v25 =	vadd.f32 v41, v25  }
0x2c1: {  	v22 =	vadd.f32 v36, v22;
	v23 =	vadd.f32 v37, v23;
	v35 =	vld [tilespmem:s23+$0x6450]  }
0x2c2: {  	s24 =	sadd.s32 $0x1400, s24;
	v24 =	vadd.f32 v38, v24;
	v36 =	vld [tilespmem:s23+$0x6460];
	v25 =	vadd.f32 v39, v25  }
0x2c3: {  	v14 =	vadd.f32 v14, v22;
	v16 =	vadd.f32 v16, v23  }
0x2c4: {  	v37 =	vld [tilespmem:s23+$0x6470];
	v13 =	vadd.f32 v13, v24;
	v15 =	vadd.f32 v15, v25  }
0x2c5: {  	v22 =	vld [tilespmem:s23+$0x64E0];
	v8 =	vadd.f32 v8, v14;
	v9 =	vadd.f32 v9, v16  }
0x2c6: {  	v23 =	vld [tilespmem:s23+$0x64F0];
	v10 =	vadd.f32 v10, v13;
	v13 =	vadd.f32 v34, v18  }
0x2c7: {  	v14 =	vld [tilespmem:s23+$0x6560];
	v11 =	vadd.f32 v11, v15;
	v15 =	vadd.f32 v35, v21  }
0x2c8: {  	v16 =	vld [tilespmem:s23+$0x6570];
	v18 =	vadd.f32 v36, v20;
	v13 =	vadd.f32 v32, v13  }
0x2c9: {  	v20 =	vld [tilespmem:s23+$0x65E0];
	v19 =	vadd.f32 v37, v19;
	v15 =	vadd.f32 v33, v15  }
0x2ca: {  	v21 =	vld [tilespmem:s23+$0x65F0];
	v18 =	vadd.f32 v22, v18;
	v13 =	vadd.f32 v30, v13  }
0x2cb: {  	v22 =	vld [tilespmem:s23+$0x6660];
	v19 =	vadd.f32 v23, v19;
	v15 =	vadd.f32 v31, v15  }
0x2cc: {  	v23 =	vld [tilespmem:s23+$0x6670];
	v14 =	vadd.f32 v14, v18;
	v13 =	vadd.f32 v28, v13  }
0x2cd: {  	v18 =	vld [tilespmem:s23+$0x66E0];
	v16 =	vadd.f32 v16, v19;
	v15 =	vadd.f32 v29, v15  }
0x2ce: {  	v19 =	vld [tilespmem:s23+$0x66F0];
	v14 =	vadd.f32 v20, v14;
	v13 =	vadd.f32 v26, v13  }
0x2cf: {  	v20 =	vld [tilespmem:s23+$0x6760];
	v16 =	vadd.f32 v21, v16;
	v15 =	vadd.f32 v27, v15  }
0x2d0: {  	v21 =	vld [tilespmem:s23+$0x6770];
	v14 =	vadd.f32 v22, v14;
	v12 =	vadd.f32 v12, v13  }
0x2d1: {  	v22 =	vld [tilespmem:s23+$0x67E0];
	v13 =	vadd.f32 v23, v16;
	v15 =	vadd.f32 v17, v15  }
0x2d2: {  	v16 =	vld [tilespmem:s23+$0x67F0];
	v14 =	vadd.f32 v18, v14;
	v6 =	vadd.f32 v6, v12  }
0x2d3: {  	v17 =	vld [tilespmem:s23+$0x6860];
	v12 =	vadd.f32 v19, v13;
	v7 =	vadd.f32 v7, v15  }
0x2d4: {  	v13 =	vld [tilespmem:s23+$0x6870];
	v14 =	vadd.f32 v20, v14;
	v4 =	vadd.f32 v4, v6  }
0x2d5: {  	v15 =	vld [tilespmem:s23+$0x68E0];
	v6 =	vadd.f32 v21, v12;
	v5 =	vadd.f32 v5, v7  }
0x2d6: {  	v7 =	vld [tilespmem:s23+$0x68F0];
	[tilespmem:$0x1CF00] =	vst v8;
	v12 =	vadd.f32 v22, v14;
	v3 =	vadd.f32 v3, v4  }
0x2d7: {  	[tilespmem:$0x1CF10] =	vst v9;
	v4 =	vadd.f32 v16, v6;
	v2 =	vadd.f32 v2, v5  }
0x2d8: {  	[tilespmem:$0x1CF20] =	vst v10;
	v5 =	vadd.f32 v17, v12;
	v0 =	vadd.f32 v0, v3  }
0x2d9: {  	[tilespmem:$0x1CF30] =	vst v11;
	v3 =	vadd.f32 v13, v4;
	v1 =	vadd.f32 v1, v2  }
0x2da: {  	v2 =	vadd.f32 v15, v5;
	[tilespmem:$0x1CF40] =	vst v0  }
0x2db: {  	v0 =	vadd.f32 v7, v3;
	[tilespmem:$0x1CF50] =	vst v1  }
0x2dc: {  	[tilespmem:$0x1CF60] =	vst v2  }
0x2dd: {  	[tilespmem:$0x1CF70] =	vst v0  }
0x2de: {  	_ =	swait.ge [sflag:s19], $0x3400  }
0x2df: {  	[sflag:s19] =	ssyncset.done $0x0  }
0x2e0: {  	[sflag:s19] =	ssyncadd.s32 $0xFFFFCC00  }
0x2e1: {  	_ =	swait.ge [sflag:s19], $0x3000  }
0x2e2: {  	[sflag:s19] =	ssyncset.done $0x0  }
0x2e3: {  	s23 =	simm.s32 $0x0;
	[sflag:s19] =	ssyncadd.s32 $0xFFFFD000  }
0x2e4: {  	v8 =	vld [tilespmem:s23+$0xCC80]  }
0x2e5: {  	v9 =	vld [tilespmem:s23+$0xCC90]  }
0x2e6: {  	v10 =	vld [tilespmem:s23+$0xCCA0]  }
0x2e7: {  	v11 =	vld [tilespmem:s23+$0xCCB0]  }
0x2e8: {  	v0 =	vld [tilespmem:s23+$0xCCC0]  }
0x2e9: {  	v1 =	vld [tilespmem:s23+$0xCCD0]  }
0x2ea: {  	v14 =	vld [tilespmem:s23+$0xCC00]  }
0x2eb: {  	v16 =	vld [tilespmem:s23+$0xCC10]  }
0x2ec: {  	v13 =	vld [tilespmem:s23+$0xCC20]  }
0x2ed: {  	v15 =	vld [tilespmem:s23+$0xCC30]  }
0x2ee: {  	v3 =	vld [tilespmem:s23+$0xCC40]  }
0x2ef: {  	v2 =	vld [tilespmem:s23+$0xCC50]  }
0x2f0: {  	v19 =	vld [tilespmem:s23+$0xCB80]  }
0x2f1: {  	v20 =	vld [tilespmem:s23+$0xCB90]  }
0x2f2: {  	v21 =	vld [tilespmem:s23+$0xCBA0]  }
0x2f3: {  	v25 =	vld [tilespmem:s23+$0xCBB0]  }
0x2f4: {  	v4 =	vld [tilespmem:s23+$0xCBC0]  }
0x2f5: {  	v5 =	vld [tilespmem:s23+$0xCBD0]  }
0x2f6: {  	v22 =	vld [tilespmem:s23+$0xCB00]  }
0x2f7: {  	v23 =	vld [tilespmem:s23+$0xCB10]  }
0x2f8: {  	v24 =	vld [tilespmem:s23+$0xCB20]  }
0x2f9: {  	v52 =	vld [tilespmem:s23+$0xCB30]  }
0x2fa: {  	v6 =	vld [tilespmem:s23+$0xCB40]  }
0x2fb: {  	v7 =	vld [tilespmem:s23+$0xCB50]  }
0x2fc: {  	v31 =	vld [tilespmem:s23+$0xCA80]  }
0x2fd: {  	v53 =	vld [tilespmem:s23+$0xCA90]  }
0x2fe: {  	v54 =	vld [tilespmem:s23+$0xCAA0]  }
0x2ff: {  	v55 =	vld [tilespmem:s23+$0xCAB0]  }
0x300: {  	v12 =	vld [tilespmem:s23+$0xCAC0]  }
0x301: {  	v29 =	vld [tilespmem:s23+$0xCA00]  }
0x302: {  	v30 =	vld [tilespmem:s23+$0xCA10]  }
0x303: {  	v27 =	vld [tilespmem:s23+$0xC980]  }
0x304: {  	v28 =	vld [tilespmem:s23+$0xC990]  }
0x305: {  	v17 =	vld [tilespmem:s23+$0xC900]  }
0x306: {  	v26 =	vld [tilespmem:s23+$0xC910]  }
0x307: {  	v56 =	vld [tilespmem:s23+$0xC880]  }
0x308: {  	v57 =	vld [tilespmem:s23+$0xC890]  }
0x309: {  	v38 =	vld [tilespmem:s23+$0xC800]  }
0x30a: {  	v39 =	vld [tilespmem:s23+$0xC810]  }
0x30b: {  	v40 =	vld [tilespmem:s23+$0xC820]  }
0x30c: {  	v41 =	vld [tilespmem:s23+$0xC830]  }
0x30d: {  	v42 =	vld [tilespmem:s23+$0xC8A0]  }
0x30e: {  	v43 =	vld [tilespmem:s23+$0xC8B0]  }
0x30f: {  	v18 =	vimm.f32 $0.0e+00;
	v44 =	vld [tilespmem:s23+$0xC920]  }
0x310: {  	v45 =	vld [tilespmem:s23+$0xC930];
	v38 =	vadd.f32 v38, v18;
	v39 =	vadd.f32 v39, v18  }
0x311: {  	v46 =	vld [tilespmem:s23+$0xC9A0];
	v40 =	vadd.f32 v40, v18;
	v41 =	vadd.f32 v41, v18  }
0x312: {  	v58 =	vld [tilespmem:s23+$0xC9B0];
	v36 =	vadd.f32 v56, v38;
	v37 =	vadd.f32 v57, v39  }
0x313: {  	v61 =	vld [tilespmem:s23+$0xCA20];
	v59 =	vadd.f32 v42, v40;
	v60 =	vadd.f32 v43, v41  }
0x314: {  	v62 =	vld [tilespmem:s23+$0xCA30];
	v36 =	vadd.f32 v17, v36;
	v37 =	vadd.f32 v26, v37  }
0x315: {  	v32 =	vld [tilespmem:s23+$0xC8C0];
	v39 =	vadd.f32 v44, v59;
	v40 =	vadd.f32 v45, v60  }
0x316: {  	v33 =	vld [tilespmem:s23+$0xC8D0];
	v36 =	vadd.f32 v27, v36;
	v37 =	vadd.f32 v28, v37  }
0x317: {  	v34 =	vld [tilespmem:s23+$0xC840];
	v39 =	vadd.f32 v46, v39;
	v38 =	vadd.f32 v58, v40  }
0x318: {  	v17 =	vld [tilespmem:s23+$0xCAD0];
	v36 =	vadd.f32 v29, v36;
	v37 =	vadd.f32 v30, v37  }
0x319: {  	v26 =	vld [tilespmem:s23+$0xCA40];
	v39 =	vadd.f32 v61, v39;
	v38 =	vadd.f32 v62, v38  }
0x31a: {  	v27 =	vld [tilespmem:s23+$0xCA50];
	v36 =	vadd.f32 v31, v36;
	v37 =	vadd.f32 v53, v37  }
0x31b: {  	v28 =	vld [tilespmem:s23+$0xC9C0];
	v39 =	vadd.f32 v54, v39;
	v35 =	vadd.f32 v55, v38  }
0x31c: {  	v29 =	vld [tilespmem:s23+$0xC9D0];
	v22 =	vadd.f32 v22, v36;
	v23 =	vadd.f32 v23, v37  }
0x31d: {  	v30 =	vld [tilespmem:s23+$0xC940];
	v24 =	vadd.f32 v24, v39;
	v63 =	vadd.f32 v52, v35  }
0x31e: {  	v31 =	vld [tilespmem:s23+$0xC950];
	v22 =	vadd.f32 v19, v22;
	v23 =	vadd.f32 v20, v23  }
0x31f: {  	v35 =	vld [tilespmem:s23+$0xC850];
	v24 =	vadd.f32 v21, v24;
	v25 =	vadd.f32 v25, v63  }
0x320: {  	s24 =	simm.s32 $0x1400;
	v36 =	vld [tilespmem:s23+$0xC860];
	v21 =	vimm.f32 $0.0e+00;
	v20 =	vimm.f32 $0.0e+00;
	v19 =	vimm.f32 $0.0e+00  }
.LBB2_12:
0x321: {  	p0 =	sne.s32 s24, $0x17C00;
	v37 =	vld [tilespmem:s23+$0xC870];
	v14 =	vadd.f32 v14, v22;
	v16 =	vadd.f32 v16, v23  }
0x322: {  	v38 =	vld [tilespmem:s23+$0xC8E0];
	v13 =	vadd.f32 v13, v24;
	v15 =	vadd.f32 v15, v25  }
0x323: {  	v39 =	vld [tilespmem:s23+$0xC8F0];
	v22 =	vadd.f32 v8, v14;
	v23 =	vadd.f32 v9, v16  }
0x324: {  	v8 =	vld [tilespmem:s23+$0xC960];
	v24 =	vadd.f32 v10, v13;
	v25 =	vadd.f32 v11, v15  }
0x325: {  	v9 =	vadd.f32 v34, v18;
	v10 =	vadd.f32 v35, v21;
	v11 =	vld [tilespmem:s23+$0xC970]  }
0x326: {  	v13 =	vadd.f32 v36, v20;
	v14 =	vadd.f32 v37, v19;
	v15 =	vld [tilespmem:s23+$0xC9E0]  }
0x327: {  	v9 =	vadd.f32 v32, v9;
	v10 =	vadd.f32 v33, v10;
	v16 =	vld [tilespmem:s23+$0xC9F0]  }
0x328: {  	v13 =	vadd.f32 v38, v13;
	v14 =	vadd.f32 v39, v14;
	v18 =	vld [tilespmem:s23+$0xCA60]  }
0x329: {  	v9 =	vadd.f32 v30, v9;
	v10 =	vadd.f32 v31, v10;
	v19 =	vld [tilespmem:s23+$0xCA70]  }
0x32a: {  	v8 =	vadd.f32 v8, v13;
	v11 =	vadd.f32 v11, v14;
	v13 =	vld [tilespmem:s23+$0xCAE0]  }
0x32b: {  	v9 =	vadd.f32 v28, v9;
	v10 =	vadd.f32 v29, v10;
	v14 =	vld [tilespmem:s23+$0xCAF0]  }
0x32c: {  	v8 =	vadd.f32 v15, v8;
	v11 =	vadd.f32 v16, v11;
	v15 =	vld [tilespmem:s23+$0xCB60]  }
0x32d: {  	v9 =	vadd.f32 v26, v9;
	v10 =	vadd.f32 v27, v10;
	v16 =	vld [tilespmem:s23+$0xCB70]  }
0x32e: {  	v8 =	vadd.f32 v18, v8;
	v11 =	vadd.f32 v19, v11;
	v18 =	vld [tilespmem:s23+$0xCBE0]  }
0x32f: {  	v9 =	vadd.f32 v12, v9;
	v10 =	vadd.f32 v17, v10;
	v12 =	vld [tilespmem:s23+$0xCBF0]  }
0x330: {  	v8 =	vadd.f32 v13, v8;
	v11 =	vadd.f32 v14, v11;
	v13 =	vld [tilespmem:s23+$0xCC60]  }
0x331: {  	v6 =	vadd.f32 v6, v9;
	v7 =	vadd.f32 v7, v10;
	v14 =	vld [tilespmem:s23+$0xCC70]  }
0x332: {  	v9 =	vadd.f32 v15, v8;
	v10 =	vadd.f32 v16, v11;
	v15 =	vld [tilespmem:s23+$0xCCE0]  }
0x333: {  	v4 =	vadd.f32 v4, v6;
	v5 =	vadd.f32 v5, v7;
	v6 =	vld [tilespmem:s23+$0xCCF0];
	s23 =	sshra.s32 s24, $0x2  }
0x334: {  	v7 =	vadd.f32 v18, v9;
	v8 =	vld [tilespmem:s23+$0xCC80];
	v11 =	vadd.f32 v12, v10  }
0x335: {  	v3 =	vadd.f32 v3, v4;
	v2 =	vadd.f32 v2, v5;
	v9 =	vld [tilespmem:s23+$0xCC90]  }
0x336: {  	v4 =	vadd.f32 v13, v7;
	v10 =	vld [tilespmem:s23+$0xCCA0];
	v5 =	vadd.f32 v14, v11  }
0x337: {  	v18 =	vadd.f32 v0, v3;
	v21 =	vadd.f32 v1, v2;
	v11 =	vld [tilespmem:s23+$0xCCB0]  }
0x338: {  	v20 =	vadd.f32 v15, v4;
	v0 =	vld [tilespmem:s23+$0xCCC0];
	v19 =	vadd.f32 v6, v5  }
0x339: {  	v1 =	vld [tilespmem:s23+$0xCCD0]  }
0x33a: {  	v14 =	vld [tilespmem:s23+$0xCC00]  }
0x33b: {  	v16 =	vld [tilespmem:s23+$0xCC10]  }
0x33c: {  	v13 =	vld [tilespmem:s23+$0xCC20]  }
0x33d: {  	v15 =	vld [tilespmem:s23+$0xCC30]  }
0x33e: {  	v3 =	vld [tilespmem:s23+$0xCC40]  }
0x33f: {  	v2 =	vld [tilespmem:s23+$0xCC50]  }
0x340: {  	v36 =	vld [tilespmem:s23+$0xCB80]  }
0x341: {  	v37 =	vld [tilespmem:s23+$0xCB90]  }
0x342: {  	v38 =	vld [tilespmem:s23+$0xCBA0]  }
0x343: {  	v39 =	vld [tilespmem:s23+$0xCBB0]  }
0x344: {  	v4 =	vld [tilespmem:s23+$0xCBC0]  }
0x345: {  	v5 =	vld [tilespmem:s23+$0xCBD0]  }
0x346: {  	v34 =	vld [tilespmem:s23+$0xCB00]  }
0x347: {  	v35 =	vld [tilespmem:s23+$0xCB10]  }
0x348: {  	v40 =	vld [tilespmem:s23+$0xCB20]  }
0x349: {  	v41 =	vld [tilespmem:s23+$0xCB30]  }
0x34a: {  	v6 =	vld [tilespmem:s23+$0xCB40]  }
0x34b: {  	v7 =	vld [tilespmem:s23+$0xCB50]  }
0x34c: {  	v32 =	vld [tilespmem:s23+$0xCA80]  }
0x34d: {  	v33 =	vld [tilespmem:s23+$0xCA90]  }
0x34e: {  	v42 =	vld [tilespmem:s23+$0xCAA0]  }
0x34f: {  	v43 =	vld [tilespmem:s23+$0xCAB0]  }
0x350: {  	v12 =	vld [tilespmem:s23+$0xCAC0]  }
0x351: {  	v17 =	vld [tilespmem:s23+$0xCAD0]  }
0x352: {  	v30 =	vld [tilespmem:s23+$0xCA00]  }
0x353: {  	v31 =	vld [tilespmem:s23+$0xCA10]  }
0x354: {  	v27 =	vld [tilespmem:s23+$0xC980]  }
0x355: {  	v28 =	vld [tilespmem:s23+$0xC990]  }
0x356: {  	v26 =	vld [tilespmem:s23+$0xC900]  }
0x357: {  	v29 =	vld [tilespmem:s23+$0xC910]  }
0x358: {  	v44 =	vld [tilespmem:s23+$0xC880]  }
0x359: {  	v45 =	vld [tilespmem:s23+$0xC890]  }
0x35a: {  	v46 =	vld [tilespmem:s23+$0xC800]  }
0x35b: {  	v47 =	vld [tilespmem:s23+$0xC810]  }
0x35c: {  	v48 =	vld [tilespmem:s23+$0xC820]  }
0x35d: {  	v49 =	vld [tilespmem:s23+$0xC830]  }
0x35e: {  	v50 =	vld [tilespmem:s23+$0xC8A0]  }
0x35f: {  	v51 =	vld [tilespmem:s23+$0xC8B0]  }
0x360: {  	v52 =	vld [tilespmem:s23+$0xC920]  }
0x361: {  	v22 =	vadd.f32 v46, v22;
	v23 =	vadd.f32 v47, v23;
	v46 =	vld [tilespmem:s23+$0xC930]  }
0x362: {  	v24 =	vadd.f32 v48, v24;
	v25 =	vadd.f32 v49, v25;
	v47 =	vld [tilespmem:s23+$0xC9A0]  }
0x363: {  	v22 =	vadd.f32 v44, v22;
	v23 =	vadd.f32 v45, v23;
	v44 =	vld [tilespmem:s23+$0xC9B0]  }
0x364: {  	v24 =	vadd.f32 v50, v24;
	v25 =	vadd.f32 v51, v25;
	v45 =	vld [tilespmem:s23+$0xCA20]  }
0x365: {  	v22 =	vadd.f32 v26, v22;
	v23 =	vadd.f32 v29, v23;
	v48 =	vld [tilespmem:s23+$0xCA30]  }
0x366: {  	v24 =	vadd.f32 v52, v24;
	v25 =	vadd.f32 v46, v25;
	v26 =	vld [tilespmem:s23+$0xCA40]  }
0x367: {  	v22 =	vadd.f32 v27, v22;
	v23 =	vadd.f32 v28, v23;
	v27 =	vld [tilespmem:s23+$0xCA50]  }
0x368: {  	v24 =	vadd.f32 v47, v24;
	v25 =	vadd.f32 v44, v25;
	v28 =	vld [tilespmem:s23+$0xC9C0]  }
0x369: {  	v22 =	vadd.f32 v30, v22;
	v23 =	vadd.f32 v31, v23;
	v29 =	vld [tilespmem:s23+$0xC9D0]  }
0x36a: {  	v24 =	vadd.f32 v45, v24;
	v30 =	vld [tilespmem:s23+$0xC940];
	v25 =	vadd.f32 v48, v25  }
0x36b: {  	v22 =	vadd.f32 v32, v22;
	v23 =	vadd.f32 v33, v23;
	v31 =	vld [tilespmem:s23+$0xC950]  }
.Ltmp5:
0x36c: {  	v24 =	vadd.f32 v42, v24;
	v32 =	vld [tilespmem:s23+$0xC8C0];
	v25 =	vadd.f32 v43, v25;
	(pc) =	sbr.rel @p0 .LBB2_12-.Ltmp5, $4  }
0x36d: {  	v22 =	vadd.f32 v34, v22;
	v23 =	vadd.f32 v35, v23;
	v33 =	vld [tilespmem:s23+$0xC8D0]  }
0x36e: {  	v24 =	vadd.f32 v40, v24;
	v34 =	vld [tilespmem:s23+$0xC840];
	v25 =	vadd.f32 v41, v25  }
0x36f: {  	v22 =	vadd.f32 v36, v22;
	v23 =	vadd.f32 v37, v23;
	v35 =	vld [tilespmem:s23+$0xC850]  }
0x370: {  	s24 =	sadd.s32 $0x1400, s24;
	v24 =	vadd.f32 v38, v24;
	v36 =	vld [tilespmem:s23+$0xC860];
	v25 =	vadd.f32 v39, v25  }
0x371: {  	v14 =	vadd.f32 v14, v22;
	v16 =	vadd.f32 v16, v23  }
0x372: {  	v37 =	vld [tilespmem:s23+$0xC870];
	v13 =	vadd.f32 v13, v24;
	v15 =	vadd.f32 v15, v25  }
0x373: {  	v63 =	vld [tilespmem:s23+$0xC8E0];
	v8 =	vadd.f32 v8, v14;
	v9 =	vadd.f32 v9, v16  }
0x374: {  	v24 =	vld [tilespmem:s23+$0xC8F0];
	v34 =	vadd.f32 v34, v18;
	v10 =	vadd.f32 v10, v13  }
0x375: {  	v25 =	vld [tilespmem:s23+$0xC960];
	v11 =	vadd.f32 v11, v15;
	v38 =	vadd.f32 v35, v21  }
0x376: {  	v39 =	vld [tilespmem:s23+$0xC970];
	v40 =	vadd.f32 v36, v20;
	v13 =	vadd.f32 v32, v34  }
0x377: {  	v41 =	vld [tilespmem:s23+$0xC9E0];
	v19 =	vadd.f32 v37, v19;
	v15 =	vadd.f32 v33, v38  }
0x378: {  	v42 =	vld [tilespmem:s23+$0xC9F0];
	v18 =	vadd.f32 v63, v40;
	v13 =	vadd.f32 v30, v13  }
0x379: {  	v43 =	vld [tilespmem:s23+$0xCA60];
	v19 =	vadd.f32 v24, v19;
	v15 =	vadd.f32 v31, v15  }
0x37a: {  	v44 =	vld [tilespmem:s23+$0xCA70];
	v14 =	vadd.f32 v25, v18;
	v13 =	vadd.f32 v28, v13  }
0x37b: {  	v45 =	vld [tilespmem:s23+$0xCAE0];
	v16 =	vadd.f32 v39, v19;
	v15 =	vadd.f32 v29, v15  }
0x37c: {  	v46 =	vld [tilespmem:s23+$0xCAF0];
	v14 =	vadd.f32 v41, v14;
	v13 =	vadd.f32 v26, v13  }
0x37d: {  	v47 =	vld [tilespmem:s23+$0xCB60];
	v16 =	vadd.f32 v42, v16;
	v15 =	vadd.f32 v27, v15  }
0x37e: {  	v48 =	vld [tilespmem:s23+$0xCB70];
	v14 =	vadd.f32 v43, v14;
	v12 =	vadd.f32 v12, v13  }
0x37f: {  	v49 =	vld [tilespmem:s23+$0xCBE0];
	v50 =	vadd.f32 v44, v16;
	v15 =	vadd.f32 v17, v15  }
0x380: {  	v51 =	vld [tilespmem:s23+$0xCBF0];
	v14 =	vadd.f32 v45, v14;
	v6 =	vadd.f32 v6, v12  }
0x381: {  	v52 =	vld [tilespmem:s23+$0xCC60];
	v53 =	vadd.f32 v46, v50;
	v7 =	vadd.f32 v7, v15  }
0x382: {  	v54 =	vld [tilespmem:s23+$0xCC70];
	v14 =	vadd.f32 v47, v14;
	v4 =	vadd.f32 v4, v6  }
0x383: {  	v55 =	vld [tilespmem:s23+$0xCCE0];
	v56 =	vadd.f32 v48, v53;
	v5 =	vadd.f32 v5, v7  }
0x384: {  	v57 =	vld [tilespmem:s23+$0xCCF0];
	[tilespmem:$0x1CF80] =	vst v8;
	v58 =	vadd.f32 v49, v14;
	v3 =	vadd.f32 v3, v4  }
0x385: {  	[tilespmem:$0x1CF90] =	vst v9;
	v59 =	vadd.f32 v51, v56;
	v2 =	vadd.f32 v2, v5  }
0x386: {  	[tilespmem:$0x1CFA0] =	vst v10;
	v60 =	vadd.f32 v52, v58;
	v0 =	vadd.f32 v0, v3  }
0x387: {  	[tilespmem:$0x1CFB0] =	vst v11;
	v61 =	vadd.f32 v54, v59;
	v1 =	vadd.f32 v1, v2  }
0x388: {  	v62 =	vadd.f32 v55, v60;
	[tilespmem:$0x1CFC0] =	vst v0  }
0x389: {  	s22 =	sadd.s32 $0x1, s22;
	v63 =	vadd.f32 v57, v61;
	[tilespmem:$0x1CFD0] =	vst v1  }
0x38a: {  	p0 =	sne.s32 s22, s6;
	[tilespmem:$0x1CFE0] =	vst v62  }
.Ltmp6:
0x38b: {  	[tilespmem:$0x1CFF0] =	vst v63;
	(pc) =	sbr.rel @p0 .LBB2_1-.Ltmp6, $4  }
0x38c: {  	[hbm4b:s5+s2] =	stream.linear.scatter [tilespmem:s21], [sflag:$0x4], $0x4000, $0x38;
	[tilespmem:$0x1D000] =	vst v63  }
0x38d: {  	_ =	swait.ge [sflag:s7], $0x4000  }
0x38e: {  	[sflag:s7] =	ssyncset.done $0x0  }
0x38f: {  	[sflag:s7] =	ssyncadd.s32 $0xFFFFC000  }
0x390: {  	_ =	sfence.sel $0x180000  }
0x391: {  	[bflag:$0x0] =	sbarrier.arrive $0xFFFF  }
0x392: {  	p0 =	sne.s32 s0, $0x0;
	_ =	strace $0x90000047  }
0x393: {  	s0 =	sadd.s32 @!p0 $0x100000, s1;
	[bflag:$0x2] =	sbarrier.arrive $0xFFFF  }
0x394: {  	[sflag:s0] =	ssyncadd.tile.s32 @!p0 $0x1;
	_ =	shalt  }
.Lfunc_end2:
_tile_overlayer_lowered:
.L_overlay_start_2:
0x395: {  	(tag) =	ssettag $0x2  }
0x396: {  	s0 =	rddreg [dreg:$0x0];
	s2 =	stileid.u32  }
0x397: {  	s1 =	rddreg [dreg:$0x1];
	p0 =	sne.s32 s2, $0x0  }
0x398: {  	s3 =	rddreg [dreg:$0x2];
	[bflag:$0x3] =	sbarrier.arrive $0xFFFF;
	s2 =	simm.s32 @!p0 $0x1C04  }
0x399: {  	[timem:s3], [sflag:s2] =	dma.local @!p0 [hbm:s0], s1  }
0x39a: {  	s0 =	simm.s32 @!p0 $0x4  }
0x39b: {  	_ =	swait.ge @!p0 [sflag:s0], s1  }
0x39c: {  	s1 =	ssub.s32 @!p0 $0x0, s1;
	[sflag:s0] =	ssyncset.done @!p0 $0x0  }
0x39d: {  	[sflag:s0] =	ssyncadd.s32 @!p0 s1  }
0x39e: {  	[bflag:$0x3] =	sbarrier.arrive $0xFFFF  }
0x39f: {  	_ =	shalt  }

</sc_bundles>
